<compile_context>
chip_gen: v7x
topology: tpu7x:2x2x1
jax: 0.10.2.dev20260603
libtpu: 0.0.44.dev20260713+nightly
codegen_flags: <defaults>
</compile_context>

<pallas_src>
import functools

import jax
import jax.numpy as jnp
from jax import lax
from jax.experimental import pallas as pl
from jax.experimental.pallas import tpu as pltpu
from jax.experimental.pallas import tpu_sc as plsc

_INFO = plsc.get_sparse_core_info()
_NC = _INFO.num_cores
_NS = _INFO.num_subcores
_NW = _NC * _NS

_N, _C, _H, _W = 16, 512, 64, 64
_HALF = _C // 2
_SITES_PER_W = (_N * _H) // _NW
_NBUF = 3

_mesh = plsc.VectorSubcoreMesh(core_axis_name="c", subcore_axis_name="s")


@functools.partial(
    pl.kernel,
    out_type=jax.ShapeDtypeStruct((_N, _H, _W, _C), jnp.float32),
    mesh=_mesh,
    compiler_params=pltpu.CompilerParams(use_tc_tiling_on_sc=True),
    scratch_types=(
        [pltpu.VMEM_SHARED((_NS, _NBUF, _W, _C), jnp.float32)]
        + [pltpu.SemaphoreType.DMA] * (2 * _NBUF)
    ),
)
def _flip_copy(x_hbm, out_hbm, spmem, *sems):
    sid = lax.axis_index("s")
    wid = sid * _NC + lax.axis_index("c")
    n = wid // 2
    h0 = (wid % 2) * _SITES_PER_W

    bufs = tuple(spmem.at[sid, b] for b in range(_NBUF))
    in_sems = sems[:_NBUF]
    out_sems = sems[_NBUF:]
    in_cp = [None] * _NBUF
    out_cp = [[] for _ in range(_NBUF)]

    def start_fetch(i):
        b = i % _NBUF
        for cp in out_cp[b]:
            cp.wait()
        out_cp[b] = []
        in_cp[b] = pltpu.async_copy(x_hbm.at[n, h0 + i], bufs[b], in_sems[b])

    for i in range(min(_NBUF, _SITES_PER_W)):
        start_fetch(i)
    for i in range(_SITES_PER_W):
        b = i % _NBUF
        in_cp[b].wait()
        h = h0 + i
        out_cp[b] = [
            pltpu.async_copy(
                bufs[b].at[:, pl.ds(_HALF, _HALF)],
                out_hbm.at[n, h, :, pl.ds(0, _HALF)],
                out_sems[b],
            ),
            pltpu.async_copy(
                bufs[b].at[:, pl.ds(0, _HALF)],
                out_hbm.at[n, h, :, pl.ds(_HALF, _HALF)],
                out_sems[b],
            ),
        ]
        nxt = i + _NBUF
        if nxt < _SITES_PER_W:
            start_fetch(nxt)

    for b in range(_NBUF):
        for cp in out_cp[b]:
            cp.wait()


def kernel(x):
    x_t = jnp.transpose(x, (0, 2, 3, 1))
    y_t = _flip_copy(x_t)
    return jnp.transpose(y_t, (0, 3, 1, 2))

# --- scband reference (transcript-rebuilt; emitter-appended) ---
"""Pipeline reference for scband-flip-channel-62852551410158 (READ-ONLY COPY).

The authoritative reference and input builder live on the scoring server;
editing this copy changes nothing except your own understanding.
"""

import jax, jax.numpy as jnp
import numpy as np


def setup_inputs(seed: int = 0) -> dict:
    key = jax.random.key(seed)
    x = jax.random.normal(key, (16, 512, 64, 64), dtype=jnp.float32)
    return {"x": x}


def reference(x):
    # FlipChannel with dim=1: select channels [N/2..N) then [0..N/2),
    # i.e. swap the two halves of the channel dimension via a gather.
    dim = 1
    N = x.shape[dim]
    index = jnp.concatenate([jnp.arange(N // 2, N), jnp.arange(0, N // 2)], axis=0)
    y = jnp.take(x, index, axis=dim)
    return y

if __name__ == "__main__":
    import jax
    _d = setup_inputs()
    print(jax.jit(kernel)(*tuple(_d.values())))

</pallas_src>

<mosaic_0001>
#map = affine_map<(d0, d1) -> (0, 0, 0, 0)>
module attributes {stable_mosaic.version = 14 : i64} {
  func.func @_flip_copy(%arg0: i32, %arg1: i32, %arg2: memref<16x64x64x512xf32, #tpu.memory_space<hbm>>, %arg3: memref<16x64x64x512xf32, #tpu.memory_space<hbm>>, %arg4: memref<16x3x64x512xf32, #tpu.memory_space<vmem_shared>>, %arg5: memref<!tpu.dma_semaphore, #tpu.memory_space<semaphore_mem>>, %arg6: memref<!tpu.dma_semaphore, #tpu.memory_space<semaphore_mem>>, %arg7: memref<!tpu.dma_semaphore, #tpu.memory_space<semaphore_mem>>, %arg8: memref<!tpu.dma_semaphore, #tpu.memory_space<semaphore_mem>>, %arg9: memref<!tpu.dma_semaphore, #tpu.memory_space<semaphore_mem>>, %arg10: memref<!tpu.dma_semaphore, #tpu.memory_space<semaphore_mem>>) attributes {dimension_semantics = [#tpu.dimension_semantics<core_parallel>, #tpu.dimension_semantics<subcore_parallel>], iteration_bounds = array<i64: 2, 16>, scalar_prefetch = 0 : i64, scratch_operands = 7 : i64, tpu.core_type = #tpu.core_type<sc_vector_subcore>, window_params = [{transform_indices = #map}, {transform_indices = #map}]} {
    %mul3A = arith.constant 2 : i32
    %mul3A_0 = arith.muli %arg1, %mul3A : i32
    %add3A = arith.addi %mul3A_0, %arg0 : i32
    %jit3A = arith.constant 2 : i32
    %div3A = arith.divsi %add3A, %jit3A : i32
    %sign3A = arith.constant 0 : i32
    %sign3A_1 = arith.cmpi sgt, %add3A, %sign3A : i32
    %sign3A_2 = arith.extui %sign3A_1 : i1 to i32
    %sign3A_3 = arith.constant 0 : i32
    %sign3A_4 = arith.cmpi slt, %add3A, %sign3A_3 : i32
    %sign3A_5 = arith.extui %sign3A_4 : i1 to i32
    %sign3A_6 = arith.subi %sign3A_2, %sign3A_5 : i32
    %sign3A_7 = arith.constant 0 : i32
    %sign3A_8 = arith.cmpi sgt, %jit3A, %sign3A_7 : i32
    %sign3A_9 = arith.extui %sign3A_8 : i1 to i32
    %sign3A_10 = arith.constant 0 : i32
    %sign3A_11 = arith.cmpi slt, %jit3A, %sign3A_10 : i32
    %sign3A_12 = arith.extui %sign3A_11 : i1 to i32
    %sign3A_13 = arith.subi %sign3A_9, %sign3A_12 : i32
    %ne3A = arith.cmpi ne, %sign3A_6, %sign3A_13 : i32
    %rem3A = arith.remsi %add3A, %jit3A : i32
    %ne3A_14 = arith.constant 0 : i32
    %ne3A_15 = arith.cmpi ne, %rem3A, %ne3A_14 : i32
    %and3A = arith.andi %ne3A, %ne3A_15 : i1
    %sub3A = arith.constant 1 : i32
    %sub3A_16 = arith.subi %div3A, %sub3A : i32
    %select_n3A = arith.select %and3A, %sub3A_16, %div3A : i32
    %jit3A_17 = arith.constant 2 : i32
    %eq3A = arith.constant 0 : i32
    %eq3A_18 = arith.cmpi eq, %jit3A_17, %eq3A : i32
    %jit3A_19 = arith.constant 1 : i32
    %select_n3A_20 = arith.select %eq3A_18, %jit3A_19, %jit3A_17 : i32
    %rem3A_21 = arith.remsi %add3A, %select_n3A_20 : i32
    %ne3A_22 = arith.constant 0 : i32
    %ne3A_23 = arith.cmpi ne, %rem3A_21, %ne3A_22 : i32
    %lt3A = arith.constant 0 : i32
    %lt3A_24 = arith.cmpi slt, %rem3A_21, %lt3A : i32
    %lt3A_25 = arith.constant 0 : i32
    %lt3A_26 = arith.cmpi slt, %select_n3A_20, %lt3A_25 : i32
    %ne3A_27 = arith.xori %lt3A_24, %lt3A_26 : i1
    %and3A_28 = arith.andi %ne3A_27, %ne3A_23 : i1
    %add3A_29 = arith.addi %rem3A_21, %select_n3A_20 : i32
    %select_n3A_30 = arith.select %and3A_28, %add3A_29, %rem3A_21 : i32
    %mul3A_31 = arith.constant 32 : i32
    %mul3A_32 = arith.muli %select_n3A_30, %mul3A_31 : i32
    %add3A_33 = arith.constant 0 : i32
    %add3A_34 = arith.addi %mul3A_32, %add3A_33 : i32
    %dma_start3A = arith.constant 0 : i32
    %dma_start3A_35 = arith.constant 0 : i32
    %dma_start3A_36 = arith.constant 0 : i32
    %dma_start3A_37 = tpu.memref_slice %arg4[%arg1, %dma_start3A, %dma_start3A_35, %dma_start3A_36] : memref<16x3x64x512xf32, #tpu.memory_space<vmem_shared>> -> memref<1x1x64x512xf32, #tpu.memory_space<vmem_shared>>
    %dma_start3A_38 = tpu.memref_squeeze %dma_start3A_37 : memref<1x1x64x512xf32, #tpu.memory_space<vmem_shared>> -> memref<64x512xf32, #tpu.memory_space<vmem_shared>>
    %dma_start3A_39 = arith.constant 0 : i32
    %dma_start3A_40 = arith.constant 0 : i32
    %dma_start3A_41 = tpu.memref_slice %arg2[%select_n3A, %add3A_34, %dma_start3A_39, %dma_start3A_40] : memref<16x64x64x512xf32, #tpu.memory_space<hbm>> -> memref<1x1x64x512xf32, #tpu.memory_space<hbm>>
    %dma_start3A_42 = tpu.memref_squeeze %dma_start3A_41 : memref<1x1x64x512xf32, #tpu.memory_space<hbm>> -> memref<64x512xf32, #tpu.memory_space<hbm>>
    tpu.enqueue_dma source(%dma_start3A_42 : memref<64x512xf32, #tpu.memory_space<hbm>>) target(%dma_start3A_38 : memref<64x512xf32, #tpu.memory_space<vmem_shared>>) target_semaphore(%arg5 : memref<!tpu.dma_semaphore, #tpu.memory_space<semaphore_mem>>)
    %add3A_43 = arith.constant 1 : i32
    %add3A_44 = arith.addi %mul3A_32, %add3A_43 : i32
    %dma_start3A_45 = arith.constant 1 : i32
    %dma_start3A_46 = arith.constant 0 : i32
    %dma_start3A_47 = arith.constant 0 : i32
    %dma_start3A_48 = tpu.memref_slice %arg4[%arg1, %dma_start3A_45, %dma_start3A_46, %dma_start3A_47] : memref<16x3x64x512xf32, #tpu.memory_space<vmem_shared>> -> memref<1x1x64x512xf32, #tpu.memory_space<vmem_shared>>
    %dma_start3A_49 = tpu.memref_squeeze %dma_start3A_48 : memref<1x1x64x512xf32, #tpu.memory_space<vmem_shared>> -> memref<64x512xf32, #tpu.memory_space<vmem_shared>>
    %dma_start3A_50 = arith.constant 0 : i32
    %dma_start3A_51 = arith.constant 0 : i32
    %dma_start3A_52 = tpu.memref_slice %arg2[%select_n3A, %add3A_44, %dma_start3A_50, %dma_start3A_51] : memref<16x64x64x512xf32, #tpu.memory_space<hbm>> -> memref<1x1x64x512xf32, #tpu.memory_space<hbm>>
    %dma_start3A_53 = tpu.memref_squeeze %dma_start3A_52 : memref<1x1x64x512xf32, #tpu.memory_space<hbm>> -> memref<64x512xf32, #tpu.memory_space<hbm>>
    tpu.enqueue_dma source(%dma_start3A_53 : memref<64x512xf32, #tpu.memory_space<hbm>>) target(%dma_start3A_49 : memref<64x512xf32, #tpu.memory_space<vmem_shared>>) target_semaphore(%arg6 : memref<!tpu.dma_semaphore, #tpu.memory_space<semaphore_mem>>)
    %add3A_54 = arith.constant 2 : i32
    %add3A_55 = arith.addi %mul3A_32, %add3A_54 : i32
    %dma_start3A_56 = arith.constant 2 : i32
    %dma_start3A_57 = arith.constant 0 : i32
    %dma_start3A_58 = arith.constant 0 : i32
    %dma_start3A_59 = tpu.memref_slice %arg4[%arg1, %dma_start3A_56, %dma_start3A_57, %dma_start3A_58] : memref<16x3x64x512xf32, #tpu.memory_space<vmem_shared>> -> memref<1x1x64x512xf32, #tpu.memory_space<vmem_shared>>
    %dma_start3A_60 = tpu.memref_squeeze %dma_start3A_59 : memref<1x1x64x512xf32, #tpu.memory_space<vmem_shared>> -> memref<64x512xf32, #tpu.memory_space<vmem_shared>>
    %dma_start3A_61 = arith.constant 0 : i32
    %dma_start3A_62 = arith.constant 0 : i32
    %dma_start3A_63 = tpu.memref_slice %arg2[%select_n3A, %add3A_55, %dma_start3A_61, %dma_start3A_62] : memref<16x64x64x512xf32, #tpu.memory_space<hbm>> -> memref<1x1x64x512xf32, #tpu.memory_space<hbm>>
    %dma_start3A_64 = tpu.memref_squeeze %dma_start3A_63 : memref<1x1x64x512xf32, #tpu.memory_space<hbm>> -> memref<64x512xf32, #tpu.memory_space<hbm>>
    tpu.enqueue_dma source(%dma_start3A_64 : memref<64x512xf32, #tpu.memory_space<hbm>>) target(%dma_start3A_60 : memref<64x512xf32, #tpu.memory_space<vmem_shared>>) target_semaphore(%arg7 : memref<!tpu.dma_semaphore, #tpu.memory_space<semaphore_mem>>)
    %dma_wait3A = arith.constant 0 : i32
    %dma_wait3A_65 = arith.constant 0 : i32
    %dma_wait3A_66 = arith.constant 0 : i32
    %dma_wait3A_67 = tpu.memref_slice %arg4[%arg1, %dma_wait3A, %dma_wait3A_65, %dma_wait3A_66] : memref<16x3x64x512xf32, #tpu.memory_space<vmem_shared>> -> memref<1x1x64x512xf32, #tpu.memory_space<vmem_shared>>
    %dma_wait3A_68 = tpu.memref_squeeze %dma_wait3A_67 : memref<1x1x64x512xf32, #tpu.memory_space<vmem_shared>> -> memref<64x512xf32, #tpu.memory_space<vmem_shared>>
    %dma_wait3A_69 = arith.constant 0 : i32
    %dma_wait3A_70 = arith.constant 0 : i32
    %dma_wait3A_71 = tpu.memref_slice %arg2[%select_n3A, %add3A_34, %dma_wait3A_69, %dma_wait3A_70] : memref<16x64x64x512xf32, #tpu.memory_space<hbm>> -> memref<1x1x64x512xf32, #tpu.memory_space<hbm>>
    %dma_wait3A_72 = tpu.memref_squeeze %dma_wait3A_71 : memref<1x1x64x512xf32, #tpu.memory_space<hbm>> -> memref<64x512xf32, #tpu.memory_space<hbm>>
    tpu.wait_dma2 semaphore(%arg5 : memref<!tpu.dma_semaphore, #tpu.memory_space<semaphore_mem>>) src(%dma_wait3A_72 : memref<64x512xf32, #tpu.memory_space<hbm>>) dst(%dma_wait3A_68 : memref<64x512xf32, #tpu.memory_space<vmem_shared>>)
    %add3A_73 = arith.constant 0 : i32
    %add3A_74 = arith.addi %mul3A_32, %add3A_73 : i32
    %dma_start3A_75 = arith.constant 0 : i32
    %dma_start3A_76 = arith.constant 0 : i32
    %dma_start3A_77 = arith.constant 0 : i32
    %dma_start3A_78 = tpu.memref_slice %arg3[%select_n3A, %add3A_74, %dma_start3A_76, %dma_start3A_77] : memref<16x64x64x512xf32, #tpu.memory_space<hbm>> -> memref<1x1x64x256xf32, #tpu.memory_space<hbm>>
    %dma_start3A_79 = tpu.memref_squeeze %dma_start3A_78 : memref<1x1x64x256xf32, #tpu.memory_space<hbm>> -> memref<64x256xf32, #tpu.memory_space<hbm>>
    %dma_start3A_80 = arith.constant 0 : i32
    %dma_start3A_81 = arith.constant 0 : i32
    %dma_start3A_82 = tpu.memref_slice %arg4[%arg1, %dma_start3A_75, %dma_start3A_80, %dma_start3A_81] : memref<16x3x64x512xf32, #tpu.memory_space<vmem_shared>> -> memref<1x1x64x512xf32, #tpu.memory_space<vmem_shared>>
    %dma_start3A_83 = tpu.memref_squeeze %dma_start3A_82 : memref<1x1x64x512xf32, #tpu.memory_space<vmem_shared>> -> memref<64x512xf32, #tpu.memory_space<vmem_shared>>
    %dma_start3A_84 = arith.constant 0 : i32
    %dma_start3A_85 = arith.constant 256 : i32
    %dma_start3A_86 = tpu.memref_slice %dma_start3A_83[%dma_start3A_84, %dma_start3A_85] : memref<64x512xf32, #tpu.memory_space<vmem_shared>> -> memref<64x256xf32, #tpu.memory_space<vmem_shared>>
    tpu.enqueue_dma source(%dma_start3A_86 : memref<64x256xf32, #tpu.memory_space<vmem_shared>>) target(%dma_start3A_79 : memref<64x256xf32, #tpu.memory_space<hbm>>) target_semaphore(%arg8 : memref<!tpu.dma_semaphore, #tpu.memory_space<semaphore_mem>>)
    %dma_start3A_87 = arith.constant 0 : i32
    %dma_start3A_88 = arith.constant 0 : i32
    %dma_start3A_89 = arith.constant 256 : i32
    %dma_start3A_90 = tpu.memref_slice %arg3[%select_n3A, %add3A_74, %dma_start3A_88, %dma_start3A_89] : memref<16x64x64x512xf32, #tpu.memory_space<hbm>> -> memref<1x1x64x256xf32, #tpu.memory_space<hbm>>
    %dma_start3A_91 = tpu.memref_squeeze %dma_start3A_90 : memref<1x1x64x256xf32, #tpu.memory_space<hbm>> -> memref<64x256xf32, #tpu.memory_space<hbm>>
    %dma_start3A_92 = arith.constant 0 : i32
    %dma_start3A_93 = arith.constant 0 : i32
    %dma_start3A_94 = tpu.memref_slice %arg4[%arg1, %dma_start3A_87, %dma_start3A_92, %dma_start3A_93] : memref<16x3x64x512xf32, #tpu.memory_space<vmem_shared>> -> memref<1x1x64x512xf32, #tpu.memory_space<vmem_shared>>
    %dma_start3A_95 = tpu.memref_squeeze %dma_start3A_94 : memref<1x1x64x512xf32, #tpu.memory_space<vmem_shared>> -> memref<64x512xf32, #tpu.memory_space<vmem_shared>>
    %dma_start3A_96 = arith.constant 0 : i32
    %dma_start3A_97 = arith.constant 0 : i32
    %dma_start3A_98 = tpu.memref_slice %dma_start3A_95[%dma_start3A_96, %dma_start3A_97] : memref<64x512xf32, #tpu.memory_space<vmem_shared>> -> memref<64x256xf32, #tpu.memory_space<vmem_shared>>
    tpu.enqueue_dma source(%dma_start3A_98 : memref<64x256xf32, #tpu.memory_space<vmem_shared>>) target(%dma_start3A_91 : memref<64x256xf32, #tpu.memory_space<hbm>>) target_semaphore(%arg8 : memref<!tpu.dma_semaphore, #tpu.memory_space<semaphore_mem>>)
    %dma_wait3A_99 = arith.constant 0 : i32
    %dma_wait3A_100 = arith.constant 0 : i32
    %dma_wait3A_101 = arith.constant 0 : i32
    %dma_wait3A_102 = tpu.memref_slice %arg3[%select_n3A, %add3A_74, %dma_wait3A_100, %dma_wait3A_101] : memref<16x64x64x512xf32, #tpu.memory_space<hbm>> -> memref<1x1x64x256xf32, #tpu.memory_space<hbm>>
    %dma_wait3A_103 = tpu.memref_squeeze %dma_wait3A_102 : memref<1x1x64x256xf32, #tpu.memory_space<hbm>> -> memref<64x256xf32, #tpu.memory_space<hbm>>
    %dma_wait3A_104 = arith.constant 0 : i32
    %dma_wait3A_105 = arith.constant 0 : i32
    %dma_wait3A_106 = tpu.memref_slice %arg4[%arg1, %dma_wait3A_99, %dma_wait3A_104, %dma_wait3A_105] : memref<16x3x64x512xf32, #tpu.memory_space<vmem_shared>> -> memref<1x1x64x512xf32, #tpu.memory_space<vmem_shared>>
    %dma_wait3A_107 = tpu.memref_squeeze %dma_wait3A_106 : memref<1x1x64x512xf32, #tpu.memory_space<vmem_shared>> -> memref<64x512xf32, #tpu.memory_space<vmem_shared>>
    %dma_wait3A_108 = arith.constant 0 : i32
    %dma_wait3A_109 = arith.constant 256 : i32
    %dma_wait3A_110 = tpu.memref_slice %dma_wait3A_107[%dma_wait3A_108, %dma_wait3A_109] : memref<64x512xf32, #tpu.memory_space<vmem_shared>> -> memref<64x256xf32, #tpu.memory_space<vmem_shared>>
    tpu.wait_dma2 semaphore(%arg8 : memref<!tpu.dma_semaphore, #tpu.memory_space<semaphore_mem>>) src(%dma_wait3A_110 : memref<64x256xf32, #tpu.memory_space<vmem_shared>>) dst(%dma_wait3A_103 : memref<64x256xf32, #tpu.memory_space<hbm>>)
    %dma_wait3A_111 = arith.constant 0 : i32
    %dma_wait3A_112 = arith.constant 0 : i32
    %dma_wait3A_113 = arith.constant 256 : i32
    %dma_wait3A_114 = tpu.memref_slice %arg3[%select_n3A, %add3A_74, %dma_wait3A_112, %dma_wait3A_113] : memref<16x64x64x512xf32, #tpu.memory_space<hbm>> -> memref<1x1x64x256xf32, #tpu.memory_space<hbm>>
    %dma_wait3A_115 = tpu.memref_squeeze %dma_wait3A_114 : memref<1x1x64x256xf32, #tpu.memory_space<hbm>> -> memref<64x256xf32, #tpu.memory_space<hbm>>
    %dma_wait3A_116 = arith.constant 0 : i32
    %dma_wait3A_117 = arith.constant 0 : i32
    %dma_wait3A_118 = tpu.memref_slice %arg4[%arg1, %dma_wait3A_111, %dma_wait3A_116, %dma_wait3A_117] : memref<16x3x64x512xf32, #tpu.memory_space<vmem_shared>> -> memref<1x1x64x512xf32, #tpu.memory_space<vmem_shared>>
    %dma_wait3A_119 = tpu.memref_squeeze %dma_wait3A_118 : memref<1x1x64x512xf32, #tpu.memory_space<vmem_shared>> -> memref<64x512xf32, #tpu.memory_space<vmem_shared>>
    %dma_wait3A_120 = arith.constant 0 : i32
    %dma_wait3A_121 = arith.constant 0 : i32
    %dma_wait3A_122 = tpu.memref_slice %dma_wait3A_119[%dma_wait3A_120, %dma_wait3A_121] : memref<64x512xf32, #tpu.memory_space<vmem_shared>> -> memref<64x256xf32, #tpu.memory_space<vmem_shared>>
    tpu.wait_dma2 semaphore(%arg8 : memref<!tpu.dma_semaphore, #tpu.memory_space<semaphore_mem>>) src(%dma_wait3A_122 : memref<64x256xf32, #tpu.memory_space<vmem_shared>>) dst(%dma_wait3A_115 : memref<64x256xf32, #tpu.memory_space<hbm>>)
    %add3A_123 = arith.constant 3 : i32
    %add3A_124 = arith.addi %mul3A_32, %add3A_123 : i32
    %dma_start3A_125 = arith.constant 0 : i32
    %dma_start3A_126 = arith.constant 0 : i32
    %dma_start3A_127 = arith.constant 0 : i32
    %dma_start3A_128 = tpu.memref_slice %arg4[%arg1, %dma_start3A_125, %dma_start3A_126, %dma_start3A_127] : memref<16x3x64x512xf32, #tpu.memory_space<vmem_shared>> -> memref<1x1x64x512xf32, #tpu.memory_space<vmem_shared>>
    %dma_start3A_129 = tpu.memref_squeeze %dma_start3A_128 : memref<1x1x64x512xf32, #tpu.memory_space<vmem_shared>> -> memref<64x512xf32, #tpu.memory_space<vmem_shared>>
    %dma_start3A_130 = arith.constant 0 : i32
    %dma_start3A_131 = arith.constant 0 : i32
    %dma_start3A_132 = tpu.memref_slice %arg2[%select_n3A, %add3A_124, %dma_start3A_130, %dma_start3A_131] : memref<16x64x64x512xf32, #tpu.memory_space<hbm>> -> memref<1x1x64x512xf32, #tpu.memory_space<hbm>>
    %dma_start3A_133 = tpu.memref_squeeze %dma_start3A_132 : memref<1x1x64x512xf32, #tpu.memory_space<hbm>> -> memref<64x512xf32, #tpu.memory_space<hbm>>
    tpu.enqueue_dma source(%dma_start3A_133 : memref<64x512xf32, #tpu.memory_space<hbm>>) target(%dma_start3A_129 : memref<64x512xf32, #tpu.memory_space<vmem_shared>>) target_semaphore(%arg5 : memref<!tpu.dma_semaphore, #tpu.memory_space<semaphore_mem>>)
    %dma_wait3A_134 = arith.constant 1 : i32
    %dma_wait3A_135 = arith.constant 0 : i32
    %dma_wait3A_136 = arith.constant 0 : i32
    %dma_wait3A_137 = tpu.memref_slice %arg4[%arg1, %dma_wait3A_134, %dma_wait3A_135, %dma_wait3A_136] : memref<16x3x64x512xf32, #tpu.memory_space<vmem_shared>> -> memref<1x1x64x512xf32, #tpu.memory_space<vmem_shared>>
    %dma_wait3A_138 = tpu.memref_squeeze %dma_wait3A_137 : memref<1x1x64x512xf32, #tpu.memory_space<vmem_shared>> -> memref<64x512xf32, #tpu.memory_space<vmem_shared>>
    %dma_wait3A_139 = arith.constant 0 : i32
    %dma_wait3A_140 = arith.constant 0 : i32
    %dma_wait3A_141 = tpu.memref_slice %arg2[%select_n3A, %add3A_44, %dma_wait3A_139, %dma_wait3A_140] : memref<16x64x64x512xf32, #tpu.memory_space<hbm>> -> memref<1x1x64x512xf32, #tpu.memory_space<hbm>>
    %dma_wait3A_142 = tpu.memref_squeeze %dma_wait3A_141 : memref<1x1x64x512xf32, #tpu.memory_space<hbm>> -> memref<64x512xf32, #tpu.memory_space<hbm>>
    tpu.wait_dma2 semaphore(%arg6 : memref<!tpu.dma_semaphore, #tpu.memory_space<semaphore_mem>>) src(%dma_wait3A_142 : memref<64x512xf32, #tpu.memory_space<hbm>>) dst(%dma_wait3A_138 : memref<64x512xf32, #tpu.memory_space<vmem_shared>>)
    %add3A_143 = arith.constant 1 : i32
    %add3A_144 = arith.addi %mul3A_32, %add3A_143 : i32
    %dma_start3A_145 = arith.constant 1 : i32
    %dma_start3A_146 = arith.constant 0 : i32
    %dma_start3A_147 = arith.constant 0 : i32
    %dma_start3A_148 = tpu.memref_slice %arg3[%select_n3A, %add3A_144, %dma_start3A_146, %dma_start3A_147] : memref<16x64x64x512xf32, #tpu.memory_space<hbm>> -> memref<1x1x64x256xf32, #tpu.memory_space<hbm>>
    %dma_start3A_149 = tpu.memref_squeeze %dma_start3A_148 : memref<1x1x64x256xf32, #tpu.memory_space<hbm>> -> memref<64x256xf32, #tpu.memory_space<hbm>>
    %dma_start3A_150 = arith.constant 0 : i32
    %dma_start3A_151 = arith.constant 0 : i32
    %dma_start3A_152 = tpu.memref_slice %arg4[%arg1, %dma_start3A_145, %dma_start3A_150, %dma_start3A_151] : memref<16x3x64x512xf32, #tpu.memory_space<vmem_shared>> -> memref<1x1x64x512xf32, #tpu.memory_space<vmem_shared>>
    %dma_start3A_153 = tpu.memref_squeeze %dma_start3A_152 : memref<1x1x64x512xf32, #tpu.memory_space<vmem_shared>> -> memref<64x512xf32, #tpu.memory_space<vmem_shared>>
    %dma_start3A_154 = arith.constant 0 : i32
    %dma_start3A_155 = arith.constant 256 : i32
    %dma_start3A_156 = tpu.memref_slice %dma_start3A_153[%dma_start3A_154, %dma_start3A_155] : memref<64x512xf32, #tpu.memory_space<vmem_shared>> -> memref<64x256xf32, #tpu.memory_space<vmem_shared>>
    tpu.enqueue_dma source(%dma_start3A_156 : memref<64x256xf32, #tpu.memory_space<vmem_shared>>) target(%dma_start3A_149 : memref<64x256xf32, #tpu.memory_space<hbm>>) target_semaphore(%arg9 : memref<!tpu.dma_semaphore, #tpu.memory_space<semaphore_mem>>)
    %dma_start3A_157 = arith.constant 1 : i32
    %dma_start3A_158 = arith.constant 0 : i32
    %dma_start3A_159 = arith.constant 256 : i32
    %dma_start3A_160 = tpu.memref_slice %arg3[%select_n3A, %add3A_144, %dma_start3A_158, %dma_start3A_159] : memref<16x64x64x512xf32, #tpu.memory_space<hbm>> -> memref<1x1x64x256xf32, #tpu.memory_space<hbm>>
    %dma_start3A_161 = tpu.memref_squeeze %dma_start3A_160 : memref<1x1x64x256xf32, #tpu.memory_space<hbm>> -> memref<64x256xf32, #tpu.memory_space<hbm>>
    %dma_start3A_162 = arith.constant 0 : i32
    %dma_start3A_163 = arith.constant 0 : i32
    %dma_start3A_164 = tpu.memref_slice %arg4[%arg1, %dma_start3A_157, %dma_start3A_162, %dma_start3A_163] : memref<16x3x64x512xf32, #tpu.memory_space<vmem_shared>> -> memref<1x1x64x512xf32, #tpu.memory_space<vmem_shared>>
    %dma_start3A_165 = tpu.memref_squeeze %dma_start3A_164 : memref<1x1x64x512xf32, #tpu.memory_space<vmem_shared>> -> memref<64x512xf32, #tpu.memory_space<vmem_shared>>
    %dma_start3A_166 = arith.constant 0 : i32
    %dma_start3A_167 = arith.constant 0 : i32
    %dma_start3A_168 = tpu.memref_slice %dma_start3A_165[%dma_start3A_166, %dma_start3A_167] : memref<64x512xf32, #tpu.memory_space<vmem_shared>> -> memref<64x256xf32, #tpu.memory_space<vmem_shared>>
    tpu.enqueue_dma source(%dma_start3A_168 : memref<64x256xf32, #tpu.memory_space<vmem_shared>>) target(%dma_start3A_161 : memref<64x256xf32, #tpu.memory_space<hbm>>) target_semaphore(%arg9 : memref<!tpu.dma_semaphore, #tpu.memory_space<semaphore_mem>>)
    %dma_wait3A_169 = arith.constant 1 : i32
    %dma_wait3A_170 = arith.constant 0 : i32
    %dma_wait3A_171 = arith.constant 0 : i32
    %dma_wait3A_172 = tpu.memref_slice %arg3[%select_n3A, %add3A_144, %dma_wait3A_170, %dma_wait3A_171] : memref<16x64x64x512xf32, #tpu.memory_space<hbm>> -> memref<1x1x64x256xf32, #tpu.memory_space<hbm>>
    %dma_wait3A_173 = tpu.memref_squeeze %dma_wait3A_172 : memref<1x1x64x256xf32, #tpu.memory_space<hbm>> -> memref<64x256xf32, #tpu.memory_space<hbm>>
    %dma_wait3A_174 = arith.constant 0 : i32
    %dma_wait3A_175 = arith.constant 0 : i32
    %dma_wait3A_176 = tpu.memref_slice %arg4[%arg1, %dma_wait3A_169, %dma_wait3A_174, %dma_wait3A_175] : memref<16x3x64x512xf32, #tpu.memory_space<vmem_shared>> -> memref<1x1x64x512xf32, #tpu.memory_space<vmem_shared>>
    %dma_wait3A_177 = tpu.memref_squeeze %dma_wait3A_176 : memref<1x1x64x512xf32, #tpu.memory_space<vmem_shared>> -> memref<64x512xf32, #tpu.memory_space<vmem_shared>>
    %dma_wait3A_178 = arith.constant 0 : i32
    %dma_wait3A_179 = arith.constant 256 : i32
    %dma_wait3A_180 = tpu.memref_slice %dma_wait3A_177[%dma_wait3A_178, %dma_wait3A_179] : memref<64x512xf32, #tpu.memory_space<vmem_shared>> -> memref<64x256xf32, #tpu.memory_space<vmem_shared>>
    tpu.wait_dma2 semaphore(%arg9 : memref<!tpu.dma_semaphore, #tpu.memory_space<semaphore_mem>>) src(%dma_wait3A_180 : memref<64x256xf32, #tpu.memory_space<vmem_shared>>) dst(%dma_wait3A_173 : memref<64x256xf32, #tpu.memory_space<hbm>>)
    %dma_wait3A_181 = arith.constant 1 : i32
    %dma_wait3A_182 = arith.constant 0 : i32
    %dma_wait3A_183 = arith.constant 256 : i32
    %dma_wait3A_184 = tpu.memref_slice %arg3[%select_n3A, %add3A_144, %dma_wait3A_182, %dma_wait3A_183] : memref<16x64x64x512xf32, #tpu.memory_space<hbm>> -> memref<1x1x64x256xf32, #tpu.memory_space<hbm>>
    %dma_wait3A_185 = tpu.memref_squeeze %dma_wait3A_184 : memref<1x1x64x256xf32, #tpu.memory_space<hbm>> -> memref<64x256xf32, #tpu.memory_space<hbm>>
    %dma_wait3A_186 = arith.constant 0 : i32
    %dma_wait3A_187 = arith.constant 0 : i32
    %dma_wait3A_188 = tpu.memref_slice %arg4[%arg1, %dma_wait3A_181, %dma_wait3A_186, %dma_wait3A_187] : memref<16x3x64x512xf32, #tpu.memory_space<vmem_shared>> -> memref<1x1x64x512xf32, #tpu.memory_space<vmem_shared>>
    %dma_wait3A_189 = tpu.memref_squeeze %dma_wait3A_188 : memref<1x1x64x512xf32, #tpu.memory_space<vmem_shared>> -> memref<64x512xf32, #tpu.memory_space<vmem_shared>>
    %dma_wait3A_190 = arith.constant 0 : i32
    %dma_wait3A_191 = arith.constant 0 : i32
    %dma_wait3A_192 = tpu.memref_slice %dma_wait3A_189[%dma_wait3A_190, %dma_wait3A_191] : memref<64x512xf32, #tpu.memory_space<vmem_shared>> -> memref<64x256xf32, #tpu.memory_space<vmem_shared>>
    tpu.wait_dma2 semaphore(%arg9 : memref<!tpu.dma_semaphore, #tpu.memory_space<semaphore_mem>>) src(%dma_wait3A_192 : memref<64x256xf32, #tpu.memory_space<vmem_shared>>) dst(%dma_wait3A_185 : memref<64x256xf32, #tpu.memory_space<hbm>>)
    %add3A_193 = arith.constant 4 : i32
    %add3A_194 = arith.addi %mul3A_32, %add3A_193 : i32
    %dma_start3A_195 = arith.constant 1 : i32
    %dma_start3A_196 = arith.constant 0 : i32
    %dma_start3A_197 = arith.constant 0 : i32
    %dma_start3A_198 = tpu.memref_slice %arg4[%arg1, %dma_start3A_195, %dma_start3A_196, %dma_start3A_197] : memref<16x3x64x512xf32, #tpu.memory_space<vmem_shared>> -> memref<1x1x64x512xf32, #tpu.memory_space<vmem_shared>>
    %dma_start3A_199 = tpu.memref_squeeze %dma_start3A_198 : memref<1x1x64x512xf32, #tpu.memory_space<vmem_shared>> -> memref<64x512xf32, #tpu.memory_space<vmem_shared>>
    %dma_start3A_200 = arith.constant 0 : i32
    %dma_start3A_201 = arith.constant 0 : i32
    %dma_start3A_202 = tpu.memref_slice %arg2[%select_n3A, %add3A_194, %dma_start3A_200, %dma_start3A_201] : memref<16x64x64x512xf32, #tpu.memory_space<hbm>> -> memref<1x1x64x512xf32, #tpu.memory_space<hbm>>
    %dma_start3A_203 = tpu.memref_squeeze %dma_start3A_202 : memref<1x1x64x512xf32, #tpu.memory_space<hbm>> -> memref<64x512xf32, #tpu.memory_space<hbm>>
    tpu.enqueue_dma source(%dma_start3A_203 : memref<64x512xf32, #tpu.memory_space<hbm>>) target(%dma_start3A_199 : memref<64x512xf32, #tpu.memory_space<vmem_shared>>) target_semaphore(%arg6 : memref<!tpu.dma_semaphore, #tpu.memory_space<semaphore_mem>>)
    %dma_wait3A_204 = arith.constant 2 : i32
    %dma_wait3A_205 = arith.constant 0 : i32
    %dma_wait3A_206 = arith.constant 0 : i32
    %dma_wait3A_207 = tpu.memref_slice %arg4[%arg1, %dma_wait3A_204, %dma_wait3A_205, %dma_wait3A_206] : memref<16x3x64x512xf32, #tpu.memory_space<vmem_shared>> -> memref<1x1x64x512xf32, #tpu.memory_space<vmem_shared>>
    %dma_wait3A_208 = tpu.memref_squeeze %dma_wait3A_207 : memref<1x1x64x512xf32, #tpu.memory_space<vmem_shared>> -> memref<64x512xf32, #tpu.memory_space<vmem_shared>>
    %dma_wait3A_209 = arith.constant 0 : i32
    %dma_wait3A_210 = arith.constant 0 : i32
    %dma_wait3A_211 = tpu.memref_slice %arg2[%select_n3A, %add3A_55, %dma_wait3A_209, %dma_wait3A_210] : memref<16x64x64x512xf32, #tpu.memory_space<hbm>> -> memref<1x1x64x512xf32, #tpu.memory_space<hbm>>
    %dma_wait3A_212 = tpu.memref_squeeze %dma_wait3A_211 : memref<1x1x64x512xf32, #tpu.memory_space<hbm>> -> memref<64x512xf32, #tpu.memory_space<hbm>>
    tpu.wait_dma2 semaphore(%arg7 : memref<!tpu.dma_semaphore, #tpu.memory_space<semaphore_mem>>) src(%dma_wait3A_212 : memref<64x512xf32, #tpu.memory_space<hbm>>) dst(%dma_wait3A_208 : memref<64x512xf32, #tpu.memory_space<vmem_shared>>)
    %add3A_213 = arith.constant 2 : i32
    %add3A_214 = arith.addi %mul3A_32, %add3A_213 : i32
    %dma_start3A_215 = arith.constant 2 : i32
    %dma_start3A_216 = arith.constant 0 : i32
    %dma_start3A_217 = arith.constant 0 : i32
    %dma_start3A_218 = tpu.memref_slice %arg3[%select_n3A, %add3A_214, %dma_start3A_216, %dma_start3A_217] : memref<16x64x64x512xf32, #tpu.memory_space<hbm>> -> memref<1x1x64x256xf32, #tpu.memory_space<hbm>>
    %dma_start3A_219 = tpu.memref_squeeze %dma_start3A_218 : memref<1x1x64x256xf32, #tpu.memory_space<hbm>> -> memref<64x256xf32, #tpu.memory_space<hbm>>
    %dma_start3A_220 = arith.constant 0 : i32
    %dma_start3A_221 = arith.constant 0 : i32
    %dma_start3A_222 = tpu.memref_slice %arg4[%arg1, %dma_start3A_215, %dma_start3A_220, %dma_start3A_221] : memref<16x3x64x512xf32, #tpu.memory_space<vmem_shared>> -> memref<1x1x64x512xf32, #tpu.memory_space<vmem_shared>>
    %dma_start3A_223 = tpu.memref_squeeze %dma_start3A_222 : memref<1x1x64x512xf32, #tpu.memory_space<vmem_shared>> -> memref<64x512xf32, #tpu.memory_space<vmem_shared>>
    %dma_start3A_224 = arith.constant 0 : i32
    %dma_start3A_225 = arith.constant 256 : i32
    %dma_start3A_226 = tpu.memref_slice %dma_start3A_223[%dma_start3A_224, %dma_start3A_225] : memref<64x512xf32, #tpu.memory_space<vmem_shared>> -> memref<64x256xf32, #tpu.memory_space<vmem_shared>>
    tpu.enqueue_dma source(%dma_start3A_226 : memref<64x256xf32, #tpu.memory_space<vmem_shared>>) target(%dma_start3A_219 : memref<64x256xf32, #tpu.memory_space<hbm>>) target_semaphore(%arg10 : memref<!tpu.dma_semaphore, #tpu.memory_space<semaphore_mem>>)
    %dma_start3A_227 = arith.constant 2 : i32
    %dma_start3A_228 = arith.constant 0 : i32
    %dma_start3A_229 = arith.constant 256 : i32
    %dma_start3A_230 = tpu.memref_slice %arg3[%select_n3A, %add3A_214, %dma_start3A_228, %dma_start3A_229] : memref<16x64x64x512xf32, #tpu.memory_space<hbm>> -> memref<1x1x64x256xf32, #tpu.memory_space<hbm>>
    %dma_start3A_231 = tpu.memref_squeeze %dma_start3A_230 : memref<1x1x64x256xf32, #tpu.memory_space<hbm>> -> memref<64x256xf32, #tpu.memory_space<hbm>>
    %dma_start3A_232 = arith.constant 0 : i32
    %dma_start3A_233 = arith.constant 0 : i32
    %dma_start3A_234 = tpu.memref_slice %arg4[%arg1, %dma_start3A_227, %dma_start3A_232, %dma_start3A_233] : memref<16x3x64x512xf32, #tpu.memory_space<vmem_shared>> -> memref<1x1x64x512xf32, #tpu.memory_space<vmem_shared>>
    %dma_start3A_235 = tpu.memref_squeeze %dma_start3A_234 : memref<1x1x64x512xf32, #tpu.memory_space<vmem_shared>> -> memref<64x512xf32, #tpu.memory_space<vmem_shared>>
    %dma_start3A_236 = arith.constant 0 : i32
    %dma_start3A_237 = arith.constant 0 : i32
    %dma_start3A_238 = tpu.memref_slice %dma_start3A_235[%dma_start3A_236, %dma_start3A_237] : memref<64x512xf32, #tpu.memory_space<vmem_shared>> -> memref<64x256xf32, #tpu.memory_space<vmem_shared>>
    tpu.enqueue_dma source(%dma_start3A_238 : memref<64x256xf32, #tpu.memory_space<vmem_shared>>) target(%dma_start3A_231 : memref<64x256xf32, #tpu.memory_space<hbm>>) target_semaphore(%arg10 : memref<!tpu.dma_semaphore, #tpu.memory_space<semaphore_mem>>)
    %dma_wait3A_239 = arith.constant 2 : i32
    %dma_wait3A_240 = arith.constant 0 : i32
    %dma_wait3A_241 = arith.constant 0 : i32
    %dma_wait3A_242 = tpu.memref_slice %arg3[%select_n3A, %add3A_214, %dma_wait3A_240, %dma_wait3A_241] : memref<16x64x64x512xf32, #tpu.memory_space<hbm>> -> memref<1x1x64x256xf32, #tpu.memory_space<hbm>>
    %dma_wait3A_243 = tpu.memref_squeeze %dma_wait3A_242 : memref<1x1x64x256xf32, #tpu.memory_space<hbm>> -> memref<64x256xf32, #tpu.memory_space<hbm>>
    %dma_wait3A_244 = arith.constant 0 : i32
    %dma_wait3A_245 = arith.constant 0 : i32
    %dma_wait3A_246 = tpu.memref_slice %arg4[%arg1, %dma_wait3A_239, %dma_wait3A_244, %dma_wait3A_245] : memref<16x3x64x512xf32, #tpu.memory_space<vmem_shared>> -> memref<1x1x64x512xf32, #tpu.memory_space<vmem_shared>>
    %dma_wait3A_247 = tpu.memref_squeeze %dma_wait3A_246 : memref<1x1x64x512xf32, #tpu.memory_space<vmem_shared>> -> memref<64x512xf32, #tpu.memory_space<vmem_shared>>
    %dma_wait3A_248 = arith.constant 0 : i32
    %dma_wait3A_249 = arith.constant 256 : i32
    %dma_wait3A_250 = tpu.memref_slice %dma_wait3A_247[%dma_wait3A_248, %dma_wait3A_249] : memref<64x512xf32, #tpu.memory_space<vmem_shared>> -> memref<64x256xf32, #tpu.memory_space<vmem_shared>>
    tpu.wait_dma2 semaphore(%arg10 : memref<!tpu.dma_semaphore, #tpu.memory_space<semaphore_mem>>) src(%dma_wait3A_250 : memref<64x256xf32, #tpu.memory_space<vmem_shared>>) dst(%dma_wait3A_243 : memref<64x256xf32, #tpu.memory_space<hbm>>)
    %dma_wait3A_251 = arith.constant 2 : i32
    %dma_wait3A_252 = arith.constant 0 : i32
    %dma_wait3A_253 = arith.constant 256 : i32
    %dma_wait3A_254 = tpu.memref_slice %arg3[%select_n3A, %add3A_214, %dma_wait3A_252, %dma_wait3A_253] : memref<16x64x64x512xf32, #tpu.memory_space<hbm>> -> memref<1x1x64x256xf32, #tpu.memory_space<hbm>>
    %dma_wait3A_255 = tpu.memref_squeeze %dma_wait3A_254 : memref<1x1x64x256xf32, #tpu.memory_space<hbm>> -> memref<64x256xf32, #tpu.memory_space<hbm>>
    %dma_wait3A_256 = arith.constant 0 : i32
    %dma_wait3A_257 = arith.constant 0 : i32
    %dma_wait3A_258 = tpu.memref_slice %arg4[%arg1, %dma_wait3A_251, %dma_wait3A_256, %dma_wait3A_257] : memref<16x3x64x512xf32, #tpu.memory_space<vmem_shared>> -> memref<1x1x64x512xf32, #tpu.memory_space<vmem_shared>>
    %dma_wait3A_259 = tpu.memref_squeeze %dma_wait3A_258 : memref<1x1x64x512xf32, #tpu.memory_space<vmem_shared>> -> memref<64x512xf32, #tpu.memory_space<vmem_shared>>
    %dma_wait3A_260 = arith.constant 0 : i32
    %dma_wait3A_261 = arith.constant 0 : i32
    %dma_wait3A_262 = tpu.memref_slice %dma_wait3A_259[%dma_wait3A_260, %dma_wait3A_261] : memref<64x512xf32, #tpu.memory_space<vmem_shared>> -> memref<64x256xf32, #tpu.memory_space<vmem_shared>>
    tpu.wait_dma2 semaphore(%arg10 : memref<!tpu.dma_semaphore, #tpu.memory_space<semaphore_mem>>) src(%dma_wait3A_262 : memref<64x256xf32, #tpu.memory_space<vmem_shared>>) dst(%dma_wait3A_255 : memref<64x256xf32, #tpu.memory_space<hbm>>)
    %add3A_263 = arith.constant 5 : i32
    %add3A_264 = arith.addi %mul3A_32, %add3A_263 : i32
    %dma_start3A_265 = arith.constant 2 : i32
    %dma_start3A_266 = arith.constant 0 : i32
    %dma_start3A_267 = arith.constant 0 : i32
    %dma_start3A_268 = tpu.memref_slice %arg4[%arg1, %dma_start3A_265, %dma_start3A_266, %dma_start3A_267] : memref<16x3x64x512xf32, #tpu.memory_space<vmem_shared>> -> memref<1x1x64x512xf32, #tpu.memory_space<vmem_shared>>
    %dma_start3A_269 = tpu.memref_squeeze %dma_start3A_268 : memref<1x1x64x512xf32, #tpu.memory_space<vmem_shared>> -> memref<64x512xf32, #tpu.memory_space<vmem_shared>>
    %dma_start3A_270 = arith.constant 0 : i32
    %dma_start3A_271 = arith.constant 0 : i32
    %dma_start3A_272 = tpu.memref_slice %arg2[%select_n3A, %add3A_264, %dma_start3A_270, %dma_start3A_271] : memref<16x64x64x512xf32, #tpu.memory_space<hbm>> -> memref<1x1x64x512xf32, #tpu.memory_space<hbm>>
    %dma_start3A_273 = tpu.memref_squeeze %dma_start3A_272 : memref<1x1x64x512xf32, #tpu.memory_space<hbm>> -> memref<64x512xf32, #tpu.memory_space<hbm>>
    tpu.enqueue_dma source(%dma_start3A_273 : memref<64x512xf32, #tpu.memory_space<hbm>>) target(%dma_start3A_269 : memref<64x512xf32, #tpu.memory_space<vmem_shared>>) target_semaphore(%arg7 : memref<!tpu.dma_semaphore, #tpu.memory_space<semaphore_mem>>)
    %dma_wait3A_274 = arith.constant 0 : i32
    %dma_wait3A_275 = arith.constant 0 : i32
    %dma_wait3A_276 = arith.constant 0 : i32
    %dma_wait3A_277 = tpu.memref_slice %arg4[%arg1, %dma_wait3A_274, %dma_wait3A_275, %dma_wait3A_276] : memref<16x3x64x512xf32, #tpu.memory_space<vmem_shared>> -> memref<1x1x64x512xf32, #tpu.memory_space<vmem_shared>>
    %dma_wait3A_278 = tpu.memref_squeeze %dma_wait3A_277 : memref<1x1x64x512xf32, #tpu.memory_space<vmem_shared>> -> memref<64x512xf32, #tpu.memory_space<vmem_shared>>
    %dma_wait3A_279 = arith.constant 0 : i32
    %dma_wait3A_280 = arith.constant 0 : i32
    %dma_wait3A_281 = tpu.memref_slice %arg2[%select_n3A, %add3A_124, %dma_wait3A_279, %dma_wait3A_280] : memref<16x64x64x512xf32, #tpu.memory_space<hbm>> -> memref<1x1x64x512xf32, #tpu.memory_space<hbm>>
    %dma_wait3A_282 = tpu.memref_squeeze %dma_wait3A_281 : memref<1x1x64x512xf32, #tpu.memory_space<hbm>> -> memref<64x512xf32, #tpu.memory_space<hbm>>
    tpu.wait_dma2 semaphore(%arg5 : memref<!tpu.dma_semaphore, #tpu.memory_space<semaphore_mem>>) src(%dma_wait3A_282 : memref<64x512xf32, #tpu.memory_space<hbm>>) dst(%dma_wait3A_278 : memref<64x512xf32, #tpu.memory_space<vmem_shared>>)
    %add3A_283 = arith.constant 3 : i32
    %add3A_284 = arith.addi %mul3A_32, %add3A_283 : i32
    %dma_start3A_285 = arith.constant 0 : i32
    %dma_start3A_286 = arith.constant 0 : i32
    %dma_start3A_287 = arith.constant 0 : i32
    %dma_start3A_288 = tpu.memref_slice %arg3[%select_n3A, %add3A_284, %dma_start3A_286, %dma_start3A_287] : memref<16x64x64x512xf32, #tpu.memory_space<hbm>> -> memref<1x1x64x256xf32, #tpu.memory_space<hbm>>
    %dma_start3A_289 = tpu.memref_squeeze %dma_start3A_288 : memref<1x1x64x256xf32, #tpu.memory_space<hbm>> -> memref<64x256xf32, #tpu.memory_space<hbm>>
    %dma_start3A_290 = arith.constant 0 : i32
    %dma_start3A_291 = arith.constant 0 : i32
    %dma_start3A_292 = tpu.memref_slice %arg4[%arg1, %dma_start3A_285, %dma_start3A_290, %dma_start3A_291] : memref<16x3x64x512xf32, #tpu.memory_space<vmem_shared>> -> memref<1x1x64x512xf32, #tpu.memory_space<vmem_shared>>
    %dma_start3A_293 = tpu.memref_squeeze %dma_start3A_292 : memref<1x1x64x512xf32, #tpu.memory_space<vmem_shared>> -> memref<64x512xf32, #tpu.memory_space<vmem_shared>>
    %dma_start3A_294 = arith.constant 0 : i32
    %dma_start3A_295 = arith.constant 256 : i32
    %dma_start3A_296 = tpu.memref_slice %dma_start3A_293[%dma_start3A_294, %dma_start3A_295] : memref<64x512xf32, #tpu.memory_space<vmem_shared>> -> memref<64x256xf32, #tpu.memory_space<vmem_shared>>
    tpu.enqueue_dma source(%dma_start3A_296 : memref<64x256xf32, #tpu.memory_space<vmem_shared>>) target(%dma_start3A_289 : memref<64x256xf32, #tpu.memory_space<hbm>>) target_semaphore(%arg8 : memref<!tpu.dma_semaphore, #tpu.memory_space<semaphore_mem>>)
    %dma_start3A_297 = arith.constant 0 : i32
    %dma_start3A_298 = arith.constant 0 : i32
    %dma_start3A_299 = arith.constant 256 : i32
    %dma_start3A_300 = tpu.memref_slice %arg3[%select_n3A, %add3A_284, %dma_start3A_298, %dma_start3A_299] : memref<16x64x64x512xf32, #tpu.memory_space<hbm>> -> memref<1x1x64x256xf32, #tpu.memory_space<hbm>>
    %dma_start3A_301 = tpu.memref_squeeze %dma_start3A_300 : memref<1x1x64x256xf32, #tpu.memory_space<hbm>> -> memref<64x256xf32, #tpu.memory_space<hbm>>
    %dma_start3A_302 = arith.constant 0 : i32
    %dma_start3A_303 = arith.constant 0 : i32
    %dma_start3A_304 = tpu.memref_slice %arg4[%arg1, %dma_start3A_297, %dma_start3A_302, %dma_start3A_303] : memref<16x3x64x512xf32, #tpu.memory_space<vmem_shared>> -> memref<1x1x64x512xf32, #tpu.memory_space<vmem_shared>>
    %dma_start3A_305 = tpu.memref_squeeze %dma_start3A_304 : memref<1x1x64x512xf32, #tpu.memory_space<vmem_shared>> -> memref<64x512xf32, #tpu.memory_space<vmem_shared>>
    %dma_start3A_306 = arith.constant 0 : i32
    %dma_start3A_307 = arith.constant 0 : i32
    %dma_start3A_308 = tpu.memref_slice %dma_start3A_305[%dma_start3A_306, %dma_start3A_307] : memref<64x512xf32, #tpu.memory_space<vmem_shared>> -> memref<64x256xf32, #tpu.memory_space<vmem_shared>>
    tpu.enqueue_dma source(%dma_start3A_308 : memref<64x256xf32, #tpu.memory_space<vmem_shared>>) target(%dma_start3A_301 : memref<64x256xf32, #tpu.memory_space<hbm>>) target_semaphore(%arg8 : memref<!tpu.dma_semaphore, #tpu.memory_space<semaphore_mem>>)
    %dma_wait3A_309 = arith.constant 0 : i32
    %dma_wait3A_310 = arith.constant 0 : i32
    %dma_wait3A_311 = arith.constant 0 : i32
    %dma_wait3A_312 = tpu.memref_slice %arg3[%select_n3A, %add3A_284, %dma_wait3A_310, %dma_wait3A_311] : memref<16x64x64x512xf32, #tpu.memory_space<hbm>> -> memref<1x1x64x256xf32, #tpu.memory_space<hbm>>
    %dma_wait3A_313 = tpu.memref_squeeze %dma_wait3A_312 : memref<1x1x64x256xf32, #tpu.memory_space<hbm>> -> memref<64x256xf32, #tpu.memory_space<hbm>>
    %dma_wait3A_314 = arith.constant 0 : i32
    %dma_wait3A_315 = arith.constant 0 : i32
    %dma_wait3A_316 = tpu.memref_slice %arg4[%arg1, %dma_wait3A_309, %dma_wait3A_314, %dma_wait3A_315] : memref<16x3x64x512xf32, #tpu.memory_space<vmem_shared>> -> memref<1x1x64x512xf32, #tpu.memory_space<vmem_shared>>
    %dma_wait3A_317 = tpu.memref_squeeze %dma_wait3A_316 : memref<1x1x64x512xf32, #tpu.memory_space<vmem_shared>> -> memref<64x512xf32, #tpu.memory_space<vmem_shared>>
    %dma_wait3A_318 = arith.constant 0 : i32
    %dma_wait3A_319 = arith.constant 256 : i32
    %dma_wait3A_320 = tpu.memref_slice %dma_wait3A_317[%dma_wait3A_318, %dma_wait3A_319] : memref<64x512xf32, #tpu.memory_space<vmem_shared>> -> memref<64x256xf32, #tpu.memory_space<vmem_shared>>
    tpu.wait_dma2 semaphore(%arg8 : memref<!tpu.dma_semaphore, #tpu.memory_space<semaphore_mem>>) src(%dma_wait3A_320 : memref<64x256xf32, #tpu.memory_space<vmem_shared>>) dst(%dma_wait3A_313 : memref<64x256xf32, #tpu.memory_space<hbm>>)
    %dma_wait3A_321 = arith.constant 0 : i32
    %dma_wait3A_322 = arith.constant 0 : i32
    %dma_wait3A_323 = arith.constant 256 : i32
    %dma_wait3A_324 = tpu.memref_slice %arg3[%select_n3A, %add3A_284, %dma_wait3A_322, %dma_wait3A_323] : memref<16x64x64x512xf32, #tpu.memory_space<hbm>> -> memref<1x1x64x256xf32, #tpu.memory_space<hbm>>
    %dma_wait3A_325 = tpu.memref_squeeze %dma_wait3A_324 : memref<1x1x64x256xf32, #tpu.memory_space<hbm>> -> memref<64x256xf32, #tpu.memory_space<hbm>>
    %dma_wait3A_326 = arith.constant 0 : i32
    %dma_wait3A_327 = arith.constant 0 : i32
    %dma_wait3A_328 = tpu.memref_slice %arg4[%arg1, %dma_wait3A_321, %dma_wait3A_326, %dma_wait3A_327] : memref<16x3x64x512xf32, #tpu.memory_space<vmem_shared>> -> memref<1x1x64x512xf32, #tpu.memory_space<vmem_shared>>
    %dma_wait3A_329 = tpu.memref_squeeze %dma_wait3A_328 : memref<1x1x64x512xf32, #tpu.memory_space<vmem_shared>> -> memref<64x512xf32, #tpu.memory_space<vmem_shared>>
    %dma_wait3A_330 = arith.constant 0 : i32
    %dma_wait3A_331 = arith.constant 0 : i32
    %dma_wait3A_332 = tpu.memref_slice %dma_wait3A_329[%dma_wait3A_330, %dma_wait3A_331] : memref<64x512xf32, #tpu.memory_space<vmem_shared>> -> memref<64x256xf32, #tpu.memory_space<vmem_shared>>
    tpu.wait_dma2 semaphore(%arg8 : memref<!tpu.dma_semaphore, #tpu.memory_space<semaphore_mem>>) src(%dma_wait3A_332 : memref<64x256xf32, #tpu.memory_space<vmem_shared>>) dst(%dma_wait3A_325 : memref<64x256xf32, #tpu.memory_space<hbm>>)
    %add3A_333 = arith.constant 6 : i32
    %add3A_334 = arith.addi %mul3A_32, %add3A_333 : i32
    %dma_start3A_335 = arith.constant 0 : i32
    %dma_start3A_336 = arith.constant 0 : i32
    %dma_start3A_337 = arith.constant 0 : i32
    %dma_start3A_338 = tpu.memref_slice %arg4[%arg1, %dma_start3A_335, %dma_start3A_336, %dma_start3A_337] : memref<16x3x64x512xf32, #tpu.memory_space<vmem_shared>> -> memref<1x1x64x512xf32, #tpu.memory_space<vmem_shared>>
    %dma_start3A_339 = tpu.memref_squeeze %dma_start3A_338 : memref<1x1x64x512xf32, #tpu.memory_space<vmem_shared>> -> memref<64x512xf32, #tpu.memory_space<vmem_shared>>
    %dma_start3A_340 = arith.constant 0 : i32
    %dma_start3A_341 = arith.constant 0 : i32
    %dma_start3A_342 = tpu.memref_slice %arg2[%select_n3A, %add3A_334, %dma_start3A_340, %dma_start3A_341] : memref<16x64x64x512xf32, #tpu.memory_space<hbm>> -> memref<1x1x64x512xf32, #tpu.memory_space<hbm>>
    %dma_start3A_343 = tpu.memref_squeeze %dma_start3A_342 : memref<1x1x64x512xf32, #tpu.memory_space<hbm>> -> memref<64x512xf32, #tpu.memory_space<hbm>>
    tpu.enqueue_dma source(%dma_start3A_343 : memref<64x512xf32, #tpu.memory_space<hbm>>) target(%dma_start3A_339 : memref<64x512xf32, #tpu.memory_space<vmem_shared>>) target_semaphore(%arg5 : memref<!tpu.dma_semaphore, #tpu.memory_space<semaphore_mem>>)
    %dma_wait3A_344 = arith.constant 1 : i32
    %dma_wait3A_345 = arith.constant 0 : i32
    %dma_wait3A_346 = arith.constant 0 : i32
    %dma_wait3A_347 = tpu.memref_slice %arg4[%arg1, %dma_wait3A_344, %dma_wait3A_345, %dma_wait3A_346] : memref<16x3x64x512xf32, #tpu.memory_space<vmem_shared>> -> memref<1x1x64x512xf32, #tpu.memory_space<vmem_shared>>
    %dma_wait3A_348 = tpu.memref_squeeze %dma_wait3A_347 : memref<1x1x64x512xf32, #tpu.memory_space<vmem_shared>> -> memref<64x512xf32, #tpu.memory_space<vmem_shared>>
    %dma_wait3A_349 = arith.constant 0 : i32
    %dma_wait3A_350 = arith.constant 0 : i32
    %dma_wait3A_351 = tpu.memref_slice %arg2[%select_n3A, %add3A_194, %dma_wait3A_349, %dma_wait3A_350] : memref<16x64x64x512xf32, #tpu.memory_space<hbm>> -> memref<1x1x64x512xf32, #tpu.memory_space<hbm>>
    %dma_wait3A_352 = tpu.memref_squeeze %dma_wait3A_351 : memref<1x1x64x512xf32, #tpu.memory_space<hbm>> -> memref<64x512xf32, #tpu.memory_space<hbm>>
    tpu.wait_dma2 semaphore(%arg6 : memref<!tpu.dma_semaphore, #tpu.memory_space<semaphore_mem>>) src(%dma_wait3A_352 : memref<64x512xf32, #tpu.memory_space<hbm>>) dst(%dma_wait3A_348 : memref<64x512xf32, #tpu.memory_space<vmem_shared>>)
    %add3A_353 = arith.constant 4 : i32
    %add3A_354 = arith.addi %mul3A_32, %add3A_353 : i32
    %dma_start3A_355 = arith.constant 1 : i32
    %dma_start3A_356 = arith.constant 0 : i32
    %dma_start3A_357 = arith.constant 0 : i32
    %dma_start3A_358 = tpu.memref_slice %arg3[%select_n3A, %add3A_354, %dma_start3A_356, %dma_start3A_357] : memref<16x64x64x512xf32, #tpu.memory_space<hbm>> -> memref<1x1x64x256xf32, #tpu.memory_space<hbm>>
    %dma_start3A_359 = tpu.memref_squeeze %dma_start3A_358 : memref<1x1x64x256xf32, #tpu.memory_space<hbm>> -> memref<64x256xf32, #tpu.memory_space<hbm>>
    %dma_start3A_360 = arith.constant 0 : i32
    %dma_start3A_361 = arith.constant 0 : i32
    %dma_start3A_362 = tpu.memref_slice %arg4[%arg1, %dma_start3A_355, %dma_start3A_360, %dma_start3A_361] : memref<16x3x64x512xf32, #tpu.memory_space<vmem_shared>> -> memref<1x1x64x512xf32, #tpu.memory_space<vmem_shared>>
    %dma_start3A_363 = tpu.memref_squeeze %dma_start3A_362 : memref<1x1x64x512xf32, #tpu.memory_space<vmem_shared>> -> memref<64x512xf32, #tpu.memory_space<vmem_shared>>
    %dma_start3A_364 = arith.constant 0 : i32
    %dma_start3A_365 = arith.constant 256 : i32
    %dma_start3A_366 = tpu.memref_slice %dma_start3A_363[%dma_start3A_364, %dma_start3A_365] : memref<64x512xf32, #tpu.memory_space<vmem_shared>> -> memref<64x256xf32, #tpu.memory_space<vmem_shared>>
    tpu.enqueue_dma source(%dma_start3A_366 : memref<64x256xf32, #tpu.memory_space<vmem_shared>>) target(%dma_start3A_359 : memref<64x256xf32, #tpu.memory_space<hbm>>) target_semaphore(%arg9 : memref<!tpu.dma_semaphore, #tpu.memory_space<semaphore_mem>>)
    %dma_start3A_367 = arith.constant 1 : i32
    %dma_start3A_368 = arith.constant 0 : i32
    %dma_start3A_369 = arith.constant 256 : i32
    %dma_start3A_370 = tpu.memref_slice %arg3[%select_n3A, %add3A_354, %dma_start3A_368, %dma_start3A_369] : memref<16x64x64x512xf32, #tpu.memory_space<hbm>> -> memref<1x1x64x256xf32, #tpu.memory_space<hbm>>
    %dma_start3A_371 = tpu.memref_squeeze %dma_start3A_370 : memref<1x1x64x256xf32, #tpu.memory_space<hbm>> -> memref<64x256xf32, #tpu.memory_space<hbm>>
    %dma_start3A_372 = arith.constant 0 : i32
    %dma_start3A_373 = arith.constant 0 : i32
    %dma_start3A_374 = tpu.memref_slice %arg4[%arg1, %dma_start3A_367, %dma_start3A_372, %dma_start3A_373] : memref<16x3x64x512xf32, #tpu.memory_space<vmem_shared>> -> memref<1x1x64x512xf32, #tpu.memory_space<vmem_shared>>
    %dma_start3A_375 = tpu.memref_squeeze %dma_start3A_374 : memref<1x1x64x512xf32, #tpu.memory_space<vmem_shared>> -> memref<64x512xf32, #tpu.memory_space<vmem_shared>>
    %dma_start3A_376 = arith.constant 0 : i32
    %dma_start3A_377 = arith.constant 0 : i32
    %dma_start3A_378 = tpu.memref_slice %dma_start3A_375[%dma_start3A_376, %dma_start3A_377] : memref<64x512xf32, #tpu.memory_space<vmem_shared>> -> memref<64x256xf32, #tpu.memory_space<vmem_shared>>
    tpu.enqueue_dma source(%dma_start3A_378 : memref<64x256xf32, #tpu.memory_space<vmem_shared>>) target(%dma_start3A_371 : memref<64x256xf32, #tpu.memory_space<hbm>>) target_semaphore(%arg9 : memref<!tpu.dma_semaphore, #tpu.memory_space<semaphore_mem>>)
    %dma_wait3A_379 = arith.constant 1 : i32
    %dma_wait3A_380 = arith.constant 0 : i32
    %dma_wait3A_381 = arith.constant 0 : i32
    %dma_wait3A_382 = tpu.memref_slice %arg3[%select_n3A, %add3A_354, %dma_wait3A_380, %dma_wait3A_381] : memref<16x64x64x512xf32, #tpu.memory_space<hbm>> -> memref<1x1x64x256xf32, #tpu.memory_space<hbm>>
    %dma_wait3A_383 = tpu.memref_squeeze %dma_wait3A_382 : memref<1x1x64x256xf32, #tpu.memory_space<hbm>> -> memref<64x256xf32, #tpu.memory_space<hbm>>
    %dma_wait3A_384 = arith.constant 0 : i32
    %dma_wait3A_385 = arith.constant 0 : i32
    %dma_wait3A_386 = tpu.memref_slice %arg4[%arg1, %dma_wait3A_379, %dma_wait3A_384, %dma_wait3A_385] : memref<16x3x64x512xf32, #tpu.memory_space<vmem_shared>> -> memref<1x1x64x512xf32, #tpu.memory_space<vmem_shared>>
    %dma_wait3A_387 = tpu.memref_squeeze %dma_wait3A_386 : memref<1x1x64x512xf32, #tpu.memory_space<vmem_shared>> -> memref<64x512xf32, #tpu.memory_space<vmem_shared>>
    %dma_wait3A_388 = arith.constant 0 : i32
    %dma_wait3A_389 = arith.constant 256 : i32
    %dma_wait3A_390 = tpu.memref_slice %dma_wait3A_387[%dma_wait3A_388, %dma_wait3A_389] : memref<64x512xf32, #tpu.memory_space<vmem_shared>> -> memref<64x256xf32, #tpu.memory_space<vmem_shared>>
    tpu.wait_dma2 semaphore(%arg9 : memref<!tpu.dma_semaphore, #tpu.memory_space<semaphore_mem>>) src(%dma_wait3A_390 : memref<64x256xf32, #tpu.memory_space<vmem_shared>>) dst(%dma_wait3A_383 : memref<64x256xf32, #tpu.memory_space<hbm>>)
    %dma_wait3A_391 = arith.constant 1 : i32
    %dma_wait3A_392 = arith.constant 0 : i32
    %dma_wait3A_393 = arith.constant 256 : i32
    %dma_wait3A_394 = tpu.memref_slice %arg3[%select_n3A, %add3A_354, %dma_wait3A_392, %dma_wait3A_393] : memref<16x64x64x512xf32, #tpu.memory_space<hbm>> -> memref<1x1x64x256xf32, #tpu.memory_space<hbm>>
    %dma_wait3A_395 = tpu.memref_squeeze %dma_wait3A_394 : memref<1x1x64x256xf32, #tpu.memory_space<hbm>> -> memref<64x256xf32, #tpu.memory_space<hbm>>
    %dma_wait3A_396 = arith.constant 0 : i32
    %dma_wait3A_397 = arith.constant 0 : i32
    %dma_wait3A_398 = tpu.memref_slice %arg4[%arg1, %dma_wait3A_391, %dma_wait3A_396, %dma_wait3A_397] : memref<16x3x64x512xf32, #tpu.memory_space<vmem_shared>> -> memref<1x1x64x512xf32, #tpu.memory_space<vmem_shared>>
    %dma_wait3A_399 = tpu.memref_squeeze %dma_wait3A_398 : memref<1x1x64x512xf32, #tpu.memory_space<vmem_shared>> -> memref<64x512xf32, #tpu.memory_space<vmem_shared>>
    %dma_wait3A_400 = arith.constant 0 : i32
    %dma_wait3A_401 = arith.constant 0 : i32
    %dma_wait3A_402 = tpu.memref_slice %dma_wait3A_399[%dma_wait3A_400, %dma_wait3A_401] : memref<64x512xf32, #tpu.memory_space<vmem_shared>> -> memref<64x256xf32, #tpu.memory_space<vmem_shared>>
    tpu.wait_dma2 semaphore(%arg9 : memref<!tpu.dma_semaphore, #tpu.memory_space<semaphore_mem>>) src(%dma_wait3A_402 : memref<64x256xf32, #tpu.memory_space<vmem_shared>>) dst(%dma_wait3A_395 : memref<64x256xf32, #tpu.memory_space<hbm>>)
    %add3A_403 = arith.constant 7 : i32
    %add3A_404 = arith.addi %mul3A_32, %add3A_403 : i32
    %dma_start3A_405 = arith.constant 1 : i32
    %dma_start3A_406 = arith.constant 0 : i32
    %dma_start3A_407 = arith.constant 0 : i32
    %dma_start3A_408 = tpu.memref_slice %arg4[%arg1, %dma_start3A_405, %dma_start3A_406, %dma_start3A_407] : memref<16x3x64x512xf32, #tpu.memory_space<vmem_shared>> -> memref<1x1x64x512xf32, #tpu.memory_space<vmem_shared>>
    %dma_start3A_409 = tpu.memref_squeeze %dma_start3A_408 : memref<1x1x64x512xf32, #tpu.memory_space<vmem_shared>> -> memref<64x512xf32, #tpu.memory_space<vmem_shared>>
    %dma_start3A_410 = arith.constant 0 : i32
    %dma_start3A_411 = arith.constant 0 : i32
    %dma_start3A_412 = tpu.memref_slice %arg2[%select_n3A, %add3A_404, %dma_start3A_410, %dma_start3A_411] : memref<16x64x64x512xf32, #tpu.memory_space<hbm>> -> memref<1x1x64x512xf32, #tpu.memory_space<hbm>>
    %dma_start3A_413 = tpu.memref_squeeze %dma_start3A_412 : memref<1x1x64x512xf32, #tpu.memory_space<hbm>> -> memref<64x512xf32, #tpu.memory_space<hbm>>
    tpu.enqueue_dma source(%dma_start3A_413 : memref<64x512xf32, #tpu.memory_space<hbm>>) target(%dma_start3A_409 : memref<64x512xf32, #tpu.memory_space<vmem_shared>>) target_semaphore(%arg6 : memref<!tpu.dma_semaphore, #tpu.memory_space<semaphore_mem>>)
    %dma_wait3A_414 = arith.constant 2 : i32
    %dma_wait3A_415 = arith.constant 0 : i32
    %dma_wait3A_416 = arith.constant 0 : i32
    %dma_wait3A_417 = tpu.memref_slice %arg4[%arg1, %dma_wait3A_414, %dma_wait3A_415, %dma_wait3A_416] : memref<16x3x64x512xf32, #tpu.memory_space<vmem_shared>> -> memref<1x1x64x512xf32, #tpu.memory_space<vmem_shared>>
    %dma_wait3A_418 = tpu.memref_squeeze %dma_wait3A_417 : memref<1x1x64x512xf32, #tpu.memory_space<vmem_shared>> -> memref<64x512xf32, #tpu.memory_space<vmem_shared>>
    %dma_wait3A_419 = arith.constant 0 : i32
    %dma_wait3A_420 = arith.constant 0 : i32
    %dma_wait3A_421 = tpu.memref_slice %arg2[%select_n3A, %add3A_264, %dma_wait3A_419, %dma_wait3A_420] : memref<16x64x64x512xf32, #tpu.memory_space<hbm>> -> memref<1x1x64x512xf32, #tpu.memory_space<hbm>>
    %dma_wait3A_422 = tpu.memref_squeeze %dma_wait3A_421 : memref<1x1x64x512xf32, #tpu.memory_space<hbm>> -> memref<64x512xf32, #tpu.memory_space<hbm>>
    tpu.wait_dma2 semaphore(%arg7 : memref<!tpu.dma_semaphore, #tpu.memory_space<semaphore_mem>>) src(%dma_wait3A_422 : memref<64x512xf32, #tpu.memory_space<hbm>>) dst(%dma_wait3A_418 : memref<64x512xf32, #tpu.memory_space<vmem_shared>>)
    %add3A_423 = arith.constant 5 : i32
    %add3A_424 = arith.addi %mul3A_32, %add3A_423 : i32
    %dma_start3A_425 = arith.constant 2 : i32
    %dma_start3A_426 = arith.constant 0 : i32
    %dma_start3A_427 = arith.constant 0 : i32
    %dma_start3A_428 = tpu.memref_slice %arg3[%select_n3A, %add3A_424, %dma_start3A_426, %dma_start3A_427] : memref<16x64x64x512xf32, #tpu.memory_space<hbm>> -> memref<1x1x64x256xf32, #tpu.memory_space<hbm>>
    %dma_start3A_429 = tpu.memref_squeeze %dma_start3A_428 : memref<1x1x64x256xf32, #tpu.memory_space<hbm>> -> memref<64x256xf32, #tpu.memory_space<hbm>>
    %dma_start3A_430 = arith.constant 0 : i32
    %dma_start3A_431 = arith.constant 0 : i32
    %dma_start3A_432 = tpu.memref_slice %arg4[%arg1, %dma_start3A_425, %dma_start3A_430, %dma_start3A_431] : memref<16x3x64x512xf32, #tpu.memory_space<vmem_shared>> -> memref<1x1x64x512xf32, #tpu.memory_space<vmem_shared>>
    %dma_start3A_433 = tpu.memref_squeeze %dma_start3A_432 : memref<1x1x64x512xf32, #tpu.memory_space<vmem_shared>> -> memref<64x512xf32, #tpu.memory_space<vmem_shared>>
    %dma_start3A_434 = arith.constant 0 : i32
    %dma_start3A_435 = arith.constant 256 : i32
    %dma_start3A_436 = tpu.memref_slice %dma_start3A_433[%dma_start3A_434, %dma_start3A_435] : memref<64x512xf32, #tpu.memory_space<vmem_shared>> -> memref<64x256xf32, #tpu.memory_space<vmem_shared>>
    tpu.enqueue_dma source(%dma_start3A_436 : memref<64x256xf32, #tpu.memory_space<vmem_shared>>) target(%dma_start3A_429 : memref<64x256xf32, #tpu.memory_space<hbm>>) target_semaphore(%arg10 : memref<!tpu.dma_semaphore, #tpu.memory_space<semaphore_mem>>)
    %dma_start3A_437 = arith.constant 2 : i32
    %dma_start3A_438 = arith.constant 0 : i32
    %dma_start3A_439 = arith.constant 256 : i32
    %dma_start3A_440 = tpu.memref_slice %arg3[%select_n3A, %add3A_424, %dma_start3A_438, %dma_start3A_439] : memref<16x64x64x512xf32, #tpu.memory_space<hbm>> -> memref<1x1x64x256xf32, #tpu.memory_space<hbm>>
    %dma_start3A_441 = tpu.memref_squeeze %dma_start3A_440 : memref<1x1x64x256xf32, #tpu.memory_space<hbm>> -> memref<64x256xf32, #tpu.memory_space<hbm>>
    %dma_start3A_442 = arith.constant 0 : i32
    %dma_start3A_443 = arith.constant 0 : i32
    %dma_start3A_444 = tpu.memref_slice %arg4[%arg1, %dma_start3A_437, %dma_start3A_442, %dma_start3A_443] : memref<16x3x64x512xf32, #tpu.memory_space<vmem_shared>> -> memref<1x1x64x512xf32, #tpu.memory_space<vmem_shared>>
    %dma_start3A_445 = tpu.memref_squeeze %dma_start3A_444 : memref<1x1x64x512xf32, #tpu.memory_space<vmem_shared>> -> memref<64x512xf32, #tpu.memory_space<vmem_shared>>
    %dma_start3A_446 = arith.constant 0 : i32
    %dma_start3A_447 = arith.constant 0 : i32
    %dma_start3A_448 = tpu.memref_slice %dma_start3A_445[%dma_start3A_446, %dma_start3A_447] : memref<64x512xf32, #tpu.memory_space<vmem_shared>> -> memref<64x256xf32, #tpu.memory_space<vmem_shared>>
    tpu.enqueue_dma source(%dma_start3A_448 : memref<64x256xf32, #tpu.memory_space<vmem_shared>>) target(%dma_start3A_441 : memref<64x256xf32, #tpu.memory_space<hbm>>) target_semaphore(%arg10 : memref<!tpu.dma_semaphore, #tpu.memory_space<semaphore_mem>>)
    %dma_wait3A_449 = arith.constant 2 : i32
    %dma_wait3A_450 = arith.constant 0 : i32
    %dma_wait3A_451 = arith.constant 0 : i32
    %dma_wait3A_452 = tpu.memref_slice %arg3[%select_n3A, %add3A_424, %dma_wait3A_450, %dma_wait3A_451] : memref<16x64x64x512xf32, #tpu.memory_space<hbm>> -> memref<1x1x64x256xf32, #tpu.memory_space<hbm>>
    %dma_wait3A_453 = tpu.memref_squeeze %dma_wait3A_452 : memref<1x1x64x256xf32, #tpu.memory_space<hbm>> -> memref<64x256xf32, #tpu.memory_space<hbm>>
    %dma_wait3A_454 = arith.constant 0 : i32
    %dma_wait3A_455 = arith.constant 0 : i32
    %dma_wait3A_456 = tpu.memref_slice %arg4[%arg1, %dma_wait3A_449, %dma_wait3A_454, %dma_wait3A_455] : memref<16x3x64x512xf32, #tpu.memory_space<vmem_shared>> -> memref<1x1x64x512xf32, #tpu.memory_space<vmem_shared>>
    %dma_wait3A_457 = tpu.memref_squeeze %dma_wait3A_456 : memref<1x1x64x512xf32, #tpu.memory_space<vmem_shared>> -> memref<64x512xf32, #tpu.memory_space<vmem_shared>>
    %dma_wait3A_458 = arith.constant 0 : i32
    %dma_wait3A_459 = arith.constant 256 : i32
    %dma_wait3A_460 = tpu.memref_slice %dma_wait3A_457[%dma_wait3A_458, %dma_wait3A_459] : memref<64x512xf32, #tpu.memory_space<vmem_shared>> -> memref<64x256xf32, #tpu.memory_space<vmem_shared>>
    tpu.wait_dma2 semaphore(%arg10 : memref<!tpu.dma_semaphore, #tpu.memory_space<semaphore_mem>>) src(%dma_wait3A_460 : memref<64x256xf32, #tpu.memory_space<vmem_shared>>) dst(%dma_wait3A_453 : memref<64x256xf32, #tpu.memory_space<hbm>>)
    %dma_wait3A_461 = arith.constant 2 : i32
    %dma_wait3A_462 = arith.constant 0 : i32
    %dma_wait3A_463 = arith.constant 256 : i32
    %dma_wait3A_464 = tpu.memref_slice %arg3[%select_n3A, %add3A_424, %dma_wait3A_462, %dma_wait3A_463] : memref<16x64x64x512xf32, #tpu.memory_space<hbm>> -> memref<1x1x64x256xf32, #tpu.memory_space<hbm>>
    %dma_wait3A_465 = tpu.memref_squeeze %dma_wait3A_464 : memref<1x1x64x256xf32, #tpu.memory_space<hbm>> -> memref<64x256xf32, #tpu.memory_space<hbm>>
    %dma_wait3A_466 = arith.constant 0 : i32
    %dma_wait3A_467 = arith.constant 0 : i32
    %dma_wait3A_468 = tpu.memref_slice %arg4[%arg1, %dma_wait3A_461, %dma_wait3A_466, %dma_wait3A_467] : memref<16x3x64x512xf32, #tpu.memory_space<vmem_shared>> -> memref<1x1x64x512xf32, #tpu.memory_space<vmem_shared>>
    %dma_wait3A_469 = tpu.memref_squeeze %dma_wait3A_468 : memref<1x1x64x512xf32, #tpu.memory_space<vmem_shared>> -> memref<64x512xf32, #tpu.memory_space<vmem_shared>>
    %dma_wait3A_470 = arith.constant 0 : i32
    %dma_wait3A_471 = arith.constant 0 : i32
    %dma_wait3A_472 = tpu.memref_slice %dma_wait3A_469[%dma_wait3A_470, %dma_wait3A_471] : memref<64x512xf32, #tpu.memory_space<vmem_shared>> -> memref<64x256xf32, #tpu.memory_space<vmem_shared>>
    tpu.wait_dma2 semaphore(%arg10 : memref<!tpu.dma_semaphore, #tpu.memory_space<semaphore_mem>>) src(%dma_wait3A_472 : memref<64x256xf32, #tpu.memory_space<vmem_shared>>) dst(%dma_wait3A_465 : memref<64x256xf32, #tpu.memory_space<hbm>>)
    %add3A_473 = arith.constant 8 : i32
    %add3A_474 = arith.addi %mul3A_32, %add3A_473 : i32
    %dma_start3A_475 = arith.constant 2 : i32
    %dma_start3A_476 = arith.constant 0 : i32
    %dma_start3A_477 = arith.constant 0 : i32
    %dma_start3A_478 = tpu.memref_slice %arg4[%arg1, %dma_start3A_475, %dma_start3A_476, %dma_start3A_477] : memref<16x3x64x512xf32, #tpu.memory_space<vmem_shared>> -> memref<1x1x64x512xf32, #tpu.memory_space<vmem_shared>>
    %dma_start3A_479 = tpu.memref_squeeze %dma_start3A_478 : memref<1x1x64x512xf32, #tpu.memory_space<vmem_shared>> -> memref<64x512xf32, #tpu.memory_space<vmem_shared>>
    %dma_start3A_480 = arith.constant 0 : i32
    %dma_start3A_481 = arith.constant 0 : i32
    %dma_start3A_482 = tpu.memref_slice %arg2[%select_n3A, %add3A_474, %dma_start3A_480, %dma_start3A_481] : memref<16x64x64x512xf32, #tpu.memory_space<hbm>> -> memref<1x1x64x512xf32, #tpu.memory_space<hbm>>
    %dma_start3A_483 = tpu.memref_squeeze %dma_start3A_482 : memref<1x1x64x512xf32, #tpu.memory_space<hbm>> -> memref<64x512xf32, #tpu.memory_space<hbm>>
    tpu.enqueue_dma source(%dma_start3A_483 : memref<64x512xf32, #tpu.memory_space<hbm>>) target(%dma_start3A_479 : memref<64x512xf32, #tpu.memory_space<vmem_shared>>) target_semaphore(%arg7 : memref<!tpu.dma_semaphore, #tpu.memory_space<semaphore_mem>>)
    %dma_wait3A_484 = arith.constant 0 : i32
    %dma_wait3A_485 = arith.constant 0 : i32
    %dma_wait3A_486 = arith.constant 0 : i32
    %dma_wait3A_487 = tpu.memref_slice %arg4[%arg1, %dma_wait3A_484, %dma_wait3A_485, %dma_wait3A_486] : memref<16x3x64x512xf32, #tpu.memory_space<vmem_shared>> -> memref<1x1x64x512xf32, #tpu.memory_space<vmem_shared>>
    %dma_wait3A_488 = tpu.memref_squeeze %dma_wait3A_487 : memref<1x1x64x512xf32, #tpu.memory_space<vmem_shared>> -> memref<64x512xf32, #tpu.memory_space<vmem_shared>>
    %dma_wait3A_489 = arith.constant 0 : i32
    %dma_wait3A_490 = arith.constant 0 : i32
    %dma_wait3A_491 = tpu.memref_slice %arg2[%select_n3A, %add3A_334, %dma_wait3A_489, %dma_wait3A_490] : memref<16x64x64x512xf32, #tpu.memory_space<hbm>> -> memref<1x1x64x512xf32, #tpu.memory_space<hbm>>
    %dma_wait3A_492 = tpu.memref_squeeze %dma_wait3A_491 : memref<1x1x64x512xf32, #tpu.memory_space<hbm>> -> memref<64x512xf32, #tpu.memory_space<hbm>>
    tpu.wait_dma2 semaphore(%arg5 : memref<!tpu.dma_semaphore, #tpu.memory_space<semaphore_mem>>) src(%dma_wait3A_492 : memref<64x512xf32, #tpu.memory_space<hbm>>) dst(%dma_wait3A_488 : memref<64x512xf32, #tpu.memory_space<vmem_shared>>)
    %add3A_493 = arith.constant 6 : i32
    %add3A_494 = arith.addi %mul3A_32, %add3A_493 : i32
    %dma_start3A_495 = arith.constant 0 : i32
    %dma_start3A_496 = arith.constant 0 : i32
    %dma_start3A_497 = arith.constant 0 : i32
    %dma_start3A_498 = tpu.memref_slice %arg3[%select_n3A, %add3A_494, %dma_start3A_496, %dma_start3A_497] : memref<16x64x64x512xf32, #tpu.memory_space<hbm>> -> memref<1x1x64x256xf32, #tpu.memory_space<hbm>>
    %dma_start3A_499 = tpu.memref_squeeze %dma_start3A_498 : memref<1x1x64x256xf32, #tpu.memory_space<hbm>> -> memref<64x256xf32, #tpu.memory_space<hbm>>
    %dma_start3A_500 = arith.constant 0 : i32
    %dma_start3A_501 = arith.constant 0 : i32
    %dma_start3A_502 = tpu.memref_slice %arg4[%arg1, %dma_start3A_495, %dma_start3A_500, %dma_start3A_501] : memref<16x3x64x512xf32, #tpu.memory_space<vmem_shared>> -> memref<1x1x64x512xf32, #tpu.memory_space<vmem_shared>>
    %dma_start3A_503 = tpu.memref_squeeze %dma_start3A_502 : memref<1x1x64x512xf32, #tpu.memory_space<vmem_shared>> -> memref<64x512xf32, #tpu.memory_space<vmem_shared>>
    %dma_start3A_504 = arith.constant 0 : i32
    %dma_start3A_505 = arith.constant 256 : i32
    %dma_start3A_506 = tpu.memref_slice %dma_start3A_503[%dma_start3A_504, %dma_start3A_505] : memref<64x512xf32, #tpu.memory_space<vmem_shared>> -> memref<64x256xf32, #tpu.memory_space<vmem_shared>>
    tpu.enqueue_dma source(%dma_start3A_506 : memref<64x256xf32, #tpu.memory_space<vmem_shared>>) target(%dma_start3A_499 : memref<64x256xf32, #tpu.memory_space<hbm>>) target_semaphore(%arg8 : memref<!tpu.dma_semaphore, #tpu.memory_space<semaphore_mem>>)
    %dma_start3A_507 = arith.constant 0 : i32
    %dma_start3A_508 = arith.constant 0 : i32
    %dma_start3A_509 = arith.constant 256 : i32
    %dma_start3A_510 = tpu.memref_slice %arg3[%select_n3A, %add3A_494, %dma_start3A_508, %dma_start3A_509] : memref<16x64x64x512xf32, #tpu.memory_space<hbm>> -> memref<1x1x64x256xf32, #tpu.memory_space<hbm>>
    %dma_start3A_511 = tpu.memref_squeeze %dma_start3A_510 : memref<1x1x64x256xf32, #tpu.memory_space<hbm>> -> memref<64x256xf32, #tpu.memory_space<hbm>>
    %dma_start3A_512 = arith.constant 0 : i32
    %dma_start3A_513 = arith.constant 0 : i32
    %dma_start3A_514 = tpu.memref_slice %arg4[%arg1, %dma_start3A_507, %dma_start3A_512, %dma_start3A_513] : memref<16x3x64x512xf32, #tpu.memory_space<vmem_shared>> -> memref<1x1x64x512xf32, #tpu.memory_space<vmem_shared>>
    %dma_start3A_515 = tpu.memref_squeeze %dma_start3A_514 : memref<1x1x64x512xf32, #tpu.memory_space<vmem_shared>> -> memref<64x512xf32, #tpu.memory_space<vmem_shared>>
    %dma_start3A_516 = arith.constant 0 : i32
    %dma_start3A_517 = arith.constant 0 : i32
    %dma_start3A_518 = tpu.memref_slice %dma_start3A_515[%dma_start3A_516, %dma_start3A_517] : memref<64x512xf32, #tpu.memory_space<vmem_shared>> -> memref<64x256xf32, #tpu.memory_space<vmem_shared>>
    tpu.enqueue_dma source(%dma_start3A_518 : memref<64x256xf32, #tpu.memory_space<vmem_shared>>) target(%dma_start3A_511 : memref<64x256xf32, #tpu.memory_space<hbm>>) target_semaphore(%arg8 : memref<!tpu.dma_semaphore, #tpu.memory_space<semaphore_mem>>)
    %dma_wait3A_519 = arith.constant 0 : i32
    %dma_wait3A_520 = arith.constant 0 : i32
    %dma_wait3A_521 = arith.constant 0 : i32
    %dma_wait3A_522 = tpu.memref_slice %arg3[%select_n3A, %add3A_494, %dma_wait3A_520, %dma_wait3A_521] : memref<16x64x64x512xf32, #tpu.memory_space<hbm>> -> memref<1x1x64x256xf32, #tpu.memory_space<hbm>>
    %dma_wait3A_523 = tpu.memref_squeeze %dma_wait3A_522 : memref<1x1x64x256xf32, #tpu.memory_space<hbm>> -> memref<64x256xf32, #tpu.memory_space<hbm>>
    %dma_wait3A_524 = arith.constant 0 : i32
    %dma_wait3A_525 = arith.constant 0 : i32
    %dma_wait3A_526 = tpu.memref_slice %arg4[%arg1, %dma_wait3A_519, %dma_wait3A_524, %dma_wait3A_525] : memref<16x3x64x512xf32, #tpu.memory_space<vmem_shared>> -> memref<1x1x64x512xf32, #tpu.memory_space<vmem_shared>>
    %dma_wait3A_527 = tpu.memref_squeeze %dma_wait3A_526 : memref<1x1x64x512xf32, #tpu.memory_space<vmem_shared>> -> memref<64x512xf32, #tpu.memory_space<vmem_shared>>
    %dma_wait3A_528 = arith.constant 0 : i32
    %dma_wait3A_529 = arith.constant 256 : i32
    %dma_wait3A_530 = tpu.memref_slice %dma_wait3A_527[%dma_wait3A_528, %dma_wait3A_529] : memref<64x512xf32, #tpu.memory_space<vmem_shared>> -> memref<64x256xf32, #tpu.memory_space<vmem_shared>>
    tpu.wait_dma2 semaphore(%arg8 : memref<!tpu.dma_semaphore, #tpu.memory_space<semaphore_mem>>) src(%dma_wait3A_530 : memref<64x256xf32, #tpu.memory_space<vmem_shared>>) dst(%dma_wait3A_523 : memref<64x256xf32, #tpu.memory_space<hbm>>)
    %dma_wait3A_531 = arith.constant 0 : i32
    %dma_wait3A_532 = arith.constant 0 : i32
    %dma_wait3A_533 = arith.constant 256 : i32
    %dma_wait3A_534 = tpu.memref_slice %arg3[%select_n3A, %add3A_494, %dma_wait3A_532, %dma_wait3A_533] : memref<16x64x64x512xf32, #tpu.memory_space<hbm>> -> memref<1x1x64x256xf32, #tpu.memory_space<hbm>>
    %dma_wait3A_535 = tpu.memref_squeeze %dma_wait3A_534 : memref<1x1x64x256xf32, #tpu.memory_space<hbm>> -> memref<64x256xf32, #tpu.memory_space<hbm>>
    %dma_wait3A_536 = arith.constant 0 : i32
    %dma_wait3A_537 = arith.constant 0 : i32
    %dma_wait3A_538 = tpu.memref_slice %arg4[%arg1, %dma_wait3A_531, %dma_wait3A_536, %dma_wait3A_537] : memref<16x3x64x512xf32, #tpu.memory_space<vmem_shared>> -> memref<1x1x64x512xf32, #tpu.memory_space<vmem_shared>>
    %dma_wait3A_539 = tpu.memref_squeeze %dma_wait3A_538 : memref<1x1x64x512xf32, #tpu.memory_space<vmem_shared>> -> memref<64x512xf32, #tpu.memory_space<vmem_shared>>
    %dma_wait3A_540 = arith.constant 0 : i32
    %dma_wait3A_541 = arith.constant 0 : i32
    %dma_wait3A_542 = tpu.memref_slice %dma_wait3A_539[%dma_wait3A_540, %dma_wait3A_541] : memref<64x512xf32, #tpu.memory_space<vmem_shared>> -> memref<64x256xf32, #tpu.memory_space<vmem_shared>>
    tpu.wait_dma2 semaphore(%arg8 : memref<!tpu.dma_semaphore, #tpu.memory_space<semaphore_mem>>) src(%dma_wait3A_542 : memref<64x256xf32, #tpu.memory_space<vmem_shared>>) dst(%dma_wait3A_535 : memref<64x256xf32, #tpu.memory_space<hbm>>)
    %add3A_543 = arith.constant 9 : i32
    %add3A_544 = arith.addi %mul3A_32, %add3A_543 : i32
    %dma_start3A_545 = arith.constant 0 : i32
    %dma_start3A_546 = arith.constant 0 : i32
    %dma_start3A_547 = arith.constant 0 : i32
    %dma_start3A_548 = tpu.memref_slice %arg4[%arg1, %dma_start3A_545, %dma_start3A_546, %dma_start3A_547] : memref<16x3x64x512xf32, #tpu.memory_space<vmem_shared>> -> memref<1x1x64x512xf32, #tpu.memory_space<vmem_shared>>
    %dma_start3A_549 = tpu.memref_squeeze %dma_start3A_548 : memref<1x1x64x512xf32, #tpu.memory_space<vmem_shared>> -> memref<64x512xf32, #tpu.memory_space<vmem_shared>>
    %dma_start3A_550 = arith.constant 0 : i32
    %dma_start3A_551 = arith.constant 0 : i32
    %dma_start3A_552 = tpu.memref_slice %arg2[%select_n3A, %add3A_544, %dma_start3A_550, %dma_start3A_551] : memref<16x64x64x512xf32, #tpu.memory_space<hbm>> -> memref<1x1x64x512xf32, #tpu.memory_space<hbm>>
    %dma_start3A_553 = tpu.memref_squeeze %dma_start3A_552 : memref<1x1x64x512xf32, #tpu.memory_space<hbm>> -> memref<64x512xf32, #tpu.memory_space<hbm>>
    tpu.enqueue_dma source(%dma_start3A_553 : memref<64x512xf32, #tpu.memory_space<hbm>>) target(%dma_start3A_549 : memref<64x512xf32, #tpu.memory_space<vmem_shared>>) target_semaphore(%arg5 : memref<!tpu.dma_semaphore, #tpu.memory_space<semaphore_mem>>)
    %dma_wait3A_554 = arith.constant 1 : i32
    %dma_wait3A_555 = arith.constant 0 : i32
    %dma_wait3A_556 = arith.constant 0 : i32
    %dma_wait3A_557 = tpu.memref_slice %arg4[%arg1, %dma_wait3A_554, %dma_wait3A_555, %dma_wait3A_556] : memref<16x3x64x512xf32, #tpu.memory_space<vmem_shared>> -> memref<1x1x64x512xf32, #tpu.memory_space<vmem_shared>>
    %dma_wait3A_558 = tpu.memref_squeeze %dma_wait3A_557 : memref<1x1x64x512xf32, #tpu.memory_space<vmem_shared>> -> memref<64x512xf32, #tpu.memory_space<vmem_shared>>
    %dma_wait3A_559 = arith.constant 0 : i32
    %dma_wait3A_560 = arith.constant 0 : i32
    %dma_wait3A_561 = tpu.memref_slice %arg2[%select_n3A, %add3A_404, %dma_wait3A_559, %dma_wait3A_560] : memref<16x64x64x512xf32, #tpu.memory_space<hbm>> -> memref<1x1x64x512xf32, #tpu.memory_space<hbm>>
    %dma_wait3A_562 = tpu.memref_squeeze %dma_wait3A_561 : memref<1x1x64x512xf32, #tpu.memory_space<hbm>> -> memref<64x512xf32, #tpu.memory_space<hbm>>
    tpu.wait_dma2 semaphore(%arg6 : memref<!tpu.dma_semaphore, #tpu.memory_space<semaphore_mem>>) src(%dma_wait3A_562 : memref<64x512xf32, #tpu.memory_space<hbm>>) dst(%dma_wait3A_558 : memref<64x512xf32, #tpu.memory_space<vmem_shared>>)
    %add3A_563 = arith.constant 7 : i32
    %add3A_564 = arith.addi %mul3A_32, %add3A_563 : i32
    %dma_start3A_565 = arith.constant 1 : i32
    %dma_start3A_566 = arith.constant 0 : i32
    %dma_start3A_567 = arith.constant 0 : i32
    %dma_start3A_568 = tpu.memref_slice %arg3[%select_n3A, %add3A_564, %dma_start3A_566, %dma_start3A_567] : memref<16x64x64x512xf32, #tpu.memory_space<hbm>> -> memref<1x1x64x256xf32, #tpu.memory_space<hbm>>
    %dma_start3A_569 = tpu.memref_squeeze %dma_start3A_568 : memref<1x1x64x256xf32, #tpu.memory_space<hbm>> -> memref<64x256xf32, #tpu.memory_space<hbm>>
    %dma_start3A_570 = arith.constant 0 : i32
    %dma_start3A_571 = arith.constant 0 : i32
    %dma_start3A_572 = tpu.memref_slice %arg4[%arg1, %dma_start3A_565, %dma_start3A_570, %dma_start3A_571] : memref<16x3x64x512xf32, #tpu.memory_space<vmem_shared>> -> memref<1x1x64x512xf32, #tpu.memory_space<vmem_shared>>
    %dma_start3A_573 = tpu.memref_squeeze %dma_start3A_572 : memref<1x1x64x512xf32, #tpu.memory_space<vmem_shared>> -> memref<64x512xf32, #tpu.memory_space<vmem_shared>>
    %dma_start3A_574 = arith.constant 0 : i32
    %dma_start3A_575 = arith.constant 256 : i32
    %dma_start3A_576 = tpu.memref_slice %dma_start3A_573[%dma_start3A_574, %dma_start3A_575] : memref<64x512xf32, #tpu.memory_space<vmem_shared>> -> memref<64x256xf32, #tpu.memory_space<vmem_shared>>
    tpu.enqueue_dma source(%dma_start3A_576 : memref<64x256xf32, #tpu.memory_space<vmem_shared>>) target(%dma_start3A_569 : memref<64x256xf32, #tpu.memory_space<hbm>>) target_semaphore(%arg9 : memref<!tpu.dma_semaphore, #tpu.memory_space<semaphore_mem>>)
    %dma_start3A_577 = arith.constant 1 : i32
    %dma_start3A_578 = arith.constant 0 : i32
    %dma_start3A_579 = arith.constant 256 : i32
    %dma_start3A_580 = tpu.memref_slice %arg3[%select_n3A, %add3A_564, %dma_start3A_578, %dma_start3A_579] : memref<16x64x64x512xf32, #tpu.memory_space<hbm>> -> memref<1x1x64x256xf32, #tpu.memory_space<hbm>>
    %dma_start3A_581 = tpu.memref_squeeze %dma_start3A_580 : memref<1x1x64x256xf32, #tpu.memory_space<hbm>> -> memref<64x256xf32, #tpu.memory_space<hbm>>
    %dma_start3A_582 = arith.constant 0 : i32
    %dma_start3A_583 = arith.constant 0 : i32
    %dma_start3A_584 = tpu.memref_slice %arg4[%arg1, %dma_start3A_577, %dma_start3A_582, %dma_start3A_583] : memref<16x3x64x512xf32, #tpu.memory_space<vmem_shared>> -> memref<1x1x64x512xf32, #tpu.memory_space<vmem_shared>>
    %dma_start3A_585 = tpu.memref_squeeze %dma_start3A_584 : memref<1x1x64x512xf32, #tpu.memory_space<vmem_shared>> -> memref<64x512xf32, #tpu.memory_space<vmem_shared>>
    %dma_start3A_586 = arith.constant 0 : i32
    %dma_start3A_587 = arith.constant 0 : i32
    %dma_start3A_588 = tpu.memref_slice %dma_start3A_585[%dma_start3A_586, %dma_start3A_587] : memref<64x512xf32, #tpu.memory_space<vmem_shared>> -> memref<64x256xf32, #tpu.memory_space<vmem_shared>>
    tpu.enqueue_dma source(%dma_start3A_588 : memref<64x256xf32, #tpu.memory_space<vmem_shared>>) target(%dma_start3A_581 : memref<64x256xf32, #tpu.memory_space<hbm>>) target_semaphore(%arg9 : memref<!tpu.dma_semaphore, #tpu.memory_space<semaphore_mem>>)
    %dma_wait3A_589 = arith.constant 1 : i32
    %dma_wait3A_590 = arith.constant 0 : i32
    %dma_wait3A_591 = arith.constant 0 : i32
    %dma_wait3A_592 = tpu.memref_slice %arg3[%select_n3A, %add3A_564, %dma_wait3A_590, %dma_wait3A_591] : memref<16x64x64x512xf32, #tpu.memory_space<hbm>> -> memref<1x1x64x256xf32, #tpu.memory_space<hbm>>
    %dma_wait3A_593 = tpu.memref_squeeze %dma_wait3A_592 : memref<1x1x64x256xf32, #tpu.memory_space<hbm>> -> memref<64x256xf32, #tpu.memory_space<hbm>>
    %dma_wait3A_594 = arith.constant 0 : i32
    %dma_wait3A_595 = arith.constant 0 : i32
    %dma_wait3A_596 = tpu.memref_slice %arg4[%arg1, %dma_wait3A_589, %dma_wait3A_594, %dma_wait3A_595] : memref<16x3x64x512xf32, #tpu.memory_space<vmem_shared>> -> memref<1x1x64x512xf32, #tpu.memory_space<vmem_shared>>
    %dma_wait3A_597 = tpu.memref_squeeze %dma_wait3A_596 : memref<1x1x64x512xf32, #tpu.memory_space<vmem_shared>> -> memref<64x512xf32, #tpu.memory_space<vmem_shared>>
    %dma_wait3A_598 = arith.constant 0 : i32
    %dma_wait3A_599 = arith.constant 256 : i32
    %dma_wait3A_600 = tpu.memref_slice %dma_wait3A_597[%dma_wait3A_598, %dma_wait3A_599] : memref<64x512xf32, #tpu.memory_space<vmem_shared>> -> memref<64x256xf32, #tpu.memory_space<vmem_shared>>
    tpu.wait_dma2 semaphore(%arg9 : memref<!tpu.dma_semaphore, #tpu.memory_space<semaphore_mem>>) src(%dma_wait3A_600 : memref<64x256xf32, #tpu.memory_space<vmem_shared>>) dst(%dma_wait3A_593 : memref<64x256xf32, #tpu.memory_space<hbm>>)
    %dma_wait3A_601 = arith.constant 1 : i32
    %dma_wait3A_602 = arith.constant 0 : i32
    %dma_wait3A_603 = arith.constant 256 : i32
    %dma_wait3A_604 = tpu.memref_slice %arg3[%select_n3A, %add3A_564, %dma_wait3A_602, %dma_wait3A_603] : memref<16x64x64x512xf32, #tpu.memory_space<hbm>> -> memref<1x1x64x256xf32, #tpu.memory_space<hbm>>
    %dma_wait3A_605 = tpu.memref_squeeze %dma_wait3A_604 : memref<1x1x64x256xf32, #tpu.memory_space<hbm>> -> memref<64x256xf32, #tpu.memory_space<hbm>>
    %dma_wait3A_606 = arith.constant 0 : i32
    %dma_wait3A_607 = arith.constant 0 : i32
    %dma_wait3A_608 = tpu.memref_slice %arg4[%arg1, %dma_wait3A_601, %dma_wait3A_606, %dma_wait3A_607] : memref<16x3x64x512xf32, #tpu.memory_space<vmem_shared>> -> memref<1x1x64x512xf32, #tpu.memory_space<vmem_shared>>
    %dma_wait3A_609 = tpu.memref_squeeze %dma_wait3A_608 : memref<1x1x64x512xf32, #tpu.memory_space<vmem_shared>> -> memref<64x512xf32, #tpu.memory_space<vmem_shared>>
    %dma_wait3A_610 = arith.constant 0 : i32
    %dma_wait3A_611 = arith.constant 0 : i32
    %dma_wait3A_612 = tpu.memref_slice %dma_wait3A_609[%dma_wait3A_610, %dma_wait3A_611] : memref<64x512xf32, #tpu.memory_space<vmem_shared>> -> memref<64x256xf32, #tpu.memory_space<vmem_shared>>
    tpu.wait_dma2 semaphore(%arg9 : memref<!tpu.dma_semaphore, #tpu.memory_space<semaphore_mem>>) src(%dma_wait3A_612 : memref<64x256xf32, #tpu.memory_space<vmem_shared>>) dst(%dma_wait3A_605 : memref<64x256xf32, #tpu.memory_space<hbm>>)
    %add3A_613 = arith.constant 10 : i32
    %add3A_614 = arith.addi %mul3A_32, %add3A_613 : i32
    %dma_start3A_615 = arith.constant 1 : i32
    %dma_start3A_616 = arith.constant 0 : i32
    %dma_start3A_617 = arith.constant 0 : i32
    %dma_start3A_618 = tpu.memref_slice %arg4[%arg1, %dma_start3A_615, %dma_start3A_616, %dma_start3A_617] : memref<16x3x64x512xf32, #tpu.memory_space<vmem_shared>> -> memref<1x1x64x512xf32, #tpu.memory_space<vmem_shared>>
    %dma_start3A_619 = tpu.memref_squeeze %dma_start3A_618 : memref<1x1x64x512xf32, #tpu.memory_space<vmem_shared>> -> memref<64x512xf32, #tpu.memory_space<vmem_shared>>
    %dma_start3A_620 = arith.constant 0 : i32
    %dma_start3A_621 = arith.constant 0 : i32
    %dma_start3A_622 = tpu.memref_slice %arg2[%select_n3A, %add3A_614, %dma_start3A_620, %dma_start3A_621] : memref<16x64x64x512xf32, #tpu.memory_space<hbm>> -> memref<1x1x64x512xf32, #tpu.memory_space<hbm>>
    %dma_start3A_623 = tpu.memref_squeeze %dma_start3A_622 : memref<1x1x64x512xf32, #tpu.memory_space<hbm>> -> memref<64x512xf32, #tpu.memory_space<hbm>>
    tpu.enqueue_dma source(%dma_start3A_623 : memref<64x512xf32, #tpu.memory_space<hbm>>) target(%dma_start3A_619 : memref<64x512xf32, #tpu.memory_space<vmem_shared>>) target_semaphore(%arg6 : memref<!tpu.dma_semaphore, #tpu.memory_space<semaphore_mem>>)
    %dma_wait3A_624 = arith.constant 2 : i32
    %dma_wait3A_625 = arith.constant 0 : i32
    %dma_wait3A_626 = arith.constant 0 : i32
    %dma_wait3A_627 = tpu.memref_slice %arg4[%arg1, %dma_wait3A_624, %dma_wait3A_625, %dma_wait3A_626] : memref<16x3x64x512xf32, #tpu.memory_space<vmem_shared>> -> memref<1x1x64x512xf32, #tpu.memory_space<vmem_shared>>
    %dma_wait3A_628 = tpu.memref_squeeze %dma_wait3A_627 : memref<1x1x64x512xf32, #tpu.memory_space<vmem_shared>> -> memref<64x512xf32, #tpu.memory_space<vmem_shared>>
    %dma_wait3A_629 = arith.constant 0 : i32
    %dma_wait3A_630 = arith.constant 0 : i32
    %dma_wait3A_631 = tpu.memref_slice %arg2[%select_n3A, %add3A_474, %dma_wait3A_629, %dma_wait3A_630] : memref<16x64x64x512xf32, #tpu.memory_space<hbm>> -> memref<1x1x64x512xf32, #tpu.memory_space<hbm>>
    %dma_wait3A_632 = tpu.memref_squeeze %dma_wait3A_631 : memref<1x1x64x512xf32, #tpu.memory_space<hbm>> -> memref<64x512xf32, #tpu.memory_space<hbm>>
    tpu.wait_dma2 semaphore(%arg7 : memref<!tpu.dma_semaphore, #tpu.memory_space<semaphore_mem>>) src(%dma_wait3A_632 : memref<64x512xf32, #tpu.memory_space<hbm>>) dst(%dma_wait3A_628 : memref<64x512xf32, #tpu.memory_space<vmem_shared>>)
    %add3A_633 = arith.constant 8 : i32
    %add3A_634 = arith.addi %mul3A_32, %add3A_633 : i32
    %dma_start3A_635 = arith.constant 2 : i32
    %dma_start3A_636 = arith.constant 0 : i32
    %dma_start3A_637 = arith.constant 0 : i32
    %dma_start3A_638 = tpu.memref_slice %arg3[%select_n3A, %add3A_634, %dma_start3A_636, %dma_start3A_637] : memref<16x64x64x512xf32, #tpu.memory_space<hbm>> -> memref<1x1x64x256xf32, #tpu.memory_space<hbm>>
    %dma_start3A_639 = tpu.memref_squeeze %dma_start3A_638 : memref<1x1x64x256xf32, #tpu.memory_space<hbm>> -> memref<64x256xf32, #tpu.memory_space<hbm>>
    %dma_start3A_640 = arith.constant 0 : i32
    %dma_start3A_641 = arith.constant 0 : i32
    %dma_start3A_642 = tpu.memref_slice %arg4[%arg1, %dma_start3A_635, %dma_start3A_640, %dma_start3A_641] : memref<16x3x64x512xf32, #tpu.memory_space<vmem_shared>> -> memref<1x1x64x512xf32, #tpu.memory_space<vmem_shared>>
    %dma_start3A_643 = tpu.memref_squeeze %dma_start3A_642 : memref<1x1x64x512xf32, #tpu.memory_space<vmem_shared>> -> memref<64x512xf32, #tpu.memory_space<vmem_shared>>
    %dma_start3A_644 = arith.constant 0 : i32
    %dma_start3A_645 = arith.constant 256 : i32
    %dma_start3A_646 = tpu.memref_slice %dma_start3A_643[%dma_start3A_644, %dma_start3A_645] : memref<64x512xf32, #tpu.memory_space<vmem_shared>> -> memref<64x256xf32, #tpu.memory_space<vmem_shared>>
    tpu.enqueue_dma source(%dma_start3A_646 : memref<64x256xf32, #tpu.memory_space<vmem_shared>>) target(%dma_start3A_639 : memref<64x256xf32, #tpu.memory_space<hbm>>) target_semaphore(%arg10 : memref<!tpu.dma_semaphore, #tpu.memory_space<semaphore_mem>>)
    %dma_start3A_647 = arith.constant 2 : i32
    %dma_start3A_648 = arith.constant 0 : i32
    %dma_start3A_649 = arith.constant 256 : i32
    %dma_start3A_650 = tpu.memref_slice %arg3[%select_n3A, %add3A_634, %dma_start3A_648, %dma_start3A_649] : memref<16x64x64x512xf32, #tpu.memory_space<hbm>> -> memref<1x1x64x256xf32, #tpu.memory_space<hbm>>
    %dma_start3A_651 = tpu.memref_squeeze %dma_start3A_650 : memref<1x1x64x256xf32, #tpu.memory_space<hbm>> -> memref<64x256xf32, #tpu.memory_space<hbm>>
    %dma_start3A_652 = arith.constant 0 : i32
    %dma_start3A_653 = arith.constant 0 : i32
    %dma_start3A_654 = tpu.memref_slice %arg4[%arg1, %dma_start3A_647, %dma_start3A_652, %dma_start3A_653] : memref<16x3x64x512xf32, #tpu.memory_space<vmem_shared>> -> memref<1x1x64x512xf32, #tpu.memory_space<vmem_shared>>
    %dma_start3A_655 = tpu.memref_squeeze %dma_start3A_654 : memref<1x1x64x512xf32, #tpu.memory_space<vmem_shared>> -> memref<64x512xf32, #tpu.memory_space<vmem_shared>>
    %dma_start3A_656 = arith.constant 0 : i32
    %dma_start3A_657 = arith.constant 0 : i32
    %dma_start3A_658 = tpu.memref_slice %dma_start3A_655[%dma_start3A_656, %dma_start3A_657] : memref<64x512xf32, #tpu.memory_space<vmem_shared>> -> memref<64x256xf32, #tpu.memory_space<vmem_shared>>
    tpu.enqueue_dma source(%dma_start3A_658 : memref<64x256xf32, #tpu.memory_space<vmem_shared>>) target(%dma_start3A_651 : memref<64x256xf32, #tpu.memory_space<hbm>>) target_semaphore(%arg10 : memref<!tpu.dma_semaphore, #tpu.memory_space<semaphore_mem>>)
    %dma_wait3A_659 = arith.constant 2 : i32
    %dma_wait3A_660 = arith.constant 0 : i32
    %dma_wait3A_661 = arith.constant 0 : i32
    %dma_wait3A_662 = tpu.memref_slice %arg3[%select_n3A, %add3A_634, %dma_wait3A_660, %dma_wait3A_661] : memref<16x64x64x512xf32, #tpu.memory_space<hbm>> -> memref<1x1x64x256xf32, #tpu.memory_space<hbm>>
    %dma_wait3A_663 = tpu.memref_squeeze %dma_wait3A_662 : memref<1x1x64x256xf32, #tpu.memory_space<hbm>> -> memref<64x256xf32, #tpu.memory_space<hbm>>
    %dma_wait3A_664 = arith.constant 0 : i32
    %dma_wait3A_665 = arith.constant 0 : i32
    %dma_wait3A_666 = tpu.memref_slice %arg4[%arg1, %dma_wait3A_659, %dma_wait3A_664, %dma_wait3A_665] : memref<16x3x64x512xf32, #tpu.memory_space<vmem_shared>> -> memref<1x1x64x512xf32, #tpu.memory_space<vmem_shared>>
    %dma_wait3A_667 = tpu.memref_squeeze %dma_wait3A_666 : memref<1x1x64x512xf32, #tpu.memory_space<vmem_shared>> -> memref<64x512xf32, #tpu.memory_space<vmem_shared>>
    %dma_wait3A_668 = arith.constant 0 : i32
    %dma_wait3A_669 = arith.constant 256 : i32
    %dma_wait3A_670 = tpu.memref_slice %dma_wait3A_667[%dma_wait3A_668, %dma_wait3A_669] : memref<64x512xf32, #tpu.memory_space<vmem_shared>> -> memref<64x256xf32, #tpu.memory_space<vmem_shared>>
    tpu.wait_dma2 semaphore(%arg10 : memref<!tpu.dma_semaphore, #tpu.memory_space<semaphore_mem>>) src(%dma_wait3A_670 : memref<64x256xf32, #tpu.memory_space<vmem_shared>>) dst(%dma_wait3A_663 : memref<64x256xf32, #tpu.memory_space<hbm>>)
    %dma_wait3A_671 = arith.constant 2 : i32
    %dma_wait3A_672 = arith.constant 0 : i32
    %dma_wait3A_673 = arith.constant 256 : i32
    %dma_wait3A_674 = tpu.memref_slice %arg3[%select_n3A, %add3A_634, %dma_wait3A_672, %dma_wait3A_673] : memref<16x64x64x512xf32, #tpu.memory_space<hbm>> -> memref<1x1x64x256xf32, #tpu.memory_space<hbm>>
    %dma_wait3A_675 = tpu.memref_squeeze %dma_wait3A_674 : memref<1x1x64x256xf32, #tpu.memory_space<hbm>> -> memref<64x256xf32, #tpu.memory_space<hbm>>
    %dma_wait3A_676 = arith.constant 0 : i32
    %dma_wait3A_677 = arith.constant 0 : i32
    %dma_wait3A_678 = tpu.memref_slice %arg4[%arg1, %dma_wait3A_671, %dma_wait3A_676, %dma_wait3A_677] : memref<16x3x64x512xf32, #tpu.memory_space<vmem_shared>> -> memref<1x1x64x512xf32, #tpu.memory_space<vmem_shared>>
    %dma_wait3A_679 = tpu.memref_squeeze %dma_wait3A_678 : memref<1x1x64x512xf32, #tpu.memory_space<vmem_shared>> -> memref<64x512xf32, #tpu.memory_space<vmem_shared>>
    %dma_wait3A_680 = arith.constant 0 : i32
    %dma_wait3A_681 = arith.constant 0 : i32
    %dma_wait3A_682 = tpu.memref_slice %dma_wait3A_679[%dma_wait3A_680, %dma_wait3A_681] : memref<64x512xf32, #tpu.memory_space<vmem_shared>> -> memref<64x256xf32, #tpu.memory_space<vmem_shared>>
    tpu.wait_dma2 semaphore(%arg10 : memref<!tpu.dma_semaphore, #tpu.memory_space<semaphore_mem>>) src(%dma_wait3A_682 : memref<64x256xf32, #tpu.memory_space<vmem_shared>>) dst(%dma_wait3A_675 : memref<64x256xf32, #tpu.memory_space<hbm>>)
    %add3A_683 = arith.constant 11 : i32
    %add3A_684 = arith.addi %mul3A_32, %add3A_683 : i32
    %dma_start3A_685 = arith.constant 2 : i32
    %dma_start3A_686 = arith.constant 0 : i32
    %dma_start3A_687 = arith.constant 0 : i32
    %dma_start3A_688 = tpu.memref_slice %arg4[%arg1, %dma_start3A_685, %dma_start3A_686, %dma_start3A_687] : memref<16x3x64x512xf32, #tpu.memory_space<vmem_shared>> -> memref<1x1x64x512xf32, #tpu.memory_space<vmem_shared>>
    %dma_start3A_689 = tpu.memref_squeeze %dma_start3A_688 : memref<1x1x64x512xf32, #tpu.memory_space<vmem_shared>> -> memref<64x512xf32, #tpu.memory_space<vmem_shared>>
    %dma_start3A_690 = arith.constant 0 : i32
    %dma_start3A_691 = arith.constant 0 : i32
    %dma_start3A_692 = tpu.memref_slice %arg2[%select_n3A, %add3A_684, %dma_start3A_690, %dma_start3A_691] : memref<16x64x64x512xf32, #tpu.memory_space<hbm>> -> memref<1x1x64x512xf32, #tpu.memory_space<hbm>>
    %dma_start3A_693 = tpu.memref_squeeze %dma_start3A_692 : memref<1x1x64x512xf32, #tpu.memory_space<hbm>> -> memref<64x512xf32, #tpu.memory_space<hbm>>
    tpu.enqueue_dma source(%dma_start3A_693 : memref<64x512xf32, #tpu.memory_space<hbm>>) target(%dma_start3A_689 : memref<64x512xf32, #tpu.memory_space<vmem_shared>>) target_semaphore(%arg7 : memref<!tpu.dma_semaphore, #tpu.memory_space<semaphore_mem>>)
    %dma_wait3A_694 = arith.constant 0 : i32
    %dma_wait3A_695 = arith.constant 0 : i32
    %dma_wait3A_696 = arith.constant 0 : i32
    %dma_wait3A_697 = tpu.memref_slice %arg4[%arg1, %dma_wait3A_694, %dma_wait3A_695, %dma_wait3A_696] : memref<16x3x64x512xf32, #tpu.memory_space<vmem_shared>> -> memref<1x1x64x512xf32, #tpu.memory_space<vmem_shared>>
    %dma_wait3A_698 = tpu.memref_squeeze %dma_wait3A_697 : memref<1x1x64x512xf32, #tpu.memory_space<vmem_shared>> -> memref<64x512xf32, #tpu.memory_space<vmem_shared>>
    %dma_wait3A_699 = arith.constant 0 : i32
    %dma_wait3A_700 = arith.constant 0 : i32
    %dma_wait3A_701 = tpu.memref_slice %arg2[%select_n3A, %add3A_544, %dma_wait3A_699, %dma_wait3A_700] : memref<16x64x64x512xf32, #tpu.memory_space<hbm>> -> memref<1x1x64x512xf32, #tpu.memory_space<hbm>>
    %dma_wait3A_702 = tpu.memref_squeeze %dma_wait3A_701 : memref<1x1x64x512xf32, #tpu.memory_space<hbm>> -> memref<64x512xf32, #tpu.memory_space<hbm>>
    tpu.wait_dma2 semaphore(%arg5 : memref<!tpu.dma_semaphore, #tpu.memory_space<semaphore_mem>>) src(%dma_wait3A_702 : memref<64x512xf32, #tpu.memory_space<hbm>>) dst(%dma_wait3A_698 : memref<64x512xf32, #tpu.memory_space<vmem_shared>>)
    %add3A_703 = arith.constant 9 : i32
    %add3A_704 = arith.addi %mul3A_32, %add3A_703 : i32
    %dma_start3A_705 = arith.constant 0 : i32
    %dma_start3A_706 = arith.constant 0 : i32
    %dma_start3A_707 = arith.constant 0 : i32
    %dma_start3A_708 = tpu.memref_slice %arg3[%select_n3A, %add3A_704, %dma_start3A_706, %dma_start3A_707] : memref<16x64x64x512xf32, #tpu.memory_space<hbm>> -> memref<1x1x64x256xf32, #tpu.memory_space<hbm>>
    %dma_start3A_709 = tpu.memref_squeeze %dma_start3A_708 : memref<1x1x64x256xf32, #tpu.memory_space<hbm>> -> memref<64x256xf32, #tpu.memory_space<hbm>>
    %dma_start3A_710 = arith.constant 0 : i32
    %dma_start3A_711 = arith.constant 0 : i32
    %dma_start3A_712 = tpu.memref_slice %arg4[%arg1, %dma_start3A_705, %dma_start3A_710, %dma_start3A_711] : memref<16x3x64x512xf32, #tpu.memory_space<vmem_shared>> -> memref<1x1x64x512xf32, #tpu.memory_space<vmem_shared>>
    %dma_start3A_713 = tpu.memref_squeeze %dma_start3A_712 : memref<1x1x64x512xf32, #tpu.memory_space<vmem_shared>> -> memref<64x512xf32, #tpu.memory_space<vmem_shared>>
    %dma_start3A_714 = arith.constant 0 : i32
    %dma_start3A_715 = arith.constant 256 : i32
    %dma_start3A_716 = tpu.memref_slice %dma_start3A_713[%dma_start3A_714, %dma_start3A_715] : memref<64x512xf32, #tpu.memory_space<vmem_shared>> -> memref<64x256xf32, #tpu.memory_space<vmem_shared>>
    tpu.enqueue_dma source(%dma_start3A_716 : memref<64x256xf32, #tpu.memory_space<vmem_shared>>) target(%dma_start3A_709 : memref<64x256xf32, #tpu.memory_space<hbm>>) target_semaphore(%arg8 : memref<!tpu.dma_semaphore, #tpu.memory_space<semaphore_mem>>)
    %dma_start3A_717 = arith.constant 0 : i32
    %dma_start3A_718 = arith.constant 0 : i32
    %dma_start3A_719 = arith.constant 256 : i32
    %dma_start3A_720 = tpu.memref_slice %arg3[%select_n3A, %add3A_704, %dma_start3A_718, %dma_start3A_719] : memref<16x64x64x512xf32, #tpu.memory_space<hbm>> -> memref<1x1x64x256xf32, #tpu.memory_space<hbm>>
    %dma_start3A_721 = tpu.memref_squeeze %dma_start3A_720 : memref<1x1x64x256xf32, #tpu.memory_space<hbm>> -> memref<64x256xf32, #tpu.memory_space<hbm>>
    %dma_start3A_722 = arith.constant 0 : i32
    %dma_start3A_723 = arith.constant 0 : i32
    %dma_start3A_724 = tpu.memref_slice %arg4[%arg1, %dma_start3A_717, %dma_start3A_722, %dma_start3A_723] : memref<16x3x64x512xf32, #tpu.memory_space<vmem_shared>> -> memref<1x1x64x512xf32, #tpu.memory_space<vmem_shared>>
    %dma_start3A_725 = tpu.memref_squeeze %dma_start3A_724 : memref<1x1x64x512xf32, #tpu.memory_space<vmem_shared>> -> memref<64x512xf32, #tpu.memory_space<vmem_shared>>
    %dma_start3A_726 = arith.constant 0 : i32
    %dma_start3A_727 = arith.constant 0 : i32
    %dma_start3A_728 = tpu.memref_slice %dma_start3A_725[%dma_start3A_726, %dma_start3A_727] : memref<64x512xf32, #tpu.memory_space<vmem_shared>> -> memref<64x256xf32, #tpu.memory_space<vmem_shared>>
    tpu.enqueue_dma source(%dma_start3A_728 : memref<64x256xf32, #tpu.memory_space<vmem_shared>>) target(%dma_start3A_721 : memref<64x256xf32, #tpu.memory_space<hbm>>) target_semaphore(%arg8 : memref<!tpu.dma_semaphore, #tpu.memory_space<semaphore_mem>>)
    %dma_wait3A_729 = arith.constant 0 : i32
    %dma_wait3A_730 = arith.constant 0 : i32
    %dma_wait3A_731 = arith.constant 0 : i32
    %dma_wait3A_732 = tpu.memref_slice %arg3[%select_n3A, %add3A_704, %dma_wait3A_730, %dma_wait3A_731] : memref<16x64x64x512xf32, #tpu.memory_space<hbm>> -> memref<1x1x64x256xf32, #tpu.memory_space<hbm>>
    %dma_wait3A_733 = tpu.memref_squeeze %dma_wait3A_732 : memref<1x1x64x256xf32, #tpu.memory_space<hbm>> -> memref<64x256xf32, #tpu.memory_space<hbm>>
    %dma_wait3A_734 = arith.constant 0 : i32
    %dma_wait3A_735 = arith.constant 0 : i32
    %dma_wait3A_736 = tpu.memref_slice %arg4[%arg1, %dma_wait3A_729, %dma_wait3A_734, %dma_wait3A_735] : memref<16x3x64x512xf32, #tpu.memory_space<vmem_shared>> -> memref<1x1x64x512xf32, #tpu.memory_space<vmem_shared>>
    %dma_wait3A_737 = tpu.memref_squeeze %dma_wait3A_736 : memref<1x1x64x512xf32, #tpu.memory_space<vmem_shared>> -> memref<64x512xf32, #tpu.memory_space<vmem_shared>>
    %dma_wait3A_738 = arith.constant 0 : i32
    %dma_wait3A_739 = arith.constant 256 : i32
    %dma_wait3A_740 = tpu.memref_slice %dma_wait3A_737[%dma_wait3A_738, %dma_wait3A_739] : memref<64x512xf32, #tpu.memory_space<vmem_shared>> -> memref<64x256xf32, #tpu.memory_space<vmem_shared>>
    tpu.wait_dma2 semaphore(%arg8 : memref<!tpu.dma_semaphore, #tpu.memory_space<semaphore_mem>>) src(%dma_wait3A_740 : memref<64x256xf32, #tpu.memory_space<vmem_shared>>) dst(%dma_wait3A_733 : memref<64x256xf32, #tpu.memory_space<hbm>>)
    %dma_wait3A_741 = arith.constant 0 : i32
    %dma_wait3A_742 = arith.constant 0 : i32
    %dma_wait3A_743 = arith.constant 256 : i32
    %dma_wait3A_744 = tpu.memref_slice %arg3[%select_n3A, %add3A_704, %dma_wait3A_742, %dma_wait3A_743] : memref<16x64x64x512xf32, #tpu.memory_space<hbm>> -> memref<1x1x64x256xf32, #tpu.memory_space<hbm>>
    %dma_wait3A_745 = tpu.memref_squeeze %dma_wait3A_744 : memref<1x1x64x256xf32, #tpu.memory_space<hbm>> -> memref<64x256xf32, #tpu.memory_space<hbm>>
    %dma_wait3A_746 = arith.constant 0 : i32
    %dma_wait3A_747 = arith.constant 0 : i32
    %dma_wait3A_748 = tpu.memref_slice %arg4[%arg1, %dma_wait3A_741, %dma_wait3A_746, %dma_wait3A_747] : memref<16x3x64x512xf32, #tpu.memory_space<vmem_shared>> -> memref<1x1x64x512xf32, #tpu.memory_space<vmem_shared>>
    %dma_wait3A_749 = tpu.memref_squeeze %dma_wait3A_748 : memref<1x1x64x512xf32, #tpu.memory_space<vmem_shared>> -> memref<64x512xf32, #tpu.memory_space<vmem_shared>>
    %dma_wait3A_750 = arith.constant 0 : i32
    %dma_wait3A_751 = arith.constant 0 : i32
    %dma_wait3A_752 = tpu.memref_slice %dma_wait3A_749[%dma_wait3A_750, %dma_wait3A_751] : memref<64x512xf32, #tpu.memory_space<vmem_shared>> -> memref<64x256xf32, #tpu.memory_space<vmem_shared>>
    tpu.wait_dma2 semaphore(%arg8 : memref<!tpu.dma_semaphore, #tpu.memory_space<semaphore_mem>>) src(%dma_wait3A_752 : memref<64x256xf32, #tpu.memory_space<vmem_shared>>) dst(%dma_wait3A_745 : memref<64x256xf32, #tpu.memory_space<hbm>>)
    %add3A_753 = arith.constant 12 : i32
    %add3A_754 = arith.addi %mul3A_32, %add3A_753 : i32
    %dma_start3A_755 = arith.constant 0 : i32
    %dma_start3A_756 = arith.constant 0 : i32
    %dma_start3A_757 = arith.constant 0 : i32
    %dma_start3A_758 = tpu.memref_slice %arg4[%arg1, %dma_start3A_755, %dma_start3A_756, %dma_start3A_757] : memref<16x3x64x512xf32, #tpu.memory_space<vmem_shared>> -> memref<1x1x64x512xf32, #tpu.memory_space<vmem_shared>>
    %dma_start3A_759 = tpu.memref_squeeze %dma_start3A_758 : memref<1x1x64x512xf32, #tpu.memory_space<vmem_shared>> -> memref<64x512xf32, #tpu.memory_space<vmem_shared>>
    %dma_start3A_760 = arith.constant 0 : i32
    %dma_start3A_761 = arith.constant 0 : i32
    %dma_start3A_762 = tpu.memref_slice %arg2[%select_n3A, %add3A_754, %dma_start3A_760, %dma_start3A_761] : memref<16x64x64x512xf32, #tpu.memory_space<hbm>> -> memref<1x1x64x512xf32, #tpu.memory_space<hbm>>
    %dma_start3A_763 = tpu.memref_squeeze %dma_start3A_762 : memref<1x1x64x512xf32, #tpu.memory_space<hbm>> -> memref<64x512xf32, #tpu.memory_space<hbm>>
    tpu.enqueue_dma source(%dma_start3A_763 : memref<64x512xf32, #tpu.memory_space<hbm>>) target(%dma_start3A_759 : memref<64x512xf32, #tpu.memory_space<vmem_shared>>) target_semaphore(%arg5 : memref<!tpu.dma_semaphore, #tpu.memory_space<semaphore_mem>>)
    %dma_wait3A_764 = arith.constant 1 : i32
    %dma_wait3A_765 = arith.constant 0 : i32
    %dma_wait3A_766 = arith.constant 0 : i32
    %dma_wait3A_767 = tpu.memref_slice %arg4[%arg1, %dma_wait3A_764, %dma_wait3A_765, %dma_wait3A_766] : memref<16x3x64x512xf32, #tpu.memory_space<vmem_shared>> -> memref<1x1x64x512xf32, #tpu.memory_space<vmem_shared>>
    %dma_wait3A_768 = tpu.memref_squeeze %dma_wait3A_767 : memref<1x1x64x512xf32, #tpu.memory_space<vmem_shared>> -> memref<64x512xf32, #tpu.memory_space<vmem_shared>>
    %dma_wait3A_769 = arith.constant 0 : i32
    %dma_wait3A_770 = arith.constant 0 : i32
    %dma_wait3A_771 = tpu.memref_slice %arg2[%select_n3A, %add3A_614, %dma_wait3A_769, %dma_wait3A_770] : memref<16x64x64x512xf32, #tpu.memory_space<hbm>> -> memref<1x1x64x512xf32, #tpu.memory_space<hbm>>
    %dma_wait3A_772 = tpu.memref_squeeze %dma_wait3A_771 : memref<1x1x64x512xf32, #tpu.memory_space<hbm>> -> memref<64x512xf32, #tpu.memory_space<hbm>>
    tpu.wait_dma2 semaphore(%arg6 : memref<!tpu.dma_semaphore, #tpu.memory_space<semaphore_mem>>) src(%dma_wait3A_772 : memref<64x512xf32, #tpu.memory_space<hbm>>) dst(%dma_wait3A_768 : memref<64x512xf32, #tpu.memory_space<vmem_shared>>)
    %add3A_773 = arith.constant 10 : i32
    %add3A_774 = arith.addi %mul3A_32, %add3A_773 : i32
    %dma_start3A_775 = arith.constant 1 : i32
    %dma_start3A_776 = arith.constant 0 : i32
    %dma_start3A_777 = arith.constant 0 : i32
    %dma_start3A_778 = tpu.memref_slice %arg3[%select_n3A, %add3A_774, %dma_start3A_776, %dma_start3A_777] : memref<16x64x64x512xf32, #tpu.memory_space<hbm>> -> memref<1x1x64x256xf32, #tpu.memory_space<hbm>>
    %dma_start3A_779 = tpu.memref_squeeze %dma_start3A_778 : memref<1x1x64x256xf32, #tpu.memory_space<hbm>> -> memref<64x256xf32, #tpu.memory_space<hbm>>
    %dma_start3A_780 = arith.constant 0 : i32
    %dma_start3A_781 = arith.constant 0 : i32
    %dma_start3A_782 = tpu.memref_slice %arg4[%arg1, %dma_start3A_775, %dma_start3A_780, %dma_start3A_781] : memref<16x3x64x512xf32, #tpu.memory_space<vmem_shared>> -> memref<1x1x64x512xf32, #tpu.memory_space<vmem_shared>>
    %dma_start3A_783 = tpu.memref_squeeze %dma_start3A_782 : memref<1x1x64x512xf32, #tpu.memory_space<vmem_shared>> -> memref<64x512xf32, #tpu.memory_space<vmem_shared>>
    %dma_start3A_784 = arith.constant 0 : i32
    %dma_start3A_785 = arith.constant 256 : i32
    %dma_start3A_786 = tpu.memref_slice %dma_start3A_783[%dma_start3A_784, %dma_start3A_785] : memref<64x512xf32, #tpu.memory_space<vmem_shared>> -> memref<64x256xf32, #tpu.memory_space<vmem_shared>>
    tpu.enqueue_dma source(%dma_start3A_786 : memref<64x256xf32, #tpu.memory_space<vmem_shared>>) target(%dma_start3A_779 : memref<64x256xf32, #tpu.memory_space<hbm>>) target_semaphore(%arg9 : memref<!tpu.dma_semaphore, #tpu.memory_space<semaphore_mem>>)
    %dma_start3A_787 = arith.constant 1 : i32
    %dma_start3A_788 = arith.constant 0 : i32
    %dma_start3A_789 = arith.constant 256 : i32
    %dma_start3A_790 = tpu.memref_slice %arg3[%select_n3A, %add3A_774, %dma_start3A_788, %dma_start3A_789] : memref<16x64x64x512xf32, #tpu.memory_space<hbm>> -> memref<1x1x64x256xf32, #tpu.memory_space<hbm>>
    %dma_start3A_791 = tpu.memref_squeeze %dma_start3A_790 : memref<1x1x64x256xf32, #tpu.memory_space<hbm>> -> memref<64x256xf32, #tpu.memory_space<hbm>>
    %dma_start3A_792 = arith.constant 0 : i32
    %dma_start3A_793 = arith.constant 0 : i32
    %dma_start3A_794 = tpu.memref_slice %arg4[%arg1, %dma_start3A_787, %dma_start3A_792, %dma_start3A_793] : memref<16x3x64x512xf32, #tpu.memory_space<vmem_shared>> -> memref<1x1x64x512xf32, #tpu.memory_space<vmem_shared>>
    %dma_start3A_795 = tpu.memref_squeeze %dma_start3A_794 : memref<1x1x64x512xf32, #tpu.memory_space<vmem_shared>> -> memref<64x512xf32, #tpu.memory_space<vmem_shared>>
    %dma_start3A_796 = arith.constant 0 : i32
    %dma_start3A_797 = arith.constant 0 : i32
    %dma_start3A_798 = tpu.memref_slice %dma_start3A_795[%dma_start3A_796, %dma_start3A_797] : memref<64x512xf32, #tpu.memory_space<vmem_shared>> -> memref<64x256xf32, #tpu.memory_space<vmem_shared>>
    tpu.enqueue_dma source(%dma_start3A_798 : memref<64x256xf32, #tpu.memory_space<vmem_shared>>) target(%dma_start3A_791 : memref<64x256xf32, #tpu.memory_space<hbm>>) target_semaphore(%arg9 : memref<!tpu.dma_semaphore, #tpu.memory_space<semaphore_mem>>)
    %dma_wait3A_799 = arith.constant 1 : i32
    %dma_wait3A_800 = arith.constant 0 : i32
    %dma_wait3A_801 = arith.constant 0 : i32
    %dma_wait3A_802 = tpu.memref_slice %arg3[%select_n3A, %add3A_774, %dma_wait3A_800, %dma_wait3A_801] : memref<16x64x64x512xf32, #tpu.memory_space<hbm>> -> memref<1x1x64x256xf32, #tpu.memory_space<hbm>>
    %dma_wait3A_803 = tpu.memref_squeeze %dma_wait3A_802 : memref<1x1x64x256xf32, #tpu.memory_space<hbm>> -> memref<64x256xf32, #tpu.memory_space<hbm>>
    %dma_wait3A_804 = arith.constant 0 : i32
    %dma_wait3A_805 = arith.constant 0 : i32
    %dma_wait3A_806 = tpu.memref_slice %arg4[%arg1, %dma_wait3A_799, %dma_wait3A_804, %dma_wait3A_805] : memref<16x3x64x512xf32, #tpu.memory_space<vmem_shared>> -> memref<1x1x64x512xf32, #tpu.memory_space<vmem_shared>>
    %dma_wait3A_807 = tpu.memref_squeeze %dma_wait3A_806 : memref<1x1x64x512xf32, #tpu.memory_space<vmem_shared>> -> memref<64x512xf32, #tpu.memory_space<vmem_shared>>
    %dma_wait3A_808 = arith.constant 0 : i32
    %dma_wait3A_809 = arith.constant 256 : i32
    %dma_wait3A_810 = tpu.memref_slice %dma_wait3A_807[%dma_wait3A_808, %dma_wait3A_809] : memref<64x512xf32, #tpu.memory_space<vmem_shared>> -> memref<64x256xf32, #tpu.memory_space<vmem_shared>>
    tpu.wait_dma2 semaphore(%arg9 : memref<!tpu.dma_semaphore, #tpu.memory_space<semaphore_mem>>) src(%dma_wait3A_810 : memref<64x256xf32, #tpu.memory_space<vmem_shared>>) dst(%dma_wait3A_803 : memref<64x256xf32, #tpu.memory_space<hbm>>)
    %dma_wait3A_811 = arith.constant 1 : i32
    %dma_wait3A_812 = arith.constant 0 : i32
    %dma_wait3A_813 = arith.constant 256 : i32
    %dma_wait3A_814 = tpu.memref_slice %arg3[%select_n3A, %add3A_774, %dma_wait3A_812, %dma_wait3A_813] : memref<16x64x64x512xf32, #tpu.memory_space<hbm>> -> memref<1x1x64x256xf32, #tpu.memory_space<hbm>>
    %dma_wait3A_815 = tpu.memref_squeeze %dma_wait3A_814 : memref<1x1x64x256xf32, #tpu.memory_space<hbm>> -> memref<64x256xf32, #tpu.memory_space<hbm>>
    %dma_wait3A_816 = arith.constant 0 : i32
    %dma_wait3A_817 = arith.constant 0 : i32
    %dma_wait3A_818 = tpu.memref_slice %arg4[%arg1, %dma_wait3A_811, %dma_wait3A_816, %dma_wait3A_817] : memref<16x3x64x512xf32, #tpu.memory_space<vmem_shared>> -> memref<1x1x64x512xf32, #tpu.memory_space<vmem_shared>>
    %dma_wait3A_819 = tpu.memref_squeeze %dma_wait3A_818 : memref<1x1x64x512xf32, #tpu.memory_space<vmem_shared>> -> memref<64x512xf32, #tpu.memory_space<vmem_shared>>
    %dma_wait3A_820 = arith.constant 0 : i32
    %dma_wait3A_821 = arith.constant 0 : i32
    %dma_wait3A_822 = tpu.memref_slice %dma_wait3A_819[%dma_wait3A_820, %dma_wait3A_821] : memref<64x512xf32, #tpu.memory_space<vmem_shared>> -> memref<64x256xf32, #tpu.memory_space<vmem_shared>>
    tpu.wait_dma2 semaphore(%arg9 : memref<!tpu.dma_semaphore, #tpu.memory_space<semaphore_mem>>) src(%dma_wait3A_822 : memref<64x256xf32, #tpu.memory_space<vmem_shared>>) dst(%dma_wait3A_815 : memref<64x256xf32, #tpu.memory_space<hbm>>)
    %add3A_823 = arith.constant 13 : i32
    %add3A_824 = arith.addi %mul3A_32, %add3A_823 : i32
    %dma_start3A_825 = arith.constant 1 : i32
    %dma_start3A_826 = arith.constant 0 : i32
    %dma_start3A_827 = arith.constant 0 : i32
    %dma_start3A_828 = tpu.memref_slice %arg4[%arg1, %dma_start3A_825, %dma_start3A_826, %dma_start3A_827] : memref<16x3x64x512xf32, #tpu.memory_space<vmem_shared>> -> memref<1x1x64x512xf32, #tpu.memory_space<vmem_shared>>
    %dma_start3A_829 = tpu.memref_squeeze %dma_start3A_828 : memref<1x1x64x512xf32, #tpu.memory_space<vmem_shared>> -> memref<64x512xf32, #tpu.memory_space<vmem_shared>>
    %dma_start3A_830 = arith.constant 0 : i32
    %dma_start3A_831 = arith.constant 0 : i32
    %dma_start3A_832 = tpu.memref_slice %arg2[%select_n3A, %add3A_824, %dma_start3A_830, %dma_start3A_831] : memref<16x64x64x512xf32, #tpu.memory_space<hbm>> -> memref<1x1x64x512xf32, #tpu.memory_space<hbm>>
    %dma_start3A_833 = tpu.memref_squeeze %dma_start3A_832 : memref<1x1x64x512xf32, #tpu.memory_space<hbm>> -> memref<64x512xf32, #tpu.memory_space<hbm>>
    tpu.enqueue_dma source(%dma_start3A_833 : memref<64x512xf32, #tpu.memory_space<hbm>>) target(%dma_start3A_829 : memref<64x512xf32, #tpu.memory_space<vmem_shared>>) target_semaphore(%arg6 : memref<!tpu.dma_semaphore, #tpu.memory_space<semaphore_mem>>)
    %dma_wait3A_834 = arith.constant 2 : i32
    %dma_wait3A_835 = arith.constant 0 : i32
    %dma_wait3A_836 = arith.constant 0 : i32
    %dma_wait3A_837 = tpu.memref_slice %arg4[%arg1, %dma_wait3A_834, %dma_wait3A_835, %dma_wait3A_836] : memref<16x3x64x512xf32, #tpu.memory_space<vmem_shared>> -> memref<1x1x64x512xf32, #tpu.memory_space<vmem_shared>>
    %dma_wait3A_838 = tpu.memref_squeeze %dma_wait3A_837 : memref<1x1x64x512xf32, #tpu.memory_space<vmem_shared>> -> memref<64x512xf32, #tpu.memory_space<vmem_shared>>
    %dma_wait3A_839 = arith.constant 0 : i32
    %dma_wait3A_840 = arith.constant 0 : i32
    %dma_wait3A_841 = tpu.memref_slice %arg2[%select_n3A, %add3A_684, %dma_wait3A_839, %dma_wait3A_840] : memref<16x64x64x512xf32, #tpu.memory_space<hbm>> -> memref<1x1x64x512xf32, #tpu.memory_space<hbm>>
    %dma_wait3A_842 = tpu.memref_squeeze %dma_wait3A_841 : memref<1x1x64x512xf32, #tpu.memory_space<hbm>> -> memref<64x512xf32, #tpu.memory_space<hbm>>
    tpu.wait_dma2 semaphore(%arg7 : memref<!tpu.dma_semaphore, #tpu.memory_space<semaphore_mem>>) src(%dma_wait3A_842 : memref<64x512xf32, #tpu.memory_space<hbm>>) dst(%dma_wait3A_838 : memref<64x512xf32, #tpu.memory_space<vmem_shared>>)
    %add3A_843 = arith.constant 11 : i32
    %add3A_844 = arith.addi %mul3A_32, %add3A_843 : i32
    %dma_start3A_845 = arith.constant 2 : i32
    %dma_start3A_846 = arith.constant 0 : i32
    %dma_start3A_847 = arith.constant 0 : i32
    %dma_start3A_848 = tpu.memref_slice %arg3[%select_n3A, %add3A_844, %dma_start3A_846, %dma_start3A_847] : memref<16x64x64x512xf32, #tpu.memory_space<hbm>> -> memref<1x1x64x256xf32, #tpu.memory_space<hbm>>
    %dma_start3A_849 = tpu.memref_squeeze %dma_start3A_848 : memref<1x1x64x256xf32, #tpu.memory_space<hbm>> -> memref<64x256xf32, #tpu.memory_space<hbm>>
    %dma_start3A_850 = arith.constant 0 : i32
    %dma_start3A_851 = arith.constant 0 : i32
    %dma_start3A_852 = tpu.memref_slice %arg4[%arg1, %dma_start3A_845, %dma_start3A_850, %dma_start3A_851] : memref<16x3x64x512xf32, #tpu.memory_space<vmem_shared>> -> memref<1x1x64x512xf32, #tpu.memory_space<vmem_shared>>
    %dma_start3A_853 = tpu.memref_squeeze %dma_start3A_852 : memref<1x1x64x512xf32, #tpu.memory_space<vmem_shared>> -> memref<64x512xf32, #tpu.memory_space<vmem_shared>>
    %dma_start3A_854 = arith.constant 0 : i32
    %dma_start3A_855 = arith.constant 256 : i32
    %dma_start3A_856 = tpu.memref_slice %dma_start3A_853[%dma_start3A_854, %dma_start3A_855] : memref<64x512xf32, #tpu.memory_space<vmem_shared>> -> memref<64x256xf32, #tpu.memory_space<vmem_shared>>
    tpu.enqueue_dma source(%dma_start3A_856 : memref<64x256xf32, #tpu.memory_space<vmem_shared>>) target(%dma_start3A_849 : memref<64x256xf32, #tpu.memory_space<hbm>>) target_semaphore(%arg10 : memref<!tpu.dma_semaphore, #tpu.memory_space<semaphore_mem>>)
    %dma_start3A_857 = arith.constant 2 : i32
    %dma_start3A_858 = arith.constant 0 : i32
    %dma_start3A_859 = arith.constant 256 : i32
    %dma_start3A_860 = tpu.memref_slice %arg3[%select_n3A, %add3A_844, %dma_start3A_858, %dma_start3A_859] : memref<16x64x64x512xf32, #tpu.memory_space<hbm>> -> memref<1x1x64x256xf32, #tpu.memory_space<hbm>>
    %dma_start3A_861 = tpu.memref_squeeze %dma_start3A_860 : memref<1x1x64x256xf32, #tpu.memory_space<hbm>> -> memref<64x256xf32, #tpu.memory_space<hbm>>
    %dma_start3A_862 = arith.constant 0 : i32
    %dma_start3A_863 = arith.constant 0 : i32
    %dma_start3A_864 = tpu.memref_slice %arg4[%arg1, %dma_start3A_857, %dma_start3A_862, %dma_start3A_863] : memref<16x3x64x512xf32, #tpu.memory_space<vmem_shared>> -> memref<1x1x64x512xf32, #tpu.memory_space<vmem_shared>>
    %dma_start3A_865 = tpu.memref_squeeze %dma_start3A_864 : memref<1x1x64x512xf32, #tpu.memory_space<vmem_shared>> -> memref<64x512xf32, #tpu.memory_space<vmem_shared>>
    %dma_start3A_866 = arith.constant 0 : i32
    %dma_start3A_867 = arith.constant 0 : i32
    %dma_start3A_868 = tpu.memref_slice %dma_start3A_865[%dma_start3A_866, %dma_start3A_867] : memref<64x512xf32, #tpu.memory_space<vmem_shared>> -> memref<64x256xf32, #tpu.memory_space<vmem_shared>>
    tpu.enqueue_dma source(%dma_start3A_868 : memref<64x256xf32, #tpu.memory_space<vmem_shared>>) target(%dma_start3A_861 : memref<64x256xf32, #tpu.memory_space<hbm>>) target_semaphore(%arg10 : memref<!tpu.dma_semaphore, #tpu.memory_space<semaphore_mem>>)
    %dma_wait3A_869 = arith.constant 2 : i32
    %dma_wait3A_870 = arith.constant 0 : i32
    %dma_wait3A_871 = arith.constant 0 : i32
    %dma_wait3A_872 = tpu.memref_slice %arg3[%select_n3A, %add3A_844, %dma_wait3A_870, %dma_wait3A_871] : memref<16x64x64x512xf32, #tpu.memory_space<hbm>> -> memref<1x1x64x256xf32, #tpu.memory_space<hbm>>
    %dma_wait3A_873 = tpu.memref_squeeze %dma_wait3A_872 : memref<1x1x64x256xf32, #tpu.memory_space<hbm>> -> memref<64x256xf32, #tpu.memory_space<hbm>>
    %dma_wait3A_874 = arith.constant 0 : i32
    %dma_wait3A_875 = arith.constant 0 : i32
    %dma_wait3A_876 = tpu.memref_slice %arg4[%arg1, %dma_wait3A_869, %dma_wait3A_874, %dma_wait3A_875] : memref<16x3x64x512xf32, #tpu.memory_space<vmem_shared>> -> memref<1x1x64x512xf32, #tpu.memory_space<vmem_shared>>
    %dma_wait3A_877 = tpu.memref_squeeze %dma_wait3A_876 : memref<1x1x64x512xf32, #tpu.memory_space<vmem_shared>> -> memref<64x512xf32, #tpu.memory_space<vmem_shared>>
    %dma_wait3A_878 = arith.constant 0 : i32
    %dma_wait3A_879 = arith.constant 256 : i32
    %dma_wait3A_880 = tpu.memref_slice %dma_wait3A_877[%dma_wait3A_878, %dma_wait3A_879] : memref<64x512xf32, #tpu.memory_space<vmem_shared>> -> memref<64x256xf32, #tpu.memory_space<vmem_shared>>
    tpu.wait_dma2 semaphore(%arg10 : memref<!tpu.dma_semaphore, #tpu.memory_space<semaphore_mem>>) src(%dma_wait3A_880 : memref<64x256xf32, #tpu.memory_space<vmem_shared>>) dst(%dma_wait3A_873 : memref<64x256xf32, #tpu.memory_space<hbm>>)
    %dma_wait3A_881 = arith.constant 2 : i32
    %dma_wait3A_882 = arith.constant 0 : i32
    %dma_wait3A_883 = arith.constant 256 : i32
    %dma_wait3A_884 = tpu.memref_slice %arg3[%select_n3A, %add3A_844, %dma_wait3A_882, %dma_wait3A_883] : memref<16x64x64x512xf32, #tpu.memory_space<hbm>> -> memref<1x1x64x256xf32, #tpu.memory_space<hbm>>
    %dma_wait3A_885 = tpu.memref_squeeze %dma_wait3A_884 : memref<1x1x64x256xf32, #tpu.memory_space<hbm>> -> memref<64x256xf32, #tpu.memory_space<hbm>>
    %dma_wait3A_886 = arith.constant 0 : i32
    %dma_wait3A_887 = arith.constant 0 : i32
    %dma_wait3A_888 = tpu.memref_slice %arg4[%arg1, %dma_wait3A_881, %dma_wait3A_886, %dma_wait3A_887] : memref<16x3x64x512xf32, #tpu.memory_space<vmem_shared>> -> memref<1x1x64x512xf32, #tpu.memory_space<vmem_shared>>
    %dma_wait3A_889 = tpu.memref_squeeze %dma_wait3A_888 : memref<1x1x64x512xf32, #tpu.memory_space<vmem_shared>> -> memref<64x512xf32, #tpu.memory_space<vmem_shared>>
    %dma_wait3A_890 = arith.constant 0 : i32
    %dma_wait3A_891 = arith.constant 0 : i32
    %dma_wait3A_892 = tpu.memref_slice %dma_wait3A_889[%dma_wait3A_890, %dma_wait3A_891] : memref<64x512xf32, #tpu.memory_space<vmem_shared>> -> memref<64x256xf32, #tpu.memory_space<vmem_shared>>
    tpu.wait_dma2 semaphore(%arg10 : memref<!tpu.dma_semaphore, #tpu.memory_space<semaphore_mem>>) src(%dma_wait3A_892 : memref<64x256xf32, #tpu.memory_space<vmem_shared>>) dst(%dma_wait3A_885 : memref<64x256xf32, #tpu.memory_space<hbm>>)
    %add3A_893 = arith.constant 14 : i32
    %add3A_894 = arith.addi %mul3A_32, %add3A_893 : i32
    %dma_start3A_895 = arith.constant 2 : i32
    %dma_start3A_896 = arith.constant 0 : i32
    %dma_start3A_897 = arith.constant 0 : i32
    %dma_start3A_898 = tpu.memref_slice %arg4[%arg1, %dma_start3A_895, %dma_start3A_896, %dma_start3A_897] : memref<16x3x64x512xf32, #tpu.memory_space<vmem_shared>> -> memref<1x1x64x512xf32, #tpu.memory_space<vmem_shared>>
    %dma_start3A_899 = tpu.memref_squeeze %dma_start3A_898 : memref<1x1x64x512xf32, #tpu.memory_space<vmem_shared>> -> memref<64x512xf32, #tpu.memory_space<vmem_shared>>
    %dma_start3A_900 = arith.constant 0 : i32
    %dma_start3A_901 = arith.constant 0 : i32
    %dma_start3A_902 = tpu.memref_slice %arg2[%select_n3A, %add3A_894, %dma_start3A_900, %dma_start3A_901] : memref<16x64x64x512xf32, #tpu.memory_space<hbm>> -> memref<1x1x64x512xf32, #tpu.memory_space<hbm>>
    %dma_start3A_903 = tpu.memref_squeeze %dma_start3A_902 : memref<1x1x64x512xf32, #tpu.memory_space<hbm>> -> memref<64x512xf32, #tpu.memory_space<hbm>>
    tpu.enqueue_dma source(%dma_start3A_903 : memref<64x512xf32, #tpu.memory_space<hbm>>) target(%dma_start3A_899 : memref<64x512xf32, #tpu.memory_space<vmem_shared>>) target_semaphore(%arg7 : memref<!tpu.dma_semaphore, #tpu.memory_space<semaphore_mem>>)
    %dma_wait3A_904 = arith.constant 0 : i32
    %dma_wait3A_905 = arith.constant 0 : i32
    %dma_wait3A_906 = arith.constant 0 : i32
    %dma_wait3A_907 = tpu.memref_slice %arg4[%arg1, %dma_wait3A_904, %dma_wait3A_905, %dma_wait3A_906] : memref<16x3x64x512xf32, #tpu.memory_space<vmem_shared>> -> memref<1x1x64x512xf32, #tpu.memory_space<vmem_shared>>
    %dma_wait3A_908 = tpu.memref_squeeze %dma_wait3A_907 : memref<1x1x64x512xf32, #tpu.memory_space<vmem_shared>> -> memref<64x512xf32, #tpu.memory_space<vmem_shared>>
    %dma_wait3A_909 = arith.constant 0 : i32
    %dma_wait3A_910 = arith.constant 0 : i32
    %dma_wait3A_911 = tpu.memref_slice %arg2[%select_n3A, %add3A_754, %dma_wait3A_909, %dma_wait3A_910] : memref<16x64x64x512xf32, #tpu.memory_space<hbm>> -> memref<1x1x64x512xf32, #tpu.memory_space<hbm>>
    %dma_wait3A_912 = tpu.memref_squeeze %dma_wait3A_911 : memref<1x1x64x512xf32, #tpu.memory_space<hbm>> -> memref<64x512xf32, #tpu.memory_space<hbm>>
    tpu.wait_dma2 semaphore(%arg5 : memref<!tpu.dma_semaphore, #tpu.memory_space<semaphore_mem>>) src(%dma_wait3A_912 : memref<64x512xf32, #tpu.memory_space<hbm>>) dst(%dma_wait3A_908 : memref<64x512xf32, #tpu.memory_space<vmem_shared>>)
    %add3A_913 = arith.constant 12 : i32
    %add3A_914 = arith.addi %mul3A_32, %add3A_913 : i32
    %dma_start3A_915 = arith.constant 0 : i32
    %dma_start3A_916 = arith.constant 0 : i32
    %dma_start3A_917 = arith.constant 0 : i32
    %dma_start3A_918 = tpu.memref_slice %arg3[%select_n3A, %add3A_914, %dma_start3A_916, %dma_start3A_917] : memref<16x64x64x512xf32, #tpu.memory_space<hbm>> -> memref<1x1x64x256xf32, #tpu.memory_space<hbm>>
    %dma_start3A_919 = tpu.memref_squeeze %dma_start3A_918 : memref<1x1x64x256xf32, #tpu.memory_space<hbm>> -> memref<64x256xf32, #tpu.memory_space<hbm>>
    %dma_start3A_920 = arith.constant 0 : i32
    %dma_start3A_921 = arith.constant 0 : i32
    %dma_start3A_922 = tpu.memref_slice %arg4[%arg1, %dma_start3A_915, %dma_start3A_920, %dma_start3A_921] : memref<16x3x64x512xf32, #tpu.memory_space<vmem_shared>> -> memref<1x1x64x512xf32, #tpu.memory_space<vmem_shared>>
    %dma_start3A_923 = tpu.memref_squeeze %dma_start3A_922 : memref<1x1x64x512xf32, #tpu.memory_space<vmem_shared>> -> memref<64x512xf32, #tpu.memory_space<vmem_shared>>
    %dma_start3A_924 = arith.constant 0 : i32
    %dma_start3A_925 = arith.constant 256 : i32
    %dma_start3A_926 = tpu.memref_slice %dma_start3A_923[%dma_start3A_924, %dma_start3A_925] : memref<64x512xf32, #tpu.memory_space<vmem_shared>> -> memref<64x256xf32, #tpu.memory_space<vmem_shared>>
    tpu.enqueue_dma source(%dma_start3A_926 : memref<64x256xf32, #tpu.memory_space<vmem_shared>>) target(%dma_start3A_919 : memref<64x256xf32, #tpu.memory_space<hbm>>) target_semaphore(%arg8 : memref<!tpu.dma_semaphore, #tpu.memory_space<semaphore_mem>>)
    %dma_start3A_927 = arith.constant 0 : i32
    %dma_start3A_928 = arith.constant 0 : i32
    %dma_start3A_929 = arith.constant 256 : i32
    %dma_start3A_930 = tpu.memref_slice %arg3[%select_n3A, %add3A_914, %dma_start3A_928, %dma_start3A_929] : memref<16x64x64x512xf32, #tpu.memory_space<hbm>> -> memref<1x1x64x256xf32, #tpu.memory_space<hbm>>
    %dma_start3A_931 = tpu.memref_squeeze %dma_start3A_930 : memref<1x1x64x256xf32, #tpu.memory_space<hbm>> -> memref<64x256xf32, #tpu.memory_space<hbm>>
    %dma_start3A_932 = arith.constant 0 : i32
    %dma_start3A_933 = arith.constant 0 : i32
    %dma_start3A_934 = tpu.memref_slice %arg4[%arg1, %dma_start3A_927, %dma_start3A_932, %dma_start3A_933] : memref<16x3x64x512xf32, #tpu.memory_space<vmem_shared>> -> memref<1x1x64x512xf32, #tpu.memory_space<vmem_shared>>
    %dma_start3A_935 = tpu.memref_squeeze %dma_start3A_934 : memref<1x1x64x512xf32, #tpu.memory_space<vmem_shared>> -> memref<64x512xf32, #tpu.memory_space<vmem_shared>>
    %dma_start3A_936 = arith.constant 0 : i32
    %dma_start3A_937 = arith.constant 0 : i32
    %dma_start3A_938 = tpu.memref_slice %dma_start3A_935[%dma_start3A_936, %dma_start3A_937] : memref<64x512xf32, #tpu.memory_space<vmem_shared>> -> memref<64x256xf32, #tpu.memory_space<vmem_shared>>
    tpu.enqueue_dma source(%dma_start3A_938 : memref<64x256xf32, #tpu.memory_space<vmem_shared>>) target(%dma_start3A_931 : memref<64x256xf32, #tpu.memory_space<hbm>>) target_semaphore(%arg8 : memref<!tpu.dma_semaphore, #tpu.memory_space<semaphore_mem>>)
    %dma_wait3A_939 = arith.constant 0 : i32
    %dma_wait3A_940 = arith.constant 0 : i32
    %dma_wait3A_941 = arith.constant 0 : i32
    %dma_wait3A_942 = tpu.memref_slice %arg3[%select_n3A, %add3A_914, %dma_wait3A_940, %dma_wait3A_941] : memref<16x64x64x512xf32, #tpu.memory_space<hbm>> -> memref<1x1x64x256xf32, #tpu.memory_space<hbm>>
    %dma_wait3A_943 = tpu.memref_squeeze %dma_wait3A_942 : memref<1x1x64x256xf32, #tpu.memory_space<hbm>> -> memref<64x256xf32, #tpu.memory_space<hbm>>
    %dma_wait3A_944 = arith.constant 0 : i32
    %dma_wait3A_945 = arith.constant 0 : i32
    %dma_wait3A_946 = tpu.memref_slice %arg4[%arg1, %dma_wait3A_939, %dma_wait3A_944, %dma_wait3A_945] : memref<16x3x64x512xf32, #tpu.memory_space<vmem_shared>> -> memref<1x1x64x512xf32, #tpu.memory_space<vmem_shared>>
    %dma_wait3A_947 = tpu.memref_squeeze %dma_wait3A_946 : memref<1x1x64x512xf32, #tpu.memory_space<vmem_shared>> -> memref<64x512xf32, #tpu.memory_space<vmem_shared>>
    %dma_wait3A_948 = arith.constant 0 : i32
    %dma_wait3A_949 = arith.constant 256 : i32
    %dma_wait3A_950 = tpu.memref_slice %dma_wait3A_947[%dma_wait3A_948, %dma_wait3A_949] : memref<64x512xf32, #tpu.memory_space<vmem_shared>> -> memref<64x256xf32, #tpu.memory_space<vmem_shared>>
    tpu.wait_dma2 semaphore(%arg8 : memref<!tpu.dma_semaphore, #tpu.memory_space<semaphore_mem>>) src(%dma_wait3A_950 : memref<64x256xf32, #tpu.memory_space<vmem_shared>>) dst(%dma_wait3A_943 : memref<64x256xf32, #tpu.memory_space<hbm>>)
    %dma_wait3A_951 = arith.constant 0 : i32
    %dma_wait3A_952 = arith.constant 0 : i32
    %dma_wait3A_953 = arith.constant 256 : i32
    %dma_wait3A_954 = tpu.memref_slice %arg3[%select_n3A, %add3A_914, %dma_wait3A_952, %dma_wait3A_953] : memref<16x64x64x512xf32, #tpu.memory_space<hbm>> -> memref<1x1x64x256xf32, #tpu.memory_space<hbm>>
    %dma_wait3A_955 = tpu.memref_squeeze %dma_wait3A_954 : memref<1x1x64x256xf32, #tpu.memory_space<hbm>> -> memref<64x256xf32, #tpu.memory_space<hbm>>
    %dma_wait3A_956 = arith.constant 0 : i32
    %dma_wait3A_957 = arith.constant 0 : i32
    %dma_wait3A_958 = tpu.memref_slice %arg4[%arg1, %dma_wait3A_951, %dma_wait3A_956, %dma_wait3A_957] : memref<16x3x64x512xf32, #tpu.memory_space<vmem_shared>> -> memref<1x1x64x512xf32, #tpu.memory_space<vmem_shared>>
    %dma_wait3A_959 = tpu.memref_squeeze %dma_wait3A_958 : memref<1x1x64x512xf32, #tpu.memory_space<vmem_shared>> -> memref<64x512xf32, #tpu.memory_space<vmem_shared>>
    %dma_wait3A_960 = arith.constant 0 : i32
    %dma_wait3A_961 = arith.constant 0 : i32
    %dma_wait3A_962 = tpu.memref_slice %dma_wait3A_959[%dma_wait3A_960, %dma_wait3A_961] : memref<64x512xf32, #tpu.memory_space<vmem_shared>> -> memref<64x256xf32, #tpu.memory_space<vmem_shared>>
    tpu.wait_dma2 semaphore(%arg8 : memref<!tpu.dma_semaphore, #tpu.memory_space<semaphore_mem>>) src(%dma_wait3A_962 : memref<64x256xf32, #tpu.memory_space<vmem_shared>>) dst(%dma_wait3A_955 : memref<64x256xf32, #tpu.memory_space<hbm>>)
    %add3A_963 = arith.constant 15 : i32
    %add3A_964 = arith.addi %mul3A_32, %add3A_963 : i32
    %dma_start3A_965 = arith.constant 0 : i32
    %dma_start3A_966 = arith.constant 0 : i32
    %dma_start3A_967 = arith.constant 0 : i32
    %dma_start3A_968 = tpu.memref_slice %arg4[%arg1, %dma_start3A_965, %dma_start3A_966, %dma_start3A_967] : memref<16x3x64x512xf32, #tpu.memory_space<vmem_shared>> -> memref<1x1x64x512xf32, #tpu.memory_space<vmem_shared>>
    %dma_start3A_969 = tpu.memref_squeeze %dma_start3A_968 : memref<1x1x64x512xf32, #tpu.memory_space<vmem_shared>> -> memref<64x512xf32, #tpu.memory_space<vmem_shared>>
    %dma_start3A_970 = arith.constant 0 : i32
    %dma_start3A_971 = arith.constant 0 : i32
    %dma_start3A_972 = tpu.memref_slice %arg2[%select_n3A, %add3A_964, %dma_start3A_970, %dma_start3A_971] : memref<16x64x64x512xf32, #tpu.memory_space<hbm>> -> memref<1x1x64x512xf32, #tpu.memory_space<hbm>>
    %dma_start3A_973 = tpu.memref_squeeze %dma_start3A_972 : memref<1x1x64x512xf32, #tpu.memory_space<hbm>> -> memref<64x512xf32, #tpu.memory_space<hbm>>
    tpu.enqueue_dma source(%dma_start3A_973 : memref<64x512xf32, #tpu.memory_space<hbm>>) target(%dma_start3A_969 : memref<64x512xf32, #tpu.memory_space<vmem_shared>>) target_semaphore(%arg5 : memref<!tpu.dma_semaphore, #tpu.memory_space<semaphore_mem>>)
    %dma_wait3A_974 = arith.constant 1 : i32
    %dma_wait3A_975 = arith.constant 0 : i32
    %dma_wait3A_976 = arith.constant 0 : i32
    %dma_wait3A_977 = tpu.memref_slice %arg4[%arg1, %dma_wait3A_974, %dma_wait3A_975, %dma_wait3A_976] : memref<16x3x64x512xf32, #tpu.memory_space<vmem_shared>> -> memref<1x1x64x512xf32, #tpu.memory_space<vmem_shared>>
    %dma_wait3A_978 = tpu.memref_squeeze %dma_wait3A_977 : memref<1x1x64x512xf32, #tpu.memory_space<vmem_shared>> -> memref<64x512xf32, #tpu.memory_space<vmem_shared>>
    %dma_wait3A_979 = arith.constant 0 : i32
    %dma_wait3A_980 = arith.constant 0 : i32
    %dma_wait3A_981 = tpu.memref_slice %arg2[%select_n3A, %add3A_824, %dma_wait3A_979, %dma_wait3A_980] : memref<16x64x64x512xf32, #tpu.memory_space<hbm>> -> memref<1x1x64x512xf32, #tpu.memory_space<hbm>>
    %dma_wait3A_982 = tpu.memref_squeeze %dma_wait3A_981 : memref<1x1x64x512xf32, #tpu.memory_space<hbm>> -> memref<64x512xf32, #tpu.memory_space<hbm>>
    tpu.wait_dma2 semaphore(%arg6 : memref<!tpu.dma_semaphore, #tpu.memory_space<semaphore_mem>>) src(%dma_wait3A_982 : memref<64x512xf32, #tpu.memory_space<hbm>>) dst(%dma_wait3A_978 : memref<64x512xf32, #tpu.memory_space<vmem_shared>>)
    %add3A_983 = arith.constant 13 : i32
    %add3A_984 = arith.addi %mul3A_32, %add3A_983 : i32
    %dma_start3A_985 = arith.constant 1 : i32
    %dma_start3A_986 = arith.constant 0 : i32
    %dma_start3A_987 = arith.constant 0 : i32
    %dma_start3A_988 = tpu.memref_slice %arg3[%select_n3A, %add3A_984, %dma_start3A_986, %dma_start3A_987] : memref<16x64x64x512xf32, #tpu.memory_space<hbm>> -> memref<1x1x64x256xf32, #tpu.memory_space<hbm>>
    %dma_start3A_989 = tpu.memref_squeeze %dma_start3A_988 : memref<1x1x64x256xf32, #tpu.memory_space<hbm>> -> memref<64x256xf32, #tpu.memory_space<hbm>>
    %dma_start3A_990 = arith.constant 0 : i32
    %dma_start3A_991 = arith.constant 0 : i32
    %dma_start3A_992 = tpu.memref_slice %arg4[%arg1, %dma_start3A_985, %dma_start3A_990, %dma_start3A_991] : memref<16x3x64x512xf32, #tpu.memory_space<vmem_shared>> -> memref<1x1x64x512xf32, #tpu.memory_space<vmem_shared>>
    %dma_start3A_993 = tpu.memref_squeeze %dma_start3A_992 : memref<1x1x64x512xf32, #tpu.memory_space<vmem_shared>> -> memref<64x512xf32, #tpu.memory_space<vmem_shared>>
    %dma_start3A_994 = arith.constant 0 : i32
    %dma_start3A_995 = arith.constant 256 : i32
    %dma_start3A_996 = tpu.memref_slice %dma_start3A_993[%dma_start3A_994, %dma_start3A_995] : memref<64x512xf32, #tpu.memory_space<vmem_shared>> -> memref<64x256xf32, #tpu.memory_space<vmem_shared>>
    tpu.enqueue_dma source(%dma_start3A_996 : memref<64x256xf32, #tpu.memory_space<vmem_shared>>) target(%dma_start3A_989 : memref<64x256xf32, #tpu.memory_space<hbm>>) target_semaphore(%arg9 : memref<!tpu.dma_semaphore, #tpu.memory_space<semaphore_mem>>)
    %dma_start3A_997 = arith.constant 1 : i32
    %dma_start3A_998 = arith.constant 0 : i32
    %dma_start3A_999 = arith.constant 256 : i32
    %dma_start3A_1000 = tpu.memref_slice %arg3[%select_n3A, %add3A_984, %dma_start3A_998, %dma_start3A_999] : memref<16x64x64x512xf32, #tpu.memory_space<hbm>> -> memref<1x1x64x256xf32, #tpu.memory_space<hbm>>
    %dma_start3A_1001 = tpu.memref_squeeze %dma_start3A_1000 : memref<1x1x64x256xf32, #tpu.memory_space<hbm>> -> memref<64x256xf32, #tpu.memory_space<hbm>>
    %dma_start3A_1002 = arith.constant 0 : i32
    %dma_start3A_1003 = arith.constant 0 : i32
    %dma_start3A_1004 = tpu.memref_slice %arg4[%arg1, %dma_start3A_997, %dma_start3A_1002, %dma_start3A_1003] : memref<16x3x64x512xf32, #tpu.memory_space<vmem_shared>> -> memref<1x1x64x512xf32, #tpu.memory_space<vmem_shared>>
    %dma_start3A_1005 = tpu.memref_squeeze %dma_start3A_1004 : memref<1x1x64x512xf32, #tpu.memory_space<vmem_shared>> -> memref<64x512xf32, #tpu.memory_space<vmem_shared>>
    %dma_start3A_1006 = arith.constant 0 : i32
    %dma_start3A_1007 = arith.constant 0 : i32
    %dma_start3A_1008 = tpu.memref_slice %dma_start3A_1005[%dma_start3A_1006, %dma_start3A_1007] : memref<64x512xf32, #tpu.memory_space<vmem_shared>> -> memref<64x256xf32, #tpu.memory_space<vmem_shared>>
    tpu.enqueue_dma source(%dma_start3A_1008 : memref<64x256xf32, #tpu.memory_space<vmem_shared>>) target(%dma_start3A_1001 : memref<64x256xf32, #tpu.memory_space<hbm>>) target_semaphore(%arg9 : memref<!tpu.dma_semaphore, #tpu.memory_space<semaphore_mem>>)
    %dma_wait3A_1009 = arith.constant 1 : i32
    %dma_wait3A_1010 = arith.constant 0 : i32
    %dma_wait3A_1011 = arith.constant 0 : i32
    %dma_wait3A_1012 = tpu.memref_slice %arg3[%select_n3A, %add3A_984, %dma_wait3A_1010, %dma_wait3A_1011] : memref<16x64x64x512xf32, #tpu.memory_space<hbm>> -> memref<1x1x64x256xf32, #tpu.memory_space<hbm>>
    %dma_wait3A_1013 = tpu.memref_squeeze %dma_wait3A_1012 : memref<1x1x64x256xf32, #tpu.memory_space<hbm>> -> memref<64x256xf32, #tpu.memory_space<hbm>>
    %dma_wait3A_1014 = arith.constant 0 : i32
    %dma_wait3A_1015 = arith.constant 0 : i32
    %dma_wait3A_1016 = tpu.memref_slice %arg4[%arg1, %dma_wait3A_1009, %dma_wait3A_1014, %dma_wait3A_1015] : memref<16x3x64x512xf32, #tpu.memory_space<vmem_shared>> -> memref<1x1x64x512xf32, #tpu.memory_space<vmem_shared>>
    %dma_wait3A_1017 = tpu.memref_squeeze %dma_wait3A_1016 : memref<1x1x64x512xf32, #tpu.memory_space<vmem_shared>> -> memref<64x512xf32, #tpu.memory_space<vmem_shared>>
    %dma_wait3A_1018 = arith.constant 0 : i32
    %dma_wait3A_1019 = arith.constant 256 : i32
    %dma_wait3A_1020 = tpu.memref_slice %dma_wait3A_1017[%dma_wait3A_1018, %dma_wait3A_1019] : memref<64x512xf32, #tpu.memory_space<vmem_shared>> -> memref<64x256xf32, #tpu.memory_space<vmem_shared>>
    tpu.wait_dma2 semaphore(%arg9 : memref<!tpu.dma_semaphore, #tpu.memory_space<semaphore_mem>>) src(%dma_wait3A_1020 : memref<64x256xf32, #tpu.memory_space<vmem_shared>>) dst(%dma_wait3A_1013 : memref<64x256xf32, #tpu.memory_space<hbm>>)
    %dma_wait3A_1021 = arith.constant 1 : i32
    %dma_wait3A_1022 = arith.constant 0 : i32
    %dma_wait3A_1023 = arith.constant 256 : i32
    %dma_wait3A_1024 = tpu.memref_slice %arg3[%select_n3A, %add3A_984, %dma_wait3A_1022, %dma_wait3A_1023] : memref<16x64x64x512xf32, #tpu.memory_space<hbm>> -> memref<1x1x64x256xf32, #tpu.memory_space<hbm>>
    %dma_wait3A_1025 = tpu.memref_squeeze %dma_wait3A_1024 : memref<1x1x64x256xf32, #tpu.memory_space<hbm>> -> memref<64x256xf32, #tpu.memory_space<hbm>>
    %dma_wait3A_1026 = arith.constant 0 : i32
    %dma_wait3A_1027 = arith.constant 0 : i32
    %dma_wait3A_1028 = tpu.memref_slice %arg4[%arg1, %dma_wait3A_1021, %dma_wait3A_1026, %dma_wait3A_1027] : memref<16x3x64x512xf32, #tpu.memory_space<vmem_shared>> -> memref<1x1x64x512xf32, #tpu.memory_space<vmem_shared>>
    %dma_wait3A_1029 = tpu.memref_squeeze %dma_wait3A_1028 : memref<1x1x64x512xf32, #tpu.memory_space<vmem_shared>> -> memref<64x512xf32, #tpu.memory_space<vmem_shared>>
    %dma_wait3A_1030 = arith.constant 0 : i32
    %dma_wait3A_1031 = arith.constant 0 : i32
    %dma_wait3A_1032 = tpu.memref_slice %dma_wait3A_1029[%dma_wait3A_1030, %dma_wait3A_1031] : memref<64x512xf32, #tpu.memory_space<vmem_shared>> -> memref<64x256xf32, #tpu.memory_space<vmem_shared>>
    tpu.wait_dma2 semaphore(%arg9 : memref<!tpu.dma_semaphore, #tpu.memory_space<semaphore_mem>>) src(%dma_wait3A_1032 : memref<64x256xf32, #tpu.memory_space<vmem_shared>>) dst(%dma_wait3A_1025 : memref<64x256xf32, #tpu.memory_space<hbm>>)
    %add3A_1033 = arith.constant 16 : i32
    %add3A_1034 = arith.addi %mul3A_32, %add3A_1033 : i32
    %dma_start3A_1035 = arith.constant 1 : i32
    %dma_start3A_1036 = arith.constant 0 : i32
    %dma_start3A_1037 = arith.constant 0 : i32
    %dma_start3A_1038 = tpu.memref_slice %arg4[%arg1, %dma_start3A_1035, %dma_start3A_1036, %dma_start3A_1037] : memref<16x3x64x512xf32, #tpu.memory_space<vmem_shared>> -> memref<1x1x64x512xf32, #tpu.memory_space<vmem_shared>>
    %dma_start3A_1039 = tpu.memref_squeeze %dma_start3A_1038 : memref<1x1x64x512xf32, #tpu.memory_space<vmem_shared>> -> memref<64x512xf32, #tpu.memory_space<vmem_shared>>
    %dma_start3A_1040 = arith.constant 0 : i32
    %dma_start3A_1041 = arith.constant 0 : i32
    %dma_start3A_1042 = tpu.memref_slice %arg2[%select_n3A, %add3A_1034, %dma_start3A_1040, %dma_start3A_1041] : memref<16x64x64x512xf32, #tpu.memory_space<hbm>> -> memref<1x1x64x512xf32, #tpu.memory_space<hbm>>
    %dma_start3A_1043 = tpu.memref_squeeze %dma_start3A_1042 : memref<1x1x64x512xf32, #tpu.memory_space<hbm>> -> memref<64x512xf32, #tpu.memory_space<hbm>>
    tpu.enqueue_dma source(%dma_start3A_1043 : memref<64x512xf32, #tpu.memory_space<hbm>>) target(%dma_start3A_1039 : memref<64x512xf32, #tpu.memory_space<vmem_shared>>) target_semaphore(%arg6 : memref<!tpu.dma_semaphore, #tpu.memory_space<semaphore_mem>>)
    %dma_wait3A_1044 = arith.constant 2 : i32
    %dma_wait3A_1045 = arith.constant 0 : i32
    %dma_wait3A_1046 = arith.constant 0 : i32
    %dma_wait3A_1047 = tpu.memref_slice %arg4[%arg1, %dma_wait3A_1044, %dma_wait3A_1045, %dma_wait3A_1046] : memref<16x3x64x512xf32, #tpu.memory_space<vmem_shared>> -> memref<1x1x64x512xf32, #tpu.memory_space<vmem_shared>>
    %dma_wait3A_1048 = tpu.memref_squeeze %dma_wait3A_1047 : memref<1x1x64x512xf32, #tpu.memory_space<vmem_shared>> -> memref<64x512xf32, #tpu.memory_space<vmem_shared>>
    %dma_wait3A_1049 = arith.constant 0 : i32
    %dma_wait3A_1050 = arith.constant 0 : i32
    %dma_wait3A_1051 = tpu.memref_slice %arg2[%select_n3A, %add3A_894, %dma_wait3A_1049, %dma_wait3A_1050] : memref<16x64x64x512xf32, #tpu.memory_space<hbm>> -> memref<1x1x64x512xf32, #tpu.memory_space<hbm>>
    %dma_wait3A_1052 = tpu.memref_squeeze %dma_wait3A_1051 : memref<1x1x64x512xf32, #tpu.memory_space<hbm>> -> memref<64x512xf32, #tpu.memory_space<hbm>>
    tpu.wait_dma2 semaphore(%arg7 : memref<!tpu.dma_semaphore, #tpu.memory_space<semaphore_mem>>) src(%dma_wait3A_1052 : memref<64x512xf32, #tpu.memory_space<hbm>>) dst(%dma_wait3A_1048 : memref<64x512xf32, #tpu.memory_space<vmem_shared>>)
    %add3A_1053 = arith.constant 14 : i32
    %add3A_1054 = arith.addi %mul3A_32, %add3A_1053 : i32
    %dma_start3A_1055 = arith.constant 2 : i32
    %dma_start3A_1056 = arith.constant 0 : i32
    %dma_start3A_1057 = arith.constant 0 : i32
    %dma_start3A_1058 = tpu.memref_slice %arg3[%select_n3A, %add3A_1054, %dma_start3A_1056, %dma_start3A_1057] : memref<16x64x64x512xf32, #tpu.memory_space<hbm>> -> memref<1x1x64x256xf32, #tpu.memory_space<hbm>>
    %dma_start3A_1059 = tpu.memref_squeeze %dma_start3A_1058 : memref<1x1x64x256xf32, #tpu.memory_space<hbm>> -> memref<64x256xf32, #tpu.memory_space<hbm>>
    %dma_start3A_1060 = arith.constant 0 : i32
    %dma_start3A_1061 = arith.constant 0 : i32
    %dma_start3A_1062 = tpu.memref_slice %arg4[%arg1, %dma_start3A_1055, %dma_start3A_1060, %dma_start3A_1061] : memref<16x3x64x512xf32, #tpu.memory_space<vmem_shared>> -> memref<1x1x64x512xf32, #tpu.memory_space<vmem_shared>>
    %dma_start3A_1063 = tpu.memref_squeeze %dma_start3A_1062 : memref<1x1x64x512xf32, #tpu.memory_space<vmem_shared>> -> memref<64x512xf32, #tpu.memory_space<vmem_shared>>
    %dma_start3A_1064 = arith.constant 0 : i32
    %dma_start3A_1065 = arith.constant 256 : i32
    %dma_start3A_1066 = tpu.memref_slice %dma_start3A_1063[%dma_start3A_1064, %dma_start3A_1065] : memref<64x512xf32, #tpu.memory_space<vmem_shared>> -> memref<64x256xf32, #tpu.memory_space<vmem_shared>>
    tpu.enqueue_dma source(%dma_start3A_1066 : memref<64x256xf32, #tpu.memory_space<vmem_shared>>) target(%dma_start3A_1059 : memref<64x256xf32, #tpu.memory_space<hbm>>) target_semaphore(%arg10 : memref<!tpu.dma_semaphore, #tpu.memory_space<semaphore_mem>>)
    %dma_start3A_1067 = arith.constant 2 : i32
    %dma_start3A_1068 = arith.constant 0 : i32
    %dma_start3A_1069 = arith.constant 256 : i32
    %dma_start3A_1070 = tpu.memref_slice %arg3[%select_n3A, %add3A_1054, %dma_start3A_1068, %dma_start3A_1069] : memref<16x64x64x512xf32, #tpu.memory_space<hbm>> -> memref<1x1x64x256xf32, #tpu.memory_space<hbm>>
    %dma_start3A_1071 = tpu.memref_squeeze %dma_start3A_1070 : memref<1x1x64x256xf32, #tpu.memory_space<hbm>> -> memref<64x256xf32, #tpu.memory_space<hbm>>
    %dma_start3A_1072 = arith.constant 0 : i32
    %dma_start3A_1073 = arith.constant 0 : i32
    %dma_start3A_1074 = tpu.memref_slice %arg4[%arg1, %dma_start3A_1067, %dma_start3A_1072, %dma_start3A_1073] : memref<16x3x64x512xf32, #tpu.memory_space<vmem_shared>> -> memref<1x1x64x512xf32, #tpu.memory_space<vmem_shared>>
    %dma_start3A_1075 = tpu.memref_squeeze %dma_start3A_1074 : memref<1x1x64x512xf32, #tpu.memory_space<vmem_shared>> -> memref<64x512xf32, #tpu.memory_space<vmem_shared>>
    %dma_start3A_1076 = arith.constant 0 : i32
    %dma_start3A_1077 = arith.constant 0 : i32
    %dma_start3A_1078 = tpu.memref_slice %dma_start3A_1075[%dma_start3A_1076, %dma_start3A_1077] : memref<64x512xf32, #tpu.memory_space<vmem_shared>> -> memref<64x256xf32, #tpu.memory_space<vmem_shared>>
    tpu.enqueue_dma source(%dma_start3A_1078 : memref<64x256xf32, #tpu.memory_space<vmem_shared>>) target(%dma_start3A_1071 : memref<64x256xf32, #tpu.memory_space<hbm>>) target_semaphore(%arg10 : memref<!tpu.dma_semaphore, #tpu.memory_space<semaphore_mem>>)
    %dma_wait3A_1079 = arith.constant 2 : i32
    %dma_wait3A_1080 = arith.constant 0 : i32
    %dma_wait3A_1081 = arith.constant 0 : i32
    %dma_wait3A_1082 = tpu.memref_slice %arg3[%select_n3A, %add3A_1054, %dma_wait3A_1080, %dma_wait3A_1081] : memref<16x64x64x512xf32, #tpu.memory_space<hbm>> -> memref<1x1x64x256xf32, #tpu.memory_space<hbm>>
    %dma_wait3A_1083 = tpu.memref_squeeze %dma_wait3A_1082 : memref<1x1x64x256xf32, #tpu.memory_space<hbm>> -> memref<64x256xf32, #tpu.memory_space<hbm>>
    %dma_wait3A_1084 = arith.constant 0 : i32
    %dma_wait3A_1085 = arith.constant 0 : i32
    %dma_wait3A_1086 = tpu.memref_slice %arg4[%arg1, %dma_wait3A_1079, %dma_wait3A_1084, %dma_wait3A_1085] : memref<16x3x64x512xf32, #tpu.memory_space<vmem_shared>> -> memref<1x1x64x512xf32, #tpu.memory_space<vmem_shared>>
    %dma_wait3A_1087 = tpu.memref_squeeze %dma_wait3A_1086 : memref<1x1x64x512xf32, #tpu.memory_space<vmem_shared>> -> memref<64x512xf32, #tpu.memory_space<vmem_shared>>
    %dma_wait3A_1088 = arith.constant 0 : i32
    %dma_wait3A_1089 = arith.constant 256 : i32
    %dma_wait3A_1090 = tpu.memref_slice %dma_wait3A_1087[%dma_wait3A_1088, %dma_wait3A_1089] : memref<64x512xf32, #tpu.memory_space<vmem_shared>> -> memref<64x256xf32, #tpu.memory_space<vmem_shared>>
    tpu.wait_dma2 semaphore(%arg10 : memref<!tpu.dma_semaphore, #tpu.memory_space<semaphore_mem>>) src(%dma_wait3A_1090 : memref<64x256xf32, #tpu.memory_space<vmem_shared>>) dst(%dma_wait3A_1083 : memref<64x256xf32, #tpu.memory_space<hbm>>)
    %dma_wait3A_1091 = arith.constant 2 : i32
    %dma_wait3A_1092 = arith.constant 0 : i32
    %dma_wait3A_1093 = arith.constant 256 : i32
    %dma_wait3A_1094 = tpu.memref_slice %arg3[%select_n3A, %add3A_1054, %dma_wait3A_1092, %dma_wait3A_1093] : memref<16x64x64x512xf32, #tpu.memory_space<hbm>> -> memref<1x1x64x256xf32, #tpu.memory_space<hbm>>
    %dma_wait3A_1095 = tpu.memref_squeeze %dma_wait3A_1094 : memref<1x1x64x256xf32, #tpu.memory_space<hbm>> -> memref<64x256xf32, #tpu.memory_space<hbm>>
    %dma_wait3A_1096 = arith.constant 0 : i32
    %dma_wait3A_1097 = arith.constant 0 : i32
    %dma_wait3A_1098 = tpu.memref_slice %arg4[%arg1, %dma_wait3A_1091, %dma_wait3A_1096, %dma_wait3A_1097] : memref<16x3x64x512xf32, #tpu.memory_space<vmem_shared>> -> memref<1x1x64x512xf32, #tpu.memory_space<vmem_shared>>
    %dma_wait3A_1099 = tpu.memref_squeeze %dma_wait3A_1098 : memref<1x1x64x512xf32, #tpu.memory_space<vmem_shared>> -> memref<64x512xf32, #tpu.memory_space<vmem_shared>>
    %dma_wait3A_1100 = arith.constant 0 : i32
    %dma_wait3A_1101 = arith.constant 0 : i32
    %dma_wait3A_1102 = tpu.memref_slice %dma_wait3A_1099[%dma_wait3A_1100, %dma_wait3A_1101] : memref<64x512xf32, #tpu.memory_space<vmem_shared>> -> memref<64x256xf32, #tpu.memory_space<vmem_shared>>
    tpu.wait_dma2 semaphore(%arg10 : memref<!tpu.dma_semaphore, #tpu.memory_space<semaphore_mem>>) src(%dma_wait3A_1102 : memref<64x256xf32, #tpu.memory_space<vmem_shared>>) dst(%dma_wait3A_1095 : memref<64x256xf32, #tpu.memory_space<hbm>>)
    %add3A_1103 = arith.constant 17 : i32
    %add3A_1104 = arith.addi %mul3A_32, %add3A_1103 : i32
    %dma_start3A_1105 = arith.constant 2 : i32
    %dma_start3A_1106 = arith.constant 0 : i32
    %dma_start3A_1107 = arith.constant 0 : i32
    %dma_start3A_1108 = tpu.memref_slice %arg4[%arg1, %dma_start3A_1105, %dma_start3A_1106, %dma_start3A_1107] : memref<16x3x64x512xf32, #tpu.memory_space<vmem_shared>> -> memref<1x1x64x512xf32, #tpu.memory_space<vmem_shared>>
    %dma_start3A_1109 = tpu.memref_squeeze %dma_start3A_1108 : memref<1x1x64x512xf32, #tpu.memory_space<vmem_shared>> -> memref<64x512xf32, #tpu.memory_space<vmem_shared>>
    %dma_start3A_1110 = arith.constant 0 : i32
    %dma_start3A_1111 = arith.constant 0 : i32
    %dma_start3A_1112 = tpu.memref_slice %arg2[%select_n3A, %add3A_1104, %dma_start3A_1110, %dma_start3A_1111] : memref<16x64x64x512xf32, #tpu.memory_space<hbm>> -> memref<1x1x64x512xf32, #tpu.memory_space<hbm>>
    %dma_start3A_1113 = tpu.memref_squeeze %dma_start3A_1112 : memref<1x1x64x512xf32, #tpu.memory_space<hbm>> -> memref<64x512xf32, #tpu.memory_space<hbm>>
    tpu.enqueue_dma source(%dma_start3A_1113 : memref<64x512xf32, #tpu.memory_space<hbm>>) target(%dma_start3A_1109 : memref<64x512xf32, #tpu.memory_space<vmem_shared>>) target_semaphore(%arg7 : memref<!tpu.dma_semaphore, #tpu.memory_space<semaphore_mem>>)
    %dma_wait3A_1114 = arith.constant 0 : i32
    %dma_wait3A_1115 = arith.constant 0 : i32
    %dma_wait3A_1116 = arith.constant 0 : i32
    %dma_wait3A_1117 = tpu.memref_slice %arg4[%arg1, %dma_wait3A_1114, %dma_wait3A_1115, %dma_wait3A_1116] : memref<16x3x64x512xf32, #tpu.memory_space<vmem_shared>> -> memref<1x1x64x512xf32, #tpu.memory_space<vmem_shared>>
    %dma_wait3A_1118 = tpu.memref_squeeze %dma_wait3A_1117 : memref<1x1x64x512xf32, #tpu.memory_space<vmem_shared>> -> memref<64x512xf32, #tpu.memory_space<vmem_shared>>
    %dma_wait3A_1119 = arith.constant 0 : i32
    %dma_wait3A_1120 = arith.constant 0 : i32
    %dma_wait3A_1121 = tpu.memref_slice %arg2[%select_n3A, %add3A_964, %dma_wait3A_1119, %dma_wait3A_1120] : memref<16x64x64x512xf32, #tpu.memory_space<hbm>> -> memref<1x1x64x512xf32, #tpu.memory_space<hbm>>
    %dma_wait3A_1122 = tpu.memref_squeeze %dma_wait3A_1121 : memref<1x1x64x512xf32, #tpu.memory_space<hbm>> -> memref<64x512xf32, #tpu.memory_space<hbm>>
    tpu.wait_dma2 semaphore(%arg5 : memref<!tpu.dma_semaphore, #tpu.memory_space<semaphore_mem>>) src(%dma_wait3A_1122 : memref<64x512xf32, #tpu.memory_space<hbm>>) dst(%dma_wait3A_1118 : memref<64x512xf32, #tpu.memory_space<vmem_shared>>)
    %add3A_1123 = arith.constant 15 : i32
    %add3A_1124 = arith.addi %mul3A_32, %add3A_1123 : i32
    %dma_start3A_1125 = arith.constant 0 : i32
    %dma_start3A_1126 = arith.constant 0 : i32
    %dma_start3A_1127 = arith.constant 0 : i32
    %dma_start3A_1128 = tpu.memref_slice %arg3[%select_n3A, %add3A_1124, %dma_start3A_1126, %dma_start3A_1127] : memref<16x64x64x512xf32, #tpu.memory_space<hbm>> -> memref<1x1x64x256xf32, #tpu.memory_space<hbm>>
    %dma_start3A_1129 = tpu.memref_squeeze %dma_start3A_1128 : memref<1x1x64x256xf32, #tpu.memory_space<hbm>> -> memref<64x256xf32, #tpu.memory_space<hbm>>
    %dma_start3A_1130 = arith.constant 0 : i32
    %dma_start3A_1131 = arith.constant 0 : i32
    %dma_start3A_1132 = tpu.memref_slice %arg4[%arg1, %dma_start3A_1125, %dma_start3A_1130, %dma_start3A_1131] : memref<16x3x64x512xf32, #tpu.memory_space<vmem_shared>> -> memref<1x1x64x512xf32, #tpu.memory_space<vmem_shared>>
    %dma_start3A_1133 = tpu.memref_squeeze %dma_start3A_1132 : memref<1x1x64x512xf32, #tpu.memory_space<vmem_shared>> -> memref<64x512xf32, #tpu.memory_space<vmem_shared>>
    %dma_start3A_1134 = arith.constant 0 : i32
    %dma_start3A_1135 = arith.constant 256 : i32
    %dma_start3A_1136 = tpu.memref_slice %dma_start3A_1133[%dma_start3A_1134, %dma_start3A_1135] : memref<64x512xf32, #tpu.memory_space<vmem_shared>> -> memref<64x256xf32, #tpu.memory_space<vmem_shared>>
    tpu.enqueue_dma source(%dma_start3A_1136 : memref<64x256xf32, #tpu.memory_space<vmem_shared>>) target(%dma_start3A_1129 : memref<64x256xf32, #tpu.memory_space<hbm>>) target_semaphore(%arg8 : memref<!tpu.dma_semaphore, #tpu.memory_space<semaphore_mem>>)
    %dma_start3A_1137 = arith.constant 0 : i32
    %dma_start3A_1138 = arith.constant 0 : i32
    %dma_start3A_1139 = arith.constant 256 : i32
    %dma_start3A_1140 = tpu.memref_slice %arg3[%select_n3A, %add3A_1124, %dma_start3A_1138, %dma_start3A_1139] : memref<16x64x64x512xf32, #tpu.memory_space<hbm>> -> memref<1x1x64x256xf32, #tpu.memory_space<hbm>>
    %dma_start3A_1141 = tpu.memref_squeeze %dma_start3A_1140 : memref<1x1x64x256xf32, #tpu.memory_space<hbm>> -> memref<64x256xf32, #tpu.memory_space<hbm>>
    %dma_start3A_1142 = arith.constant 0 : i32
    %dma_start3A_1143 = arith.constant 0 : i32
    %dma_start3A_1144 = tpu.memref_slice %arg4[%arg1, %dma_start3A_1137, %dma_start3A_1142, %dma_start3A_1143] : memref<16x3x64x512xf32, #tpu.memory_space<vmem_shared>> -> memref<1x1x64x512xf32, #tpu.memory_space<vmem_shared>>
    %dma_start3A_1145 = tpu.memref_squeeze %dma_start3A_1144 : memref<1x1x64x512xf32, #tpu.memory_space<vmem_shared>> -> memref<64x512xf32, #tpu.memory_space<vmem_shared>>
    %dma_start3A_1146 = arith.constant 0 : i32
    %dma_start3A_1147 = arith.constant 0 : i32
    %dma_start3A_1148 = tpu.memref_slice %dma_start3A_1145[%dma_start3A_1146, %dma_start3A_1147] : memref<64x512xf32, #tpu.memory_space<vmem_shared>> -> memref<64x256xf32, #tpu.memory_space<vmem_shared>>
    tpu.enqueue_dma source(%dma_start3A_1148 : memref<64x256xf32, #tpu.memory_space<vmem_shared>>) target(%dma_start3A_1141 : memref<64x256xf32, #tpu.memory_space<hbm>>) target_semaphore(%arg8 : memref<!tpu.dma_semaphore, #tpu.memory_space<semaphore_mem>>)
    %dma_wait3A_1149 = arith.constant 0 : i32
    %dma_wait3A_1150 = arith.constant 0 : i32
    %dma_wait3A_1151 = arith.constant 0 : i32
    %dma_wait3A_1152 = tpu.memref_slice %arg3[%select_n3A, %add3A_1124, %dma_wait3A_1150, %dma_wait3A_1151] : memref<16x64x64x512xf32, #tpu.memory_space<hbm>> -> memref<1x1x64x256xf32, #tpu.memory_space<hbm>>
    %dma_wait3A_1153 = tpu.memref_squeeze %dma_wait3A_1152 : memref<1x1x64x256xf32, #tpu.memory_space<hbm>> -> memref<64x256xf32, #tpu.memory_space<hbm>>
    %dma_wait3A_1154 = arith.constant 0 : i32
    %dma_wait3A_1155 = arith.constant 0 : i32
    %dma_wait3A_1156 = tpu.memref_slice %arg4[%arg1, %dma_wait3A_1149, %dma_wait3A_1154, %dma_wait3A_1155] : memref<16x3x64x512xf32, #tpu.memory_space<vmem_shared>> -> memref<1x1x64x512xf32, #tpu.memory_space<vmem_shared>>
    %dma_wait3A_1157 = tpu.memref_squeeze %dma_wait3A_1156 : memref<1x1x64x512xf32, #tpu.memory_space<vmem_shared>> -> memref<64x512xf32, #tpu.memory_space<vmem_shared>>
    %dma_wait3A_1158 = arith.constant 0 : i32
    %dma_wait3A_1159 = arith.constant 256 : i32
    %dma_wait3A_1160 = tpu.memref_slice %dma_wait3A_1157[%dma_wait3A_1158, %dma_wait3A_1159] : memref<64x512xf32, #tpu.memory_space<vmem_shared>> -> memref<64x256xf32, #tpu.memory_space<vmem_shared>>
    tpu.wait_dma2 semaphore(%arg8 : memref<!tpu.dma_semaphore, #tpu.memory_space<semaphore_mem>>) src(%dma_wait3A_1160 : memref<64x256xf32, #tpu.memory_space<vmem_shared>>) dst(%dma_wait3A_1153 : memref<64x256xf32, #tpu.memory_space<hbm>>)
    %dma_wait3A_1161 = arith.constant 0 : i32
    %dma_wait3A_1162 = arith.constant 0 : i32
    %dma_wait3A_1163 = arith.constant 256 : i32
    %dma_wait3A_1164 = tpu.memref_slice %arg3[%select_n3A, %add3A_1124, %dma_wait3A_1162, %dma_wait3A_1163] : memref<16x64x64x512xf32, #tpu.memory_space<hbm>> -> memref<1x1x64x256xf32, #tpu.memory_space<hbm>>
    %dma_wait3A_1165 = tpu.memref_squeeze %dma_wait3A_1164 : memref<1x1x64x256xf32, #tpu.memory_space<hbm>> -> memref<64x256xf32, #tpu.memory_space<hbm>>
    %dma_wait3A_1166 = arith.constant 0 : i32
    %dma_wait3A_1167 = arith.constant 0 : i32
    %dma_wait3A_1168 = tpu.memref_slice %arg4[%arg1, %dma_wait3A_1161, %dma_wait3A_1166, %dma_wait3A_1167] : memref<16x3x64x512xf32, #tpu.memory_space<vmem_shared>> -> memref<1x1x64x512xf32, #tpu.memory_space<vmem_shared>>
    %dma_wait3A_1169 = tpu.memref_squeeze %dma_wait3A_1168 : memref<1x1x64x512xf32, #tpu.memory_space<vmem_shared>> -> memref<64x512xf32, #tpu.memory_space<vmem_shared>>
    %dma_wait3A_1170 = arith.constant 0 : i32
    %dma_wait3A_1171 = arith.constant 0 : i32
    %dma_wait3A_1172 = tpu.memref_slice %dma_wait3A_1169[%dma_wait3A_1170, %dma_wait3A_1171] : memref<64x512xf32, #tpu.memory_space<vmem_shared>> -> memref<64x256xf32, #tpu.memory_space<vmem_shared>>
    tpu.wait_dma2 semaphore(%arg8 : memref<!tpu.dma_semaphore, #tpu.memory_space<semaphore_mem>>) src(%dma_wait3A_1172 : memref<64x256xf32, #tpu.memory_space<vmem_shared>>) dst(%dma_wait3A_1165 : memref<64x256xf32, #tpu.memory_space<hbm>>)
    %add3A_1173 = arith.constant 18 : i32
    %add3A_1174 = arith.addi %mul3A_32, %add3A_1173 : i32
    %dma_start3A_1175 = arith.constant 0 : i32
    %dma_start3A_1176 = arith.constant 0 : i32
    %dma_start3A_1177 = arith.constant 0 : i32
    %dma_start3A_1178 = tpu.memref_slice %arg4[%arg1, %dma_start3A_1175, %dma_start3A_1176, %dma_start3A_1177] : memref<16x3x64x512xf32, #tpu.memory_space<vmem_shared>> -> memref<1x1x64x512xf32, #tpu.memory_space<vmem_shared>>
    %dma_start3A_1179 = tpu.memref_squeeze %dma_start3A_1178 : memref<1x1x64x512xf32, #tpu.memory_space<vmem_shared>> -> memref<64x512xf32, #tpu.memory_space<vmem_shared>>
    %dma_start3A_1180 = arith.constant 0 : i32
    %dma_start3A_1181 = arith.constant 0 : i32
    %dma_start3A_1182 = tpu.memref_slice %arg2[%select_n3A, %add3A_1174, %dma_start3A_1180, %dma_start3A_1181] : memref<16x64x64x512xf32, #tpu.memory_space<hbm>> -> memref<1x1x64x512xf32, #tpu.memory_space<hbm>>
    %dma_start3A_1183 = tpu.memref_squeeze %dma_start3A_1182 : memref<1x1x64x512xf32, #tpu.memory_space<hbm>> -> memref<64x512xf32, #tpu.memory_space<hbm>>
    tpu.enqueue_dma source(%dma_start3A_1183 : memref<64x512xf32, #tpu.memory_space<hbm>>) target(%dma_start3A_1179 : memref<64x512xf32, #tpu.memory_space<vmem_shared>>) target_semaphore(%arg5 : memref<!tpu.dma_semaphore, #tpu.memory_space<semaphore_mem>>)
    %dma_wait3A_1184 = arith.constant 1 : i32
    %dma_wait3A_1185 = arith.constant 0 : i32
    %dma_wait3A_1186 = arith.constant 0 : i32
    %dma_wait3A_1187 = tpu.memref_slice %arg4[%arg1, %dma_wait3A_1184, %dma_wait3A_1185, %dma_wait3A_1186] : memref<16x3x64x512xf32, #tpu.memory_space<vmem_shared>> -> memref<1x1x64x512xf32, #tpu.memory_space<vmem_shared>>
    %dma_wait3A_1188 = tpu.memref_squeeze %dma_wait3A_1187 : memref<1x1x64x512xf32, #tpu.memory_space<vmem_shared>> -> memref<64x512xf32, #tpu.memory_space<vmem_shared>>
    %dma_wait3A_1189 = arith.constant 0 : i32
    %dma_wait3A_1190 = arith.constant 0 : i32
    %dma_wait3A_1191 = tpu.memref_slice %arg2[%select_n3A, %add3A_1034, %dma_wait3A_1189, %dma_wait3A_1190] : memref<16x64x64x512xf32, #tpu.memory_space<hbm>> -> memref<1x1x64x512xf32, #tpu.memory_space<hbm>>
    %dma_wait3A_1192 = tpu.memref_squeeze %dma_wait3A_1191 : memref<1x1x64x512xf32, #tpu.memory_space<hbm>> -> memref<64x512xf32, #tpu.memory_space<hbm>>
    tpu.wait_dma2 semaphore(%arg6 : memref<!tpu.dma_semaphore, #tpu.memory_space<semaphore_mem>>) src(%dma_wait3A_1192 : memref<64x512xf32, #tpu.memory_space<hbm>>) dst(%dma_wait3A_1188 : memref<64x512xf32, #tpu.memory_space<vmem_shared>>)
    %add3A_1193 = arith.constant 16 : i32
    %add3A_1194 = arith.addi %mul3A_32, %add3A_1193 : i32
    %dma_start3A_1195 = arith.constant 1 : i32
    %dma_start3A_1196 = arith.constant 0 : i32
    %dma_start3A_1197 = arith.constant 0 : i32
    %dma_start3A_1198 = tpu.memref_slice %arg3[%select_n3A, %add3A_1194, %dma_start3A_1196, %dma_start3A_1197] : memref<16x64x64x512xf32, #tpu.memory_space<hbm>> -> memref<1x1x64x256xf32, #tpu.memory_space<hbm>>
    %dma_start3A_1199 = tpu.memref_squeeze %dma_start3A_1198 : memref<1x1x64x256xf32, #tpu.memory_space<hbm>> -> memref<64x256xf32, #tpu.memory_space<hbm>>
    %dma_start3A_1200 = arith.constant 0 : i32
    %dma_start3A_1201 = arith.constant 0 : i32
    %dma_start3A_1202 = tpu.memref_slice %arg4[%arg1, %dma_start3A_1195, %dma_start3A_1200, %dma_start3A_1201] : memref<16x3x64x512xf32, #tpu.memory_space<vmem_shared>> -> memref<1x1x64x512xf32, #tpu.memory_space<vmem_shared>>
    %dma_start3A_1203 = tpu.memref_squeeze %dma_start3A_1202 : memref<1x1x64x512xf32, #tpu.memory_space<vmem_shared>> -> memref<64x512xf32, #tpu.memory_space<vmem_shared>>
    %dma_start3A_1204 = arith.constant 0 : i32
    %dma_start3A_1205 = arith.constant 256 : i32
    %dma_start3A_1206 = tpu.memref_slice %dma_start3A_1203[%dma_start3A_1204, %dma_start3A_1205] : memref<64x512xf32, #tpu.memory_space<vmem_shared>> -> memref<64x256xf32, #tpu.memory_space<vmem_shared>>
    tpu.enqueue_dma source(%dma_start3A_1206 : memref<64x256xf32, #tpu.memory_space<vmem_shared>>) target(%dma_start3A_1199 : memref<64x256xf32, #tpu.memory_space<hbm>>) target_semaphore(%arg9 : memref<!tpu.dma_semaphore, #tpu.memory_space<semaphore_mem>>)
    %dma_start3A_1207 = arith.constant 1 : i32
    %dma_start3A_1208 = arith.constant 0 : i32
    %dma_start3A_1209 = arith.constant 256 : i32
    %dma_start3A_1210 = tpu.memref_slice %arg3[%select_n3A, %add3A_1194, %dma_start3A_1208, %dma_start3A_1209] : memref<16x64x64x512xf32, #tpu.memory_space<hbm>> -> memref<1x1x64x256xf32, #tpu.memory_space<hbm>>
    %dma_start3A_1211 = tpu.memref_squeeze %dma_start3A_1210 : memref<1x1x64x256xf32, #tpu.memory_space<hbm>> -> memref<64x256xf32, #tpu.memory_space<hbm>>
    %dma_start3A_1212 = arith.constant 0 : i32
    %dma_start3A_1213 = arith.constant 0 : i32
    %dma_start3A_1214 = tpu.memref_slice %arg4[%arg1, %dma_start3A_1207, %dma_start3A_1212, %dma_start3A_1213] : memref<16x3x64x512xf32, #tpu.memory_space<vmem_shared>> -> memref<1x1x64x512xf32, #tpu.memory_space<vmem_shared>>
    %dma_start3A_1215 = tpu.memref_squeeze %dma_start3A_1214 : memref<1x1x64x512xf32, #tpu.memory_space<vmem_shared>> -> memref<64x512xf32, #tpu.memory_space<vmem_shared>>
    %dma_start3A_1216 = arith.constant 0 : i32
    %dma_start3A_1217 = arith.constant 0 : i32
    %dma_start3A_1218 = tpu.memref_slice %dma_start3A_1215[%dma_start3A_1216, %dma_start3A_1217] : memref<64x512xf32, #tpu.memory_space<vmem_shared>> -> memref<64x256xf32, #tpu.memory_space<vmem_shared>>
    tpu.enqueue_dma source(%dma_start3A_1218 : memref<64x256xf32, #tpu.memory_space<vmem_shared>>) target(%dma_start3A_1211 : memref<64x256xf32, #tpu.memory_space<hbm>>) target_semaphore(%arg9 : memref<!tpu.dma_semaphore, #tpu.memory_space<semaphore_mem>>)
    %dma_wait3A_1219 = arith.constant 1 : i32
    %dma_wait3A_1220 = arith.constant 0 : i32
    %dma_wait3A_1221 = arith.constant 0 : i32
    %dma_wait3A_1222 = tpu.memref_slice %arg3[%select_n3A, %add3A_1194, %dma_wait3A_1220, %dma_wait3A_1221] : memref<16x64x64x512xf32, #tpu.memory_space<hbm>> -> memref<1x1x64x256xf32, #tpu.memory_space<hbm>>
    %dma_wait3A_1223 = tpu.memref_squeeze %dma_wait3A_1222 : memref<1x1x64x256xf32, #tpu.memory_space<hbm>> -> memref<64x256xf32, #tpu.memory_space<hbm>>
    %dma_wait3A_1224 = arith.constant 0 : i32
    %dma_wait3A_1225 = arith.constant 0 : i32
    %dma_wait3A_1226 = tpu.memref_slice %arg4[%arg1, %dma_wait3A_1219, %dma_wait3A_1224, %dma_wait3A_1225] : memref<16x3x64x512xf32, #tpu.memory_space<vmem_shared>> -> memref<1x1x64x512xf32, #tpu.memory_space<vmem_shared>>
    %dma_wait3A_1227 = tpu.memref_squeeze %dma_wait3A_1226 : memref<1x1x64x512xf32, #tpu.memory_space<vmem_shared>> -> memref<64x512xf32, #tpu.memory_space<vmem_shared>>
    %dma_wait3A_1228 = arith.constant 0 : i32
    %dma_wait3A_1229 = arith.constant 256 : i32
    %dma_wait3A_1230 = tpu.memref_slice %dma_wait3A_1227[%dma_wait3A_1228, %dma_wait3A_1229] : memref<64x512xf32, #tpu.memory_space<vmem_shared>> -> memref<64x256xf32, #tpu.memory_space<vmem_shared>>
    tpu.wait_dma2 semaphore(%arg9 : memref<!tpu.dma_semaphore, #tpu.memory_space<semaphore_mem>>) src(%dma_wait3A_1230 : memref<64x256xf32, #tpu.memory_space<vmem_shared>>) dst(%dma_wait3A_1223 : memref<64x256xf32, #tpu.memory_space<hbm>>)
    %dma_wait3A_1231 = arith.constant 1 : i32
    %dma_wait3A_1232 = arith.constant 0 : i32
    %dma_wait3A_1233 = arith.constant 256 : i32
    %dma_wait3A_1234 = tpu.memref_slice %arg3[%select_n3A, %add3A_1194, %dma_wait3A_1232, %dma_wait3A_1233] : memref<16x64x64x512xf32, #tpu.memory_space<hbm>> -> memref<1x1x64x256xf32, #tpu.memory_space<hbm>>
    %dma_wait3A_1235 = tpu.memref_squeeze %dma_wait3A_1234 : memref<1x1x64x256xf32, #tpu.memory_space<hbm>> -> memref<64x256xf32, #tpu.memory_space<hbm>>
    %dma_wait3A_1236 = arith.constant 0 : i32
    %dma_wait3A_1237 = arith.constant 0 : i32
    %dma_wait3A_1238 = tpu.memref_slice %arg4[%arg1, %dma_wait3A_1231, %dma_wait3A_1236, %dma_wait3A_1237] : memref<16x3x64x512xf32, #tpu.memory_space<vmem_shared>> -> memref<1x1x64x512xf32, #tpu.memory_space<vmem_shared>>
    %dma_wait3A_1239 = tpu.memref_squeeze %dma_wait3A_1238 : memref<1x1x64x512xf32, #tpu.memory_space<vmem_shared>> -> memref<64x512xf32, #tpu.memory_space<vmem_shared>>
    %dma_wait3A_1240 = arith.constant 0 : i32
    %dma_wait3A_1241 = arith.constant 0 : i32
    %dma_wait3A_1242 = tpu.memref_slice %dma_wait3A_1239[%dma_wait3A_1240, %dma_wait3A_1241] : memref<64x512xf32, #tpu.memory_space<vmem_shared>> -> memref<64x256xf32, #tpu.memory_space<vmem_shared>>
    tpu.wait_dma2 semaphore(%arg9 : memref<!tpu.dma_semaphore, #tpu.memory_space<semaphore_mem>>) src(%dma_wait3A_1242 : memref<64x256xf32, #tpu.memory_space<vmem_shared>>) dst(%dma_wait3A_1235 : memref<64x256xf32, #tpu.memory_space<hbm>>)
    %add3A_1243 = arith.constant 19 : i32
    %add3A_1244 = arith.addi %mul3A_32, %add3A_1243 : i32
    %dma_start3A_1245 = arith.constant 1 : i32
    %dma_start3A_1246 = arith.constant 0 : i32
    %dma_start3A_1247 = arith.constant 0 : i32
    %dma_start3A_1248 = tpu.memref_slice %arg4[%arg1, %dma_start3A_1245, %dma_start3A_1246, %dma_start3A_1247] : memref<16x3x64x512xf32, #tpu.memory_space<vmem_shared>> -> memref<1x1x64x512xf32, #tpu.memory_space<vmem_shared>>
    %dma_start3A_1249 = tpu.memref_squeeze %dma_start3A_1248 : memref<1x1x64x512xf32, #tpu.memory_space<vmem_shared>> -> memref<64x512xf32, #tpu.memory_space<vmem_shared>>
    %dma_start3A_1250 = arith.constant 0 : i32
    %dma_start3A_1251 = arith.constant 0 : i32
    %dma_start3A_1252 = tpu.memref_slice %arg2[%select_n3A, %add3A_1244, %dma_start3A_1250, %dma_start3A_1251] : memref<16x64x64x512xf32, #tpu.memory_space<hbm>> -> memref<1x1x64x512xf32, #tpu.memory_space<hbm>>
    %dma_start3A_1253 = tpu.memref_squeeze %dma_start3A_1252 : memref<1x1x64x512xf32, #tpu.memory_space<hbm>> -> memref<64x512xf32, #tpu.memory_space<hbm>>
    tpu.enqueue_dma source(%dma_start3A_1253 : memref<64x512xf32, #tpu.memory_space<hbm>>) target(%dma_start3A_1249 : memref<64x512xf32, #tpu.memory_space<vmem_shared>>) target_semaphore(%arg6 : memref<!tpu.dma_semaphore, #tpu.memory_space<semaphore_mem>>)
    %dma_wait3A_1254 = arith.constant 2 : i32
    %dma_wait3A_1255 = arith.constant 0 : i32
    %dma_wait3A_1256 = arith.constant 0 : i32
    %dma_wait3A_1257 = tpu.memref_slice %arg4[%arg1, %dma_wait3A_1254, %dma_wait3A_1255, %dma_wait3A_1256] : memref<16x3x64x512xf32, #tpu.memory_space<vmem_shared>> -> memref<1x1x64x512xf32, #tpu.memory_space<vmem_shared>>
    %dma_wait3A_1258 = tpu.memref_squeeze %dma_wait3A_1257 : memref<1x1x64x512xf32, #tpu.memory_space<vmem_shared>> -> memref<64x512xf32, #tpu.memory_space<vmem_shared>>
    %dma_wait3A_1259 = arith.constant 0 : i32
    %dma_wait3A_1260 = arith.constant 0 : i32
    %dma_wait3A_1261 = tpu.memref_slice %arg2[%select_n3A, %add3A_1104, %dma_wait3A_1259, %dma_wait3A_1260] : memref<16x64x64x512xf32, #tpu.memory_space<hbm>> -> memref<1x1x64x512xf32, #tpu.memory_space<hbm>>
    %dma_wait3A_1262 = tpu.memref_squeeze %dma_wait3A_1261 : memref<1x1x64x512xf32, #tpu.memory_space<hbm>> -> memref<64x512xf32, #tpu.memory_space<hbm>>
    tpu.wait_dma2 semaphore(%arg7 : memref<!tpu.dma_semaphore, #tpu.memory_space<semaphore_mem>>) src(%dma_wait3A_1262 : memref<64x512xf32, #tpu.memory_space<hbm>>) dst(%dma_wait3A_1258 : memref<64x512xf32, #tpu.memory_space<vmem_shared>>)
    %add3A_1263 = arith.constant 17 : i32
    %add3A_1264 = arith.addi %mul3A_32, %add3A_1263 : i32
    %dma_start3A_1265 = arith.constant 2 : i32
    %dma_start3A_1266 = arith.constant 0 : i32
    %dma_start3A_1267 = arith.constant 0 : i32
    %dma_start3A_1268 = tpu.memref_slice %arg3[%select_n3A, %add3A_1264, %dma_start3A_1266, %dma_start3A_1267] : memref<16x64x64x512xf32, #tpu.memory_space<hbm>> -> memref<1x1x64x256xf32, #tpu.memory_space<hbm>>
    %dma_start3A_1269 = tpu.memref_squeeze %dma_start3A_1268 : memref<1x1x64x256xf32, #tpu.memory_space<hbm>> -> memref<64x256xf32, #tpu.memory_space<hbm>>
    %dma_start3A_1270 = arith.constant 0 : i32
    %dma_start3A_1271 = arith.constant 0 : i32
    %dma_start3A_1272 = tpu.memref_slice %arg4[%arg1, %dma_start3A_1265, %dma_start3A_1270, %dma_start3A_1271] : memref<16x3x64x512xf32, #tpu.memory_space<vmem_shared>> -> memref<1x1x64x512xf32, #tpu.memory_space<vmem_shared>>
    %dma_start3A_1273 = tpu.memref_squeeze %dma_start3A_1272 : memref<1x1x64x512xf32, #tpu.memory_space<vmem_shared>> -> memref<64x512xf32, #tpu.memory_space<vmem_shared>>
    %dma_start3A_1274 = arith.constant 0 : i32
    %dma_start3A_1275 = arith.constant 256 : i32
    %dma_start3A_1276 = tpu.memref_slice %dma_start3A_1273[%dma_start3A_1274, %dma_start3A_1275] : memref<64x512xf32, #tpu.memory_space<vmem_shared>> -> memref<64x256xf32, #tpu.memory_space<vmem_shared>>
    tpu.enqueue_dma source(%dma_start3A_1276 : memref<64x256xf32, #tpu.memory_space<vmem_shared>>) target(%dma_start3A_1269 : memref<64x256xf32, #tpu.memory_space<hbm>>) target_semaphore(%arg10 : memref<!tpu.dma_semaphore, #tpu.memory_space<semaphore_mem>>)
    %dma_start3A_1277 = arith.constant 2 : i32
    %dma_start3A_1278 = arith.constant 0 : i32
    %dma_start3A_1279 = arith.constant 256 : i32
    %dma_start3A_1280 = tpu.memref_slice %arg3[%select_n3A, %add3A_1264, %dma_start3A_1278, %dma_start3A_1279] : memref<16x64x64x512xf32, #tpu.memory_space<hbm>> -> memref<1x1x64x256xf32, #tpu.memory_space<hbm>>
    %dma_start3A_1281 = tpu.memref_squeeze %dma_start3A_1280 : memref<1x1x64x256xf32, #tpu.memory_space<hbm>> -> memref<64x256xf32, #tpu.memory_space<hbm>>
    %dma_start3A_1282 = arith.constant 0 : i32
    %dma_start3A_1283 = arith.constant 0 : i32
    %dma_start3A_1284 = tpu.memref_slice %arg4[%arg1, %dma_start3A_1277, %dma_start3A_1282, %dma_start3A_1283] : memref<16x3x64x512xf32, #tpu.memory_space<vmem_shared>> -> memref<1x1x64x512xf32, #tpu.memory_space<vmem_shared>>
    %dma_start3A_1285 = tpu.memref_squeeze %dma_start3A_1284 : memref<1x1x64x512xf32, #tpu.memory_space<vmem_shared>> -> memref<64x512xf32, #tpu.memory_space<vmem_shared>>
    %dma_start3A_1286 = arith.constant 0 : i32
    %dma_start3A_1287 = arith.constant 0 : i32
    %dma_start3A_1288 = tpu.memref_slice %dma_start3A_1285[%dma_start3A_1286, %dma_start3A_1287] : memref<64x512xf32, #tpu.memory_space<vmem_shared>> -> memref<64x256xf32, #tpu.memory_space<vmem_shared>>
    tpu.enqueue_dma source(%dma_start3A_1288 : memref<64x256xf32, #tpu.memory_space<vmem_shared>>) target(%dma_start3A_1281 : memref<64x256xf32, #tpu.memory_space<hbm>>) target_semaphore(%arg10 : memref<!tpu.dma_semaphore, #tpu.memory_space<semaphore_mem>>)
    %dma_wait3A_1289 = arith.constant 2 : i32
    %dma_wait3A_1290 = arith.constant 0 : i32
    %dma_wait3A_1291 = arith.constant 0 : i32
    %dma_wait3A_1292 = tpu.memref_slice %arg3[%select_n3A, %add3A_1264, %dma_wait3A_1290, %dma_wait3A_1291] : memref<16x64x64x512xf32, #tpu.memory_space<hbm>> -> memref<1x1x64x256xf32, #tpu.memory_space<hbm>>
    %dma_wait3A_1293 = tpu.memref_squeeze %dma_wait3A_1292 : memref<1x1x64x256xf32, #tpu.memory_space<hbm>> -> memref<64x256xf32, #tpu.memory_space<hbm>>
    %dma_wait3A_1294 = arith.constant 0 : i32
    %dma_wait3A_1295 = arith.constant 0 : i32
    %dma_wait3A_1296 = tpu.memref_slice %arg4[%arg1, %dma_wait3A_1289, %dma_wait3A_1294, %dma_wait3A_1295] : memref<16x3x64x512xf32, #tpu.memory_space<vmem_shared>> -> memref<1x1x64x512xf32, #tpu.memory_space<vmem_shared>>
    %dma_wait3A_1297 = tpu.memref_squeeze %dma_wait3A_1296 : memref<1x1x64x512xf32, #tpu.memory_space<vmem_shared>> -> memref<64x512xf32, #tpu.memory_space<vmem_shared>>
    %dma_wait3A_1298 = arith.constant 0 : i32
    %dma_wait3A_1299 = arith.constant 256 : i32
    %dma_wait3A_1300 = tpu.memref_slice %dma_wait3A_1297[%dma_wait3A_1298, %dma_wait3A_1299] : memref<64x512xf32, #tpu.memory_space<vmem_shared>> -> memref<64x256xf32, #tpu.memory_space<vmem_shared>>
    tpu.wait_dma2 semaphore(%arg10 : memref<!tpu.dma_semaphore, #tpu.memory_space<semaphore_mem>>) src(%dma_wait3A_1300 : memref<64x256xf32, #tpu.memory_space<vmem_shared>>) dst(%dma_wait3A_1293 : memref<64x256xf32, #tpu.memory_space<hbm>>)
    %dma_wait3A_1301 = arith.constant 2 : i32
    %dma_wait3A_1302 = arith.constant 0 : i32
    %dma_wait3A_1303 = arith.constant 256 : i32
    %dma_wait3A_1304 = tpu.memref_slice %arg3[%select_n3A, %add3A_1264, %dma_wait3A_1302, %dma_wait3A_1303] : memref<16x64x64x512xf32, #tpu.memory_space<hbm>> -> memref<1x1x64x256xf32, #tpu.memory_space<hbm>>
    %dma_wait3A_1305 = tpu.memref_squeeze %dma_wait3A_1304 : memref<1x1x64x256xf32, #tpu.memory_space<hbm>> -> memref<64x256xf32, #tpu.memory_space<hbm>>
    %dma_wait3A_1306 = arith.constant 0 : i32
    %dma_wait3A_1307 = arith.constant 0 : i32
    %dma_wait3A_1308 = tpu.memref_slice %arg4[%arg1, %dma_wait3A_1301, %dma_wait3A_1306, %dma_wait3A_1307] : memref<16x3x64x512xf32, #tpu.memory_space<vmem_shared>> -> memref<1x1x64x512xf32, #tpu.memory_space<vmem_shared>>
    %dma_wait3A_1309 = tpu.memref_squeeze %dma_wait3A_1308 : memref<1x1x64x512xf32, #tpu.memory_space<vmem_shared>> -> memref<64x512xf32, #tpu.memory_space<vmem_shared>>
    %dma_wait3A_1310 = arith.constant 0 : i32
    %dma_wait3A_1311 = arith.constant 0 : i32
    %dma_wait3A_1312 = tpu.memref_slice %dma_wait3A_1309[%dma_wait3A_1310, %dma_wait3A_1311] : memref<64x512xf32, #tpu.memory_space<vmem_shared>> -> memref<64x256xf32, #tpu.memory_space<vmem_shared>>
    tpu.wait_dma2 semaphore(%arg10 : memref<!tpu.dma_semaphore, #tpu.memory_space<semaphore_mem>>) src(%dma_wait3A_1312 : memref<64x256xf32, #tpu.memory_space<vmem_shared>>) dst(%dma_wait3A_1305 : memref<64x256xf32, #tpu.memory_space<hbm>>)
    %add3A_1313 = arith.constant 20 : i32
    %add3A_1314 = arith.addi %mul3A_32, %add3A_1313 : i32
    %dma_start3A_1315 = arith.constant 2 : i32
    %dma_start3A_1316 = arith.constant 0 : i32
    %dma_start3A_1317 = arith.constant 0 : i32
    %dma_start3A_1318 = tpu.memref_slice %arg4[%arg1, %dma_start3A_1315, %dma_start3A_1316, %dma_start3A_1317] : memref<16x3x64x512xf32, #tpu.memory_space<vmem_shared>> -> memref<1x1x64x512xf32, #tpu.memory_space<vmem_shared>>
    %dma_start3A_1319 = tpu.memref_squeeze %dma_start3A_1318 : memref<1x1x64x512xf32, #tpu.memory_space<vmem_shared>> -> memref<64x512xf32, #tpu.memory_space<vmem_shared>>
    %dma_start3A_1320 = arith.constant 0 : i32
    %dma_start3A_1321 = arith.constant 0 : i32
    %dma_start3A_1322 = tpu.memref_slice %arg2[%select_n3A, %add3A_1314, %dma_start3A_1320, %dma_start3A_1321] : memref<16x64x64x512xf32, #tpu.memory_space<hbm>> -> memref<1x1x64x512xf32, #tpu.memory_space<hbm>>
    %dma_start3A_1323 = tpu.memref_squeeze %dma_start3A_1322 : memref<1x1x64x512xf32, #tpu.memory_space<hbm>> -> memref<64x512xf32, #tpu.memory_space<hbm>>
    tpu.enqueue_dma source(%dma_start3A_1323 : memref<64x512xf32, #tpu.memory_space<hbm>>) target(%dma_start3A_1319 : memref<64x512xf32, #tpu.memory_space<vmem_shared>>) target_semaphore(%arg7 : memref<!tpu.dma_semaphore, #tpu.memory_space<semaphore_mem>>)
    %dma_wait3A_1324 = arith.constant 0 : i32
    %dma_wait3A_1325 = arith.constant 0 : i32
    %dma_wait3A_1326 = arith.constant 0 : i32
    %dma_wait3A_1327 = tpu.memref_slice %arg4[%arg1, %dma_wait3A_1324, %dma_wait3A_1325, %dma_wait3A_1326] : memref<16x3x64x512xf32, #tpu.memory_space<vmem_shared>> -> memref<1x1x64x512xf32, #tpu.memory_space<vmem_shared>>
    %dma_wait3A_1328 = tpu.memref_squeeze %dma_wait3A_1327 : memref<1x1x64x512xf32, #tpu.memory_space<vmem_shared>> -> memref<64x512xf32, #tpu.memory_space<vmem_shared>>
    %dma_wait3A_1329 = arith.constant 0 : i32
    %dma_wait3A_1330 = arith.constant 0 : i32
    %dma_wait3A_1331 = tpu.memref_slice %arg2[%select_n3A, %add3A_1174, %dma_wait3A_1329, %dma_wait3A_1330] : memref<16x64x64x512xf32, #tpu.memory_space<hbm>> -> memref<1x1x64x512xf32, #tpu.memory_space<hbm>>
    %dma_wait3A_1332 = tpu.memref_squeeze %dma_wait3A_1331 : memref<1x1x64x512xf32, #tpu.memory_space<hbm>> -> memref<64x512xf32, #tpu.memory_space<hbm>>
    tpu.wait_dma2 semaphore(%arg5 : memref<!tpu.dma_semaphore, #tpu.memory_space<semaphore_mem>>) src(%dma_wait3A_1332 : memref<64x512xf32, #tpu.memory_space<hbm>>) dst(%dma_wait3A_1328 : memref<64x512xf32, #tpu.memory_space<vmem_shared>>)
    %add3A_1333 = arith.constant 18 : i32
    %add3A_1334 = arith.addi %mul3A_32, %add3A_1333 : i32
    %dma_start3A_1335 = arith.constant 0 : i32
    %dma_start3A_1336 = arith.constant 0 : i32
    %dma_start3A_1337 = arith.constant 0 : i32
    %dma_start3A_1338 = tpu.memref_slice %arg3[%select_n3A, %add3A_1334, %dma_start3A_1336, %dma_start3A_1337] : memref<16x64x64x512xf32, #tpu.memory_space<hbm>> -> memref<1x1x64x256xf32, #tpu.memory_space<hbm>>
    %dma_start3A_1339 = tpu.memref_squeeze %dma_start3A_1338 : memref<1x1x64x256xf32, #tpu.memory_space<hbm>> -> memref<64x256xf32, #tpu.memory_space<hbm>>
    %dma_start3A_1340 = arith.constant 0 : i32
    %dma_start3A_1341 = arith.constant 0 : i32
    %dma_start3A_1342 = tpu.memref_slice %arg4[%arg1, %dma_start3A_1335, %dma_start3A_1340, %dma_start3A_1341] : memref<16x3x64x512xf32, #tpu.memory_space<vmem_shared>> -> memref<1x1x64x512xf32, #tpu.memory_space<vmem_shared>>
    %dma_start3A_1343 = tpu.memref_squeeze %dma_start3A_1342 : memref<1x1x64x512xf32, #tpu.memory_space<vmem_shared>> -> memref<64x512xf32, #tpu.memory_space<vmem_shared>>
    %dma_start3A_1344 = arith.constant 0 : i32
    %dma_start3A_1345 = arith.constant 256 : i32
    %dma_start3A_1346 = tpu.memref_slice %dma_start3A_1343[%dma_start3A_1344, %dma_start3A_1345] : memref<64x512xf32, #tpu.memory_space<vmem_shared>> -> memref<64x256xf32, #tpu.memory_space<vmem_shared>>
    tpu.enqueue_dma source(%dma_start3A_1346 : memref<64x256xf32, #tpu.memory_space<vmem_shared>>) target(%dma_start3A_1339 : memref<64x256xf32, #tpu.memory_space<hbm>>) target_semaphore(%arg8 : memref<!tpu.dma_semaphore, #tpu.memory_space<semaphore_mem>>)
    %dma_start3A_1347 = arith.constant 0 : i32
    %dma_start3A_1348 = arith.constant 0 : i32
    %dma_start3A_1349 = arith.constant 256 : i32
    %dma_start3A_1350 = tpu.memref_slice %arg3[%select_n3A, %add3A_1334, %dma_start3A_1348, %dma_start3A_1349] : memref<16x64x64x512xf32, #tpu.memory_space<hbm>> -> memref<1x1x64x256xf32, #tpu.memory_space<hbm>>
    %dma_start3A_1351 = tpu.memref_squeeze %dma_start3A_1350 : memref<1x1x64x256xf32, #tpu.memory_space<hbm>> -> memref<64x256xf32, #tpu.memory_space<hbm>>
    %dma_start3A_1352 = arith.constant 0 : i32
    %dma_start3A_1353 = arith.constant 0 : i32
    %dma_start3A_1354 = tpu.memref_slice %arg4[%arg1, %dma_start3A_1347, %dma_start3A_1352, %dma_start3A_1353] : memref<16x3x64x512xf32, #tpu.memory_space<vmem_shared>> -> memref<1x1x64x512xf32, #tpu.memory_space<vmem_shared>>
    %dma_start3A_1355 = tpu.memref_squeeze %dma_start3A_1354 : memref<1x1x64x512xf32, #tpu.memory_space<vmem_shared>> -> memref<64x512xf32, #tpu.memory_space<vmem_shared>>
    %dma_start3A_1356 = arith.constant 0 : i32
    %dma_start3A_1357 = arith.constant 0 : i32
    %dma_start3A_1358 = tpu.memref_slice %dma_start3A_1355[%dma_start3A_1356, %dma_start3A_1357] : memref<64x512xf32, #tpu.memory_space<vmem_shared>> -> memref<64x256xf32, #tpu.memory_space<vmem_shared>>
    tpu.enqueue_dma source(%dma_start3A_1358 : memref<64x256xf32, #tpu.memory_space<vmem_shared>>) target(%dma_start3A_1351 : memref<64x256xf32, #tpu.memory_space<hbm>>) target_semaphore(%arg8 : memref<!tpu.dma_semaphore, #tpu.memory_space<semaphore_mem>>)
    %dma_wait3A_1359 = arith.constant 0 : i32
    %dma_wait3A_1360 = arith.constant 0 : i32
    %dma_wait3A_1361 = arith.constant 0 : i32
    %dma_wait3A_1362 = tpu.memref_slice %arg3[%select_n3A, %add3A_1334, %dma_wait3A_1360, %dma_wait3A_1361] : memref<16x64x64x512xf32, #tpu.memory_space<hbm>> -> memref<1x1x64x256xf32, #tpu.memory_space<hbm>>
    %dma_wait3A_1363 = tpu.memref_squeeze %dma_wait3A_1362 : memref<1x1x64x256xf32, #tpu.memory_space<hbm>> -> memref<64x256xf32, #tpu.memory_space<hbm>>
    %dma_wait3A_1364 = arith.constant 0 : i32
    %dma_wait3A_1365 = arith.constant 0 : i32
    %dma_wait3A_1366 = tpu.memref_slice %arg4[%arg1, %dma_wait3A_1359, %dma_wait3A_1364, %dma_wait3A_1365] : memref<16x3x64x512xf32, #tpu.memory_space<vmem_shared>> -> memref<1x1x64x512xf32, #tpu.memory_space<vmem_shared>>
    %dma_wait3A_1367 = tpu.memref_squeeze %dma_wait3A_1366 : memref<1x1x64x512xf32, #tpu.memory_space<vmem_shared>> -> memref<64x512xf32, #tpu.memory_space<vmem_shared>>
    %dma_wait3A_1368 = arith.constant 0 : i32
    %dma_wait3A_1369 = arith.constant 256 : i32
    %dma_wait3A_1370 = tpu.memref_slice %dma_wait3A_1367[%dma_wait3A_1368, %dma_wait3A_1369] : memref<64x512xf32, #tpu.memory_space<vmem_shared>> -> memref<64x256xf32, #tpu.memory_space<vmem_shared>>
    tpu.wait_dma2 semaphore(%arg8 : memref<!tpu.dma_semaphore, #tpu.memory_space<semaphore_mem>>) src(%dma_wait3A_1370 : memref<64x256xf32, #tpu.memory_space<vmem_shared>>) dst(%dma_wait3A_1363 : memref<64x256xf32, #tpu.memory_space<hbm>>)
    %dma_wait3A_1371 = arith.constant 0 : i32
    %dma_wait3A_1372 = arith.constant 0 : i32
    %dma_wait3A_1373 = arith.constant 256 : i32
    %dma_wait3A_1374 = tpu.memref_slice %arg3[%select_n3A, %add3A_1334, %dma_wait3A_1372, %dma_wait3A_1373] : memref<16x64x64x512xf32, #tpu.memory_space<hbm>> -> memref<1x1x64x256xf32, #tpu.memory_space<hbm>>
    %dma_wait3A_1375 = tpu.memref_squeeze %dma_wait3A_1374 : memref<1x1x64x256xf32, #tpu.memory_space<hbm>> -> memref<64x256xf32, #tpu.memory_space<hbm>>
    %dma_wait3A_1376 = arith.constant 0 : i32
    %dma_wait3A_1377 = arith.constant 0 : i32
    %dma_wait3A_1378 = tpu.memref_slice %arg4[%arg1, %dma_wait3A_1371, %dma_wait3A_1376, %dma_wait3A_1377] : memref<16x3x64x512xf32, #tpu.memory_space<vmem_shared>> -> memref<1x1x64x512xf32, #tpu.memory_space<vmem_shared>>
    %dma_wait3A_1379 = tpu.memref_squeeze %dma_wait3A_1378 : memref<1x1x64x512xf32, #tpu.memory_space<vmem_shared>> -> memref<64x512xf32, #tpu.memory_space<vmem_shared>>
    %dma_wait3A_1380 = arith.constant 0 : i32
    %dma_wait3A_1381 = arith.constant 0 : i32
    %dma_wait3A_1382 = tpu.memref_slice %dma_wait3A_1379[%dma_wait3A_1380, %dma_wait3A_1381] : memref<64x512xf32, #tpu.memory_space<vmem_shared>> -> memref<64x256xf32, #tpu.memory_space<vmem_shared>>
    tpu.wait_dma2 semaphore(%arg8 : memref<!tpu.dma_semaphore, #tpu.memory_space<semaphore_mem>>) src(%dma_wait3A_1382 : memref<64x256xf32, #tpu.memory_space<vmem_shared>>) dst(%dma_wait3A_1375 : memref<64x256xf32, #tpu.memory_space<hbm>>)
    %add3A_1383 = arith.constant 21 : i32
    %add3A_1384 = arith.addi %mul3A_32, %add3A_1383 : i32
    %dma_start3A_1385 = arith.constant 0 : i32
    %dma_start3A_1386 = arith.constant 0 : i32
    %dma_start3A_1387 = arith.constant 0 : i32
    %dma_start3A_1388 = tpu.memref_slice %arg4[%arg1, %dma_start3A_1385, %dma_start3A_1386, %dma_start3A_1387] : memref<16x3x64x512xf32, #tpu.memory_space<vmem_shared>> -> memref<1x1x64x512xf32, #tpu.memory_space<vmem_shared>>
    %dma_start3A_1389 = tpu.memref_squeeze %dma_start3A_1388 : memref<1x1x64x512xf32, #tpu.memory_space<vmem_shared>> -> memref<64x512xf32, #tpu.memory_space<vmem_shared>>
    %dma_start3A_1390 = arith.constant 0 : i32
    %dma_start3A_1391 = arith.constant 0 : i32
    %dma_start3A_1392 = tpu.memref_slice %arg2[%select_n3A, %add3A_1384, %dma_start3A_1390, %dma_start3A_1391] : memref<16x64x64x512xf32, #tpu.memory_space<hbm>> -> memref<1x1x64x512xf32, #tpu.memory_space<hbm>>
    %dma_start3A_1393 = tpu.memref_squeeze %dma_start3A_1392 : memref<1x1x64x512xf32, #tpu.memory_space<hbm>> -> memref<64x512xf32, #tpu.memory_space<hbm>>
    tpu.enqueue_dma source(%dma_start3A_1393 : memref<64x512xf32, #tpu.memory_space<hbm>>) target(%dma_start3A_1389 : memref<64x512xf32, #tpu.memory_space<vmem_shared>>) target_semaphore(%arg5 : memref<!tpu.dma_semaphore, #tpu.memory_space<semaphore_mem>>)
    %dma_wait3A_1394 = arith.constant 1 : i32
    %dma_wait3A_1395 = arith.constant 0 : i32
    %dma_wait3A_1396 = arith.constant 0 : i32
    %dma_wait3A_1397 = tpu.memref_slice %arg4[%arg1, %dma_wait3A_1394, %dma_wait3A_1395, %dma_wait3A_1396] : memref<16x3x64x512xf32, #tpu.memory_space<vmem_shared>> -> memref<1x1x64x512xf32, #tpu.memory_space<vmem_shared>>
    %dma_wait3A_1398 = tpu.memref_squeeze %dma_wait3A_1397 : memref<1x1x64x512xf32, #tpu.memory_space<vmem_shared>> -> memref<64x512xf32, #tpu.memory_space<vmem_shared>>
    %dma_wait3A_1399 = arith.constant 0 : i32
    %dma_wait3A_1400 = arith.constant 0 : i32
    %dma_wait3A_1401 = tpu.memref_slice %arg2[%select_n3A, %add3A_1244, %dma_wait3A_1399, %dma_wait3A_1400] : memref<16x64x64x512xf32, #tpu.memory_space<hbm>> -> memref<1x1x64x512xf32, #tpu.memory_space<hbm>>
    %dma_wait3A_1402 = tpu.memref_squeeze %dma_wait3A_1401 : memref<1x1x64x512xf32, #tpu.memory_space<hbm>> -> memref<64x512xf32, #tpu.memory_space<hbm>>
    tpu.wait_dma2 semaphore(%arg6 : memref<!tpu.dma_semaphore, #tpu.memory_space<semaphore_mem>>) src(%dma_wait3A_1402 : memref<64x512xf32, #tpu.memory_space<hbm>>) dst(%dma_wait3A_1398 : memref<64x512xf32, #tpu.memory_space<vmem_shared>>)
    %add3A_1403 = arith.constant 19 : i32
    %add3A_1404 = arith.addi %mul3A_32, %add3A_1403 : i32
    %dma_start3A_1405 = arith.constant 1 : i32
    %dma_start3A_1406 = arith.constant 0 : i32
    %dma_start3A_1407 = arith.constant 0 : i32
    %dma_start3A_1408 = tpu.memref_slice %arg3[%select_n3A, %add3A_1404, %dma_start3A_1406, %dma_start3A_1407] : memref<16x64x64x512xf32, #tpu.memory_space<hbm>> -> memref<1x1x64x256xf32, #tpu.memory_space<hbm>>
    %dma_start3A_1409 = tpu.memref_squeeze %dma_start3A_1408 : memref<1x1x64x256xf32, #tpu.memory_space<hbm>> -> memref<64x256xf32, #tpu.memory_space<hbm>>
    %dma_start3A_1410 = arith.constant 0 : i32
    %dma_start3A_1411 = arith.constant 0 : i32
    %dma_start3A_1412 = tpu.memref_slice %arg4[%arg1, %dma_start3A_1405, %dma_start3A_1410, %dma_start3A_1411] : memref<16x3x64x512xf32, #tpu.memory_space<vmem_shared>> -> memref<1x1x64x512xf32, #tpu.memory_space<vmem_shared>>
    %dma_start3A_1413 = tpu.memref_squeeze %dma_start3A_1412 : memref<1x1x64x512xf32, #tpu.memory_space<vmem_shared>> -> memref<64x512xf32, #tpu.memory_space<vmem_shared>>
    %dma_start3A_1414 = arith.constant 0 : i32
    %dma_start3A_1415 = arith.constant 256 : i32
    %dma_start3A_1416 = tpu.memref_slice %dma_start3A_1413[%dma_start3A_1414, %dma_start3A_1415] : memref<64x512xf32, #tpu.memory_space<vmem_shared>> -> memref<64x256xf32, #tpu.memory_space<vmem_shared>>
    tpu.enqueue_dma source(%dma_start3A_1416 : memref<64x256xf32, #tpu.memory_space<vmem_shared>>) target(%dma_start3A_1409 : memref<64x256xf32, #tpu.memory_space<hbm>>) target_semaphore(%arg9 : memref<!tpu.dma_semaphore, #tpu.memory_space<semaphore_mem>>)
    %dma_start3A_1417 = arith.constant 1 : i32
    %dma_start3A_1418 = arith.constant 0 : i32
    %dma_start3A_1419 = arith.constant 256 : i32
    %dma_start3A_1420 = tpu.memref_slice %arg3[%select_n3A, %add3A_1404, %dma_start3A_1418, %dma_start3A_1419] : memref<16x64x64x512xf32, #tpu.memory_space<hbm>> -> memref<1x1x64x256xf32, #tpu.memory_space<hbm>>
    %dma_start3A_1421 = tpu.memref_squeeze %dma_start3A_1420 : memref<1x1x64x256xf32, #tpu.memory_space<hbm>> -> memref<64x256xf32, #tpu.memory_space<hbm>>
    %dma_start3A_1422 = arith.constant 0 : i32
    %dma_start3A_1423 = arith.constant 0 : i32
    %dma_start3A_1424 = tpu.memref_slice %arg4[%arg1, %dma_start3A_1417, %dma_start3A_1422, %dma_start3A_1423] : memref<16x3x64x512xf32, #tpu.memory_space<vmem_shared>> -> memref<1x1x64x512xf32, #tpu.memory_space<vmem_shared>>
    %dma_start3A_1425 = tpu.memref_squeeze %dma_start3A_1424 : memref<1x1x64x512xf32, #tpu.memory_space<vmem_shared>> -> memref<64x512xf32, #tpu.memory_space<vmem_shared>>
    %dma_start3A_1426 = arith.constant 0 : i32
    %dma_start3A_1427 = arith.constant 0 : i32
    %dma_start3A_1428 = tpu.memref_slice %dma_start3A_1425[%dma_start3A_1426, %dma_start3A_1427] : memref<64x512xf32, #tpu.memory_space<vmem_shared>> -> memref<64x256xf32, #tpu.memory_space<vmem_shared>>
    tpu.enqueue_dma source(%dma_start3A_1428 : memref<64x256xf32, #tpu.memory_space<vmem_shared>>) target(%dma_start3A_1421 : memref<64x256xf32, #tpu.memory_space<hbm>>) target_semaphore(%arg9 : memref<!tpu.dma_semaphore, #tpu.memory_space<semaphore_mem>>)
    %dma_wait3A_1429 = arith.constant 1 : i32
    %dma_wait3A_1430 = arith.constant 0 : i32
    %dma_wait3A_1431 = arith.constant 0 : i32
    %dma_wait3A_1432 = tpu.memref_slice %arg3[%select_n3A, %add3A_1404, %dma_wait3A_1430, %dma_wait3A_1431] : memref<16x64x64x512xf32, #tpu.memory_space<hbm>> -> memref<1x1x64x256xf32, #tpu.memory_space<hbm>>
    %dma_wait3A_1433 = tpu.memref_squeeze %dma_wait3A_1432 : memref<1x1x64x256xf32, #tpu.memory_space<hbm>> -> memref<64x256xf32, #tpu.memory_space<hbm>>
    %dma_wait3A_1434 = arith.constant 0 : i32
    %dma_wait3A_1435 = arith.constant 0 : i32
    %dma_wait3A_1436 = tpu.memref_slice %arg4[%arg1, %dma_wait3A_1429, %dma_wait3A_1434, %dma_wait3A_1435] : memref<16x3x64x512xf32, #tpu.memory_space<vmem_shared>> -> memref<1x1x64x512xf32, #tpu.memory_space<vmem_shared>>
    %dma_wait3A_1437 = tpu.memref_squeeze %dma_wait3A_1436 : memref<1x1x64x512xf32, #tpu.memory_space<vmem_shared>> -> memref<64x512xf32, #tpu.memory_space<vmem_shared>>
    %dma_wait3A_1438 = arith.constant 0 : i32
    %dma_wait3A_1439 = arith.constant 256 : i32
    %dma_wait3A_1440 = tpu.memref_slice %dma_wait3A_1437[%dma_wait3A_1438, %dma_wait3A_1439] : memref<64x512xf32, #tpu.memory_space<vmem_shared>> -> memref<64x256xf32, #tpu.memory_space<vmem_shared>>
    tpu.wait_dma2 semaphore(%arg9 : memref<!tpu.dma_semaphore, #tpu.memory_space<semaphore_mem>>) src(%dma_wait3A_1440 : memref<64x256xf32, #tpu.memory_space<vmem_shared>>) dst(%dma_wait3A_1433 : memref<64x256xf32, #tpu.memory_space<hbm>>)
    %dma_wait3A_1441 = arith.constant 1 : i32
    %dma_wait3A_1442 = arith.constant 0 : i32
    %dma_wait3A_1443 = arith.constant 256 : i32
    %dma_wait3A_1444 = tpu.memref_slice %arg3[%select_n3A, %add3A_1404, %dma_wait3A_1442, %dma_wait3A_1443] : memref<16x64x64x512xf32, #tpu.memory_space<hbm>> -> memref<1x1x64x256xf32, #tpu.memory_space<hbm>>
    %dma_wait3A_1445 = tpu.memref_squeeze %dma_wait3A_1444 : memref<1x1x64x256xf32, #tpu.memory_space<hbm>> -> memref<64x256xf32, #tpu.memory_space<hbm>>
    %dma_wait3A_1446 = arith.constant 0 : i32
    %dma_wait3A_1447 = arith.constant 0 : i32
    %dma_wait3A_1448 = tpu.memref_slice %arg4[%arg1, %dma_wait3A_1441, %dma_wait3A_1446, %dma_wait3A_1447] : memref<16x3x64x512xf32, #tpu.memory_space<vmem_shared>> -> memref<1x1x64x512xf32, #tpu.memory_space<vmem_shared>>
    %dma_wait3A_1449 = tpu.memref_squeeze %dma_wait3A_1448 : memref<1x1x64x512xf32, #tpu.memory_space<vmem_shared>> -> memref<64x512xf32, #tpu.memory_space<vmem_shared>>
    %dma_wait3A_1450 = arith.constant 0 : i32
    %dma_wait3A_1451 = arith.constant 0 : i32
    %dma_wait3A_1452 = tpu.memref_slice %dma_wait3A_1449[%dma_wait3A_1450, %dma_wait3A_1451] : memref<64x512xf32, #tpu.memory_space<vmem_shared>> -> memref<64x256xf32, #tpu.memory_space<vmem_shared>>
    tpu.wait_dma2 semaphore(%arg9 : memref<!tpu.dma_semaphore, #tpu.memory_space<semaphore_mem>>) src(%dma_wait3A_1452 : memref<64x256xf32, #tpu.memory_space<vmem_shared>>) dst(%dma_wait3A_1445 : memref<64x256xf32, #tpu.memory_space<hbm>>)
    %add3A_1453 = arith.constant 22 : i32
    %add3A_1454 = arith.addi %mul3A_32, %add3A_1453 : i32
    %dma_start3A_1455 = arith.constant 1 : i32
    %dma_start3A_1456 = arith.constant 0 : i32
    %dma_start3A_1457 = arith.constant 0 : i32
    %dma_start3A_1458 = tpu.memref_slice %arg4[%arg1, %dma_start3A_1455, %dma_start3A_1456, %dma_start3A_1457] : memref<16x3x64x512xf32, #tpu.memory_space<vmem_shared>> -> memref<1x1x64x512xf32, #tpu.memory_space<vmem_shared>>
    %dma_start3A_1459 = tpu.memref_squeeze %dma_start3A_1458 : memref<1x1x64x512xf32, #tpu.memory_space<vmem_shared>> -> memref<64x512xf32, #tpu.memory_space<vmem_shared>>
    %dma_start3A_1460 = arith.constant 0 : i32
    %dma_start3A_1461 = arith.constant 0 : i32
    %dma_start3A_1462 = tpu.memref_slice %arg2[%select_n3A, %add3A_1454, %dma_start3A_1460, %dma_start3A_1461] : memref<16x64x64x512xf32, #tpu.memory_space<hbm>> -> memref<1x1x64x512xf32, #tpu.memory_space<hbm>>
    %dma_start3A_1463 = tpu.memref_squeeze %dma_start3A_1462 : memref<1x1x64x512xf32, #tpu.memory_space<hbm>> -> memref<64x512xf32, #tpu.memory_space<hbm>>
    tpu.enqueue_dma source(%dma_start3A_1463 : memref<64x512xf32, #tpu.memory_space<hbm>>) target(%dma_start3A_1459 : memref<64x512xf32, #tpu.memory_space<vmem_shared>>) target_semaphore(%arg6 : memref<!tpu.dma_semaphore, #tpu.memory_space<semaphore_mem>>)
    %dma_wait3A_1464 = arith.constant 2 : i32
    %dma_wait3A_1465 = arith.constant 0 : i32
    %dma_wait3A_1466 = arith.constant 0 : i32
    %dma_wait3A_1467 = tpu.memref_slice %arg4[%arg1, %dma_wait3A_1464, %dma_wait3A_1465, %dma_wait3A_1466] : memref<16x3x64x512xf32, #tpu.memory_space<vmem_shared>> -> memref<1x1x64x512xf32, #tpu.memory_space<vmem_shared>>
    %dma_wait3A_1468 = tpu.memref_squeeze %dma_wait3A_1467 : memref<1x1x64x512xf32, #tpu.memory_space<vmem_shared>> -> memref<64x512xf32, #tpu.memory_space<vmem_shared>>
    %dma_wait3A_1469 = arith.constant 0 : i32
    %dma_wait3A_1470 = arith.constant 0 : i32
    %dma_wait3A_1471 = tpu.memref_slice %arg2[%select_n3A, %add3A_1314, %dma_wait3A_1469, %dma_wait3A_1470] : memref<16x64x64x512xf32, #tpu.memory_space<hbm>> -> memref<1x1x64x512xf32, #tpu.memory_space<hbm>>
    %dma_wait3A_1472 = tpu.memref_squeeze %dma_wait3A_1471 : memref<1x1x64x512xf32, #tpu.memory_space<hbm>> -> memref<64x512xf32, #tpu.memory_space<hbm>>
    tpu.wait_dma2 semaphore(%arg7 : memref<!tpu.dma_semaphore, #tpu.memory_space<semaphore_mem>>) src(%dma_wait3A_1472 : memref<64x512xf32, #tpu.memory_space<hbm>>) dst(%dma_wait3A_1468 : memref<64x512xf32, #tpu.memory_space<vmem_shared>>)
    %add3A_1473 = arith.constant 20 : i32
    %add3A_1474 = arith.addi %mul3A_32, %add3A_1473 : i32
    %dma_start3A_1475 = arith.constant 2 : i32
    %dma_start3A_1476 = arith.constant 0 : i32
    %dma_start3A_1477 = arith.constant 0 : i32
    %dma_start3A_1478 = tpu.memref_slice %arg3[%select_n3A, %add3A_1474, %dma_start3A_1476, %dma_start3A_1477] : memref<16x64x64x512xf32, #tpu.memory_space<hbm>> -> memref<1x1x64x256xf32, #tpu.memory_space<hbm>>
    %dma_start3A_1479 = tpu.memref_squeeze %dma_start3A_1478 : memref<1x1x64x256xf32, #tpu.memory_space<hbm>> -> memref<64x256xf32, #tpu.memory_space<hbm>>
    %dma_start3A_1480 = arith.constant 0 : i32
    %dma_start3A_1481 = arith.constant 0 : i32
    %dma_start3A_1482 = tpu.memref_slice %arg4[%arg1, %dma_start3A_1475, %dma_start3A_1480, %dma_start3A_1481] : memref<16x3x64x512xf32, #tpu.memory_space<vmem_shared>> -> memref<1x1x64x512xf32, #tpu.memory_space<vmem_shared>>
    %dma_start3A_1483 = tpu.memref_squeeze %dma_start3A_1482 : memref<1x1x64x512xf32, #tpu.memory_space<vmem_shared>> -> memref<64x512xf32, #tpu.memory_space<vmem_shared>>
    %dma_start3A_1484 = arith.constant 0 : i32
    %dma_start3A_1485 = arith.constant 256 : i32
    %dma_start3A_1486 = tpu.memref_slice %dma_start3A_1483[%dma_start3A_1484, %dma_start3A_1485] : memref<64x512xf32, #tpu.memory_space<vmem_shared>> -> memref<64x256xf32, #tpu.memory_space<vmem_shared>>
    tpu.enqueue_dma source(%dma_start3A_1486 : memref<64x256xf32, #tpu.memory_space<vmem_shared>>) target(%dma_start3A_1479 : memref<64x256xf32, #tpu.memory_space<hbm>>) target_semaphore(%arg10 : memref<!tpu.dma_semaphore, #tpu.memory_space<semaphore_mem>>)
    %dma_start3A_1487 = arith.constant 2 : i32
    %dma_start3A_1488 = arith.constant 0 : i32
    %dma_start3A_1489 = arith.constant 256 : i32
    %dma_start3A_1490 = tpu.memref_slice %arg3[%select_n3A, %add3A_1474, %dma_start3A_1488, %dma_start3A_1489] : memref<16x64x64x512xf32, #tpu.memory_space<hbm>> -> memref<1x1x64x256xf32, #tpu.memory_space<hbm>>
    %dma_start3A_1491 = tpu.memref_squeeze %dma_start3A_1490 : memref<1x1x64x256xf32, #tpu.memory_space<hbm>> -> memref<64x256xf32, #tpu.memory_space<hbm>>
    %dma_start3A_1492 = arith.constant 0 : i32
    %dma_start3A_1493 = arith.constant 0 : i32
    %dma_start3A_1494 = tpu.memref_slice %arg4[%arg1, %dma_start3A_1487, %dma_start3A_1492, %dma_start3A_1493] : memref<16x3x64x512xf32, #tpu.memory_space<vmem_shared>> -> memref<1x1x64x512xf32, #tpu.memory_space<vmem_shared>>
    %dma_start3A_1495 = tpu.memref_squeeze %dma_start3A_1494 : memref<1x1x64x512xf32, #tpu.memory_space<vmem_shared>> -> memref<64x512xf32, #tpu.memory_space<vmem_shared>>
    %dma_start3A_1496 = arith.constant 0 : i32
    %dma_start3A_1497 = arith.constant 0 : i32
    %dma_start3A_1498 = tpu.memref_slice %dma_start3A_1495[%dma_start3A_1496, %dma_start3A_1497] : memref<64x512xf32, #tpu.memory_space<vmem_shared>> -> memref<64x256xf32, #tpu.memory_space<vmem_shared>>
    tpu.enqueue_dma source(%dma_start3A_1498 : memref<64x256xf32, #tpu.memory_space<vmem_shared>>) target(%dma_start3A_1491 : memref<64x256xf32, #tpu.memory_space<hbm>>) target_semaphore(%arg10 : memref<!tpu.dma_semaphore, #tpu.memory_space<semaphore_mem>>)
    %dma_wait3A_1499 = arith.constant 2 : i32
    %dma_wait3A_1500 = arith.constant 0 : i32
    %dma_wait3A_1501 = arith.constant 0 : i32
    %dma_wait3A_1502 = tpu.memref_slice %arg3[%select_n3A, %add3A_1474, %dma_wait3A_1500, %dma_wait3A_1501] : memref<16x64x64x512xf32, #tpu.memory_space<hbm>> -> memref<1x1x64x256xf32, #tpu.memory_space<hbm>>
    %dma_wait3A_1503 = tpu.memref_squeeze %dma_wait3A_1502 : memref<1x1x64x256xf32, #tpu.memory_space<hbm>> -> memref<64x256xf32, #tpu.memory_space<hbm>>
    %dma_wait3A_1504 = arith.constant 0 : i32
    %dma_wait3A_1505 = arith.constant 0 : i32
    %dma_wait3A_1506 = tpu.memref_slice %arg4[%arg1, %dma_wait3A_1499, %dma_wait3A_1504, %dma_wait3A_1505] : memref<16x3x64x512xf32, #tpu.memory_space<vmem_shared>> -> memref<1x1x64x512xf32, #tpu.memory_space<vmem_shared>>
    %dma_wait3A_1507 = tpu.memref_squeeze %dma_wait3A_1506 : memref<1x1x64x512xf32, #tpu.memory_space<vmem_shared>> -> memref<64x512xf32, #tpu.memory_space<vmem_shared>>
    %dma_wait3A_1508 = arith.constant 0 : i32
    %dma_wait3A_1509 = arith.constant 256 : i32
    %dma_wait3A_1510 = tpu.memref_slice %dma_wait3A_1507[%dma_wait3A_1508, %dma_wait3A_1509] : memref<64x512xf32, #tpu.memory_space<vmem_shared>> -> memref<64x256xf32, #tpu.memory_space<vmem_shared>>
    tpu.wait_dma2 semaphore(%arg10 : memref<!tpu.dma_semaphore, #tpu.memory_space<semaphore_mem>>) src(%dma_wait3A_1510 : memref<64x256xf32, #tpu.memory_space<vmem_shared>>) dst(%dma_wait3A_1503 : memref<64x256xf32, #tpu.memory_space<hbm>>)
    %dma_wait3A_1511 = arith.constant 2 : i32
    %dma_wait3A_1512 = arith.constant 0 : i32
    %dma_wait3A_1513 = arith.constant 256 : i32
    %dma_wait3A_1514 = tpu.memref_slice %arg3[%select_n3A, %add3A_1474, %dma_wait3A_1512, %dma_wait3A_1513] : memref<16x64x64x512xf32, #tpu.memory_space<hbm>> -> memref<1x1x64x256xf32, #tpu.memory_space<hbm>>
    %dma_wait3A_1515 = tpu.memref_squeeze %dma_wait3A_1514 : memref<1x1x64x256xf32, #tpu.memory_space<hbm>> -> memref<64x256xf32, #tpu.memory_space<hbm>>
    %dma_wait3A_1516 = arith.constant 0 : i32
    %dma_wait3A_1517 = arith.constant 0 : i32
    %dma_wait3A_1518 = tpu.memref_slice %arg4[%arg1, %dma_wait3A_1511, %dma_wait3A_1516, %dma_wait3A_1517] : memref<16x3x64x512xf32, #tpu.memory_space<vmem_shared>> -> memref<1x1x64x512xf32, #tpu.memory_space<vmem_shared>>
    %dma_wait3A_1519 = tpu.memref_squeeze %dma_wait3A_1518 : memref<1x1x64x512xf32, #tpu.memory_space<vmem_shared>> -> memref<64x512xf32, #tpu.memory_space<vmem_shared>>
    %dma_wait3A_1520 = arith.constant 0 : i32
    %dma_wait3A_1521 = arith.constant 0 : i32
    %dma_wait3A_1522 = tpu.memref_slice %dma_wait3A_1519[%dma_wait3A_1520, %dma_wait3A_1521] : memref<64x512xf32, #tpu.memory_space<vmem_shared>> -> memref<64x256xf32, #tpu.memory_space<vmem_shared>>
    tpu.wait_dma2 semaphore(%arg10 : memref<!tpu.dma_semaphore, #tpu.memory_space<semaphore_mem>>) src(%dma_wait3A_1522 : memref<64x256xf32, #tpu.memory_space<vmem_shared>>) dst(%dma_wait3A_1515 : memref<64x256xf32, #tpu.memory_space<hbm>>)
    %add3A_1523 = arith.constant 23 : i32
    %add3A_1524 = arith.addi %mul3A_32, %add3A_1523 : i32
    %dma_start3A_1525 = arith.constant 2 : i32
    %dma_start3A_1526 = arith.constant 0 : i32
    %dma_start3A_1527 = arith.constant 0 : i32
    %dma_start3A_1528 = tpu.memref_slice %arg4[%arg1, %dma_start3A_1525, %dma_start3A_1526, %dma_start3A_1527] : memref<16x3x64x512xf32, #tpu.memory_space<vmem_shared>> -> memref<1x1x64x512xf32, #tpu.memory_space<vmem_shared>>
    %dma_start3A_1529 = tpu.memref_squeeze %dma_start3A_1528 : memref<1x1x64x512xf32, #tpu.memory_space<vmem_shared>> -> memref<64x512xf32, #tpu.memory_space<vmem_shared>>
    %dma_start3A_1530 = arith.constant 0 : i32
    %dma_start3A_1531 = arith.constant 0 : i32
    %dma_start3A_1532 = tpu.memref_slice %arg2[%select_n3A, %add3A_1524, %dma_start3A_1530, %dma_start3A_1531] : memref<16x64x64x512xf32, #tpu.memory_space<hbm>> -> memref<1x1x64x512xf32, #tpu.memory_space<hbm>>
    %dma_start3A_1533 = tpu.memref_squeeze %dma_start3A_1532 : memref<1x1x64x512xf32, #tpu.memory_space<hbm>> -> memref<64x512xf32, #tpu.memory_space<hbm>>
    tpu.enqueue_dma source(%dma_start3A_1533 : memref<64x512xf32, #tpu.memory_space<hbm>>) target(%dma_start3A_1529 : memref<64x512xf32, #tpu.memory_space<vmem_shared>>) target_semaphore(%arg7 : memref<!tpu.dma_semaphore, #tpu.memory_space<semaphore_mem>>)
    %dma_wait3A_1534 = arith.constant 0 : i32
    %dma_wait3A_1535 = arith.constant 0 : i32
    %dma_wait3A_1536 = arith.constant 0 : i32
    %dma_wait3A_1537 = tpu.memref_slice %arg4[%arg1, %dma_wait3A_1534, %dma_wait3A_1535, %dma_wait3A_1536] : memref<16x3x64x512xf32, #tpu.memory_space<vmem_shared>> -> memref<1x1x64x512xf32, #tpu.memory_space<vmem_shared>>
    %dma_wait3A_1538 = tpu.memref_squeeze %dma_wait3A_1537 : memref<1x1x64x512xf32, #tpu.memory_space<vmem_shared>> -> memref<64x512xf32, #tpu.memory_space<vmem_shared>>
    %dma_wait3A_1539 = arith.constant 0 : i32
    %dma_wait3A_1540 = arith.constant 0 : i32
    %dma_wait3A_1541 = tpu.memref_slice %arg2[%select_n3A, %add3A_1384, %dma_wait3A_1539, %dma_wait3A_1540] : memref<16x64x64x512xf32, #tpu.memory_space<hbm>> -> memref<1x1x64x512xf32, #tpu.memory_space<hbm>>
    %dma_wait3A_1542 = tpu.memref_squeeze %dma_wait3A_1541 : memref<1x1x64x512xf32, #tpu.memory_space<hbm>> -> memref<64x512xf32, #tpu.memory_space<hbm>>
    tpu.wait_dma2 semaphore(%arg5 : memref<!tpu.dma_semaphore, #tpu.memory_space<semaphore_mem>>) src(%dma_wait3A_1542 : memref<64x512xf32, #tpu.memory_space<hbm>>) dst(%dma_wait3A_1538 : memref<64x512xf32, #tpu.memory_space<vmem_shared>>)
    %add3A_1543 = arith.constant 21 : i32
    %add3A_1544 = arith.addi %mul3A_32, %add3A_1543 : i32
    %dma_start3A_1545 = arith.constant 0 : i32
    %dma_start3A_1546 = arith.constant 0 : i32
    %dma_start3A_1547 = arith.constant 0 : i32
    %dma_start3A_1548 = tpu.memref_slice %arg3[%select_n3A, %add3A_1544, %dma_start3A_1546, %dma_start3A_1547] : memref<16x64x64x512xf32, #tpu.memory_space<hbm>> -> memref<1x1x64x256xf32, #tpu.memory_space<hbm>>
    %dma_start3A_1549 = tpu.memref_squeeze %dma_start3A_1548 : memref<1x1x64x256xf32, #tpu.memory_space<hbm>> -> memref<64x256xf32, #tpu.memory_space<hbm>>
    %dma_start3A_1550 = arith.constant 0 : i32
    %dma_start3A_1551 = arith.constant 0 : i32
    %dma_start3A_1552 = tpu.memref_slice %arg4[%arg1, %dma_start3A_1545, %dma_start3A_1550, %dma_start3A_1551] : memref<16x3x64x512xf32, #tpu.memory_space<vmem_shared>> -> memref<1x1x64x512xf32, #tpu.memory_space<vmem_shared>>
    %dma_start3A_1553 = tpu.memref_squeeze %dma_start3A_1552 : memref<1x1x64x512xf32, #tpu.memory_space<vmem_shared>> -> memref<64x512xf32, #tpu.memory_space<vmem_shared>>
    %dma_start3A_1554 = arith.constant 0 : i32
    %dma_start3A_1555 = arith.constant 256 : i32
    %dma_start3A_1556 = tpu.memref_slice %dma_start3A_1553[%dma_start3A_1554, %dma_start3A_1555] : memref<64x512xf32, #tpu.memory_space<vmem_shared>> -> memref<64x256xf32, #tpu.memory_space<vmem_shared>>
    tpu.enqueue_dma source(%dma_start3A_1556 : memref<64x256xf32, #tpu.memory_space<vmem_shared>>) target(%dma_start3A_1549 : memref<64x256xf32, #tpu.memory_space<hbm>>) target_semaphore(%arg8 : memref<!tpu.dma_semaphore, #tpu.memory_space<semaphore_mem>>)
    %dma_start3A_1557 = arith.constant 0 : i32
    %dma_start3A_1558 = arith.constant 0 : i32
    %dma_start3A_1559 = arith.constant 256 : i32
    %dma_start3A_1560 = tpu.memref_slice %arg3[%select_n3A, %add3A_1544, %dma_start3A_1558, %dma_start3A_1559] : memref<16x64x64x512xf32, #tpu.memory_space<hbm>> -> memref<1x1x64x256xf32, #tpu.memory_space<hbm>>
    %dma_start3A_1561 = tpu.memref_squeeze %dma_start3A_1560 : memref<1x1x64x256xf32, #tpu.memory_space<hbm>> -> memref<64x256xf32, #tpu.memory_space<hbm>>
    %dma_start3A_1562 = arith.constant 0 : i32
    %dma_start3A_1563 = arith.constant 0 : i32
    %dma_start3A_1564 = tpu.memref_slice %arg4[%arg1, %dma_start3A_1557, %dma_start3A_1562, %dma_start3A_1563] : memref<16x3x64x512xf32, #tpu.memory_space<vmem_shared>> -> memref<1x1x64x512xf32, #tpu.memory_space<vmem_shared>>
    %dma_start3A_1565 = tpu.memref_squeeze %dma_start3A_1564 : memref<1x1x64x512xf32, #tpu.memory_space<vmem_shared>> -> memref<64x512xf32, #tpu.memory_space<vmem_shared>>
    %dma_start3A_1566 = arith.constant 0 : i32
    %dma_start3A_1567 = arith.constant 0 : i32
    %dma_start3A_1568 = tpu.memref_slice %dma_start3A_1565[%dma_start3A_1566, %dma_start3A_1567] : memref<64x512xf32, #tpu.memory_space<vmem_shared>> -> memref<64x256xf32, #tpu.memory_space<vmem_shared>>
    tpu.enqueue_dma source(%dma_start3A_1568 : memref<64x256xf32, #tpu.memory_space<vmem_shared>>) target(%dma_start3A_1561 : memref<64x256xf32, #tpu.memory_space<hbm>>) target_semaphore(%arg8 : memref<!tpu.dma_semaphore, #tpu.memory_space<semaphore_mem>>)
    %dma_wait3A_1569 = arith.constant 0 : i32
    %dma_wait3A_1570 = arith.constant 0 : i32
    %dma_wait3A_1571 = arith.constant 0 : i32
    %dma_wait3A_1572 = tpu.memref_slice %arg3[%select_n3A, %add3A_1544, %dma_wait3A_1570, %dma_wait3A_1571] : memref<16x64x64x512xf32, #tpu.memory_space<hbm>> -> memref<1x1x64x256xf32, #tpu.memory_space<hbm>>
    %dma_wait3A_1573 = tpu.memref_squeeze %dma_wait3A_1572 : memref<1x1x64x256xf32, #tpu.memory_space<hbm>> -> memref<64x256xf32, #tpu.memory_space<hbm>>
    %dma_wait3A_1574 = arith.constant 0 : i32
    %dma_wait3A_1575 = arith.constant 0 : i32
    %dma_wait3A_1576 = tpu.memref_slice %arg4[%arg1, %dma_wait3A_1569, %dma_wait3A_1574, %dma_wait3A_1575] : memref<16x3x64x512xf32, #tpu.memory_space<vmem_shared>> -> memref<1x1x64x512xf32, #tpu.memory_space<vmem_shared>>
    %dma_wait3A_1577 = tpu.memref_squeeze %dma_wait3A_1576 : memref<1x1x64x512xf32, #tpu.memory_space<vmem_shared>> -> memref<64x512xf32, #tpu.memory_space<vmem_shared>>
    %dma_wait3A_1578 = arith.constant 0 : i32
    %dma_wait3A_1579 = arith.constant 256 : i32
    %dma_wait3A_1580 = tpu.memref_slice %dma_wait3A_1577[%dma_wait3A_1578, %dma_wait3A_1579] : memref<64x512xf32, #tpu.memory_space<vmem_shared>> -> memref<64x256xf32, #tpu.memory_space<vmem_shared>>
    tpu.wait_dma2 semaphore(%arg8 : memref<!tpu.dma_semaphore, #tpu.memory_space<semaphore_mem>>) src(%dma_wait3A_1580 : memref<64x256xf32, #tpu.memory_space<vmem_shared>>) dst(%dma_wait3A_1573 : memref<64x256xf32, #tpu.memory_space<hbm>>)
    %dma_wait3A_1581 = arith.constant 0 : i32
    %dma_wait3A_1582 = arith.constant 0 : i32
    %dma_wait3A_1583 = arith.constant 256 : i32
    %dma_wait3A_1584 = tpu.memref_slice %arg3[%select_n3A, %add3A_1544, %dma_wait3A_1582, %dma_wait3A_1583] : memref<16x64x64x512xf32, #tpu.memory_space<hbm>> -> memref<1x1x64x256xf32, #tpu.memory_space<hbm>>
    %dma_wait3A_1585 = tpu.memref_squeeze %dma_wait3A_1584 : memref<1x1x64x256xf32, #tpu.memory_space<hbm>> -> memref<64x256xf32, #tpu.memory_space<hbm>>
    %dma_wait3A_1586 = arith.constant 0 : i32
    %dma_wait3A_1587 = arith.constant 0 : i32
    %dma_wait3A_1588 = tpu.memref_slice %arg4[%arg1, %dma_wait3A_1581, %dma_wait3A_1586, %dma_wait3A_1587] : memref<16x3x64x512xf32, #tpu.memory_space<vmem_shared>> -> memref<1x1x64x512xf32, #tpu.memory_space<vmem_shared>>
    %dma_wait3A_1589 = tpu.memref_squeeze %dma_wait3A_1588 : memref<1x1x64x512xf32, #tpu.memory_space<vmem_shared>> -> memref<64x512xf32, #tpu.memory_space<vmem_shared>>
    %dma_wait3A_1590 = arith.constant 0 : i32
    %dma_wait3A_1591 = arith.constant 0 : i32
    %dma_wait3A_1592 = tpu.memref_slice %dma_wait3A_1589[%dma_wait3A_1590, %dma_wait3A_1591] : memref<64x512xf32, #tpu.memory_space<vmem_shared>> -> memref<64x256xf32, #tpu.memory_space<vmem_shared>>
    tpu.wait_dma2 semaphore(%arg8 : memref<!tpu.dma_semaphore, #tpu.memory_space<semaphore_mem>>) src(%dma_wait3A_1592 : memref<64x256xf32, #tpu.memory_space<vmem_shared>>) dst(%dma_wait3A_1585 : memref<64x256xf32, #tpu.memory_space<hbm>>)
    %add3A_1593 = arith.constant 24 : i32
    %add3A_1594 = arith.addi %mul3A_32, %add3A_1593 : i32
    %dma_start3A_1595 = arith.constant 0 : i32
    %dma_start3A_1596 = arith.constant 0 : i32
    %dma_start3A_1597 = arith.constant 0 : i32
    %dma_start3A_1598 = tpu.memref_slice %arg4[%arg1, %dma_start3A_1595, %dma_start3A_1596, %dma_start3A_1597] : memref<16x3x64x512xf32, #tpu.memory_space<vmem_shared>> -> memref<1x1x64x512xf32, #tpu.memory_space<vmem_shared>>
    %dma_start3A_1599 = tpu.memref_squeeze %dma_start3A_1598 : memref<1x1x64x512xf32, #tpu.memory_space<vmem_shared>> -> memref<64x512xf32, #tpu.memory_space<vmem_shared>>
    %dma_start3A_1600 = arith.constant 0 : i32
    %dma_start3A_1601 = arith.constant 0 : i32
    %dma_start3A_1602 = tpu.memref_slice %arg2[%select_n3A, %add3A_1594, %dma_start3A_1600, %dma_start3A_1601] : memref<16x64x64x512xf32, #tpu.memory_space<hbm>> -> memref<1x1x64x512xf32, #tpu.memory_space<hbm>>
    %dma_start3A_1603 = tpu.memref_squeeze %dma_start3A_1602 : memref<1x1x64x512xf32, #tpu.memory_space<hbm>> -> memref<64x512xf32, #tpu.memory_space<hbm>>
    tpu.enqueue_dma source(%dma_start3A_1603 : memref<64x512xf32, #tpu.memory_space<hbm>>) target(%dma_start3A_1599 : memref<64x512xf32, #tpu.memory_space<vmem_shared>>) target_semaphore(%arg5 : memref<!tpu.dma_semaphore, #tpu.memory_space<semaphore_mem>>)
    %dma_wait3A_1604 = arith.constant 1 : i32
    %dma_wait3A_1605 = arith.constant 0 : i32
    %dma_wait3A_1606 = arith.constant 0 : i32
    %dma_wait3A_1607 = tpu.memref_slice %arg4[%arg1, %dma_wait3A_1604, %dma_wait3A_1605, %dma_wait3A_1606] : memref<16x3x64x512xf32, #tpu.memory_space<vmem_shared>> -> memref<1x1x64x512xf32, #tpu.memory_space<vmem_shared>>
    %dma_wait3A_1608 = tpu.memref_squeeze %dma_wait3A_1607 : memref<1x1x64x512xf32, #tpu.memory_space<vmem_shared>> -> memref<64x512xf32, #tpu.memory_space<vmem_shared>>
    %dma_wait3A_1609 = arith.constant 0 : i32
    %dma_wait3A_1610 = arith.constant 0 : i32
    %dma_wait3A_1611 = tpu.memref_slice %arg2[%select_n3A, %add3A_1454, %dma_wait3A_1609, %dma_wait3A_1610] : memref<16x64x64x512xf32, #tpu.memory_space<hbm>> -> memref<1x1x64x512xf32, #tpu.memory_space<hbm>>
    %dma_wait3A_1612 = tpu.memref_squeeze %dma_wait3A_1611 : memref<1x1x64x512xf32, #tpu.memory_space<hbm>> -> memref<64x512xf32, #tpu.memory_space<hbm>>
    tpu.wait_dma2 semaphore(%arg6 : memref<!tpu.dma_semaphore, #tpu.memory_space<semaphore_mem>>) src(%dma_wait3A_1612 : memref<64x512xf32, #tpu.memory_space<hbm>>) dst(%dma_wait3A_1608 : memref<64x512xf32, #tpu.memory_space<vmem_shared>>)
    %add3A_1613 = arith.constant 22 : i32
    %add3A_1614 = arith.addi %mul3A_32, %add3A_1613 : i32
    %dma_start3A_1615 = arith.constant 1 : i32
    %dma_start3A_1616 = arith.constant 0 : i32
    %dma_start3A_1617 = arith.constant 0 : i32
    %dma_start3A_1618 = tpu.memref_slice %arg3[%select_n3A, %add3A_1614, %dma_start3A_1616, %dma_start3A_1617] : memref<16x64x64x512xf32, #tpu.memory_space<hbm>> -> memref<1x1x64x256xf32, #tpu.memory_space<hbm>>
    %dma_start3A_1619 = tpu.memref_squeeze %dma_start3A_1618 : memref<1x1x64x256xf32, #tpu.memory_space<hbm>> -> memref<64x256xf32, #tpu.memory_space<hbm>>
    %dma_start3A_1620 = arith.constant 0 : i32
    %dma_start3A_1621 = arith.constant 0 : i32
    %dma_start3A_1622 = tpu.memref_slice %arg4[%arg1, %dma_start3A_1615, %dma_start3A_1620, %dma_start3A_1621] : memref<16x3x64x512xf32, #tpu.memory_space<vmem_shared>> -> memref<1x1x64x512xf32, #tpu.memory_space<vmem_shared>>
    %dma_start3A_1623 = tpu.memref_squeeze %dma_start3A_1622 : memref<1x1x64x512xf32, #tpu.memory_space<vmem_shared>> -> memref<64x512xf32, #tpu.memory_space<vmem_shared>>
    %dma_start3A_1624 = arith.constant 0 : i32
    %dma_start3A_1625 = arith.constant 256 : i32
    %dma_start3A_1626 = tpu.memref_slice %dma_start3A_1623[%dma_start3A_1624, %dma_start3A_1625] : memref<64x512xf32, #tpu.memory_space<vmem_shared>> -> memref<64x256xf32, #tpu.memory_space<vmem_shared>>
    tpu.enqueue_dma source(%dma_start3A_1626 : memref<64x256xf32, #tpu.memory_space<vmem_shared>>) target(%dma_start3A_1619 : memref<64x256xf32, #tpu.memory_space<hbm>>) target_semaphore(%arg9 : memref<!tpu.dma_semaphore, #tpu.memory_space<semaphore_mem>>)
    %dma_start3A_1627 = arith.constant 1 : i32
    %dma_start3A_1628 = arith.constant 0 : i32
    %dma_start3A_1629 = arith.constant 256 : i32
    %dma_start3A_1630 = tpu.memref_slice %arg3[%select_n3A, %add3A_1614, %dma_start3A_1628, %dma_start3A_1629] : memref<16x64x64x512xf32, #tpu.memory_space<hbm>> -> memref<1x1x64x256xf32, #tpu.memory_space<hbm>>
    %dma_start3A_1631 = tpu.memref_squeeze %dma_start3A_1630 : memref<1x1x64x256xf32, #tpu.memory_space<hbm>> -> memref<64x256xf32, #tpu.memory_space<hbm>>
    %dma_start3A_1632 = arith.constant 0 : i32
    %dma_start3A_1633 = arith.constant 0 : i32
    %dma_start3A_1634 = tpu.memref_slice %arg4[%arg1, %dma_start3A_1627, %dma_start3A_1632, %dma_start3A_1633] : memref<16x3x64x512xf32, #tpu.memory_space<vmem_shared>> -> memref<1x1x64x512xf32, #tpu.memory_space<vmem_shared>>
    %dma_start3A_1635 = tpu.memref_squeeze %dma_start3A_1634 : memref<1x1x64x512xf32, #tpu.memory_space<vmem_shared>> -> memref<64x512xf32, #tpu.memory_space<vmem_shared>>
    %dma_start3A_1636 = arith.constant 0 : i32
    %dma_start3A_1637 = arith.constant 0 : i32
    %dma_start3A_1638 = tpu.memref_slice %dma_start3A_1635[%dma_start3A_1636, %dma_start3A_1637] : memref<64x512xf32, #tpu.memory_space<vmem_shared>> -> memref<64x256xf32, #tpu.memory_space<vmem_shared>>
    tpu.enqueue_dma source(%dma_start3A_1638 : memref<64x256xf32, #tpu.memory_space<vmem_shared>>) target(%dma_start3A_1631 : memref<64x256xf32, #tpu.memory_space<hbm>>) target_semaphore(%arg9 : memref<!tpu.dma_semaphore, #tpu.memory_space<semaphore_mem>>)
    %dma_wait3A_1639 = arith.constant 1 : i32
    %dma_wait3A_1640 = arith.constant 0 : i32
    %dma_wait3A_1641 = arith.constant 0 : i32
    %dma_wait3A_1642 = tpu.memref_slice %arg3[%select_n3A, %add3A_1614, %dma_wait3A_1640, %dma_wait3A_1641] : memref<16x64x64x512xf32, #tpu.memory_space<hbm>> -> memref<1x1x64x256xf32, #tpu.memory_space<hbm>>
    %dma_wait3A_1643 = tpu.memref_squeeze %dma_wait3A_1642 : memref<1x1x64x256xf32, #tpu.memory_space<hbm>> -> memref<64x256xf32, #tpu.memory_space<hbm>>
    %dma_wait3A_1644 = arith.constant 0 : i32
    %dma_wait3A_1645 = arith.constant 0 : i32
    %dma_wait3A_1646 = tpu.memref_slice %arg4[%arg1, %dma_wait3A_1639, %dma_wait3A_1644, %dma_wait3A_1645] : memref<16x3x64x512xf32, #tpu.memory_space<vmem_shared>> -> memref<1x1x64x512xf32, #tpu.memory_space<vmem_shared>>
    %dma_wait3A_1647 = tpu.memref_squeeze %dma_wait3A_1646 : memref<1x1x64x512xf32, #tpu.memory_space<vmem_shared>> -> memref<64x512xf32, #tpu.memory_space<vmem_shared>>
    %dma_wait3A_1648 = arith.constant 0 : i32
    %dma_wait3A_1649 = arith.constant 256 : i32
    %dma_wait3A_1650 = tpu.memref_slice %dma_wait3A_1647[%dma_wait3A_1648, %dma_wait3A_1649] : memref<64x512xf32, #tpu.memory_space<vmem_shared>> -> memref<64x256xf32, #tpu.memory_space<vmem_shared>>
    tpu.wait_dma2 semaphore(%arg9 : memref<!tpu.dma_semaphore, #tpu.memory_space<semaphore_mem>>) src(%dma_wait3A_1650 : memref<64x256xf32, #tpu.memory_space<vmem_shared>>) dst(%dma_wait3A_1643 : memref<64x256xf32, #tpu.memory_space<hbm>>)
    %dma_wait3A_1651 = arith.constant 1 : i32
    %dma_wait3A_1652 = arith.constant 0 : i32
    %dma_wait3A_1653 = arith.constant 256 : i32
    %dma_wait3A_1654 = tpu.memref_slice %arg3[%select_n3A, %add3A_1614, %dma_wait3A_1652, %dma_wait3A_1653] : memref<16x64x64x512xf32, #tpu.memory_space<hbm>> -> memref<1x1x64x256xf32, #tpu.memory_space<hbm>>
    %dma_wait3A_1655 = tpu.memref_squeeze %dma_wait3A_1654 : memref<1x1x64x256xf32, #tpu.memory_space<hbm>> -> memref<64x256xf32, #tpu.memory_space<hbm>>
    %dma_wait3A_1656 = arith.constant 0 : i32
    %dma_wait3A_1657 = arith.constant 0 : i32
    %dma_wait3A_1658 = tpu.memref_slice %arg4[%arg1, %dma_wait3A_1651, %dma_wait3A_1656, %dma_wait3A_1657] : memref<16x3x64x512xf32, #tpu.memory_space<vmem_shared>> -> memref<1x1x64x512xf32, #tpu.memory_space<vmem_shared>>
    %dma_wait3A_1659 = tpu.memref_squeeze %dma_wait3A_1658 : memref<1x1x64x512xf32, #tpu.memory_space<vmem_shared>> -> memref<64x512xf32, #tpu.memory_space<vmem_shared>>
    %dma_wait3A_1660 = arith.constant 0 : i32
    %dma_wait3A_1661 = arith.constant 0 : i32
    %dma_wait3A_1662 = tpu.memref_slice %dma_wait3A_1659[%dma_wait3A_1660, %dma_wait3A_1661] : memref<64x512xf32, #tpu.memory_space<vmem_shared>> -> memref<64x256xf32, #tpu.memory_space<vmem_shared>>
    tpu.wait_dma2 semaphore(%arg9 : memref<!tpu.dma_semaphore, #tpu.memory_space<semaphore_mem>>) src(%dma_wait3A_1662 : memref<64x256xf32, #tpu.memory_space<vmem_shared>>) dst(%dma_wait3A_1655 : memref<64x256xf32, #tpu.memory_space<hbm>>)
    %add3A_1663 = arith.constant 25 : i32
    %add3A_1664 = arith.addi %mul3A_32, %add3A_1663 : i32
    %dma_start3A_1665 = arith.constant 1 : i32
    %dma_start3A_1666 = arith.constant 0 : i32
    %dma_start3A_1667 = arith.constant 0 : i32
    %dma_start3A_1668 = tpu.memref_slice %arg4[%arg1, %dma_start3A_1665, %dma_start3A_1666, %dma_start3A_1667] : memref<16x3x64x512xf32, #tpu.memory_space<vmem_shared>> -> memref<1x1x64x512xf32, #tpu.memory_space<vmem_shared>>
    %dma_start3A_1669 = tpu.memref_squeeze %dma_start3A_1668 : memref<1x1x64x512xf32, #tpu.memory_space<vmem_shared>> -> memref<64x512xf32, #tpu.memory_space<vmem_shared>>
    %dma_start3A_1670 = arith.constant 0 : i32
    %dma_start3A_1671 = arith.constant 0 : i32
    %dma_start3A_1672 = tpu.memref_slice %arg2[%select_n3A, %add3A_1664, %dma_start3A_1670, %dma_start3A_1671] : memref<16x64x64x512xf32, #tpu.memory_space<hbm>> -> memref<1x1x64x512xf32, #tpu.memory_space<hbm>>
    %dma_start3A_1673 = tpu.memref_squeeze %dma_start3A_1672 : memref<1x1x64x512xf32, #tpu.memory_space<hbm>> -> memref<64x512xf32, #tpu.memory_space<hbm>>
    tpu.enqueue_dma source(%dma_start3A_1673 : memref<64x512xf32, #tpu.memory_space<hbm>>) target(%dma_start3A_1669 : memref<64x512xf32, #tpu.memory_space<vmem_shared>>) target_semaphore(%arg6 : memref<!tpu.dma_semaphore, #tpu.memory_space<semaphore_mem>>)
    %dma_wait3A_1674 = arith.constant 2 : i32
    %dma_wait3A_1675 = arith.constant 0 : i32
    %dma_wait3A_1676 = arith.constant 0 : i32
    %dma_wait3A_1677 = tpu.memref_slice %arg4[%arg1, %dma_wait3A_1674, %dma_wait3A_1675, %dma_wait3A_1676] : memref<16x3x64x512xf32, #tpu.memory_space<vmem_shared>> -> memref<1x1x64x512xf32, #tpu.memory_space<vmem_shared>>
    %dma_wait3A_1678 = tpu.memref_squeeze %dma_wait3A_1677 : memref<1x1x64x512xf32, #tpu.memory_space<vmem_shared>> -> memref<64x512xf32, #tpu.memory_space<vmem_shared>>
    %dma_wait3A_1679 = arith.constant 0 : i32
    %dma_wait3A_1680 = arith.constant 0 : i32
    %dma_wait3A_1681 = tpu.memref_slice %arg2[%select_n3A, %add3A_1524, %dma_wait3A_1679, %dma_wait3A_1680] : memref<16x64x64x512xf32, #tpu.memory_space<hbm>> -> memref<1x1x64x512xf32, #tpu.memory_space<hbm>>
    %dma_wait3A_1682 = tpu.memref_squeeze %dma_wait3A_1681 : memref<1x1x64x512xf32, #tpu.memory_space<hbm>> -> memref<64x512xf32, #tpu.memory_space<hbm>>
    tpu.wait_dma2 semaphore(%arg7 : memref<!tpu.dma_semaphore, #tpu.memory_space<semaphore_mem>>) src(%dma_wait3A_1682 : memref<64x512xf32, #tpu.memory_space<hbm>>) dst(%dma_wait3A_1678 : memref<64x512xf32, #tpu.memory_space<vmem_shared>>)
    %add3A_1683 = arith.constant 23 : i32
    %add3A_1684 = arith.addi %mul3A_32, %add3A_1683 : i32
    %dma_start3A_1685 = arith.constant 2 : i32
    %dma_start3A_1686 = arith.constant 0 : i32
    %dma_start3A_1687 = arith.constant 0 : i32
    %dma_start3A_1688 = tpu.memref_slice %arg3[%select_n3A, %add3A_1684, %dma_start3A_1686, %dma_start3A_1687] : memref<16x64x64x512xf32, #tpu.memory_space<hbm>> -> memref<1x1x64x256xf32, #tpu.memory_space<hbm>>
    %dma_start3A_1689 = tpu.memref_squeeze %dma_start3A_1688 : memref<1x1x64x256xf32, #tpu.memory_space<hbm>> -> memref<64x256xf32, #tpu.memory_space<hbm>>
    %dma_start3A_1690 = arith.constant 0 : i32
    %dma_start3A_1691 = arith.constant 0 : i32
    %dma_start3A_1692 = tpu.memref_slice %arg4[%arg1, %dma_start3A_1685, %dma_start3A_1690, %dma_start3A_1691] : memref<16x3x64x512xf32, #tpu.memory_space<vmem_shared>> -> memref<1x1x64x512xf32, #tpu.memory_space<vmem_shared>>
    %dma_start3A_1693 = tpu.memref_squeeze %dma_start3A_1692 : memref<1x1x64x512xf32, #tpu.memory_space<vmem_shared>> -> memref<64x512xf32, #tpu.memory_space<vmem_shared>>
    %dma_start3A_1694 = arith.constant 0 : i32
    %dma_start3A_1695 = arith.constant 256 : i32
    %dma_start3A_1696 = tpu.memref_slice %dma_start3A_1693[%dma_start3A_1694, %dma_start3A_1695] : memref<64x512xf32, #tpu.memory_space<vmem_shared>> -> memref<64x256xf32, #tpu.memory_space<vmem_shared>>
    tpu.enqueue_dma source(%dma_start3A_1696 : memref<64x256xf32, #tpu.memory_space<vmem_shared>>) target(%dma_start3A_1689 : memref<64x256xf32, #tpu.memory_space<hbm>>) target_semaphore(%arg10 : memref<!tpu.dma_semaphore, #tpu.memory_space<semaphore_mem>>)
    %dma_start3A_1697 = arith.constant 2 : i32
    %dma_start3A_1698 = arith.constant 0 : i32
    %dma_start3A_1699 = arith.constant 256 : i32
    %dma_start3A_1700 = tpu.memref_slice %arg3[%select_n3A, %add3A_1684, %dma_start3A_1698, %dma_start3A_1699] : memref<16x64x64x512xf32, #tpu.memory_space<hbm>> -> memref<1x1x64x256xf32, #tpu.memory_space<hbm>>
    %dma_start3A_1701 = tpu.memref_squeeze %dma_start3A_1700 : memref<1x1x64x256xf32, #tpu.memory_space<hbm>> -> memref<64x256xf32, #tpu.memory_space<hbm>>
    %dma_start3A_1702 = arith.constant 0 : i32
    %dma_start3A_1703 = arith.constant 0 : i32
    %dma_start3A_1704 = tpu.memref_slice %arg4[%arg1, %dma_start3A_1697, %dma_start3A_1702, %dma_start3A_1703] : memref<16x3x64x512xf32, #tpu.memory_space<vmem_shared>> -> memref<1x1x64x512xf32, #tpu.memory_space<vmem_shared>>
    %dma_start3A_1705 = tpu.memref_squeeze %dma_start3A_1704 : memref<1x1x64x512xf32, #tpu.memory_space<vmem_shared>> -> memref<64x512xf32, #tpu.memory_space<vmem_shared>>
    %dma_start3A_1706 = arith.constant 0 : i32
    %dma_start3A_1707 = arith.constant 0 : i32
    %dma_start3A_1708 = tpu.memref_slice %dma_start3A_1705[%dma_start3A_1706, %dma_start3A_1707] : memref<64x512xf32, #tpu.memory_space<vmem_shared>> -> memref<64x256xf32, #tpu.memory_space<vmem_shared>>
    tpu.enqueue_dma source(%dma_start3A_1708 : memref<64x256xf32, #tpu.memory_space<vmem_shared>>) target(%dma_start3A_1701 : memref<64x256xf32, #tpu.memory_space<hbm>>) target_semaphore(%arg10 : memref<!tpu.dma_semaphore, #tpu.memory_space<semaphore_mem>>)
    %dma_wait3A_1709 = arith.constant 2 : i32
    %dma_wait3A_1710 = arith.constant 0 : i32
    %dma_wait3A_1711 = arith.constant 0 : i32
    %dma_wait3A_1712 = tpu.memref_slice %arg3[%select_n3A, %add3A_1684, %dma_wait3A_1710, %dma_wait3A_1711] : memref<16x64x64x512xf32, #tpu.memory_space<hbm>> -> memref<1x1x64x256xf32, #tpu.memory_space<hbm>>
    %dma_wait3A_1713 = tpu.memref_squeeze %dma_wait3A_1712 : memref<1x1x64x256xf32, #tpu.memory_space<hbm>> -> memref<64x256xf32, #tpu.memory_space<hbm>>
    %dma_wait3A_1714 = arith.constant 0 : i32
    %dma_wait3A_1715 = arith.constant 0 : i32
    %dma_wait3A_1716 = tpu.memref_slice %arg4[%arg1, %dma_wait3A_1709, %dma_wait3A_1714, %dma_wait3A_1715] : memref<16x3x64x512xf32, #tpu.memory_space<vmem_shared>> -> memref<1x1x64x512xf32, #tpu.memory_space<vmem_shared>>
    %dma_wait3A_1717 = tpu.memref_squeeze %dma_wait3A_1716 : memref<1x1x64x512xf32, #tpu.memory_space<vmem_shared>> -> memref<64x512xf32, #tpu.memory_space<vmem_shared>>
    %dma_wait3A_1718 = arith.constant 0 : i32
    %dma_wait3A_1719 = arith.constant 256 : i32
    %dma_wait3A_1720 = tpu.memref_slice %dma_wait3A_1717[%dma_wait3A_1718, %dma_wait3A_1719] : memref<64x512xf32, #tpu.memory_space<vmem_shared>> -> memref<64x256xf32, #tpu.memory_space<vmem_shared>>
    tpu.wait_dma2 semaphore(%arg10 : memref<!tpu.dma_semaphore, #tpu.memory_space<semaphore_mem>>) src(%dma_wait3A_1720 : memref<64x256xf32, #tpu.memory_space<vmem_shared>>) dst(%dma_wait3A_1713 : memref<64x256xf32, #tpu.memory_space<hbm>>)
    %dma_wait3A_1721 = arith.constant 2 : i32
    %dma_wait3A_1722 = arith.constant 0 : i32
    %dma_wait3A_1723 = arith.constant 256 : i32
    %dma_wait3A_1724 = tpu.memref_slice %arg3[%select_n3A, %add3A_1684, %dma_wait3A_1722, %dma_wait3A_1723] : memref<16x64x64x512xf32, #tpu.memory_space<hbm>> -> memref<1x1x64x256xf32, #tpu.memory_space<hbm>>
    %dma_wait3A_1725 = tpu.memref_squeeze %dma_wait3A_1724 : memref<1x1x64x256xf32, #tpu.memory_space<hbm>> -> memref<64x256xf32, #tpu.memory_space<hbm>>
    %dma_wait3A_1726 = arith.constant 0 : i32
    %dma_wait3A_1727 = arith.constant 0 : i32
    %dma_wait3A_1728 = tpu.memref_slice %arg4[%arg1, %dma_wait3A_1721, %dma_wait3A_1726, %dma_wait3A_1727] : memref<16x3x64x512xf32, #tpu.memory_space<vmem_shared>> -> memref<1x1x64x512xf32, #tpu.memory_space<vmem_shared>>
    %dma_wait3A_1729 = tpu.memref_squeeze %dma_wait3A_1728 : memref<1x1x64x512xf32, #tpu.memory_space<vmem_shared>> -> memref<64x512xf32, #tpu.memory_space<vmem_shared>>
    %dma_wait3A_1730 = arith.constant 0 : i32
    %dma_wait3A_1731 = arith.constant 0 : i32
    %dma_wait3A_1732 = tpu.memref_slice %dma_wait3A_1729[%dma_wait3A_1730, %dma_wait3A_1731] : memref<64x512xf32, #tpu.memory_space<vmem_shared>> -> memref<64x256xf32, #tpu.memory_space<vmem_shared>>
    tpu.wait_dma2 semaphore(%arg10 : memref<!tpu.dma_semaphore, #tpu.memory_space<semaphore_mem>>) src(%dma_wait3A_1732 : memref<64x256xf32, #tpu.memory_space<vmem_shared>>) dst(%dma_wait3A_1725 : memref<64x256xf32, #tpu.memory_space<hbm>>)
    %add3A_1733 = arith.constant 26 : i32
    %add3A_1734 = arith.addi %mul3A_32, %add3A_1733 : i32
    %dma_start3A_1735 = arith.constant 2 : i32
    %dma_start3A_1736 = arith.constant 0 : i32
    %dma_start3A_1737 = arith.constant 0 : i32
    %dma_start3A_1738 = tpu.memref_slice %arg4[%arg1, %dma_start3A_1735, %dma_start3A_1736, %dma_start3A_1737] : memref<16x3x64x512xf32, #tpu.memory_space<vmem_shared>> -> memref<1x1x64x512xf32, #tpu.memory_space<vmem_shared>>
    %dma_start3A_1739 = tpu.memref_squeeze %dma_start3A_1738 : memref<1x1x64x512xf32, #tpu.memory_space<vmem_shared>> -> memref<64x512xf32, #tpu.memory_space<vmem_shared>>
    %dma_start3A_1740 = arith.constant 0 : i32
    %dma_start3A_1741 = arith.constant 0 : i32
    %dma_start3A_1742 = tpu.memref_slice %arg2[%select_n3A, %add3A_1734, %dma_start3A_1740, %dma_start3A_1741] : memref<16x64x64x512xf32, #tpu.memory_space<hbm>> -> memref<1x1x64x512xf32, #tpu.memory_space<hbm>>
    %dma_start3A_1743 = tpu.memref_squeeze %dma_start3A_1742 : memref<1x1x64x512xf32, #tpu.memory_space<hbm>> -> memref<64x512xf32, #tpu.memory_space<hbm>>
    tpu.enqueue_dma source(%dma_start3A_1743 : memref<64x512xf32, #tpu.memory_space<hbm>>) target(%dma_start3A_1739 : memref<64x512xf32, #tpu.memory_space<vmem_shared>>) target_semaphore(%arg7 : memref<!tpu.dma_semaphore, #tpu.memory_space<semaphore_mem>>)
    %dma_wait3A_1744 = arith.constant 0 : i32
    %dma_wait3A_1745 = arith.constant 0 : i32
    %dma_wait3A_1746 = arith.constant 0 : i32
    %dma_wait3A_1747 = tpu.memref_slice %arg4[%arg1, %dma_wait3A_1744, %dma_wait3A_1745, %dma_wait3A_1746] : memref<16x3x64x512xf32, #tpu.memory_space<vmem_shared>> -> memref<1x1x64x512xf32, #tpu.memory_space<vmem_shared>>
    %dma_wait3A_1748 = tpu.memref_squeeze %dma_wait3A_1747 : memref<1x1x64x512xf32, #tpu.memory_space<vmem_shared>> -> memref<64x512xf32, #tpu.memory_space<vmem_shared>>
    %dma_wait3A_1749 = arith.constant 0 : i32
    %dma_wait3A_1750 = arith.constant 0 : i32
    %dma_wait3A_1751 = tpu.memref_slice %arg2[%select_n3A, %add3A_1594, %dma_wait3A_1749, %dma_wait3A_1750] : memref<16x64x64x512xf32, #tpu.memory_space<hbm>> -> memref<1x1x64x512xf32, #tpu.memory_space<hbm>>
    %dma_wait3A_1752 = tpu.memref_squeeze %dma_wait3A_1751 : memref<1x1x64x512xf32, #tpu.memory_space<hbm>> -> memref<64x512xf32, #tpu.memory_space<hbm>>
    tpu.wait_dma2 semaphore(%arg5 : memref<!tpu.dma_semaphore, #tpu.memory_space<semaphore_mem>>) src(%dma_wait3A_1752 : memref<64x512xf32, #tpu.memory_space<hbm>>) dst(%dma_wait3A_1748 : memref<64x512xf32, #tpu.memory_space<vmem_shared>>)
    %add3A_1753 = arith.constant 24 : i32
    %add3A_1754 = arith.addi %mul3A_32, %add3A_1753 : i32
    %dma_start3A_1755 = arith.constant 0 : i32
    %dma_start3A_1756 = arith.constant 0 : i32
    %dma_start3A_1757 = arith.constant 0 : i32
    %dma_start3A_1758 = tpu.memref_slice %arg3[%select_n3A, %add3A_1754, %dma_start3A_1756, %dma_start3A_1757] : memref<16x64x64x512xf32, #tpu.memory_space<hbm>> -> memref<1x1x64x256xf32, #tpu.memory_space<hbm>>
    %dma_start3A_1759 = tpu.memref_squeeze %dma_start3A_1758 : memref<1x1x64x256xf32, #tpu.memory_space<hbm>> -> memref<64x256xf32, #tpu.memory_space<hbm>>
    %dma_start3A_1760 = arith.constant 0 : i32
    %dma_start3A_1761 = arith.constant 0 : i32
    %dma_start3A_1762 = tpu.memref_slice %arg4[%arg1, %dma_start3A_1755, %dma_start3A_1760, %dma_start3A_1761] : memref<16x3x64x512xf32, #tpu.memory_space<vmem_shared>> -> memref<1x1x64x512xf32, #tpu.memory_space<vmem_shared>>
    %dma_start3A_1763 = tpu.memref_squeeze %dma_start3A_1762 : memref<1x1x64x512xf32, #tpu.memory_space<vmem_shared>> -> memref<64x512xf32, #tpu.memory_space<vmem_shared>>
    %dma_start3A_1764 = arith.constant 0 : i32
    %dma_start3A_1765 = arith.constant 256 : i32
    %dma_start3A_1766 = tpu.memref_slice %dma_start3A_1763[%dma_start3A_1764, %dma_start3A_1765] : memref<64x512xf32, #tpu.memory_space<vmem_shared>> -> memref<64x256xf32, #tpu.memory_space<vmem_shared>>
    tpu.enqueue_dma source(%dma_start3A_1766 : memref<64x256xf32, #tpu.memory_space<vmem_shared>>) target(%dma_start3A_1759 : memref<64x256xf32, #tpu.memory_space<hbm>>) target_semaphore(%arg8 : memref<!tpu.dma_semaphore, #tpu.memory_space<semaphore_mem>>)
    %dma_start3A_1767 = arith.constant 0 : i32
    %dma_start3A_1768 = arith.constant 0 : i32
    %dma_start3A_1769 = arith.constant 256 : i32
    %dma_start3A_1770 = tpu.memref_slice %arg3[%select_n3A, %add3A_1754, %dma_start3A_1768, %dma_start3A_1769] : memref<16x64x64x512xf32, #tpu.memory_space<hbm>> -> memref<1x1x64x256xf32, #tpu.memory_space<hbm>>
    %dma_start3A_1771 = tpu.memref_squeeze %dma_start3A_1770 : memref<1x1x64x256xf32, #tpu.memory_space<hbm>> -> memref<64x256xf32, #tpu.memory_space<hbm>>
    %dma_start3A_1772 = arith.constant 0 : i32
    %dma_start3A_1773 = arith.constant 0 : i32
    %dma_start3A_1774 = tpu.memref_slice %arg4[%arg1, %dma_start3A_1767, %dma_start3A_1772, %dma_start3A_1773] : memref<16x3x64x512xf32, #tpu.memory_space<vmem_shared>> -> memref<1x1x64x512xf32, #tpu.memory_space<vmem_shared>>
    %dma_start3A_1775 = tpu.memref_squeeze %dma_start3A_1774 : memref<1x1x64x512xf32, #tpu.memory_space<vmem_shared>> -> memref<64x512xf32, #tpu.memory_space<vmem_shared>>
    %dma_start3A_1776 = arith.constant 0 : i32
    %dma_start3A_1777 = arith.constant 0 : i32
    %dma_start3A_1778 = tpu.memref_slice %dma_start3A_1775[%dma_start3A_1776, %dma_start3A_1777] : memref<64x512xf32, #tpu.memory_space<vmem_shared>> -> memref<64x256xf32, #tpu.memory_space<vmem_shared>>
    tpu.enqueue_dma source(%dma_start3A_1778 : memref<64x256xf32, #tpu.memory_space<vmem_shared>>) target(%dma_start3A_1771 : memref<64x256xf32, #tpu.memory_space<hbm>>) target_semaphore(%arg8 : memref<!tpu.dma_semaphore, #tpu.memory_space<semaphore_mem>>)
    %dma_wait3A_1779 = arith.constant 0 : i32
    %dma_wait3A_1780 = arith.constant 0 : i32
    %dma_wait3A_1781 = arith.constant 0 : i32
    %dma_wait3A_1782 = tpu.memref_slice %arg3[%select_n3A, %add3A_1754, %dma_wait3A_1780, %dma_wait3A_1781] : memref<16x64x64x512xf32, #tpu.memory_space<hbm>> -> memref<1x1x64x256xf32, #tpu.memory_space<hbm>>
    %dma_wait3A_1783 = tpu.memref_squeeze %dma_wait3A_1782 : memref<1x1x64x256xf32, #tpu.memory_space<hbm>> -> memref<64x256xf32, #tpu.memory_space<hbm>>
    %dma_wait3A_1784 = arith.constant 0 : i32
    %dma_wait3A_1785 = arith.constant 0 : i32
    %dma_wait3A_1786 = tpu.memref_slice %arg4[%arg1, %dma_wait3A_1779, %dma_wait3A_1784, %dma_wait3A_1785] : memref<16x3x64x512xf32, #tpu.memory_space<vmem_shared>> -> memref<1x1x64x512xf32, #tpu.memory_space<vmem_shared>>
    %dma_wait3A_1787 = tpu.memref_squeeze %dma_wait3A_1786 : memref<1x1x64x512xf32, #tpu.memory_space<vmem_shared>> -> memref<64x512xf32, #tpu.memory_space<vmem_shared>>
    %dma_wait3A_1788 = arith.constant 0 : i32
    %dma_wait3A_1789 = arith.constant 256 : i32
    %dma_wait3A_1790 = tpu.memref_slice %dma_wait3A_1787[%dma_wait3A_1788, %dma_wait3A_1789] : memref<64x512xf32, #tpu.memory_space<vmem_shared>> -> memref<64x256xf32, #tpu.memory_space<vmem_shared>>
    tpu.wait_dma2 semaphore(%arg8 : memref<!tpu.dma_semaphore, #tpu.memory_space<semaphore_mem>>) src(%dma_wait3A_1790 : memref<64x256xf32, #tpu.memory_space<vmem_shared>>) dst(%dma_wait3A_1783 : memref<64x256xf32, #tpu.memory_space<hbm>>)
    %dma_wait3A_1791 = arith.constant 0 : i32
    %dma_wait3A_1792 = arith.constant 0 : i32
    %dma_wait3A_1793 = arith.constant 256 : i32
    %dma_wait3A_1794 = tpu.memref_slice %arg3[%select_n3A, %add3A_1754, %dma_wait3A_1792, %dma_wait3A_1793] : memref<16x64x64x512xf32, #tpu.memory_space<hbm>> -> memref<1x1x64x256xf32, #tpu.memory_space<hbm>>
    %dma_wait3A_1795 = tpu.memref_squeeze %dma_wait3A_1794 : memref<1x1x64x256xf32, #tpu.memory_space<hbm>> -> memref<64x256xf32, #tpu.memory_space<hbm>>
    %dma_wait3A_1796 = arith.constant 0 : i32
    %dma_wait3A_1797 = arith.constant 0 : i32
    %dma_wait3A_1798 = tpu.memref_slice %arg4[%arg1, %dma_wait3A_1791, %dma_wait3A_1796, %dma_wait3A_1797] : memref<16x3x64x512xf32, #tpu.memory_space<vmem_shared>> -> memref<1x1x64x512xf32, #tpu.memory_space<vmem_shared>>
    %dma_wait3A_1799 = tpu.memref_squeeze %dma_wait3A_1798 : memref<1x1x64x512xf32, #tpu.memory_space<vmem_shared>> -> memref<64x512xf32, #tpu.memory_space<vmem_shared>>
    %dma_wait3A_1800 = arith.constant 0 : i32
    %dma_wait3A_1801 = arith.constant 0 : i32
    %dma_wait3A_1802 = tpu.memref_slice %dma_wait3A_1799[%dma_wait3A_1800, %dma_wait3A_1801] : memref<64x512xf32, #tpu.memory_space<vmem_shared>> -> memref<64x256xf32, #tpu.memory_space<vmem_shared>>
    tpu.wait_dma2 semaphore(%arg8 : memref<!tpu.dma_semaphore, #tpu.memory_space<semaphore_mem>>) src(%dma_wait3A_1802 : memref<64x256xf32, #tpu.memory_space<vmem_shared>>) dst(%dma_wait3A_1795 : memref<64x256xf32, #tpu.memory_space<hbm>>)
    %add3A_1803 = arith.constant 27 : i32
    %add3A_1804 = arith.addi %mul3A_32, %add3A_1803 : i32
    %dma_start3A_1805 = arith.constant 0 : i32
    %dma_start3A_1806 = arith.constant 0 : i32
    %dma_start3A_1807 = arith.constant 0 : i32
    %dma_start3A_1808 = tpu.memref_slice %arg4[%arg1, %dma_start3A_1805, %dma_start3A_1806, %dma_start3A_1807] : memref<16x3x64x512xf32, #tpu.memory_space<vmem_shared>> -> memref<1x1x64x512xf32, #tpu.memory_space<vmem_shared>>
    %dma_start3A_1809 = tpu.memref_squeeze %dma_start3A_1808 : memref<1x1x64x512xf32, #tpu.memory_space<vmem_shared>> -> memref<64x512xf32, #tpu.memory_space<vmem_shared>>
    %dma_start3A_1810 = arith.constant 0 : i32
    %dma_start3A_1811 = arith.constant 0 : i32
    %dma_start3A_1812 = tpu.memref_slice %arg2[%select_n3A, %add3A_1804, %dma_start3A_1810, %dma_start3A_1811] : memref<16x64x64x512xf32, #tpu.memory_space<hbm>> -> memref<1x1x64x512xf32, #tpu.memory_space<hbm>>
    %dma_start3A_1813 = tpu.memref_squeeze %dma_start3A_1812 : memref<1x1x64x512xf32, #tpu.memory_space<hbm>> -> memref<64x512xf32, #tpu.memory_space<hbm>>
    tpu.enqueue_dma source(%dma_start3A_1813 : memref<64x512xf32, #tpu.memory_space<hbm>>) target(%dma_start3A_1809 : memref<64x512xf32, #tpu.memory_space<vmem_shared>>) target_semaphore(%arg5 : memref<!tpu.dma_semaphore, #tpu.memory_space<semaphore_mem>>)
    %dma_wait3A_1814 = arith.constant 1 : i32
    %dma_wait3A_1815 = arith.constant 0 : i32
    %dma_wait3A_1816 = arith.constant 0 : i32
    %dma_wait3A_1817 = tpu.memref_slice %arg4[%arg1, %dma_wait3A_1814, %dma_wait3A_1815, %dma_wait3A_1816] : memref<16x3x64x512xf32, #tpu.memory_space<vmem_shared>> -> memref<1x1x64x512xf32, #tpu.memory_space<vmem_shared>>
    %dma_wait3A_1818 = tpu.memref_squeeze %dma_wait3A_1817 : memref<1x1x64x512xf32, #tpu.memory_space<vmem_shared>> -> memref<64x512xf32, #tpu.memory_space<vmem_shared>>
    %dma_wait3A_1819 = arith.constant 0 : i32
    %dma_wait3A_1820 = arith.constant 0 : i32
    %dma_wait3A_1821 = tpu.memref_slice %arg2[%select_n3A, %add3A_1664, %dma_wait3A_1819, %dma_wait3A_1820] : memref<16x64x64x512xf32, #tpu.memory_space<hbm>> -> memref<1x1x64x512xf32, #tpu.memory_space<hbm>>
    %dma_wait3A_1822 = tpu.memref_squeeze %dma_wait3A_1821 : memref<1x1x64x512xf32, #tpu.memory_space<hbm>> -> memref<64x512xf32, #tpu.memory_space<hbm>>
    tpu.wait_dma2 semaphore(%arg6 : memref<!tpu.dma_semaphore, #tpu.memory_space<semaphore_mem>>) src(%dma_wait3A_1822 : memref<64x512xf32, #tpu.memory_space<hbm>>) dst(%dma_wait3A_1818 : memref<64x512xf32, #tpu.memory_space<vmem_shared>>)
    %add3A_1823 = arith.constant 25 : i32
    %add3A_1824 = arith.addi %mul3A_32, %add3A_1823 : i32
    %dma_start3A_1825 = arith.constant 1 : i32
    %dma_start3A_1826 = arith.constant 0 : i32
    %dma_start3A_1827 = arith.constant 0 : i32
    %dma_start3A_1828 = tpu.memref_slice %arg3[%select_n3A, %add3A_1824, %dma_start3A_1826, %dma_start3A_1827] : memref<16x64x64x512xf32, #tpu.memory_space<hbm>> -> memref<1x1x64x256xf32, #tpu.memory_space<hbm>>
    %dma_start3A_1829 = tpu.memref_squeeze %dma_start3A_1828 : memref<1x1x64x256xf32, #tpu.memory_space<hbm>> -> memref<64x256xf32, #tpu.memory_space<hbm>>
    %dma_start3A_1830 = arith.constant 0 : i32
    %dma_start3A_1831 = arith.constant 0 : i32
    %dma_start3A_1832 = tpu.memref_slice %arg4[%arg1, %dma_start3A_1825, %dma_start3A_1830, %dma_start3A_1831] : memref<16x3x64x512xf32, #tpu.memory_space<vmem_shared>> -> memref<1x1x64x512xf32, #tpu.memory_space<vmem_shared>>
    %dma_start3A_1833 = tpu.memref_squeeze %dma_start3A_1832 : memref<1x1x64x512xf32, #tpu.memory_space<vmem_shared>> -> memref<64x512xf32, #tpu.memory_space<vmem_shared>>
    %dma_start3A_1834 = arith.constant 0 : i32
    %dma_start3A_1835 = arith.constant 256 : i32
    %dma_start3A_1836 = tpu.memref_slice %dma_start3A_1833[%dma_start3A_1834, %dma_start3A_1835] : memref<64x512xf32, #tpu.memory_space<vmem_shared>> -> memref<64x256xf32, #tpu.memory_space<vmem_shared>>
    tpu.enqueue_dma source(%dma_start3A_1836 : memref<64x256xf32, #tpu.memory_space<vmem_shared>>) target(%dma_start3A_1829 : memref<64x256xf32, #tpu.memory_space<hbm>>) target_semaphore(%arg9 : memref<!tpu.dma_semaphore, #tpu.memory_space<semaphore_mem>>)
    %dma_start3A_1837 = arith.constant 1 : i32
    %dma_start3A_1838 = arith.constant 0 : i32
    %dma_start3A_1839 = arith.constant 256 : i32
    %dma_start3A_1840 = tpu.memref_slice %arg3[%select_n3A, %add3A_1824, %dma_start3A_1838, %dma_start3A_1839] : memref<16x64x64x512xf32, #tpu.memory_space<hbm>> -> memref<1x1x64x256xf32, #tpu.memory_space<hbm>>
    %dma_start3A_1841 = tpu.memref_squeeze %dma_start3A_1840 : memref<1x1x64x256xf32, #tpu.memory_space<hbm>> -> memref<64x256xf32, #tpu.memory_space<hbm>>
    %dma_start3A_1842 = arith.constant 0 : i32
    %dma_start3A_1843 = arith.constant 0 : i32
    %dma_start3A_1844 = tpu.memref_slice %arg4[%arg1, %dma_start3A_1837, %dma_start3A_1842, %dma_start3A_1843] : memref<16x3x64x512xf32, #tpu.memory_space<vmem_shared>> -> memref<1x1x64x512xf32, #tpu.memory_space<vmem_shared>>
    %dma_start3A_1845 = tpu.memref_squeeze %dma_start3A_1844 : memref<1x1x64x512xf32, #tpu.memory_space<vmem_shared>> -> memref<64x512xf32, #tpu.memory_space<vmem_shared>>
    %dma_start3A_1846 = arith.constant 0 : i32
    %dma_start3A_1847 = arith.constant 0 : i32
    %dma_start3A_1848 = tpu.memref_slice %dma_start3A_1845[%dma_start3A_1846, %dma_start3A_1847] : memref<64x512xf32, #tpu.memory_space<vmem_shared>> -> memref<64x256xf32, #tpu.memory_space<vmem_shared>>
    tpu.enqueue_dma source(%dma_start3A_1848 : memref<64x256xf32, #tpu.memory_space<vmem_shared>>) target(%dma_start3A_1841 : memref<64x256xf32, #tpu.memory_space<hbm>>) target_semaphore(%arg9 : memref<!tpu.dma_semaphore, #tpu.memory_space<semaphore_mem>>)
    %dma_wait3A_1849 = arith.constant 1 : i32
    %dma_wait3A_1850 = arith.constant 0 : i32
    %dma_wait3A_1851 = arith.constant 0 : i32
    %dma_wait3A_1852 = tpu.memref_slice %arg3[%select_n3A, %add3A_1824, %dma_wait3A_1850, %dma_wait3A_1851] : memref<16x64x64x512xf32, #tpu.memory_space<hbm>> -> memref<1x1x64x256xf32, #tpu.memory_space<hbm>>
    %dma_wait3A_1853 = tpu.memref_squeeze %dma_wait3A_1852 : memref<1x1x64x256xf32, #tpu.memory_space<hbm>> -> memref<64x256xf32, #tpu.memory_space<hbm>>
    %dma_wait3A_1854 = arith.constant 0 : i32
    %dma_wait3A_1855 = arith.constant 0 : i32
    %dma_wait3A_1856 = tpu.memref_slice %arg4[%arg1, %dma_wait3A_1849, %dma_wait3A_1854, %dma_wait3A_1855] : memref<16x3x64x512xf32, #tpu.memory_space<vmem_shared>> -> memref<1x1x64x512xf32, #tpu.memory_space<vmem_shared>>
    %dma_wait3A_1857 = tpu.memref_squeeze %dma_wait3A_1856 : memref<1x1x64x512xf32, #tpu.memory_space<vmem_shared>> -> memref<64x512xf32, #tpu.memory_space<vmem_shared>>
    %dma_wait3A_1858 = arith.constant 0 : i32
    %dma_wait3A_1859 = arith.constant 256 : i32
    %dma_wait3A_1860 = tpu.memref_slice %dma_wait3A_1857[%dma_wait3A_1858, %dma_wait3A_1859] : memref<64x512xf32, #tpu.memory_space<vmem_shared>> -> memref<64x256xf32, #tpu.memory_space<vmem_shared>>
    tpu.wait_dma2 semaphore(%arg9 : memref<!tpu.dma_semaphore, #tpu.memory_space<semaphore_mem>>) src(%dma_wait3A_1860 : memref<64x256xf32, #tpu.memory_space<vmem_shared>>) dst(%dma_wait3A_1853 : memref<64x256xf32, #tpu.memory_space<hbm>>)
    %dma_wait3A_1861 = arith.constant 1 : i32
    %dma_wait3A_1862 = arith.constant 0 : i32
    %dma_wait3A_1863 = arith.constant 256 : i32
    %dma_wait3A_1864 = tpu.memref_slice %arg3[%select_n3A, %add3A_1824, %dma_wait3A_1862, %dma_wait3A_1863] : memref<16x64x64x512xf32, #tpu.memory_space<hbm>> -> memref<1x1x64x256xf32, #tpu.memory_space<hbm>>
    %dma_wait3A_1865 = tpu.memref_squeeze %dma_wait3A_1864 : memref<1x1x64x256xf32, #tpu.memory_space<hbm>> -> memref<64x256xf32, #tpu.memory_space<hbm>>
    %dma_wait3A_1866 = arith.constant 0 : i32
    %dma_wait3A_1867 = arith.constant 0 : i32
    %dma_wait3A_1868 = tpu.memref_slice %arg4[%arg1, %dma_wait3A_1861, %dma_wait3A_1866, %dma_wait3A_1867] : memref<16x3x64x512xf32, #tpu.memory_space<vmem_shared>> -> memref<1x1x64x512xf32, #tpu.memory_space<vmem_shared>>
    %dma_wait3A_1869 = tpu.memref_squeeze %dma_wait3A_1868 : memref<1x1x64x512xf32, #tpu.memory_space<vmem_shared>> -> memref<64x512xf32, #tpu.memory_space<vmem_shared>>
    %dma_wait3A_1870 = arith.constant 0 : i32
    %dma_wait3A_1871 = arith.constant 0 : i32
    %dma_wait3A_1872 = tpu.memref_slice %dma_wait3A_1869[%dma_wait3A_1870, %dma_wait3A_1871] : memref<64x512xf32, #tpu.memory_space<vmem_shared>> -> memref<64x256xf32, #tpu.memory_space<vmem_shared>>
    tpu.wait_dma2 semaphore(%arg9 : memref<!tpu.dma_semaphore, #tpu.memory_space<semaphore_mem>>) src(%dma_wait3A_1872 : memref<64x256xf32, #tpu.memory_space<vmem_shared>>) dst(%dma_wait3A_1865 : memref<64x256xf32, #tpu.memory_space<hbm>>)
    %add3A_1873 = arith.constant 28 : i32
    %add3A_1874 = arith.addi %mul3A_32, %add3A_1873 : i32
    %dma_start3A_1875 = arith.constant 1 : i32
    %dma_start3A_1876 = arith.constant 0 : i32
    %dma_start3A_1877 = arith.constant 0 : i32
    %dma_start3A_1878 = tpu.memref_slice %arg4[%arg1, %dma_start3A_1875, %dma_start3A_1876, %dma_start3A_1877] : memref<16x3x64x512xf32, #tpu.memory_space<vmem_shared>> -> memref<1x1x64x512xf32, #tpu.memory_space<vmem_shared>>
    %dma_start3A_1879 = tpu.memref_squeeze %dma_start3A_1878 : memref<1x1x64x512xf32, #tpu.memory_space<vmem_shared>> -> memref<64x512xf32, #tpu.memory_space<vmem_shared>>
    %dma_start3A_1880 = arith.constant 0 : i32
    %dma_start3A_1881 = arith.constant 0 : i32
    %dma_start3A_1882 = tpu.memref_slice %arg2[%select_n3A, %add3A_1874, %dma_start3A_1880, %dma_start3A_1881] : memref<16x64x64x512xf32, #tpu.memory_space<hbm>> -> memref<1x1x64x512xf32, #tpu.memory_space<hbm>>
    %dma_start3A_1883 = tpu.memref_squeeze %dma_start3A_1882 : memref<1x1x64x512xf32, #tpu.memory_space<hbm>> -> memref<64x512xf32, #tpu.memory_space<hbm>>
    tpu.enqueue_dma source(%dma_start3A_1883 : memref<64x512xf32, #tpu.memory_space<hbm>>) target(%dma_start3A_1879 : memref<64x512xf32, #tpu.memory_space<vmem_shared>>) target_semaphore(%arg6 : memref<!tpu.dma_semaphore, #tpu.memory_space<semaphore_mem>>)
    %dma_wait3A_1884 = arith.constant 2 : i32
    %dma_wait3A_1885 = arith.constant 0 : i32
    %dma_wait3A_1886 = arith.constant 0 : i32
    %dma_wait3A_1887 = tpu.memref_slice %arg4[%arg1, %dma_wait3A_1884, %dma_wait3A_1885, %dma_wait3A_1886] : memref<16x3x64x512xf32, #tpu.memory_space<vmem_shared>> -> memref<1x1x64x512xf32, #tpu.memory_space<vmem_shared>>
    %dma_wait3A_1888 = tpu.memref_squeeze %dma_wait3A_1887 : memref<1x1x64x512xf32, #tpu.memory_space<vmem_shared>> -> memref<64x512xf32, #tpu.memory_space<vmem_shared>>
    %dma_wait3A_1889 = arith.constant 0 : i32
    %dma_wait3A_1890 = arith.constant 0 : i32
    %dma_wait3A_1891 = tpu.memref_slice %arg2[%select_n3A, %add3A_1734, %dma_wait3A_1889, %dma_wait3A_1890] : memref<16x64x64x512xf32, #tpu.memory_space<hbm>> -> memref<1x1x64x512xf32, #tpu.memory_space<hbm>>
    %dma_wait3A_1892 = tpu.memref_squeeze %dma_wait3A_1891 : memref<1x1x64x512xf32, #tpu.memory_space<hbm>> -> memref<64x512xf32, #tpu.memory_space<hbm>>
    tpu.wait_dma2 semaphore(%arg7 : memref<!tpu.dma_semaphore, #tpu.memory_space<semaphore_mem>>) src(%dma_wait3A_1892 : memref<64x512xf32, #tpu.memory_space<hbm>>) dst(%dma_wait3A_1888 : memref<64x512xf32, #tpu.memory_space<vmem_shared>>)
    %add3A_1893 = arith.constant 26 : i32
    %add3A_1894 = arith.addi %mul3A_32, %add3A_1893 : i32
    %dma_start3A_1895 = arith.constant 2 : i32
    %dma_start3A_1896 = arith.constant 0 : i32
    %dma_start3A_1897 = arith.constant 0 : i32
    %dma_start3A_1898 = tpu.memref_slice %arg3[%select_n3A, %add3A_1894, %dma_start3A_1896, %dma_start3A_1897] : memref<16x64x64x512xf32, #tpu.memory_space<hbm>> -> memref<1x1x64x256xf32, #tpu.memory_space<hbm>>
    %dma_start3A_1899 = tpu.memref_squeeze %dma_start3A_1898 : memref<1x1x64x256xf32, #tpu.memory_space<hbm>> -> memref<64x256xf32, #tpu.memory_space<hbm>>
    %dma_start3A_1900 = arith.constant 0 : i32
    %dma_start3A_1901 = arith.constant 0 : i32
    %dma_start3A_1902 = tpu.memref_slice %arg4[%arg1, %dma_start3A_1895, %dma_start3A_1900, %dma_start3A_1901] : memref<16x3x64x512xf32, #tpu.memory_space<vmem_shared>> -> memref<1x1x64x512xf32, #tpu.memory_space<vmem_shared>>
    %dma_start3A_1903 = tpu.memref_squeeze %dma_start3A_1902 : memref<1x1x64x512xf32, #tpu.memory_space<vmem_shared>> -> memref<64x512xf32, #tpu.memory_space<vmem_shared>>
    %dma_start3A_1904 = arith.constant 0 : i32
    %dma_start3A_1905 = arith.constant 256 : i32
    %dma_start3A_1906 = tpu.memref_slice %dma_start3A_1903[%dma_start3A_1904, %dma_start3A_1905] : memref<64x512xf32, #tpu.memory_space<vmem_shared>> -> memref<64x256xf32, #tpu.memory_space<vmem_shared>>
    tpu.enqueue_dma source(%dma_start3A_1906 : memref<64x256xf32, #tpu.memory_space<vmem_shared>>) target(%dma_start3A_1899 : memref<64x256xf32, #tpu.memory_space<hbm>>) target_semaphore(%arg10 : memref<!tpu.dma_semaphore, #tpu.memory_space<semaphore_mem>>)
    %dma_start3A_1907 = arith.constant 2 : i32
    %dma_start3A_1908 = arith.constant 0 : i32
    %dma_start3A_1909 = arith.constant 256 : i32
    %dma_start3A_1910 = tpu.memref_slice %arg3[%select_n3A, %add3A_1894, %dma_start3A_1908, %dma_start3A_1909] : memref<16x64x64x512xf32, #tpu.memory_space<hbm>> -> memref<1x1x64x256xf32, #tpu.memory_space<hbm>>
    %dma_start3A_1911 = tpu.memref_squeeze %dma_start3A_1910 : memref<1x1x64x256xf32, #tpu.memory_space<hbm>> -> memref<64x256xf32, #tpu.memory_space<hbm>>
    %dma_start3A_1912 = arith.constant 0 : i32
    %dma_start3A_1913 = arith.constant 0 : i32
    %dma_start3A_1914 = tpu.memref_slice %arg4[%arg1, %dma_start3A_1907, %dma_start3A_1912, %dma_start3A_1913] : memref<16x3x64x512xf32, #tpu.memory_space<vmem_shared>> -> memref<1x1x64x512xf32, #tpu.memory_space<vmem_shared>>
    %dma_start3A_1915 = tpu.memref_squeeze %dma_start3A_1914 : memref<1x1x64x512xf32, #tpu.memory_space<vmem_shared>> -> memref<64x512xf32, #tpu.memory_space<vmem_shared>>
    %dma_start3A_1916 = arith.constant 0 : i32
    %dma_start3A_1917 = arith.constant 0 : i32
    %dma_start3A_1918 = tpu.memref_slice %dma_start3A_1915[%dma_start3A_1916, %dma_start3A_1917] : memref<64x512xf32, #tpu.memory_space<vmem_shared>> -> memref<64x256xf32, #tpu.memory_space<vmem_shared>>
    tpu.enqueue_dma source(%dma_start3A_1918 : memref<64x256xf32, #tpu.memory_space<vmem_shared>>) target(%dma_start3A_1911 : memref<64x256xf32, #tpu.memory_space<hbm>>) target_semaphore(%arg10 : memref<!tpu.dma_semaphore, #tpu.memory_space<semaphore_mem>>)
    %dma_wait3A_1919 = arith.constant 2 : i32
    %dma_wait3A_1920 = arith.constant 0 : i32
    %dma_wait3A_1921 = arith.constant 0 : i32
    %dma_wait3A_1922 = tpu.memref_slice %arg3[%select_n3A, %add3A_1894, %dma_wait3A_1920, %dma_wait3A_1921] : memref<16x64x64x512xf32, #tpu.memory_space<hbm>> -> memref<1x1x64x256xf32, #tpu.memory_space<hbm>>
    %dma_wait3A_1923 = tpu.memref_squeeze %dma_wait3A_1922 : memref<1x1x64x256xf32, #tpu.memory_space<hbm>> -> memref<64x256xf32, #tpu.memory_space<hbm>>
    %dma_wait3A_1924 = arith.constant 0 : i32
    %dma_wait3A_1925 = arith.constant 0 : i32
    %dma_wait3A_1926 = tpu.memref_slice %arg4[%arg1, %dma_wait3A_1919, %dma_wait3A_1924, %dma_wait3A_1925] : memref<16x3x64x512xf32, #tpu.memory_space<vmem_shared>> -> memref<1x1x64x512xf32, #tpu.memory_space<vmem_shared>>
    %dma_wait3A_1927 = tpu.memref_squeeze %dma_wait3A_1926 : memref<1x1x64x512xf32, #tpu.memory_space<vmem_shared>> -> memref<64x512xf32, #tpu.memory_space<vmem_shared>>
    %dma_wait3A_1928 = arith.constant 0 : i32
    %dma_wait3A_1929 = arith.constant 256 : i32
    %dma_wait3A_1930 = tpu.memref_slice %dma_wait3A_1927[%dma_wait3A_1928, %dma_wait3A_1929] : memref<64x512xf32, #tpu.memory_space<vmem_shared>> -> memref<64x256xf32, #tpu.memory_space<vmem_shared>>
    tpu.wait_dma2 semaphore(%arg10 : memref<!tpu.dma_semaphore, #tpu.memory_space<semaphore_mem>>) src(%dma_wait3A_1930 : memref<64x256xf32, #tpu.memory_space<vmem_shared>>) dst(%dma_wait3A_1923 : memref<64x256xf32, #tpu.memory_space<hbm>>)
    %dma_wait3A_1931 = arith.constant 2 : i32
    %dma_wait3A_1932 = arith.constant 0 : i32
    %dma_wait3A_1933 = arith.constant 256 : i32
    %dma_wait3A_1934 = tpu.memref_slice %arg3[%select_n3A, %add3A_1894, %dma_wait3A_1932, %dma_wait3A_1933] : memref<16x64x64x512xf32, #tpu.memory_space<hbm>> -> memref<1x1x64x256xf32, #tpu.memory_space<hbm>>
    %dma_wait3A_1935 = tpu.memref_squeeze %dma_wait3A_1934 : memref<1x1x64x256xf32, #tpu.memory_space<hbm>> -> memref<64x256xf32, #tpu.memory_space<hbm>>
    %dma_wait3A_1936 = arith.constant 0 : i32
    %dma_wait3A_1937 = arith.constant 0 : i32
    %dma_wait3A_1938 = tpu.memref_slice %arg4[%arg1, %dma_wait3A_1931, %dma_wait3A_1936, %dma_wait3A_1937] : memref<16x3x64x512xf32, #tpu.memory_space<vmem_shared>> -> memref<1x1x64x512xf32, #tpu.memory_space<vmem_shared>>
    %dma_wait3A_1939 = tpu.memref_squeeze %dma_wait3A_1938 : memref<1x1x64x512xf32, #tpu.memory_space<vmem_shared>> -> memref<64x512xf32, #tpu.memory_space<vmem_shared>>
    %dma_wait3A_1940 = arith.constant 0 : i32
    %dma_wait3A_1941 = arith.constant 0 : i32
    %dma_wait3A_1942 = tpu.memref_slice %dma_wait3A_1939[%dma_wait3A_1940, %dma_wait3A_1941] : memref<64x512xf32, #tpu.memory_space<vmem_shared>> -> memref<64x256xf32, #tpu.memory_space<vmem_shared>>
    tpu.wait_dma2 semaphore(%arg10 : memref<!tpu.dma_semaphore, #tpu.memory_space<semaphore_mem>>) src(%dma_wait3A_1942 : memref<64x256xf32, #tpu.memory_space<vmem_shared>>) dst(%dma_wait3A_1935 : memref<64x256xf32, #tpu.memory_space<hbm>>)
    %add3A_1943 = arith.constant 29 : i32
    %add3A_1944 = arith.addi %mul3A_32, %add3A_1943 : i32
    %dma_start3A_1945 = arith.constant 2 : i32
    %dma_start3A_1946 = arith.constant 0 : i32
    %dma_start3A_1947 = arith.constant 0 : i32
    %dma_start3A_1948 = tpu.memref_slice %arg4[%arg1, %dma_start3A_1945, %dma_start3A_1946, %dma_start3A_1947] : memref<16x3x64x512xf32, #tpu.memory_space<vmem_shared>> -> memref<1x1x64x512xf32, #tpu.memory_space<vmem_shared>>
    %dma_start3A_1949 = tpu.memref_squeeze %dma_start3A_1948 : memref<1x1x64x512xf32, #tpu.memory_space<vmem_shared>> -> memref<64x512xf32, #tpu.memory_space<vmem_shared>>
    %dma_start3A_1950 = arith.constant 0 : i32
    %dma_start3A_1951 = arith.constant 0 : i32
    %dma_start3A_1952 = tpu.memref_slice %arg2[%select_n3A, %add3A_1944, %dma_start3A_1950, %dma_start3A_1951] : memref<16x64x64x512xf32, #tpu.memory_space<hbm>> -> memref<1x1x64x512xf32, #tpu.memory_space<hbm>>
    %dma_start3A_1953 = tpu.memref_squeeze %dma_start3A_1952 : memref<1x1x64x512xf32, #tpu.memory_space<hbm>> -> memref<64x512xf32, #tpu.memory_space<hbm>>
    tpu.enqueue_dma source(%dma_start3A_1953 : memref<64x512xf32, #tpu.memory_space<hbm>>) target(%dma_start3A_1949 : memref<64x512xf32, #tpu.memory_space<vmem_shared>>) target_semaphore(%arg7 : memref<!tpu.dma_semaphore, #tpu.memory_space<semaphore_mem>>)
    %dma_wait3A_1954 = arith.constant 0 : i32
    %dma_wait3A_1955 = arith.constant 0 : i32
    %dma_wait3A_1956 = arith.constant 0 : i32
    %dma_wait3A_1957 = tpu.memref_slice %arg4[%arg1, %dma_wait3A_1954, %dma_wait3A_1955, %dma_wait3A_1956] : memref<16x3x64x512xf32, #tpu.memory_space<vmem_shared>> -> memref<1x1x64x512xf32, #tpu.memory_space<vmem_shared>>
    %dma_wait3A_1958 = tpu.memref_squeeze %dma_wait3A_1957 : memref<1x1x64x512xf32, #tpu.memory_space<vmem_shared>> -> memref<64x512xf32, #tpu.memory_space<vmem_shared>>
    %dma_wait3A_1959 = arith.constant 0 : i32
    %dma_wait3A_1960 = arith.constant 0 : i32
    %dma_wait3A_1961 = tpu.memref_slice %arg2[%select_n3A, %add3A_1804, %dma_wait3A_1959, %dma_wait3A_1960] : memref<16x64x64x512xf32, #tpu.memory_space<hbm>> -> memref<1x1x64x512xf32, #tpu.memory_space<hbm>>
    %dma_wait3A_1962 = tpu.memref_squeeze %dma_wait3A_1961 : memref<1x1x64x512xf32, #tpu.memory_space<hbm>> -> memref<64x512xf32, #tpu.memory_space<hbm>>
    tpu.wait_dma2 semaphore(%arg5 : memref<!tpu.dma_semaphore, #tpu.memory_space<semaphore_mem>>) src(%dma_wait3A_1962 : memref<64x512xf32, #tpu.memory_space<hbm>>) dst(%dma_wait3A_1958 : memref<64x512xf32, #tpu.memory_space<vmem_shared>>)
    %add3A_1963 = arith.constant 27 : i32
    %add3A_1964 = arith.addi %mul3A_32, %add3A_1963 : i32
    %dma_start3A_1965 = arith.constant 0 : i32
    %dma_start3A_1966 = arith.constant 0 : i32
    %dma_start3A_1967 = arith.constant 0 : i32
    %dma_start3A_1968 = tpu.memref_slice %arg3[%select_n3A, %add3A_1964, %dma_start3A_1966, %dma_start3A_1967] : memref<16x64x64x512xf32, #tpu.memory_space<hbm>> -> memref<1x1x64x256xf32, #tpu.memory_space<hbm>>
    %dma_start3A_1969 = tpu.memref_squeeze %dma_start3A_1968 : memref<1x1x64x256xf32, #tpu.memory_space<hbm>> -> memref<64x256xf32, #tpu.memory_space<hbm>>
    %dma_start3A_1970 = arith.constant 0 : i32
    %dma_start3A_1971 = arith.constant 0 : i32
    %dma_start3A_1972 = tpu.memref_slice %arg4[%arg1, %dma_start3A_1965, %dma_start3A_1970, %dma_start3A_1971] : memref<16x3x64x512xf32, #tpu.memory_space<vmem_shared>> -> memref<1x1x64x512xf32, #tpu.memory_space<vmem_shared>>
    %dma_start3A_1973 = tpu.memref_squeeze %dma_start3A_1972 : memref<1x1x64x512xf32, #tpu.memory_space<vmem_shared>> -> memref<64x512xf32, #tpu.memory_space<vmem_shared>>
    %dma_start3A_1974 = arith.constant 0 : i32
    %dma_start3A_1975 = arith.constant 256 : i32
    %dma_start3A_1976 = tpu.memref_slice %dma_start3A_1973[%dma_start3A_1974, %dma_start3A_1975] : memref<64x512xf32, #tpu.memory_space<vmem_shared>> -> memref<64x256xf32, #tpu.memory_space<vmem_shared>>
    tpu.enqueue_dma source(%dma_start3A_1976 : memref<64x256xf32, #tpu.memory_space<vmem_shared>>) target(%dma_start3A_1969 : memref<64x256xf32, #tpu.memory_space<hbm>>) target_semaphore(%arg8 : memref<!tpu.dma_semaphore, #tpu.memory_space<semaphore_mem>>)
    %dma_start3A_1977 = arith.constant 0 : i32
    %dma_start3A_1978 = arith.constant 0 : i32
    %dma_start3A_1979 = arith.constant 256 : i32
    %dma_start3A_1980 = tpu.memref_slice %arg3[%select_n3A, %add3A_1964, %dma_start3A_1978, %dma_start3A_1979] : memref<16x64x64x512xf32, #tpu.memory_space<hbm>> -> memref<1x1x64x256xf32, #tpu.memory_space<hbm>>
    %dma_start3A_1981 = tpu.memref_squeeze %dma_start3A_1980 : memref<1x1x64x256xf32, #tpu.memory_space<hbm>> -> memref<64x256xf32, #tpu.memory_space<hbm>>
    %dma_start3A_1982 = arith.constant 0 : i32
    %dma_start3A_1983 = arith.constant 0 : i32
    %dma_start3A_1984 = tpu.memref_slice %arg4[%arg1, %dma_start3A_1977, %dma_start3A_1982, %dma_start3A_1983] : memref<16x3x64x512xf32, #tpu.memory_space<vmem_shared>> -> memref<1x1x64x512xf32, #tpu.memory_space<vmem_shared>>
    %dma_start3A_1985 = tpu.memref_squeeze %dma_start3A_1984 : memref<1x1x64x512xf32, #tpu.memory_space<vmem_shared>> -> memref<64x512xf32, #tpu.memory_space<vmem_shared>>
    %dma_start3A_1986 = arith.constant 0 : i32
    %dma_start3A_1987 = arith.constant 0 : i32
    %dma_start3A_1988 = tpu.memref_slice %dma_start3A_1985[%dma_start3A_1986, %dma_start3A_1987] : memref<64x512xf32, #tpu.memory_space<vmem_shared>> -> memref<64x256xf32, #tpu.memory_space<vmem_shared>>
    tpu.enqueue_dma source(%dma_start3A_1988 : memref<64x256xf32, #tpu.memory_space<vmem_shared>>) target(%dma_start3A_1981 : memref<64x256xf32, #tpu.memory_space<hbm>>) target_semaphore(%arg8 : memref<!tpu.dma_semaphore, #tpu.memory_space<semaphore_mem>>)
    %dma_wait3A_1989 = arith.constant 0 : i32
    %dma_wait3A_1990 = arith.constant 0 : i32
    %dma_wait3A_1991 = arith.constant 0 : i32
    %dma_wait3A_1992 = tpu.memref_slice %arg3[%select_n3A, %add3A_1964, %dma_wait3A_1990, %dma_wait3A_1991] : memref<16x64x64x512xf32, #tpu.memory_space<hbm>> -> memref<1x1x64x256xf32, #tpu.memory_space<hbm>>
    %dma_wait3A_1993 = tpu.memref_squeeze %dma_wait3A_1992 : memref<1x1x64x256xf32, #tpu.memory_space<hbm>> -> memref<64x256xf32, #tpu.memory_space<hbm>>
    %dma_wait3A_1994 = arith.constant 0 : i32
    %dma_wait3A_1995 = arith.constant 0 : i32
    %dma_wait3A_1996 = tpu.memref_slice %arg4[%arg1, %dma_wait3A_1989, %dma_wait3A_1994, %dma_wait3A_1995] : memref<16x3x64x512xf32, #tpu.memory_space<vmem_shared>> -> memref<1x1x64x512xf32, #tpu.memory_space<vmem_shared>>
    %dma_wait3A_1997 = tpu.memref_squeeze %dma_wait3A_1996 : memref<1x1x64x512xf32, #tpu.memory_space<vmem_shared>> -> memref<64x512xf32, #tpu.memory_space<vmem_shared>>
    %dma_wait3A_1998 = arith.constant 0 : i32
    %dma_wait3A_1999 = arith.constant 256 : i32
    %dma_wait3A_2000 = tpu.memref_slice %dma_wait3A_1997[%dma_wait3A_1998, %dma_wait3A_1999] : memref<64x512xf32, #tpu.memory_space<vmem_shared>> -> memref<64x256xf32, #tpu.memory_space<vmem_shared>>
    tpu.wait_dma2 semaphore(%arg8 : memref<!tpu.dma_semaphore, #tpu.memory_space<semaphore_mem>>) src(%dma_wait3A_2000 : memref<64x256xf32, #tpu.memory_space<vmem_shared>>) dst(%dma_wait3A_1993 : memref<64x256xf32, #tpu.memory_space<hbm>>)
    %dma_wait3A_2001 = arith.constant 0 : i32
    %dma_wait3A_2002 = arith.constant 0 : i32
    %dma_wait3A_2003 = arith.constant 256 : i32
    %dma_wait3A_2004 = tpu.memref_slice %arg3[%select_n3A, %add3A_1964, %dma_wait3A_2002, %dma_wait3A_2003] : memref<16x64x64x512xf32, #tpu.memory_space<hbm>> -> memref<1x1x64x256xf32, #tpu.memory_space<hbm>>
    %dma_wait3A_2005 = tpu.memref_squeeze %dma_wait3A_2004 : memref<1x1x64x256xf32, #tpu.memory_space<hbm>> -> memref<64x256xf32, #tpu.memory_space<hbm>>
    %dma_wait3A_2006 = arith.constant 0 : i32
    %dma_wait3A_2007 = arith.constant 0 : i32
    %dma_wait3A_2008 = tpu.memref_slice %arg4[%arg1, %dma_wait3A_2001, %dma_wait3A_2006, %dma_wait3A_2007] : memref<16x3x64x512xf32, #tpu.memory_space<vmem_shared>> -> memref<1x1x64x512xf32, #tpu.memory_space<vmem_shared>>
    %dma_wait3A_2009 = tpu.memref_squeeze %dma_wait3A_2008 : memref<1x1x64x512xf32, #tpu.memory_space<vmem_shared>> -> memref<64x512xf32, #tpu.memory_space<vmem_shared>>
    %dma_wait3A_2010 = arith.constant 0 : i32
    %dma_wait3A_2011 = arith.constant 0 : i32
    %dma_wait3A_2012 = tpu.memref_slice %dma_wait3A_2009[%dma_wait3A_2010, %dma_wait3A_2011] : memref<64x512xf32, #tpu.memory_space<vmem_shared>> -> memref<64x256xf32, #tpu.memory_space<vmem_shared>>
    tpu.wait_dma2 semaphore(%arg8 : memref<!tpu.dma_semaphore, #tpu.memory_space<semaphore_mem>>) src(%dma_wait3A_2012 : memref<64x256xf32, #tpu.memory_space<vmem_shared>>) dst(%dma_wait3A_2005 : memref<64x256xf32, #tpu.memory_space<hbm>>)
    %add3A_2013 = arith.constant 30 : i32
    %add3A_2014 = arith.addi %mul3A_32, %add3A_2013 : i32
    %dma_start3A_2015 = arith.constant 0 : i32
    %dma_start3A_2016 = arith.constant 0 : i32
    %dma_start3A_2017 = arith.constant 0 : i32
    %dma_start3A_2018 = tpu.memref_slice %arg4[%arg1, %dma_start3A_2015, %dma_start3A_2016, %dma_start3A_2017] : memref<16x3x64x512xf32, #tpu.memory_space<vmem_shared>> -> memref<1x1x64x512xf32, #tpu.memory_space<vmem_shared>>
    %dma_start3A_2019 = tpu.memref_squeeze %dma_start3A_2018 : memref<1x1x64x512xf32, #tpu.memory_space<vmem_shared>> -> memref<64x512xf32, #tpu.memory_space<vmem_shared>>
    %dma_start3A_2020 = arith.constant 0 : i32
    %dma_start3A_2021 = arith.constant 0 : i32
    %dma_start3A_2022 = tpu.memref_slice %arg2[%select_n3A, %add3A_2014, %dma_start3A_2020, %dma_start3A_2021] : memref<16x64x64x512xf32, #tpu.memory_space<hbm>> -> memref<1x1x64x512xf32, #tpu.memory_space<hbm>>
    %dma_start3A_2023 = tpu.memref_squeeze %dma_start3A_2022 : memref<1x1x64x512xf32, #tpu.memory_space<hbm>> -> memref<64x512xf32, #tpu.memory_space<hbm>>
    tpu.enqueue_dma source(%dma_start3A_2023 : memref<64x512xf32, #tpu.memory_space<hbm>>) target(%dma_start3A_2019 : memref<64x512xf32, #tpu.memory_space<vmem_shared>>) target_semaphore(%arg5 : memref<!tpu.dma_semaphore, #tpu.memory_space<semaphore_mem>>)
    %dma_wait3A_2024 = arith.constant 1 : i32
    %dma_wait3A_2025 = arith.constant 0 : i32
    %dma_wait3A_2026 = arith.constant 0 : i32
    %dma_wait3A_2027 = tpu.memref_slice %arg4[%arg1, %dma_wait3A_2024, %dma_wait3A_2025, %dma_wait3A_2026] : memref<16x3x64x512xf32, #tpu.memory_space<vmem_shared>> -> memref<1x1x64x512xf32, #tpu.memory_space<vmem_shared>>
    %dma_wait3A_2028 = tpu.memref_squeeze %dma_wait3A_2027 : memref<1x1x64x512xf32, #tpu.memory_space<vmem_shared>> -> memref<64x512xf32, #tpu.memory_space<vmem_shared>>
    %dma_wait3A_2029 = arith.constant 0 : i32
    %dma_wait3A_2030 = arith.constant 0 : i32
    %dma_wait3A_2031 = tpu.memref_slice %arg2[%select_n3A, %add3A_1874, %dma_wait3A_2029, %dma_wait3A_2030] : memref<16x64x64x512xf32, #tpu.memory_space<hbm>> -> memref<1x1x64x512xf32, #tpu.memory_space<hbm>>
    %dma_wait3A_2032 = tpu.memref_squeeze %dma_wait3A_2031 : memref<1x1x64x512xf32, #tpu.memory_space<hbm>> -> memref<64x512xf32, #tpu.memory_space<hbm>>
    tpu.wait_dma2 semaphore(%arg6 : memref<!tpu.dma_semaphore, #tpu.memory_space<semaphore_mem>>) src(%dma_wait3A_2032 : memref<64x512xf32, #tpu.memory_space<hbm>>) dst(%dma_wait3A_2028 : memref<64x512xf32, #tpu.memory_space<vmem_shared>>)
    %add3A_2033 = arith.constant 28 : i32
    %add3A_2034 = arith.addi %mul3A_32, %add3A_2033 : i32
    %dma_start3A_2035 = arith.constant 1 : i32
    %dma_start3A_2036 = arith.constant 0 : i32
    %dma_start3A_2037 = arith.constant 0 : i32
    %dma_start3A_2038 = tpu.memref_slice %arg3[%select_n3A, %add3A_2034, %dma_start3A_2036, %dma_start3A_2037] : memref<16x64x64x512xf32, #tpu.memory_space<hbm>> -> memref<1x1x64x256xf32, #tpu.memory_space<hbm>>
    %dma_start3A_2039 = tpu.memref_squeeze %dma_start3A_2038 : memref<1x1x64x256xf32, #tpu.memory_space<hbm>> -> memref<64x256xf32, #tpu.memory_space<hbm>>
    %dma_start3A_2040 = arith.constant 0 : i32
    %dma_start3A_2041 = arith.constant 0 : i32
    %dma_start3A_2042 = tpu.memref_slice %arg4[%arg1, %dma_start3A_2035, %dma_start3A_2040, %dma_start3A_2041] : memref<16x3x64x512xf32, #tpu.memory_space<vmem_shared>> -> memref<1x1x64x512xf32, #tpu.memory_space<vmem_shared>>
    %dma_start3A_2043 = tpu.memref_squeeze %dma_start3A_2042 : memref<1x1x64x512xf32, #tpu.memory_space<vmem_shared>> -> memref<64x512xf32, #tpu.memory_space<vmem_shared>>
    %dma_start3A_2044 = arith.constant 0 : i32
    %dma_start3A_2045 = arith.constant 256 : i32
    %dma_start3A_2046 = tpu.memref_slice %dma_start3A_2043[%dma_start3A_2044, %dma_start3A_2045] : memref<64x512xf32, #tpu.memory_space<vmem_shared>> -> memref<64x256xf32, #tpu.memory_space<vmem_shared>>
    tpu.enqueue_dma source(%dma_start3A_2046 : memref<64x256xf32, #tpu.memory_space<vmem_shared>>) target(%dma_start3A_2039 : memref<64x256xf32, #tpu.memory_space<hbm>>) target_semaphore(%arg9 : memref<!tpu.dma_semaphore, #tpu.memory_space<semaphore_mem>>)
    %dma_start3A_2047 = arith.constant 1 : i32
    %dma_start3A_2048 = arith.constant 0 : i32
    %dma_start3A_2049 = arith.constant 256 : i32
    %dma_start3A_2050 = tpu.memref_slice %arg3[%select_n3A, %add3A_2034, %dma_start3A_2048, %dma_start3A_2049] : memref<16x64x64x512xf32, #tpu.memory_space<hbm>> -> memref<1x1x64x256xf32, #tpu.memory_space<hbm>>
    %dma_start3A_2051 = tpu.memref_squeeze %dma_start3A_2050 : memref<1x1x64x256xf32, #tpu.memory_space<hbm>> -> memref<64x256xf32, #tpu.memory_space<hbm>>
    %dma_start3A_2052 = arith.constant 0 : i32
    %dma_start3A_2053 = arith.constant 0 : i32
    %dma_start3A_2054 = tpu.memref_slice %arg4[%arg1, %dma_start3A_2047, %dma_start3A_2052, %dma_start3A_2053] : memref<16x3x64x512xf32, #tpu.memory_space<vmem_shared>> -> memref<1x1x64x512xf32, #tpu.memory_space<vmem_shared>>
    %dma_start3A_2055 = tpu.memref_squeeze %dma_start3A_2054 : memref<1x1x64x512xf32, #tpu.memory_space<vmem_shared>> -> memref<64x512xf32, #tpu.memory_space<vmem_shared>>
    %dma_start3A_2056 = arith.constant 0 : i32
    %dma_start3A_2057 = arith.constant 0 : i32
    %dma_start3A_2058 = tpu.memref_slice %dma_start3A_2055[%dma_start3A_2056, %dma_start3A_2057] : memref<64x512xf32, #tpu.memory_space<vmem_shared>> -> memref<64x256xf32, #tpu.memory_space<vmem_shared>>
    tpu.enqueue_dma source(%dma_start3A_2058 : memref<64x256xf32, #tpu.memory_space<vmem_shared>>) target(%dma_start3A_2051 : memref<64x256xf32, #tpu.memory_space<hbm>>) target_semaphore(%arg9 : memref<!tpu.dma_semaphore, #tpu.memory_space<semaphore_mem>>)
    %dma_wait3A_2059 = arith.constant 1 : i32
    %dma_wait3A_2060 = arith.constant 0 : i32
    %dma_wait3A_2061 = arith.constant 0 : i32
    %dma_wait3A_2062 = tpu.memref_slice %arg3[%select_n3A, %add3A_2034, %dma_wait3A_2060, %dma_wait3A_2061] : memref<16x64x64x512xf32, #tpu.memory_space<hbm>> -> memref<1x1x64x256xf32, #tpu.memory_space<hbm>>
    %dma_wait3A_2063 = tpu.memref_squeeze %dma_wait3A_2062 : memref<1x1x64x256xf32, #tpu.memory_space<hbm>> -> memref<64x256xf32, #tpu.memory_space<hbm>>
    %dma_wait3A_2064 = arith.constant 0 : i32
    %dma_wait3A_2065 = arith.constant 0 : i32
    %dma_wait3A_2066 = tpu.memref_slice %arg4[%arg1, %dma_wait3A_2059, %dma_wait3A_2064, %dma_wait3A_2065] : memref<16x3x64x512xf32, #tpu.memory_space<vmem_shared>> -> memref<1x1x64x512xf32, #tpu.memory_space<vmem_shared>>
    %dma_wait3A_2067 = tpu.memref_squeeze %dma_wait3A_2066 : memref<1x1x64x512xf32, #tpu.memory_space<vmem_shared>> -> memref<64x512xf32, #tpu.memory_space<vmem_shared>>
    %dma_wait3A_2068 = arith.constant 0 : i32
    %dma_wait3A_2069 = arith.constant 256 : i32
    %dma_wait3A_2070 = tpu.memref_slice %dma_wait3A_2067[%dma_wait3A_2068, %dma_wait3A_2069] : memref<64x512xf32, #tpu.memory_space<vmem_shared>> -> memref<64x256xf32, #tpu.memory_space<vmem_shared>>
    tpu.wait_dma2 semaphore(%arg9 : memref<!tpu.dma_semaphore, #tpu.memory_space<semaphore_mem>>) src(%dma_wait3A_2070 : memref<64x256xf32, #tpu.memory_space<vmem_shared>>) dst(%dma_wait3A_2063 : memref<64x256xf32, #tpu.memory_space<hbm>>)
    %dma_wait3A_2071 = arith.constant 1 : i32
    %dma_wait3A_2072 = arith.constant 0 : i32
    %dma_wait3A_2073 = arith.constant 256 : i32
    %dma_wait3A_2074 = tpu.memref_slice %arg3[%select_n3A, %add3A_2034, %dma_wait3A_2072, %dma_wait3A_2073] : memref<16x64x64x512xf32, #tpu.memory_space<hbm>> -> memref<1x1x64x256xf32, #tpu.memory_space<hbm>>
    %dma_wait3A_2075 = tpu.memref_squeeze %dma_wait3A_2074 : memref<1x1x64x256xf32, #tpu.memory_space<hbm>> -> memref<64x256xf32, #tpu.memory_space<hbm>>
    %dma_wait3A_2076 = arith.constant 0 : i32
    %dma_wait3A_2077 = arith.constant 0 : i32
    %dma_wait3A_2078 = tpu.memref_slice %arg4[%arg1, %dma_wait3A_2071, %dma_wait3A_2076, %dma_wait3A_2077] : memref<16x3x64x512xf32, #tpu.memory_space<vmem_shared>> -> memref<1x1x64x512xf32, #tpu.memory_space<vmem_shared>>
    %dma_wait3A_2079 = tpu.memref_squeeze %dma_wait3A_2078 : memref<1x1x64x512xf32, #tpu.memory_space<vmem_shared>> -> memref<64x512xf32, #tpu.memory_space<vmem_shared>>
    %dma_wait3A_2080 = arith.constant 0 : i32
    %dma_wait3A_2081 = arith.constant 0 : i32
    %dma_wait3A_2082 = tpu.memref_slice %dma_wait3A_2079[%dma_wait3A_2080, %dma_wait3A_2081] : memref<64x512xf32, #tpu.memory_space<vmem_shared>> -> memref<64x256xf32, #tpu.memory_space<vmem_shared>>
    tpu.wait_dma2 semaphore(%arg9 : memref<!tpu.dma_semaphore, #tpu.memory_space<semaphore_mem>>) src(%dma_wait3A_2082 : memref<64x256xf32, #tpu.memory_space<vmem_shared>>) dst(%dma_wait3A_2075 : memref<64x256xf32, #tpu.memory_space<hbm>>)
    %add3A_2083 = arith.constant 31 : i32
    %add3A_2084 = arith.addi %mul3A_32, %add3A_2083 : i32
    %dma_start3A_2085 = arith.constant 1 : i32
    %dma_start3A_2086 = arith.constant 0 : i32
    %dma_start3A_2087 = arith.constant 0 : i32
    %dma_start3A_2088 = tpu.memref_slice %arg4[%arg1, %dma_start3A_2085, %dma_start3A_2086, %dma_start3A_2087] : memref<16x3x64x512xf32, #tpu.memory_space<vmem_shared>> -> memref<1x1x64x512xf32, #tpu.memory_space<vmem_shared>>
    %dma_start3A_2089 = tpu.memref_squeeze %dma_start3A_2088 : memref<1x1x64x512xf32, #tpu.memory_space<vmem_shared>> -> memref<64x512xf32, #tpu.memory_space<vmem_shared>>
    %dma_start3A_2090 = arith.constant 0 : i32
    %dma_start3A_2091 = arith.constant 0 : i32
    %dma_start3A_2092 = tpu.memref_slice %arg2[%select_n3A, %add3A_2084, %dma_start3A_2090, %dma_start3A_2091] : memref<16x64x64x512xf32, #tpu.memory_space<hbm>> -> memref<1x1x64x512xf32, #tpu.memory_space<hbm>>
    %dma_start3A_2093 = tpu.memref_squeeze %dma_start3A_2092 : memref<1x1x64x512xf32, #tpu.memory_space<hbm>> -> memref<64x512xf32, #tpu.memory_space<hbm>>
    tpu.enqueue_dma source(%dma_start3A_2093 : memref<64x512xf32, #tpu.memory_space<hbm>>) target(%dma_start3A_2089 : memref<64x512xf32, #tpu.memory_space<vmem_shared>>) target_semaphore(%arg6 : memref<!tpu.dma_semaphore, #tpu.memory_space<semaphore_mem>>)
    %dma_wait3A_2094 = arith.constant 2 : i32
    %dma_wait3A_2095 = arith.constant 0 : i32
    %dma_wait3A_2096 = arith.constant 0 : i32
    %dma_wait3A_2097 = tpu.memref_slice %arg4[%arg1, %dma_wait3A_2094, %dma_wait3A_2095, %dma_wait3A_2096] : memref<16x3x64x512xf32, #tpu.memory_space<vmem_shared>> -> memref<1x1x64x512xf32, #tpu.memory_space<vmem_shared>>
    %dma_wait3A_2098 = tpu.memref_squeeze %dma_wait3A_2097 : memref<1x1x64x512xf32, #tpu.memory_space<vmem_shared>> -> memref<64x512xf32, #tpu.memory_space<vmem_shared>>
    %dma_wait3A_2099 = arith.constant 0 : i32
    %dma_wait3A_2100 = arith.constant 0 : i32
    %dma_wait3A_2101 = tpu.memref_slice %arg2[%select_n3A, %add3A_1944, %dma_wait3A_2099, %dma_wait3A_2100] : memref<16x64x64x512xf32, #tpu.memory_space<hbm>> -> memref<1x1x64x512xf32, #tpu.memory_space<hbm>>
    %dma_wait3A_2102 = tpu.memref_squeeze %dma_wait3A_2101 : memref<1x1x64x512xf32, #tpu.memory_space<hbm>> -> memref<64x512xf32, #tpu.memory_space<hbm>>
    tpu.wait_dma2 semaphore(%arg7 : memref<!tpu.dma_semaphore, #tpu.memory_space<semaphore_mem>>) src(%dma_wait3A_2102 : memref<64x512xf32, #tpu.memory_space<hbm>>) dst(%dma_wait3A_2098 : memref<64x512xf32, #tpu.memory_space<vmem_shared>>)
    %add3A_2103 = arith.constant 29 : i32
    %add3A_2104 = arith.addi %mul3A_32, %add3A_2103 : i32
    %dma_start3A_2105 = arith.constant 2 : i32
    %dma_start3A_2106 = arith.constant 0 : i32
    %dma_start3A_2107 = arith.constant 0 : i32
    %dma_start3A_2108 = tpu.memref_slice %arg3[%select_n3A, %add3A_2104, %dma_start3A_2106, %dma_start3A_2107] : memref<16x64x64x512xf32, #tpu.memory_space<hbm>> -> memref<1x1x64x256xf32, #tpu.memory_space<hbm>>
    %dma_start3A_2109 = tpu.memref_squeeze %dma_start3A_2108 : memref<1x1x64x256xf32, #tpu.memory_space<hbm>> -> memref<64x256xf32, #tpu.memory_space<hbm>>
    %dma_start3A_2110 = arith.constant 0 : i32
    %dma_start3A_2111 = arith.constant 0 : i32
    %dma_start3A_2112 = tpu.memref_slice %arg4[%arg1, %dma_start3A_2105, %dma_start3A_2110, %dma_start3A_2111] : memref<16x3x64x512xf32, #tpu.memory_space<vmem_shared>> -> memref<1x1x64x512xf32, #tpu.memory_space<vmem_shared>>
    %dma_start3A_2113 = tpu.memref_squeeze %dma_start3A_2112 : memref<1x1x64x512xf32, #tpu.memory_space<vmem_shared>> -> memref<64x512xf32, #tpu.memory_space<vmem_shared>>
    %dma_start3A_2114 = arith.constant 0 : i32
    %dma_start3A_2115 = arith.constant 256 : i32
    %dma_start3A_2116 = tpu.memref_slice %dma_start3A_2113[%dma_start3A_2114, %dma_start3A_2115] : memref<64x512xf32, #tpu.memory_space<vmem_shared>> -> memref<64x256xf32, #tpu.memory_space<vmem_shared>>
    tpu.enqueue_dma source(%dma_start3A_2116 : memref<64x256xf32, #tpu.memory_space<vmem_shared>>) target(%dma_start3A_2109 : memref<64x256xf32, #tpu.memory_space<hbm>>) target_semaphore(%arg10 : memref<!tpu.dma_semaphore, #tpu.memory_space<semaphore_mem>>)
    %dma_start3A_2117 = arith.constant 2 : i32
    %dma_start3A_2118 = arith.constant 0 : i32
    %dma_start3A_2119 = arith.constant 256 : i32
    %dma_start3A_2120 = tpu.memref_slice %arg3[%select_n3A, %add3A_2104, %dma_start3A_2118, %dma_start3A_2119] : memref<16x64x64x512xf32, #tpu.memory_space<hbm>> -> memref<1x1x64x256xf32, #tpu.memory_space<hbm>>
    %dma_start3A_2121 = tpu.memref_squeeze %dma_start3A_2120 : memref<1x1x64x256xf32, #tpu.memory_space<hbm>> -> memref<64x256xf32, #tpu.memory_space<hbm>>
    %dma_start3A_2122 = arith.constant 0 : i32
    %dma_start3A_2123 = arith.constant 0 : i32
    %dma_start3A_2124 = tpu.memref_slice %arg4[%arg1, %dma_start3A_2117, %dma_start3A_2122, %dma_start3A_2123] : memref<16x3x64x512xf32, #tpu.memory_space<vmem_shared>> -> memref<1x1x64x512xf32, #tpu.memory_space<vmem_shared>>
    %dma_start3A_2125 = tpu.memref_squeeze %dma_start3A_2124 : memref<1x1x64x512xf32, #tpu.memory_space<vmem_shared>> -> memref<64x512xf32, #tpu.memory_space<vmem_shared>>
    %dma_start3A_2126 = arith.constant 0 : i32
    %dma_start3A_2127 = arith.constant 0 : i32
    %dma_start3A_2128 = tpu.memref_slice %dma_start3A_2125[%dma_start3A_2126, %dma_start3A_2127] : memref<64x512xf32, #tpu.memory_space<vmem_shared>> -> memref<64x256xf32, #tpu.memory_space<vmem_shared>>
    tpu.enqueue_dma source(%dma_start3A_2128 : memref<64x256xf32, #tpu.memory_space<vmem_shared>>) target(%dma_start3A_2121 : memref<64x256xf32, #tpu.memory_space<hbm>>) target_semaphore(%arg10 : memref<!tpu.dma_semaphore, #tpu.memory_space<semaphore_mem>>)
    %dma_wait3A_2129 = arith.constant 0 : i32
    %dma_wait3A_2130 = arith.constant 0 : i32
    %dma_wait3A_2131 = arith.constant 0 : i32
    %dma_wait3A_2132 = tpu.memref_slice %arg4[%arg1, %dma_wait3A_2129, %dma_wait3A_2130, %dma_wait3A_2131] : memref<16x3x64x512xf32, #tpu.memory_space<vmem_shared>> -> memref<1x1x64x512xf32, #tpu.memory_space<vmem_shared>>
    %dma_wait3A_2133 = tpu.memref_squeeze %dma_wait3A_2132 : memref<1x1x64x512xf32, #tpu.memory_space<vmem_shared>> -> memref<64x512xf32, #tpu.memory_space<vmem_shared>>
    %dma_wait3A_2134 = arith.constant 0 : i32
    %dma_wait3A_2135 = arith.constant 0 : i32
    %dma_wait3A_2136 = tpu.memref_slice %arg2[%select_n3A, %add3A_2014, %dma_wait3A_2134, %dma_wait3A_2135] : memref<16x64x64x512xf32, #tpu.memory_space<hbm>> -> memref<1x1x64x512xf32, #tpu.memory_space<hbm>>
    %dma_wait3A_2137 = tpu.memref_squeeze %dma_wait3A_2136 : memref<1x1x64x512xf32, #tpu.memory_space<hbm>> -> memref<64x512xf32, #tpu.memory_space<hbm>>
    tpu.wait_dma2 semaphore(%arg5 : memref<!tpu.dma_semaphore, #tpu.memory_space<semaphore_mem>>) src(%dma_wait3A_2137 : memref<64x512xf32, #tpu.memory_space<hbm>>) dst(%dma_wait3A_2133 : memref<64x512xf32, #tpu.memory_space<vmem_shared>>)
    %add3A_2138 = arith.constant 30 : i32
    %add3A_2139 = arith.addi %mul3A_32, %add3A_2138 : i32
    %dma_start3A_2140 = arith.constant 0 : i32
    %dma_start3A_2141 = arith.constant 0 : i32
    %dma_start3A_2142 = arith.constant 0 : i32
    %dma_start3A_2143 = tpu.memref_slice %arg3[%select_n3A, %add3A_2139, %dma_start3A_2141, %dma_start3A_2142] : memref<16x64x64x512xf32, #tpu.memory_space<hbm>> -> memref<1x1x64x256xf32, #tpu.memory_space<hbm>>
    %dma_start3A_2144 = tpu.memref_squeeze %dma_start3A_2143 : memref<1x1x64x256xf32, #tpu.memory_space<hbm>> -> memref<64x256xf32, #tpu.memory_space<hbm>>
    %dma_start3A_2145 = arith.constant 0 : i32
    %dma_start3A_2146 = arith.constant 0 : i32
    %dma_start3A_2147 = tpu.memref_slice %arg4[%arg1, %dma_start3A_2140, %dma_start3A_2145, %dma_start3A_2146] : memref<16x3x64x512xf32, #tpu.memory_space<vmem_shared>> -> memref<1x1x64x512xf32, #tpu.memory_space<vmem_shared>>
    %dma_start3A_2148 = tpu.memref_squeeze %dma_start3A_2147 : memref<1x1x64x512xf32, #tpu.memory_space<vmem_shared>> -> memref<64x512xf32, #tpu.memory_space<vmem_shared>>
    %dma_start3A_2149 = arith.constant 0 : i32
    %dma_start3A_2150 = arith.constant 256 : i32
    %dma_start3A_2151 = tpu.memref_slice %dma_start3A_2148[%dma_start3A_2149, %dma_start3A_2150] : memref<64x512xf32, #tpu.memory_space<vmem_shared>> -> memref<64x256xf32, #tpu.memory_space<vmem_shared>>
    tpu.enqueue_dma source(%dma_start3A_2151 : memref<64x256xf32, #tpu.memory_space<vmem_shared>>) target(%dma_start3A_2144 : memref<64x256xf32, #tpu.memory_space<hbm>>) target_semaphore(%arg8 : memref<!tpu.dma_semaphore, #tpu.memory_space<semaphore_mem>>)
    %dma_start3A_2152 = arith.constant 0 : i32
    %dma_start3A_2153 = arith.constant 0 : i32
    %dma_start3A_2154 = arith.constant 256 : i32
    %dma_start3A_2155 = tpu.memref_slice %arg3[%select_n3A, %add3A_2139, %dma_start3A_2153, %dma_start3A_2154] : memref<16x64x64x512xf32, #tpu.memory_space<hbm>> -> memref<1x1x64x256xf32, #tpu.memory_space<hbm>>
    %dma_start3A_2156 = tpu.memref_squeeze %dma_start3A_2155 : memref<1x1x64x256xf32, #tpu.memory_space<hbm>> -> memref<64x256xf32, #tpu.memory_space<hbm>>
    %dma_start3A_2157 = arith.constant 0 : i32
    %dma_start3A_2158 = arith.constant 0 : i32
    %dma_start3A_2159 = tpu.memref_slice %arg4[%arg1, %dma_start3A_2152, %dma_start3A_2157, %dma_start3A_2158] : memref<16x3x64x512xf32, #tpu.memory_space<vmem_shared>> -> memref<1x1x64x512xf32, #tpu.memory_space<vmem_shared>>
    %dma_start3A_2160 = tpu.memref_squeeze %dma_start3A_2159 : memref<1x1x64x512xf32, #tpu.memory_space<vmem_shared>> -> memref<64x512xf32, #tpu.memory_space<vmem_shared>>
    %dma_start3A_2161 = arith.constant 0 : i32
    %dma_start3A_2162 = arith.constant 0 : i32
    %dma_start3A_2163 = tpu.memref_slice %dma_start3A_2160[%dma_start3A_2161, %dma_start3A_2162] : memref<64x512xf32, #tpu.memory_space<vmem_shared>> -> memref<64x256xf32, #tpu.memory_space<vmem_shared>>
    tpu.enqueue_dma source(%dma_start3A_2163 : memref<64x256xf32, #tpu.memory_space<vmem_shared>>) target(%dma_start3A_2156 : memref<64x256xf32, #tpu.memory_space<hbm>>) target_semaphore(%arg8 : memref<!tpu.dma_semaphore, #tpu.memory_space<semaphore_mem>>)
    %dma_wait3A_2164 = arith.constant 1 : i32
    %dma_wait3A_2165 = arith.constant 0 : i32
    %dma_wait3A_2166 = arith.constant 0 : i32
    %dma_wait3A_2167 = tpu.memref_slice %arg4[%arg1, %dma_wait3A_2164, %dma_wait3A_2165, %dma_wait3A_2166] : memref<16x3x64x512xf32, #tpu.memory_space<vmem_shared>> -> memref<1x1x64x512xf32, #tpu.memory_space<vmem_shared>>
    %dma_wait3A_2168 = tpu.memref_squeeze %dma_wait3A_2167 : memref<1x1x64x512xf32, #tpu.memory_space<vmem_shared>> -> memref<64x512xf32, #tpu.memory_space<vmem_shared>>
    %dma_wait3A_2169 = arith.constant 0 : i32
    %dma_wait3A_2170 = arith.constant 0 : i32
    %dma_wait3A_2171 = tpu.memref_slice %arg2[%select_n3A, %add3A_2084, %dma_wait3A_2169, %dma_wait3A_2170] : memref<16x64x64x512xf32, #tpu.memory_space<hbm>> -> memref<1x1x64x512xf32, #tpu.memory_space<hbm>>
    %dma_wait3A_2172 = tpu.memref_squeeze %dma_wait3A_2171 : memref<1x1x64x512xf32, #tpu.memory_space<hbm>> -> memref<64x512xf32, #tpu.memory_space<hbm>>
    tpu.wait_dma2 semaphore(%arg6 : memref<!tpu.dma_semaphore, #tpu.memory_space<semaphore_mem>>) src(%dma_wait3A_2172 : memref<64x512xf32, #tpu.memory_space<hbm>>) dst(%dma_wait3A_2168 : memref<64x512xf32, #tpu.memory_space<vmem_shared>>)
    %add3A_2173 = arith.constant 31 : i32
    %add3A_2174 = arith.addi %mul3A_32, %add3A_2173 : i32
    %dma_start3A_2175 = arith.constant 1 : i32
    %dma_start3A_2176 = arith.constant 0 : i32
    %dma_start3A_2177 = arith.constant 0 : i32
    %dma_start3A_2178 = tpu.memref_slice %arg3[%select_n3A, %add3A_2174, %dma_start3A_2176, %dma_start3A_2177] : memref<16x64x64x512xf32, #tpu.memory_space<hbm>> -> memref<1x1x64x256xf32, #tpu.memory_space<hbm>>
    %dma_start3A_2179 = tpu.memref_squeeze %dma_start3A_2178 : memref<1x1x64x256xf32, #tpu.memory_space<hbm>> -> memref<64x256xf32, #tpu.memory_space<hbm>>
    %dma_start3A_2180 = arith.constant 0 : i32
    %dma_start3A_2181 = arith.constant 0 : i32
    %dma_start3A_2182 = tpu.memref_slice %arg4[%arg1, %dma_start3A_2175, %dma_start3A_2180, %dma_start3A_2181] : memref<16x3x64x512xf32, #tpu.memory_space<vmem_shared>> -> memref<1x1x64x512xf32, #tpu.memory_space<vmem_shared>>
    %dma_start3A_2183 = tpu.memref_squeeze %dma_start3A_2182 : memref<1x1x64x512xf32, #tpu.memory_space<vmem_shared>> -> memref<64x512xf32, #tpu.memory_space<vmem_shared>>
    %dma_start3A_2184 = arith.constant 0 : i32
    %dma_start3A_2185 = arith.constant 256 : i32
    %dma_start3A_2186 = tpu.memref_slice %dma_start3A_2183[%dma_start3A_2184, %dma_start3A_2185] : memref<64x512xf32, #tpu.memory_space<vmem_shared>> -> memref<64x256xf32, #tpu.memory_space<vmem_shared>>
    tpu.enqueue_dma source(%dma_start3A_2186 : memref<64x256xf32, #tpu.memory_space<vmem_shared>>) target(%dma_start3A_2179 : memref<64x256xf32, #tpu.memory_space<hbm>>) target_semaphore(%arg9 : memref<!tpu.dma_semaphore, #tpu.memory_space<semaphore_mem>>)
    %dma_start3A_2187 = arith.constant 1 : i32
    %dma_start3A_2188 = arith.constant 0 : i32
    %dma_start3A_2189 = arith.constant 256 : i32
    %dma_start3A_2190 = tpu.memref_slice %arg3[%select_n3A, %add3A_2174, %dma_start3A_2188, %dma_start3A_2189] : memref<16x64x64x512xf32, #tpu.memory_space<hbm>> -> memref<1x1x64x256xf32, #tpu.memory_space<hbm>>
    %dma_start3A_2191 = tpu.memref_squeeze %dma_start3A_2190 : memref<1x1x64x256xf32, #tpu.memory_space<hbm>> -> memref<64x256xf32, #tpu.memory_space<hbm>>
    %dma_start3A_2192 = arith.constant 0 : i32
    %dma_start3A_2193 = arith.constant 0 : i32
    %dma_start3A_2194 = tpu.memref_slice %arg4[%arg1, %dma_start3A_2187, %dma_start3A_2192, %dma_start3A_2193] : memref<16x3x64x512xf32, #tpu.memory_space<vmem_shared>> -> memref<1x1x64x512xf32, #tpu.memory_space<vmem_shared>>
    %dma_start3A_2195 = tpu.memref_squeeze %dma_start3A_2194 : memref<1x1x64x512xf32, #tpu.memory_space<vmem_shared>> -> memref<64x512xf32, #tpu.memory_space<vmem_shared>>
    %dma_start3A_2196 = arith.constant 0 : i32
    %dma_start3A_2197 = arith.constant 0 : i32
    %dma_start3A_2198 = tpu.memref_slice %dma_start3A_2195[%dma_start3A_2196, %dma_start3A_2197] : memref<64x512xf32, #tpu.memory_space<vmem_shared>> -> memref<64x256xf32, #tpu.memory_space<vmem_shared>>
    tpu.enqueue_dma source(%dma_start3A_2198 : memref<64x256xf32, #tpu.memory_space<vmem_shared>>) target(%dma_start3A_2191 : memref<64x256xf32, #tpu.memory_space<hbm>>) target_semaphore(%arg9 : memref<!tpu.dma_semaphore, #tpu.memory_space<semaphore_mem>>)
    %dma_wait3A_2199 = arith.constant 0 : i32
    %dma_wait3A_2200 = arith.constant 0 : i32
    %dma_wait3A_2201 = arith.constant 0 : i32
    %dma_wait3A_2202 = tpu.memref_slice %arg3[%select_n3A, %add3A_2139, %dma_wait3A_2200, %dma_wait3A_2201] : memref<16x64x64x512xf32, #tpu.memory_space<hbm>> -> memref<1x1x64x256xf32, #tpu.memory_space<hbm>>
    %dma_wait3A_2203 = tpu.memref_squeeze %dma_wait3A_2202 : memref<1x1x64x256xf32, #tpu.memory_space<hbm>> -> memref<64x256xf32, #tpu.memory_space<hbm>>
    %dma_wait3A_2204 = arith.constant 0 : i32
    %dma_wait3A_2205 = arith.constant 0 : i32
    %dma_wait3A_2206 = tpu.memref_slice %arg4[%arg1, %dma_wait3A_2199, %dma_wait3A_2204, %dma_wait3A_2205] : memref<16x3x64x512xf32, #tpu.memory_space<vmem_shared>> -> memref<1x1x64x512xf32, #tpu.memory_space<vmem_shared>>
    %dma_wait3A_2207 = tpu.memref_squeeze %dma_wait3A_2206 : memref<1x1x64x512xf32, #tpu.memory_space<vmem_shared>> -> memref<64x512xf32, #tpu.memory_space<vmem_shared>>
    %dma_wait3A_2208 = arith.constant 0 : i32
    %dma_wait3A_2209 = arith.constant 256 : i32
    %dma_wait3A_2210 = tpu.memref_slice %dma_wait3A_2207[%dma_wait3A_2208, %dma_wait3A_2209] : memref<64x512xf32, #tpu.memory_space<vmem_shared>> -> memref<64x256xf32, #tpu.memory_space<vmem_shared>>
    tpu.wait_dma2 semaphore(%arg8 : memref<!tpu.dma_semaphore, #tpu.memory_space<semaphore_mem>>) src(%dma_wait3A_2210 : memref<64x256xf32, #tpu.memory_space<vmem_shared>>) dst(%dma_wait3A_2203 : memref<64x256xf32, #tpu.memory_space<hbm>>)
    %dma_wait3A_2211 = arith.constant 0 : i32
    %dma_wait3A_2212 = arith.constant 0 : i32
    %dma_wait3A_2213 = arith.constant 256 : i32
    %dma_wait3A_2214 = tpu.memref_slice %arg3[%select_n3A, %add3A_2139, %dma_wait3A_2212, %dma_wait3A_2213] : memref<16x64x64x512xf32, #tpu.memory_space<hbm>> -> memref<1x1x64x256xf32, #tpu.memory_space<hbm>>
    %dma_wait3A_2215 = tpu.memref_squeeze %dma_wait3A_2214 : memref<1x1x64x256xf32, #tpu.memory_space<hbm>> -> memref<64x256xf32, #tpu.memory_space<hbm>>
    %dma_wait3A_2216 = arith.constant 0 : i32
    %dma_wait3A_2217 = arith.constant 0 : i32
    %dma_wait3A_2218 = tpu.memref_slice %arg4[%arg1, %dma_wait3A_2211, %dma_wait3A_2216, %dma_wait3A_2217] : memref<16x3x64x512xf32, #tpu.memory_space<vmem_shared>> -> memref<1x1x64x512xf32, #tpu.memory_space<vmem_shared>>
    %dma_wait3A_2219 = tpu.memref_squeeze %dma_wait3A_2218 : memref<1x1x64x512xf32, #tpu.memory_space<vmem_shared>> -> memref<64x512xf32, #tpu.memory_space<vmem_shared>>
    %dma_wait3A_2220 = arith.constant 0 : i32
    %dma_wait3A_2221 = arith.constant 0 : i32
    %dma_wait3A_2222 = tpu.memref_slice %dma_wait3A_2219[%dma_wait3A_2220, %dma_wait3A_2221] : memref<64x512xf32, #tpu.memory_space<vmem_shared>> -> memref<64x256xf32, #tpu.memory_space<vmem_shared>>
    tpu.wait_dma2 semaphore(%arg8 : memref<!tpu.dma_semaphore, #tpu.memory_space<semaphore_mem>>) src(%dma_wait3A_2222 : memref<64x256xf32, #tpu.memory_space<vmem_shared>>) dst(%dma_wait3A_2215 : memref<64x256xf32, #tpu.memory_space<hbm>>)
    %dma_wait3A_2223 = arith.constant 1 : i32
    %dma_wait3A_2224 = arith.constant 0 : i32
    %dma_wait3A_2225 = arith.constant 0 : i32
    %dma_wait3A_2226 = tpu.memref_slice %arg3[%select_n3A, %add3A_2174, %dma_wait3A_2224, %dma_wait3A_2225] : memref<16x64x64x512xf32, #tpu.memory_space<hbm>> -> memref<1x1x64x256xf32, #tpu.memory_space<hbm>>
    %dma_wait3A_2227 = tpu.memref_squeeze %dma_wait3A_2226 : memref<1x1x64x256xf32, #tpu.memory_space<hbm>> -> memref<64x256xf32, #tpu.memory_space<hbm>>
    %dma_wait3A_2228 = arith.constant 0 : i32
    %dma_wait3A_2229 = arith.constant 0 : i32
    %dma_wait3A_2230 = tpu.memref_slice %arg4[%arg1, %dma_wait3A_2223, %dma_wait3A_2228, %dma_wait3A_2229] : memref<16x3x64x512xf32, #tpu.memory_space<vmem_shared>> -> memref<1x1x64x512xf32, #tpu.memory_space<vmem_shared>>
    %dma_wait3A_2231 = tpu.memref_squeeze %dma_wait3A_2230 : memref<1x1x64x512xf32, #tpu.memory_space<vmem_shared>> -> memref<64x512xf32, #tpu.memory_space<vmem_shared>>
    %dma_wait3A_2232 = arith.constant 0 : i32
    %dma_wait3A_2233 = arith.constant 256 : i32
    %dma_wait3A_2234 = tpu.memref_slice %dma_wait3A_2231[%dma_wait3A_2232, %dma_wait3A_2233] : memref<64x512xf32, #tpu.memory_space<vmem_shared>> -> memref<64x256xf32, #tpu.memory_space<vmem_shared>>
    tpu.wait_dma2 semaphore(%arg9 : memref<!tpu.dma_semaphore, #tpu.memory_space<semaphore_mem>>) src(%dma_wait3A_2234 : memref<64x256xf32, #tpu.memory_space<vmem_shared>>) dst(%dma_wait3A_2227 : memref<64x256xf32, #tpu.memory_space<hbm>>)
    %dma_wait3A_2235 = arith.constant 1 : i32
    %dma_wait3A_2236 = arith.constant 0 : i32
    %dma_wait3A_2237 = arith.constant 256 : i32
    %dma_wait3A_2238 = tpu.memref_slice %arg3[%select_n3A, %add3A_2174, %dma_wait3A_2236, %dma_wait3A_2237] : memref<16x64x64x512xf32, #tpu.memory_space<hbm>> -> memref<1x1x64x256xf32, #tpu.memory_space<hbm>>
    %dma_wait3A_2239 = tpu.memref_squeeze %dma_wait3A_2238 : memref<1x1x64x256xf32, #tpu.memory_space<hbm>> -> memref<64x256xf32, #tpu.memory_space<hbm>>
    %dma_wait3A_2240 = arith.constant 0 : i32
    %dma_wait3A_2241 = arith.constant 0 : i32
    %dma_wait3A_2242 = tpu.memref_slice %arg4[%arg1, %dma_wait3A_2235, %dma_wait3A_2240, %dma_wait3A_2241] : memref<16x3x64x512xf32, #tpu.memory_space<vmem_shared>> -> memref<1x1x64x512xf32, #tpu.memory_space<vmem_shared>>
    %dma_wait3A_2243 = tpu.memref_squeeze %dma_wait3A_2242 : memref<1x1x64x512xf32, #tpu.memory_space<vmem_shared>> -> memref<64x512xf32, #tpu.memory_space<vmem_shared>>
    %dma_wait3A_2244 = arith.constant 0 : i32
    %dma_wait3A_2245 = arith.constant 0 : i32
    %dma_wait3A_2246 = tpu.memref_slice %dma_wait3A_2243[%dma_wait3A_2244, %dma_wait3A_2245] : memref<64x512xf32, #tpu.memory_space<vmem_shared>> -> memref<64x256xf32, #tpu.memory_space<vmem_shared>>
    tpu.wait_dma2 semaphore(%arg9 : memref<!tpu.dma_semaphore, #tpu.memory_space<semaphore_mem>>) src(%dma_wait3A_2246 : memref<64x256xf32, #tpu.memory_space<vmem_shared>>) dst(%dma_wait3A_2239 : memref<64x256xf32, #tpu.memory_space<hbm>>)
    %dma_wait3A_2247 = arith.constant 2 : i32
    %dma_wait3A_2248 = arith.constant 0 : i32
    %dma_wait3A_2249 = arith.constant 0 : i32
    %dma_wait3A_2250 = tpu.memref_slice %arg3[%select_n3A, %add3A_2104, %dma_wait3A_2248, %dma_wait3A_2249] : memref<16x64x64x512xf32, #tpu.memory_space<hbm>> -> memref<1x1x64x256xf32, #tpu.memory_space<hbm>>
    %dma_wait3A_2251 = tpu.memref_squeeze %dma_wait3A_2250 : memref<1x1x64x256xf32, #tpu.memory_space<hbm>> -> memref<64x256xf32, #tpu.memory_space<hbm>>
    %dma_wait3A_2252 = arith.constant 0 : i32
    %dma_wait3A_2253 = arith.constant 0 : i32
    %dma_wait3A_2254 = tpu.memref_slice %arg4[%arg1, %dma_wait3A_2247, %dma_wait3A_2252, %dma_wait3A_2253] : memref<16x3x64x512xf32, #tpu.memory_space<vmem_shared>> -> memref<1x1x64x512xf32, #tpu.memory_space<vmem_shared>>
    %dma_wait3A_2255 = tpu.memref_squeeze %dma_wait3A_2254 : memref<1x1x64x512xf32, #tpu.memory_space<vmem_shared>> -> memref<64x512xf32, #tpu.memory_space<vmem_shared>>
    %dma_wait3A_2256 = arith.constant 0 : i32
    %dma_wait3A_2257 = arith.constant 256 : i32
    %dma_wait3A_2258 = tpu.memref_slice %dma_wait3A_2255[%dma_wait3A_2256, %dma_wait3A_2257] : memref<64x512xf32, #tpu.memory_space<vmem_shared>> -> memref<64x256xf32, #tpu.memory_space<vmem_shared>>
    tpu.wait_dma2 semaphore(%arg10 : memref<!tpu.dma_semaphore, #tpu.memory_space<semaphore_mem>>) src(%dma_wait3A_2258 : memref<64x256xf32, #tpu.memory_space<vmem_shared>>) dst(%dma_wait3A_2251 : memref<64x256xf32, #tpu.memory_space<hbm>>)
    %dma_wait3A_2259 = arith.constant 2 : i32
    %dma_wait3A_2260 = arith.constant 0 : i32
    %dma_wait3A_2261 = arith.constant 256 : i32
    %dma_wait3A_2262 = tpu.memref_slice %arg3[%select_n3A, %add3A_2104, %dma_wait3A_2260, %dma_wait3A_2261] : memref<16x64x64x512xf32, #tpu.memory_space<hbm>> -> memref<1x1x64x256xf32, #tpu.memory_space<hbm>>
    %dma_wait3A_2263 = tpu.memref_squeeze %dma_wait3A_2262 : memref<1x1x64x256xf32, #tpu.memory_space<hbm>> -> memref<64x256xf32, #tpu.memory_space<hbm>>
    %dma_wait3A_2264 = arith.constant 0 : i32
    %dma_wait3A_2265 = arith.constant 0 : i32
    %dma_wait3A_2266 = tpu.memref_slice %arg4[%arg1, %dma_wait3A_2259, %dma_wait3A_2264, %dma_wait3A_2265] : memref<16x3x64x512xf32, #tpu.memory_space<vmem_shared>> -> memref<1x1x64x512xf32, #tpu.memory_space<vmem_shared>>
    %dma_wait3A_2267 = tpu.memref_squeeze %dma_wait3A_2266 : memref<1x1x64x512xf32, #tpu.memory_space<vmem_shared>> -> memref<64x512xf32, #tpu.memory_space<vmem_shared>>
    %dma_wait3A_2268 = arith.constant 0 : i32
    %dma_wait3A_2269 = arith.constant 0 : i32
    %dma_wait3A_2270 = tpu.memref_slice %dma_wait3A_2267[%dma_wait3A_2268, %dma_wait3A_2269] : memref<64x512xf32, #tpu.memory_space<vmem_shared>> -> memref<64x256xf32, #tpu.memory_space<vmem_shared>>
    tpu.wait_dma2 semaphore(%arg10 : memref<!tpu.dma_semaphore, #tpu.memory_space<semaphore_mem>>) src(%dma_wait3A_2270 : memref<64x256xf32, #tpu.memory_space<vmem_shared>>) dst(%dma_wait3A_2263 : memref<64x256xf32, #tpu.memory_space<hbm>>)
    return
  }
}

</mosaic_0001>

<sc_bundles>
// kernel: kernel.3.cloned.1.call-start
scs
__scs_entry_jumppad:
0x0: {  	(pc) =	sbr.rel $0x88, $3  }
0x1: {  	(tag) =	ssettag $0x0;
	lr =	simm.s32 $0x1  }
0x2: {  	[smem:$0x3FA0] =	sst lr;
	_ =	strace $0xD0000000  }
0x3: {  	_ = 	snop  }
0x4: {  	_ = 	snop  }
0x5: {  	_ = 	snop  }
0x6: {  	_ = 	snop  }
0x7: {  	_ = 	snop  }
__scs_overlays_trampoline_lowered:
0x8: {  	[smem:$0x3FAF] =	sst s0  }
0x9: {  	[smem:$0x3FB0] =	sst s1  }
0xa: {  	[smem:$0x3FB1] =	sst s2  }
0xb: {  	[smem:$0x3FB2] =	sst s3  }
0xc: {  	[smem:$0x3FB3] =	sst s4  }
0xd: {  	[smem:$0x3FB4] =	sst s5  }
0xe: {  	[smem:$0x3FB5] =	sst s6  }
0xf: {  	[smem:$0x3FB6] =	sst s7  }
0x10: {  	[smem:$0x3FB7] =	sst s8  }
0x11: {  	[smem:$0x3FB8] =	sst s9;
	s0 =	simm.s32 @!p0 $0x0  }
0x12: {  	s1 =	sld [smem:$0x3F9E];
	s0 =	simm.s32 @p0 $0x1  }
0x13: {  	[smem:$0x3FB9] =	sst s0;
	s0 =	simm.s32 @!p1 $0x0  }
0x14: {  	s2 =	sld [smem:$0x3F9D];
	s0 =	simm.s32 @p1 $0x1  }
0x15: {  	[smem:$0x3FBA] =	sst s0;
	s0 =	simm.s32 @!p2 $0x0  }
0x16: {  	s3 =	sld [smem:$0x3FDB];
	s0 =	simm.s32 @p2 $0x1  }
0x17: {  	s4 =	simm.s32 $0x1BF5;
	[smem:$0x3FBC] =	sst s0  }
0x18: {  	s0 =	sld [smem:$0x3F9F];
	_ =	swait.ge [sflag:s4], $0x0  }
0x19: {  	s7 =	sld [smem:$0x3FA0]  }
0x1a: {  	s8 =	sadd.s32 $0xFFFFE003, lr  }
0x1b: {  	s9 =	sadd.s32 $0xFFFFFEF7, lr;
	s5 =	simm.s32 $0xFFFFFFFF;
	p2 =	slt.u32 s8, $0xFFFFF086  }
0x1c: {  	p1 =	slt.u32 s9, $0xF7A;
	s5 =	simm.s32 @!p2 $0x0  }
0x1d: {  	s5 =	simm.s32 @p1 $0x1;
	p0 =	seq.s32 s7, s2  }
0x1e: {  	s7 =	smul.u32 @!p0 $0xF7A, s2;
	p2 =	seq.s32 @!p0 s5, $0x0  }
0x1f: {  	s9 =	smul.u32 $0xF7A, s1;
	s8 =	simm.s32 @!p0 $0x1BF5;
	p2 =	por !p2, p0  }
0x20: {  	[sflag:s8] =	ssyncset.s32 @!p0 $0xFFFFF086;
	s6 =	sadd.s32 @!p0 s3, s7;
	s7 =	simm.s32 @!p0 $0x108  }
0x21: {  	s3 =	sadd.s32 s3, s9;
	s6 =	sadd.s32 @!p0 $0x88, s6;
	s7 =	simm.s32 @p2 $0x1082  }
0x22: {  	[simem:s7], [sflag:s8] =	dma.local @!p0 [hbm:s6], $0xF7A  }
0x23: {  	s9 =	sor.u32 $0xD0000000, s2;
	s6 =	simm.s32 $0x108;
	_ =	swait.ge @!p0 [sflag:s8], $0x0  }
0x24: {  	s3 =	sadd.s32 $0x88, s3;
	s6 =	simm.s32 @!p1 $0x1082;
	[sflag:s4] =	ssyncset.s32 $0xFFFFF086  }
0x25: {  	[simem:s6], [sflag:s4] =	dma.local [hbm:s3], $0xF7A  }
0x26: {  	[smem:$0x3FA0] =	sst s1;
	(tag) =	ssettag s2;
	_ =	strace s9  }
0x27: {  	s1 =	sld [smem:$0x3FB0]  }
0x28: {  	s2 =	sld [smem:$0x3FB1]  }
0x29: {  	s4 =	sld [smem:$0x3FB3]  }
0x2a: {  	p0 =	seq.s32 s5, $0x0;
	s5 =	sld [smem:$0x3FB4]  }
0x2b: {  	s6 =	sld [smem:$0x3FB5]  }
0x2c: {  	s7 =	sld [smem:$0x3FB6]  }
0x2d: {  	s3 =	simm.s32 $0x108;
	s8 =	sld [smem:$0x3FB7]  }
0x2e: {  	s3 =	simm.s32 @!p0 $0x1082;
	s9 =	sld [smem:$0x3FB8]  }
0x2f: {  	lr =	sadd.s32 s0, s3;
	s0 =	sld [smem:$0x3FAF]  }
0x30: {  	s3 =	sld [smem:$0x3FB2]  }
0x31: {  	[smem:$0x3FBB] =	sst s10  }
0x32: {  	s10 =	sld [smem:$0x3FB9];
	_ =	sdelay $0x3  }
0x33: {  	p0 =	seq.s32 s10, $0x1;
	s10 =	sld [smem:$0x3FBB];
	_ =	sdelay $0x3  }
0x34: {  	[smem:$0x3FBB] =	sst s10  }
0x35: {  	s10 =	sld [smem:$0x3FBA];
	_ =	sdelay $0x3  }
0x36: {  	p1 =	seq.s32 s10, $0x1;
	s10 =	sld [smem:$0x3FBB];
	_ =	sdelay $0x3  }
0x37: {  	[smem:$0x3FBB] =	sst s10  }
0x38: {  	s10 =	sld [smem:$0x3FBC]  }
0x39: {  	_ = 	snop;
	(pc) =	sbr.ind lr, $3  }
0x3a: {  	_ = 	snop  }
0x3b: {  	_ = 	snop  }
0x3c: {  	p2 =	seq.s32 s10, $0x1;
	s10 =	sld [smem:$0x3FBB]  }
0x3d: {  	_ =	shalt  }
0x3e: {  	_ =	shalt  }
0x3f: {  	_ =	shalt  }
0x40: {  	_ =	shalt  }
0x41: {  	_ =	shalt  }
0x42: {  	_ =	shalt  }
0x43: {  	_ =	shalt  }
0x44: {  	_ =	shalt  }
0x45: {  	_ =	shalt  }
0x46: {  	_ =	shalt  }
0x47: {  	_ =	shalt  }
0x48: {  	_ =	shalt  }
0x49: {  	_ =	shalt  }
0x4a: {  	_ =	shalt  }
0x4b: {  	_ =	shalt  }
0x4c: {  	_ =	shalt  }
0x4d: {  	_ =	shalt  }
0x4e: {  	_ =	shalt  }
0x4f: {  	_ =	shalt  }
0x50: {  	_ =	shalt  }
0x51: {  	_ =	shalt  }
0x52: {  	_ =	shalt  }
0x53: {  	_ =	shalt  }
0x54: {  	_ =	shalt  }
0x55: {  	_ =	shalt  }
0x56: {  	_ =	shalt  }
0x57: {  	_ =	shalt  }
0x58: {  	_ =	shalt  }
0x59: {  	_ =	shalt  }
0x5a: {  	_ =	shalt  }
0x5b: {  	_ =	shalt  }
0x5c: {  	_ =	shalt  }
0x5d: {  	_ =	shalt  }
0x5e: {  	_ =	shalt  }
0x5f: {  	_ =	shalt  }
0x60: {  	_ =	shalt  }
0x61: {  	_ =	shalt  }
0x62: {  	_ =	shalt  }
0x63: {  	_ =	shalt  }
0x64: {  	_ =	shalt  }
0x65: {  	_ =	shalt  }
0x66: {  	_ =	shalt  }
0x67: {  	_ =	shalt  }
0x68: {  	_ =	shalt  }
0x69: {  	_ =	shalt  }
0x6a: {  	_ =	shalt  }
0x6b: {  	_ =	shalt  }
0x6c: {  	_ =	shalt  }
0x6d: {  	_ =	shalt  }
0x6e: {  	_ =	shalt  }
0x6f: {  	_ =	shalt  }
0x70: {  	_ =	shalt  }
0x71: {  	_ =	shalt  }
0x72: {  	_ =	shalt  }
0x73: {  	_ =	shalt  }
0x74: {  	_ =	shalt  }
0x75: {  	_ =	shalt  }
0x76: {  	_ =	shalt  }
0x77: {  	_ =	shalt  }
0x78: {  	_ =	shalt  }
0x79: {  	_ =	shalt  }
0x7a: {  	_ =	shalt  }
0x7b: {  	_ =	shalt  }
0x7c: {  	_ =	shalt  }
0x7d: {  	_ =	shalt  }
0x7e: {  	_ =	shalt  }
0x7f: {  	_ =	shalt  }
0x80: {  	_ =	shalt  }
0x81: {  	_ =	shalt  }
0x82: {  	_ =	shalt  }
0x83: {  	_ =	shalt  }
0x84: {  	_ =	shalt  }
0x85: {  	_ =	shalt  }
0x86: {  	_ =	shalt  }
0x87: {  	_ =	shalt  }
.Lfunc_end0:
.L_simem_size_0:
called_computation_lowered:
.L_overlay_start_0:
0x88: {  	s2 =	sld [smem:$0x3FD9]  }
0x89: {  	s3 =	sld [smem:$0x3FFE];
	_ =	sdelay $0x1  }
0x8a: {  	s1 =	srdreg.scid  }
0x8b: {  	s0 =	sand.u32 $0x1, s1  }
0x8c: {  	s18 =	sshll.u32 s0, $0xA;
	s2 =	sadd.s32 s3, s2  }
0x8d: {  	s2 =	sadd.s32 s2, s18  }
0x8e: {  	[smem:$0x3FC7] =	sst s2  }
0x8f: {  	_ = 	snop  }
0x90: {  	s2 =	sld [smem:$0x3FC9]  }
0x91: {  	s19 =	sld [smem:$0x3FD0];
	(tm) =	ssettm $0x1  }
0x92: {  	s4 =	sld [smem:$0x3FFB];
	_ =	sdelay $0x3  }
0x93: {  	_ =	strace s4  }
0x94: {  	s4 =	sld [smem:$0x3FFC];
	_ =	sdelay $0x3  }
0x95: {  	_ =	strace s4  }
0x96: {  	s4 =	sld [smem:$0x3FFD];
	_ =	sdelay $0x3  }
0x97: {  	_ =	strace s4  }
0x98: {  	_ =	strace $0x8FFFFFFF  }
0x99: {  	s20 =	sld [smem:$0x3FDB];
	_ =	sdelay $0x1  }
0x9a: {  	s5 =	simm.s32 $_scs_section_size  }
0x9b: {  	s6 =	simm.s32 $_size__tile_overlayer_lowered;
	s7 =	simm.s32 $_tile_overlayer_lowered  }
0x9c: {  	s23 =	simm.s32 $0x1BFF;
	s22 =	sshll.u32 s7, $0x1;
	s4 =	sadd.s32 s5, s20  }
0x9d: {  	s8 =	simm.s32 $0x0;
	s21 =	sshll.u32 s6, $0x1;
	s6 =	sadd.s32 s22, s4  }
0x9e: {  	[timem:s8], [sflag:s23] =	dma.local [hbm:s6], s21  }
0x9f: {  	_ =	swait.ge [sflag:s23], s21  }
0xa0: {  	s5 =	ssub.s32 $0x0, s21;
	[sflag:s23] =	ssyncset.done $0x0  }
0xa1: {  	[sflag:s23] =	ssyncadd.s32 s5;
	_ =	sdelay $0x1  }
0xa2: {  	s24 =	simm.s32 $0x1B8B  }
0xa3: {  	_ =	swait.ge [sflag:s24], $0x1  }
0xa4: {  	[sflag:s24] =	ssyncset.done $0x0  }
0xa5: {  	s25 =	simm.s32 $0x1B8E;
	[sflag:s24] =	ssyncadd.s32 $0xFFFFFFFF  }
0xa6: {  	s26 =	simm.s32 $execute0_lowered;
	[smem:$0x3FD2] =	sst s25  }
0xa7: {  	s5 =	sshll.u32 s26, $0x1;
	_ =	strace $0x80000046;
	[dreg:$0x1] =	wrdreg $0xFFFFFFFF  }
0xa8: {  	s28 =	simm.s32 $_size_execute0_lowered;
	s4 =	sadd.s32 s4, s5;
	[dreg:$0x0] =	wrdreg $0x0  }
0xa9: {  	s5 =	sshll.u32 s28, $0x1;
	[dreg:$0x2] =	wrdreg s4  }
0xaa: {  	[dreg:$0x3] =	wrdreg s5  }
0xab: {  	[dreg:$0x4] =	wrdreg $0xC0  }
0xac: {  	_ =	task [dreg:s8], $0x5FFFF  }
0xad: {  	[dreg:$0x1] =	wrdreg $0xFFFFFFFF  }
0xae: {  	[dreg:$0x0] =	wrdreg $0x60  }
0xaf: {  	[dreg:$0x2] =	wrdreg s2  }
0xb0: {  	[dreg:$0x3] =	wrdreg s19  }
0xb1: {  	[dreg:$0x4] =	wrdreg $0x0  }
0xb2: {  	[dreg:$0x5] =	wrdreg $0x9  }
0xb3: {  	_ =	task.clear_ibuf [dreg:s8], $0x6FFFF;
	_ =	strace $0x90000046  }
0xb4: {  	s29 =	simm.s32 $0x9;
	_ =	strace $0x80000048  }
0xb5: {  	_ =	swait.ge [sflag:s29], $0x1  }
0xb6: {  	[sflag:s29] =	ssyncadd.s32 $0xFFFFFFFF  }
0xb7: {  	_ =	strace $0x90000048  }
0xb8: {  	_ =	sfence  }
0xb9: {  	s30 =	sld [smem:$0x0];
	_ =	sdelay $0x2  }
0xba: {  	s31 =	sshll.u32 s1, $0xD;
	s1 =	sshrl.u32 s1, $0x2  }
0xbb: {  	s3 =	sand.u32 $0x4000, s31;
	s1 =	sadd.s32 s1, s30  }
0xbc: {  	s0 =	sor.u32 s3, s0;
	s1 =	sshll.u32 s1, $0x11  }
0xbd: {  	s0 =	sor.u32 s1, s0  }
0xbe: {  	s0 =	sadd.s32 $0x8F2B, s0  }
0xbf: {  	[sflag:s0] =	ssyncadd.remote.s32 $0x1  }
0xc0: {  	_ =	sfence.sel $0xFFFF  }
0xc1: {  	[dreg:$0x0] =	wrdreg $0xFFFFFFFF;
	(pc) =	sbr.abs _section_cstart, $3  }
0xc2: {  	[dreg:$0x1] =	wrdreg $0xFFFFFFFF  }
0xc3: {  	_ =	task.clear_ibuf [dreg:s8], $0x2FFFF;
	_ =	strace $0x9FFFFFFF  }
0xc4: {  	(tm) =	ssettm $0x7FFFFFFF  }
0xc5: {  	_ =	shalt  }
tec
execute0_lowered:
.L_overlay_start_1:
0x0: {  	(tag) =	ssettag $0x1  }
0x1: {  	s0 =	srdreg.scid  }
0x2: {  	s30 =	stileid.u32;
	s2 =	sand.u32 $0x1, s0  }
0x3: {  	s0 =	sor.u32 s2, s30  }
0x4: {  	p1 =	seq.s32 s2, $0x1;
	p0 =	seq.s32 s0, $0x0  }
0x5: {  	p0 =	por !p0, !p1  }
0x6: {  	s0 =	simm.s32 $0x1;
	p0 =	por !p0, !p0  }
0x7: {  	s0 =	simm.s32 @!p0 $0x0  }
0x8: {  	s4 =	rddreg [dreg:$0x0];
	s0 =	ssub.s32 s30, s0  }
0x9: {  	s1 =	rddreg [dreg:$0x1];
	s5 =	sshll.u32 s2, $0x14;
	s0 =	sshll.u32 s0, $0x15  }
0xa: {  	s3 =	rddreg [dreg:$0x2];
	s6 =	simm.s32 $0x0;
	s0 =	sor.u32 s5, s0  }
0xb: {  	[smem:$0x7FF] =	sst s6;
	s5 =	sshrl.u32 s0, $0x3  }
0xc: {  	s31 =	rddreg [dreg:$0x3];
	_ =	strace $0x80000047;
	s0 =	sadd.s32 s4, s5  }
0xd: {  	s28 =	sor.u32 $0x1000, s5;
	s9 =	sadd.s32 s1, s5;
	[dreg:$0x4] =	wrdreg s0  }
0xe: {  	s8 =	sor.u32 $0x2000, s5;
	s29 =	sadd.s32 s4, s28;
	[dreg:$0x7] =	wrdreg s9  }
0xf: {  	s7 =	sadd.s32 s4, s8;
	[dreg:$0x5] =	wrdreg s29  }
0x10: {  	s14 =	sor.u32 $0x4000, s5;
	s12 =	sadd.s32 s1, s28;
	[dreg:$0x6] =	wrdreg s7  }
0x11: {  	s15 =	sadd.s32 s4, s14;
	[dreg:$0xa] =	wrdreg s12  }
0x12: {  	s18 =	sor.u32 $0x5000, s5;
	s16 =	sadd.s32 s1, s8;
	[dreg:$0xc] =	wrdreg s15  }
0x13: {  	s22 =	sor.u32 $0x6000, s5;
	s19 =	sadd.s32 s4, s18;
	[dreg:$0xd] =	wrdreg s16  }
0x14: {  	s23 =	sadd.s32 s4, s22;
	[dreg:$0xf] =	wrdreg s19  }
0x15: {  	s24 =	sadd.s32 s1, s14;
	[dreg:$0x12] =	wrdreg s23  }
0x16: {  	s9 =	sor.u32 $0x3000, s5;
	[dreg:$0x13] =	wrdreg s24  }
0x17: {  	s11 =	sadd.s32 s4, s9;
	s0 =	rddreg [dreg:$0x4]  }
0x18: {  	s20 =	sadd.s32 s1, s9;
	[dreg:$0x9] =	wrdreg s11  }
0x19: {  	s29 =	sadd.s32 s1, s18;
	[dreg:$0x10] =	wrdreg s20  }
0x1a: {  	s26 =	sor.u32 $0x7000, s5;
	s12 =	sadd.s32 s1, s22;
	[dreg:$0x16] =	wrdreg s29  }
0x1b: {  	s7 =	sadd.s32 $0x100, s1;
	s16 =	sadd.s32 s1, s26;
	[dreg:$0x19] =	wrdreg s12  }
0x1c: {  	s10 =	sadd.s32 s5, s7;
	[dreg:$0x1c] =	wrdreg s16  }
0x1d: {  	s13 =	sadd.s32 s28, s7;
	[dreg:$0x8] =	wrdreg s10  }
0x1e: {  	s17 =	sadd.s32 s8, s7;
	[dreg:$0xb] =	wrdreg s13  }
0x1f: {  	s21 =	sadd.s32 s9, s7;
	[dreg:$0xe] =	wrdreg s17  }
0x20: {  	s25 =	sadd.s32 s14, s7;
	[dreg:$0x11] =	wrdreg s21  }
0x21: {  	s28 =	sadd.s32 s4, s26;
	[dreg:$0x14] =	wrdreg s25  }
0x22: {  	s8 =	sadd.s32 s18, s7;
	[dreg:$0x15] =	wrdreg s28  }
0x23: {  	s14 =	sor.u32 $0x9000, s5;
	[dreg:$0x17] =	wrdreg s8;
	s13 =	sadd.s32 s22, s7  }
0x24: {  	s15 =	sadd.s32 s4, s14;
	[dreg:$0x1a] =	wrdreg s13  }
0x25: {  	s18 =	sor.u32 $0xA000, s5;
	s17 =	sadd.s32 s26, s7;
	[dreg:$0x1b] =	wrdreg s15  }
0x26: {  	s19 =	sadd.s32 s4, s18;
	[dreg:$0x1d] =	wrdreg s17  }
0x27: {  	s24 =	sadd.s32 s1, s14;
	[dreg:$0x1e] =	wrdreg s19  }
0x28: {  	s25 =	sadd.s32 s14, s7;
	[smem:$0x7C4] =	sst s24  }
0x29: {  	s29 =	sadd.s32 s1, s18;
	[smem:$0x7C5] =	sst s25  }
0x2a: {  	s10 =	sor.u32 $0x8000, s5;
	s6 =	sadd.s32 s18, s7;
	[smem:$0x7C7] =	sst s29  }
0x2b: {  	s11 =	sadd.s32 s4, s10;
	[smem:$0x7C8] =	sst s6  }
0x2c: {  	s20 =	sadd.s32 s1, s10;
	[dreg:$0x18] =	wrdreg s11  }
0x2d: {  	s22 =	sor.u32 $0xB000, s5;
	s21 =	sadd.s32 s10, s7;
	[dreg:$0x1f] =	wrdreg s20  }
0x2e: {  	s26 =	sor.u32 $0xC000, s5;
	s23 =	sadd.s32 s4, s22;
	[smem:$0x7C2] =	sst s21  }
0x2f: {  	s28 =	sadd.s32 s4, s26;
	[smem:$0x7C3] =	sst s23  }
0x30: {  	s12 =	sadd.s32 s1, s22;
	[smem:$0x7C6] =	sst s28  }
0x31: {  	s14 =	sor.u32 $0xE000, s5;
	s13 =	sadd.s32 s22, s7;
	[smem:$0x7CA] =	sst s12  }
0x32: {  	s15 =	sadd.s32 s4, s14;
	[smem:$0x7CB] =	sst s13  }
0x33: {  	s16 =	sadd.s32 s1, s26;
	[smem:$0x7CC] =	sst s15  }
0x34: {  	s18 =	sor.u32 $0xF000, s5;
	s17 =	sadd.s32 s26, s7;
	[smem:$0x7CD] =	sst s16  }
0x35: {  	s19 =	sadd.s32 s4, s18;
	[smem:$0x7CE] =	sst s17  }
0x36: {  	s24 =	sadd.s32 s1, s14;
	[smem:$0x7CF] =	sst s19  }
0x37: {  	s25 =	sadd.s32 s14, s7;
	[smem:$0x7D3] =	sst s24  }
0x38: {  	s29 =	sadd.s32 s1, s18;
	[smem:$0x7D4] =	sst s25  }
0x39: {  	s10 =	sor.u32 $0xD000, s5;
	s9 =	sadd.s32 s18, s7;
	[smem:$0x7D6] =	sst s29  }
0x3a: {  	s11 =	sadd.s32 s4, s10;
	[smem:$0x7D7] =	sst s9  }
0x3b: {  	s20 =	sadd.s32 s1, s10;
	[smem:$0x7C9] =	sst s11  }
0x3c: {  	s22 =	sor.u32 $0x10000, s5;
	s21 =	sadd.s32 s10, s7;
	[smem:$0x7D0] =	sst s20  }
0x3d: {  	s26 =	sor.u32 $0x11000, s5;
	s23 =	sadd.s32 s4, s22;
	[smem:$0x7D1] =	sst s21  }
0x3e: {  	s28 =	sadd.s32 s4, s26;
	[smem:$0x7D2] =	sst s23  }
0x3f: {  	s12 =	sadd.s32 s1, s22;
	[smem:$0x7D5] =	sst s28  }
0x40: {  	s14 =	sor.u32 $0x13000, s5;
	s13 =	sadd.s32 s22, s7;
	[smem:$0x7D9] =	sst s12  }
0x41: {  	s15 =	sadd.s32 s4, s14;
	[smem:$0x7DA] =	sst s13  }
0x42: {  	s16 =	sadd.s32 s1, s26;
	[smem:$0x7DB] =	sst s15  }
0x43: {  	s18 =	sor.u32 $0x14000, s5;
	s17 =	sadd.s32 s26, s7;
	[smem:$0x7DC] =	sst s16  }
0x44: {  	s19 =	sadd.s32 s4, s18;
	[smem:$0x7DD] =	sst s17  }
0x45: {  	s24 =	sadd.s32 s1, s14;
	[smem:$0x7DE] =	sst s19  }
0x46: {  	s25 =	sadd.s32 s14, s7;
	[smem:$0x7E2] =	sst s24  }
0x47: {  	s29 =	sadd.s32 s1, s18;
	[smem:$0x7E3] =	sst s25  }
0x48: {  	s10 =	sor.u32 $0x12000, s5;
	s8 =	sadd.s32 s18, s7;
	[smem:$0x7E5] =	sst s29  }
0x49: {  	s11 =	sadd.s32 s4, s10;
	[smem:$0x7E6] =	sst s8  }
0x4a: {  	s20 =	sadd.s32 s1, s10;
	[smem:$0x7D8] =	sst s11  }
0x4b: {  	s22 =	sor.u32 $0x15000, s5;
	s21 =	sadd.s32 s10, s7;
	[smem:$0x7DF] =	sst s20  }
0x4c: {  	s26 =	sor.u32 $0x16000, s5;
	s23 =	sadd.s32 s4, s22;
	[smem:$0x7E0] =	sst s21  }
0x4d: {  	s28 =	sadd.s32 s4, s26;
	[smem:$0x7E1] =	sst s23  }
0x4e: {  	s12 =	sadd.s32 s1, s22;
	[smem:$0x7E4] =	sst s28  }
0x4f: {  	s14 =	sor.u32 $0x18000, s5;
	s13 =	sadd.s32 s22, s7;
	[smem:$0x7E8] =	sst s12  }
0x50: {  	s16 =	sadd.s32 s4, s14;
	[smem:$0x7E9] =	sst s13  }
0x51: {  	s17 =	sadd.s32 s1, s26;
	[smem:$0x7EA] =	sst s16  }
0x52: {  	s2 =	ssub.s32 $0x2, s2;
	s18 =	sadd.s32 s26, s7;
	[smem:$0x7EB] =	sst s17  }
0x53: {  	p0 =	por $0x0, $0x0;
	s25 =	sadd.s32 s1, s14;
	[smem:$0x7EC] =	sst s18  }
0x54: {  	s10 =	sor.u32 $0x17000, s5;
	s26 =	sadd.s32 s14, s7;
	[smem:$0x7F1] =	sst s25  }
0x55: {  	s19 =	sor.u32 $0x19000, s5;
	s11 =	sadd.s32 s4, s10;
	[smem:$0x7F2] =	sst s26  }
0x56: {  	s15 =	sshrl.u32 s2, $0x1;
	s20 =	sadd.s32 s4, s19;
	[smem:$0x7E7] =	sst s11  }
0x57: {  	s8 =	ssub.s32 s2, s15;
	s21 =	sadd.s32 s1, s10;
	[smem:$0x7ED] =	sst s20  }
0x58: {  	s2 =	simm.s32 $0x1;
	s22 =	sadd.s32 s10, s7;
	[smem:$0x7EE] =	sst s21  }
0x59: {  	s23 =	sor.u32 $0x1A000, s5;
	s14 =	sadd.s32 s1, s19;
	[smem:$0x7EF] =	sst s22  }
0x5a: {  	s28 =	sor.u32 $0x1B000, s5;
	s15 =	sadd.s32 s19, s7;
	[smem:$0x7F4] =	sst s14  }
0x5b: {  	s25 =	sshll.u32 s30, $0x6;
	s24 =	sadd.s32 s4, s23;
	[smem:$0x7F5] =	sst s15  }
0x5c: {  	s16 =	sor.u32 $0x1C000, s5;
	s13 =	sadd.s32 s4, s28;
	[smem:$0x7F0] =	sst s24  }
0x5d: {  	s11 =	smul.u32 $0x60000, s30;
	s29 =	sadd.s32 s4, s16;
	[smem:$0x7F3] =	sst s13  }
0x5e: {  	s14 =	sor.u32 $0x1D000, s5;
	s20 =	sadd.s32 s1, s28;
	[smem:$0x7F6] =	sst s29  }
0x5f: {  	s21 =	sadd.s32 s28, s7;
	s28 =	sadd.s32 s1, s16;
	[smem:$0x7FA] =	sst s20  }
0x60: {  	s13 =	sadd.s32 s23, s7;
	s18 =	sadd.s32 s4, s14;
	[smem:$0x7FB] =	sst s21  }
0x61: {  	[smem:$0x7FD] =	sst s28;
	s21 =	sadd.s32 s16, s7;
	s29 =	smax.u32 s8, $0x1  }
0x62: {  	s8 =	simm.s32 $0x4;
	s11 =	sshrl.u32 s11, $0x2;
	[smem:$0x7F8] =	sst s13  }
0x63: {  	[smem:$0x7F9] =	sst s18;
	s13 =	sadd.s32 s1, s14;
	s14 =	sadd.s32 s14, s7  }
0x64: {  	s18 =	simm.s32 $0x2;
	p1 =	sne.s32 s29, $0x1;
	s22 =	sadd.s32 s11, s3  }
0x65: {  	s3 =	sor.u32 $0x1C01, s25;
	s11 =	sadd.s32 s1, s23;
	s23 =	sor.u32 $0x1E000, s5  }
0x66: {  	s5 =	sor.u32 $0x1F000, s5;
	s12 =	sadd.s32 $0x8000, s22;
	s15 =	sadd.s32 $0x10000, s22  }
0x67: {  	[smem:$0x7F7] =	sst s11;
	s17 =	sadd.s32 $0x800, s22;
	s19 =	sadd.s32 $0x8800, s22  }
0x68: {  	s24 =	sadd.s32 $0x10800, s22;
	s26 =	sadd.s32 s4, s23;
	s16 =	sadd.s32 s4, s5  }
0x69: {  	s10 =	sadd.s32 s1, s23;
	s11 =	sadd.s32 s23, s7;
	s6 =	sadd.s32 s1, s5  }
.Ltmp0:
0x6a: {  	s7 =	sadd.s32 s5, s7;
	s4 =	simm.s32 $0x5;
	(pc) =	sbr.rel @!p1 .LBB2_5-.Ltmp0, $4  }
0x6b: {  	s23 =	simm.s32 $0x3;
	s1 =	sadd.s32 $0xFFFFFFFF, s29;
	s22 =	sshrl.u32 s22, $0x3  }
0x6c: {  	s5 =	simm.s32 $0x6;
	[smem:$0x7FC] =	sst s26;
	s9 =	sshrl.u32 s12, $0x3  }
0x6d: {  	s20 =	sshrl.u32 s15, $0x3;
	s17 =	sshrl.u32 s17, $0x3;
	s12 =	simm.s32 $0x10  }
0x6e: {  	s15 =	simm.s32 $0x200;
	s19 =	sshrl.u32 s19, $0x3;
	s24 =	sshrl.u32 s24, $0x3  }
0x6f: {  	[spmem:s22], [sflag:s3] =	dma.local [hbm:s0], $0x1000  }
0x70: {  	s26 =	sor.u32 $0x1C02, s25;
	s0 =	rddreg [dreg:$0x5]  }
0x71: {  	[spmem:s9], [sflag:s26] =	dma.local [hbm:s0], $0x1000  }
0x72: {  	s28 =	sor.u32 $0x1C03, s25;
	s0 =	rddreg [dreg:$0x6]  }
0x73: {  	[spmem:s20], [sflag:s28] =	dma.local [hbm:s0], $0x1000  }
0x74: {  	_ =	swait.ge [sflag:s2], $0x1000  }
0x75: {  	[sflag:s2] =	ssyncset.done $0x0  }
0x76: {  	s29 =	sor.u32 $0x1C04, s25;
	s0 =	rddreg [dreg:$0x7];
	[sflag:s2] =	ssyncadd.s32 $0xFFFFF000  }
0x77: {  	[hbm:s0@s15], [sflag:s29] =	dma.strided [spmem:s17@s15], $0x800, s12, $0x10   }
0x78: {  	s0 =	rddreg [dreg:$0x8]  }
0x79: {  	[hbm:s0@s15], [sflag:s29] =	dma.strided [spmem:s22@s15], $0x800, s12, $0x10   }
0x7a: {  	_ =	swait.ge [sflag:s8], $0x800  }
0x7b: {  	[sflag:s8] =	ssyncset.done $0x0  }
0x7c: {  	[sflag:s8] =	ssyncadd.s32 $0xFFFFF800  }
0x7d: {  	_ =	swait.ge [sflag:s8], $0x800  }
0x7e: {  	[sflag:s8] =	ssyncset.done $0x0  }
0x7f: {  	s0 =	rddreg [dreg:$0x9];
	[sflag:s8] =	ssyncadd.s32 $0xFFFFF800  }
0x80: {  	[spmem:s22], [sflag:s3] =	dma.local [hbm:s0], $0x1000  }
0x81: {  	_ =	swait.ge [sflag:s18], $0x1000  }
0x82: {  	[sflag:s18] =	ssyncset.done $0x0  }
0x83: {  	s30 =	sor.u32 $0x1C05, s25;
	s0 =	rddreg [dreg:$0xa];
	[sflag:s18] =	ssyncadd.s32 $0xFFFFF000  }
0x84: {  	[hbm:s0@s15], [sflag:s30] =	dma.strided [spmem:s19@s15], $0x800, s12, $0x10   }
0x85: {  	s0 =	rddreg [dreg:$0xb]  }
0x86: {  	[hbm:s0@s15], [sflag:s30] =	dma.strided [spmem:s9@s15], $0x800, s12, $0x10   }
0x87: {  	_ =	swait.ge [sflag:s4], $0x800  }
0x88: {  	[sflag:s4] =	ssyncset.done $0x0  }
0x89: {  	[sflag:s4] =	ssyncadd.s32 $0xFFFFF800  }
0x8a: {  	_ =	swait.ge [sflag:s4], $0x800  }
0x8b: {  	[sflag:s4] =	ssyncset.done $0x0  }
0x8c: {  	s0 =	rddreg [dreg:$0xc];
	[sflag:s4] =	ssyncadd.s32 $0xFFFFF800  }
0x8d: {  	[spmem:s9], [sflag:s26] =	dma.local [hbm:s0], $0x1000  }
0x8e: {  	_ =	swait.ge [sflag:s23], $0x1000  }
0x8f: {  	[sflag:s23] =	ssyncset.done $0x0  }
0x90: {  	s31 =	sor.u32 $0x1C06, s25;
	s0 =	rddreg [dreg:$0xd];
	[sflag:s23] =	ssyncadd.s32 $0xFFFFF000  }
0x91: {  	[hbm:s0@s15], [sflag:s31] =	dma.strided [spmem:s24@s15], $0x800, s12, $0x10   }
0x92: {  	s0 =	rddreg [dreg:$0xe]  }
0x93: {  	[hbm:s0@s15], [sflag:s31] =	dma.strided [spmem:s20@s15], $0x800, s12, $0x10   }
0x94: {  	_ =	swait.ge [sflag:s5], $0x800  }
0x95: {  	[sflag:s5] =	ssyncset.done $0x0  }
0x96: {  	[sflag:s5] =	ssyncadd.s32 $0xFFFFF800  }
0x97: {  	_ =	swait.ge [sflag:s5], $0x800  }
0x98: {  	[sflag:s5] =	ssyncset.done $0x0  }
0x99: {  	s0 =	rddreg [dreg:$0xf];
	[sflag:s5] =	ssyncadd.s32 $0xFFFFF800  }
0x9a: {  	[spmem:s20], [sflag:s28] =	dma.local [hbm:s0], $0x1000  }
0x9b: {  	_ =	swait.ge [sflag:s2], $0x1000  }
0x9c: {  	[sflag:s2] =	ssyncset.done $0x0  }
0x9d: {  	s0 =	rddreg [dreg:$0x10];
	[sflag:s2] =	ssyncadd.s32 $0xFFFFF000  }
0x9e: {  	[hbm:s0@s15], [sflag:s29] =	dma.strided [spmem:s17@s15], $0x800, s12, $0x10   }
0x9f: {  	s0 =	rddreg [dreg:$0x11]  }
0xa0: {  	[hbm:s0@s15], [sflag:s29] =	dma.strided [spmem:s22@s15], $0x800, s12, $0x10   }
0xa1: {  	_ =	swait.ge [sflag:s8], $0x800  }
0xa2: {  	[sflag:s8] =	ssyncset.done $0x0  }
0xa3: {  	[sflag:s8] =	ssyncadd.s32 $0xFFFFF800  }
0xa4: {  	_ =	swait.ge [sflag:s8], $0x800  }
0xa5: {  	[sflag:s8] =	ssyncset.done $0x0  }
0xa6: {  	s0 =	rddreg [dreg:$0x12];
	[sflag:s8] =	ssyncadd.s32 $0xFFFFF800  }
0xa7: {  	[spmem:s22], [sflag:s3] =	dma.local [hbm:s0], $0x1000  }
0xa8: {  	_ =	swait.ge [sflag:s18], $0x1000  }
0xa9: {  	[sflag:s18] =	ssyncset.done $0x0  }
0xaa: {  	s0 =	rddreg [dreg:$0x13];
	[sflag:s18] =	ssyncadd.s32 $0xFFFFF000  }
0xab: {  	[hbm:s0@s15], [sflag:s30] =	dma.strided [spmem:s19@s15], $0x800, s12, $0x10   }
0xac: {  	s0 =	rddreg [dreg:$0x14]  }
0xad: {  	[hbm:s0@s15], [sflag:s30] =	dma.strided [spmem:s9@s15], $0x800, s12, $0x10   }
0xae: {  	_ =	swait.ge [sflag:s4], $0x800  }
0xaf: {  	[sflag:s4] =	ssyncset.done $0x0  }
0xb0: {  	[sflag:s4] =	ssyncadd.s32 $0xFFFFF800  }
0xb1: {  	_ =	swait.ge [sflag:s4], $0x800  }
0xb2: {  	[sflag:s4] =	ssyncset.done $0x0  }
0xb3: {  	s0 =	rddreg [dreg:$0x15];
	[sflag:s4] =	ssyncadd.s32 $0xFFFFF800  }
0xb4: {  	[spmem:s9], [sflag:s26] =	dma.local [hbm:s0], $0x1000  }
0xb5: {  	_ =	swait.ge [sflag:s23], $0x1000  }
0xb6: {  	[sflag:s23] =	ssyncset.done $0x0  }
0xb7: {  	s0 =	rddreg [dreg:$0x16];
	[sflag:s23] =	ssyncadd.s32 $0xFFFFF000  }
0xb8: {  	[hbm:s0@s15], [sflag:s31] =	dma.strided [spmem:s24@s15], $0x800, s12, $0x10   }
0xb9: {  	s0 =	rddreg [dreg:$0x17]  }
0xba: {  	[hbm:s0@s15], [sflag:s31] =	dma.strided [spmem:s20@s15], $0x800, s12, $0x10   }
0xbb: {  	_ =	swait.ge [sflag:s5], $0x800  }
0xbc: {  	[sflag:s5] =	ssyncset.done $0x0  }
0xbd: {  	[sflag:s5] =	ssyncadd.s32 $0xFFFFF800  }
0xbe: {  	_ =	swait.ge [sflag:s5], $0x800  }
0xbf: {  	[sflag:s5] =	ssyncset.done $0x0  }
0xc0: {  	s0 =	rddreg [dreg:$0x18];
	[sflag:s5] =	ssyncadd.s32 $0xFFFFF800  }
0xc1: {  	[spmem:s20], [sflag:s28] =	dma.local [hbm:s0], $0x1000  }
0xc2: {  	_ =	swait.ge [sflag:s2], $0x1000  }
0xc3: {  	[sflag:s2] =	ssyncset.done $0x0  }
0xc4: {  	s0 =	rddreg [dreg:$0x19];
	[sflag:s2] =	ssyncadd.s32 $0xFFFFF000  }
0xc5: {  	[hbm:s0@s15], [sflag:s29] =	dma.strided [spmem:s17@s15], $0x800, s12, $0x10   }
0xc6: {  	s0 =	rddreg [dreg:$0x1a]  }
0xc7: {  	[hbm:s0@s15], [sflag:s29] =	dma.strided [spmem:s22@s15], $0x800, s12, $0x10   }
0xc8: {  	_ =	swait.ge [sflag:s8], $0x800  }
0xc9: {  	[sflag:s8] =	ssyncset.done $0x0  }
0xca: {  	[sflag:s8] =	ssyncadd.s32 $0xFFFFF800  }
0xcb: {  	_ =	swait.ge [sflag:s8], $0x800  }
0xcc: {  	[sflag:s8] =	ssyncset.done $0x0  }
0xcd: {  	s0 =	rddreg [dreg:$0x1b];
	[sflag:s8] =	ssyncadd.s32 $0xFFFFF800  }
0xce: {  	[spmem:s22], [sflag:s3] =	dma.local [hbm:s0], $0x1000  }
0xcf: {  	_ =	swait.ge [sflag:s18], $0x1000  }
0xd0: {  	[sflag:s18] =	ssyncset.done $0x0  }
0xd1: {  	s0 =	rddreg [dreg:$0x1c];
	[sflag:s18] =	ssyncadd.s32 $0xFFFFF000  }
0xd2: {  	[hbm:s0@s15], [sflag:s30] =	dma.strided [spmem:s19@s15], $0x800, s12, $0x10   }
0xd3: {  	s0 =	rddreg [dreg:$0x1d]  }
0xd4: {  	[hbm:s0@s15], [sflag:s30] =	dma.strided [spmem:s9@s15], $0x800, s12, $0x10   }
0xd5: {  	_ =	swait.ge [sflag:s4], $0x800  }
0xd6: {  	[sflag:s4] =	ssyncset.done $0x0  }
0xd7: {  	[sflag:s4] =	ssyncadd.s32 $0xFFFFF800  }
0xd8: {  	_ =	swait.ge [sflag:s4], $0x800  }
0xd9: {  	[sflag:s4] =	ssyncset.done $0x0  }
0xda: {  	s0 =	rddreg [dreg:$0x1e];
	[sflag:s4] =	ssyncadd.s32 $0xFFFFF800  }
0xdb: {  	[spmem:s9], [sflag:s26] =	dma.local [hbm:s0], $0x1000  }
0xdc: {  	_ =	swait.ge [sflag:s23], $0x1000  }
0xdd: {  	[sflag:s23] =	ssyncset.done $0x0  }
0xde: {  	s0 =	rddreg [dreg:$0x1f];
	[sflag:s23] =	ssyncadd.s32 $0xFFFFF000  }
0xdf: {  	[hbm:s0@s15], [sflag:s31] =	dma.strided [spmem:s24@s15], $0x800, s12, $0x10   }
0xe0: {  	s0 =	sld [smem:$0x7C2];
	_ =	sdelay $0x2  }
0xe1: {  	[hbm:s0@s15], [sflag:s31] =	dma.strided [spmem:s20@s15], $0x800, s12, $0x10   }
0xe2: {  	_ =	swait.ge [sflag:s5], $0x800  }
0xe3: {  	[sflag:s5] =	ssyncset.done $0x0  }
0xe4: {  	[sflag:s5] =	ssyncadd.s32 $0xFFFFF800  }
0xe5: {  	_ =	swait.ge [sflag:s5], $0x800  }
0xe6: {  	s0 =	sld [smem:$0x7C3]  }
0xe7: {  	[sflag:s5] =	ssyncset.done $0x0  }
0xe8: {  	[sflag:s5] =	ssyncadd.s32 $0xFFFFF800  }
0xe9: {  	[spmem:s20], [sflag:s28] =	dma.local [hbm:s0], $0x1000  }
0xea: {  	_ =	swait.ge [sflag:s2], $0x1000  }
0xeb: {  	s0 =	sld [smem:$0x7C4]  }
0xec: {  	[sflag:s2] =	ssyncset.done $0x0  }
0xed: {  	[sflag:s2] =	ssyncadd.s32 $0xFFFFF000  }
0xee: {  	[hbm:s0@s15], [sflag:s29] =	dma.strided [spmem:s17@s15], $0x800, s12, $0x10   }
0xef: {  	s0 =	sld [smem:$0x7C5];
	_ =	sdelay $0x2  }
0xf0: {  	[hbm:s0@s15], [sflag:s29] =	dma.strided [spmem:s22@s15], $0x800, s12, $0x10   }
0xf1: {  	_ =	swait.ge [sflag:s8], $0x800  }
0xf2: {  	[sflag:s8] =	ssyncset.done $0x0  }
0xf3: {  	[sflag:s8] =	ssyncadd.s32 $0xFFFFF800  }
0xf4: {  	_ =	swait.ge [sflag:s8], $0x800  }
0xf5: {  	s0 =	sld [smem:$0x7C6]  }
0xf6: {  	[sflag:s8] =	ssyncset.done $0x0  }
0xf7: {  	[sflag:s8] =	ssyncadd.s32 $0xFFFFF800  }
0xf8: {  	[spmem:s22], [sflag:s3] =	dma.local [hbm:s0], $0x1000  }
0xf9: {  	_ =	swait.ge [sflag:s18], $0x1000  }
0xfa: {  	s0 =	sld [smem:$0x7C7]  }
0xfb: {  	[sflag:s18] =	ssyncset.done $0x0  }
0xfc: {  	[sflag:s18] =	ssyncadd.s32 $0xFFFFF000  }
0xfd: {  	[hbm:s0@s15], [sflag:s30] =	dma.strided [spmem:s19@s15], $0x800, s12, $0x10   }
0xfe: {  	s0 =	sld [smem:$0x7C8];
	_ =	sdelay $0x2  }
0xff: {  	[hbm:s0@s15], [sflag:s30] =	dma.strided [spmem:s9@s15], $0x800, s12, $0x10   }
0x100: {  	_ =	swait.ge [sflag:s4], $0x800  }
0x101: {  	[sflag:s4] =	ssyncset.done $0x0  }
0x102: {  	[sflag:s4] =	ssyncadd.s32 $0xFFFFF800  }
0x103: {  	_ =	swait.ge [sflag:s4], $0x800  }
0x104: {  	s0 =	sld [smem:$0x7C9]  }
0x105: {  	[sflag:s4] =	ssyncset.done $0x0  }
0x106: {  	[sflag:s4] =	ssyncadd.s32 $0xFFFFF800  }
0x107: {  	[spmem:s9], [sflag:s26] =	dma.local [hbm:s0], $0x1000  }
0x108: {  	_ =	swait.ge [sflag:s23], $0x1000  }
0x109: {  	s0 =	sld [smem:$0x7CA]  }
0x10a: {  	[sflag:s23] =	ssyncset.done $0x0  }
0x10b: {  	[sflag:s23] =	ssyncadd.s32 $0xFFFFF000  }
0x10c: {  	[hbm:s0@s15], [sflag:s31] =	dma.strided [spmem:s24@s15], $0x800, s12, $0x10   }
0x10d: {  	s0 =	sld [smem:$0x7CB];
	_ =	sdelay $0x2  }
0x10e: {  	[hbm:s0@s15], [sflag:s31] =	dma.strided [spmem:s20@s15], $0x800, s12, $0x10   }
0x10f: {  	_ =	swait.ge [sflag:s5], $0x800  }
0x110: {  	[sflag:s5] =	ssyncset.done $0x0  }
0x111: {  	[sflag:s5] =	ssyncadd.s32 $0xFFFFF800  }
0x112: {  	_ =	swait.ge [sflag:s5], $0x800  }
0x113: {  	s0 =	sld [smem:$0x7CC]  }
0x114: {  	[sflag:s5] =	ssyncset.done $0x0  }
0x115: {  	[sflag:s5] =	ssyncadd.s32 $0xFFFFF800  }
0x116: {  	[spmem:s20], [sflag:s28] =	dma.local [hbm:s0], $0x1000  }
0x117: {  	_ =	swait.ge [sflag:s2], $0x1000  }
0x118: {  	s0 =	sld [smem:$0x7CD]  }
0x119: {  	[sflag:s2] =	ssyncset.done $0x0  }
0x11a: {  	[sflag:s2] =	ssyncadd.s32 $0xFFFFF000  }
0x11b: {  	[hbm:s0@s15], [sflag:s29] =	dma.strided [spmem:s17@s15], $0x800, s12, $0x10   }
0x11c: {  	s0 =	sld [smem:$0x7CE];
	_ =	sdelay $0x2  }
0x11d: {  	[hbm:s0@s15], [sflag:s29] =	dma.strided [spmem:s22@s15], $0x800, s12, $0x10   }
0x11e: {  	_ =	swait.ge [sflag:s8], $0x800  }
0x11f: {  	[sflag:s8] =	ssyncset.done $0x0  }
0x120: {  	[sflag:s8] =	ssyncadd.s32 $0xFFFFF800  }
0x121: {  	_ =	swait.ge [sflag:s8], $0x800  }
0x122: {  	s0 =	sld [smem:$0x7CF]  }
0x123: {  	[sflag:s8] =	ssyncset.done $0x0  }
0x124: {  	[sflag:s8] =	ssyncadd.s32 $0xFFFFF800  }
0x125: {  	[spmem:s22], [sflag:s3] =	dma.local [hbm:s0], $0x1000  }
0x126: {  	_ =	swait.ge [sflag:s18], $0x1000  }
0x127: {  	s0 =	sld [smem:$0x7D0]  }
0x128: {  	[sflag:s18] =	ssyncset.done $0x0  }
0x129: {  	[sflag:s18] =	ssyncadd.s32 $0xFFFFF000  }
0x12a: {  	[hbm:s0@s15], [sflag:s30] =	dma.strided [spmem:s19@s15], $0x800, s12, $0x10   }
0x12b: {  	s0 =	sld [smem:$0x7D1];
	_ =	sdelay $0x2  }
0x12c: {  	[hbm:s0@s15], [sflag:s30] =	dma.strided [spmem:s9@s15], $0x800, s12, $0x10   }
0x12d: {  	_ =	swait.ge [sflag:s4], $0x800  }
0x12e: {  	[sflag:s4] =	ssyncset.done $0x0  }
0x12f: {  	[sflag:s4] =	ssyncadd.s32 $0xFFFFF800  }
0x130: {  	_ =	swait.ge [sflag:s4], $0x800  }
0x131: {  	s0 =	sld [smem:$0x7D2]  }
0x132: {  	[sflag:s4] =	ssyncset.done $0x0  }
0x133: {  	[sflag:s4] =	ssyncadd.s32 $0xFFFFF800  }
0x134: {  	[spmem:s9], [sflag:s26] =	dma.local [hbm:s0], $0x1000  }
0x135: {  	_ =	swait.ge [sflag:s23], $0x1000  }
0x136: {  	s0 =	sld [smem:$0x7D3]  }
0x137: {  	[sflag:s23] =	ssyncset.done $0x0  }
0x138: {  	[sflag:s23] =	ssyncadd.s32 $0xFFFFF000  }
0x139: {  	[hbm:s0@s15], [sflag:s31] =	dma.strided [spmem:s24@s15], $0x800, s12, $0x10   }
0x13a: {  	s0 =	sld [smem:$0x7D4];
	_ =	sdelay $0x2  }
0x13b: {  	[hbm:s0@s15], [sflag:s31] =	dma.strided [spmem:s20@s15], $0x800, s12, $0x10   }
0x13c: {  	_ =	swait.ge [sflag:s5], $0x800  }
0x13d: {  	[sflag:s5] =	ssyncset.done $0x0  }
0x13e: {  	[sflag:s5] =	ssyncadd.s32 $0xFFFFF800  }
0x13f: {  	_ =	swait.ge [sflag:s5], $0x800  }
0x140: {  	s0 =	sld [smem:$0x7D5]  }
0x141: {  	[sflag:s5] =	ssyncset.done $0x0  }
0x142: {  	[sflag:s5] =	ssyncadd.s32 $0xFFFFF800  }
0x143: {  	[spmem:s20], [sflag:s28] =	dma.local [hbm:s0], $0x1000  }
0x144: {  	_ =	swait.ge [sflag:s2], $0x1000  }
0x145: {  	s0 =	sld [smem:$0x7D6]  }
0x146: {  	[sflag:s2] =	ssyncset.done $0x0  }
0x147: {  	[sflag:s2] =	ssyncadd.s32 $0xFFFFF000  }
0x148: {  	[hbm:s0@s15], [sflag:s29] =	dma.strided [spmem:s17@s15], $0x800, s12, $0x10   }
0x149: {  	s0 =	sld [smem:$0x7D7];
	_ =	sdelay $0x2  }
0x14a: {  	[hbm:s0@s15], [sflag:s29] =	dma.strided [spmem:s22@s15], $0x800, s12, $0x10   }
0x14b: {  	_ =	swait.ge [sflag:s8], $0x800  }
0x14c: {  	[sflag:s8] =	ssyncset.done $0x0  }
0x14d: {  	[sflag:s8] =	ssyncadd.s32 $0xFFFFF800  }
0x14e: {  	_ =	swait.ge [sflag:s8], $0x800  }
0x14f: {  	s0 =	sld [smem:$0x7D8]  }
0x150: {  	[sflag:s8] =	ssyncset.done $0x0  }
0x151: {  	[sflag:s8] =	ssyncadd.s32 $0xFFFFF800  }
0x152: {  	[spmem:s22], [sflag:s3] =	dma.local [hbm:s0], $0x1000  }
0x153: {  	_ =	swait.ge [sflag:s18], $0x1000  }
0x154: {  	s0 =	sld [smem:$0x7D9]  }
0x155: {  	[sflag:s18] =	ssyncset.done $0x0  }
0x156: {  	[sflag:s18] =	ssyncadd.s32 $0xFFFFF000  }
0x157: {  	[hbm:s0@s15], [sflag:s30] =	dma.strided [spmem:s19@s15], $0x800, s12, $0x10   }
0x158: {  	s0 =	sld [smem:$0x7DA];
	_ =	sdelay $0x2  }
0x159: {  	[hbm:s0@s15], [sflag:s30] =	dma.strided [spmem:s9@s15], $0x800, s12, $0x10   }
0x15a: {  	_ =	swait.ge [sflag:s4], $0x800  }
0x15b: {  	[sflag:s4] =	ssyncset.done $0x0  }
0x15c: {  	[sflag:s4] =	ssyncadd.s32 $0xFFFFF800  }
0x15d: {  	_ =	swait.ge [sflag:s4], $0x800  }
0x15e: {  	s0 =	sld [smem:$0x7DB]  }
0x15f: {  	[sflag:s4] =	ssyncset.done $0x0  }
0x160: {  	[sflag:s4] =	ssyncadd.s32 $0xFFFFF800  }
0x161: {  	[spmem:s9], [sflag:s26] =	dma.local [hbm:s0], $0x1000  }
0x162: {  	_ =	swait.ge [sflag:s23], $0x1000  }
0x163: {  	s0 =	sld [smem:$0x7DC]  }
0x164: {  	[sflag:s23] =	ssyncset.done $0x0  }
0x165: {  	[sflag:s23] =	ssyncadd.s32 $0xFFFFF000  }
0x166: {  	[hbm:s0@s15], [sflag:s31] =	dma.strided [spmem:s24@s15], $0x800, s12, $0x10   }
0x167: {  	s0 =	sld [smem:$0x7DD];
	_ =	sdelay $0x2  }
0x168: {  	[hbm:s0@s15], [sflag:s31] =	dma.strided [spmem:s20@s15], $0x800, s12, $0x10   }
0x169: {  	_ =	swait.ge [sflag:s5], $0x800  }
0x16a: {  	[sflag:s5] =	ssyncset.done $0x0  }
0x16b: {  	[sflag:s5] =	ssyncadd.s32 $0xFFFFF800  }
0x16c: {  	_ =	swait.ge [sflag:s5], $0x800  }
0x16d: {  	s0 =	sld [smem:$0x7DE]  }
0x16e: {  	[sflag:s5] =	ssyncset.done $0x0  }
0x16f: {  	[sflag:s5] =	ssyncadd.s32 $0xFFFFF800  }
0x170: {  	[spmem:s20], [sflag:s28] =	dma.local [hbm:s0], $0x1000  }
0x171: {  	_ =	swait.ge [sflag:s2], $0x1000  }
0x172: {  	s0 =	sld [smem:$0x7DF]  }
0x173: {  	[sflag:s2] =	ssyncset.done $0x0  }
0x174: {  	[sflag:s2] =	ssyncadd.s32 $0xFFFFF000  }
0x175: {  	[hbm:s0@s15], [sflag:s29] =	dma.strided [spmem:s17@s15], $0x800, s12, $0x10   }
0x176: {  	s0 =	sld [smem:$0x7E0];
	_ =	sdelay $0x2  }
0x177: {  	[hbm:s0@s15], [sflag:s29] =	dma.strided [spmem:s22@s15], $0x800, s12, $0x10   }
0x178: {  	_ =	swait.ge [sflag:s8], $0x800  }
0x179: {  	[sflag:s8] =	ssyncset.done $0x0  }
0x17a: {  	[sflag:s8] =	ssyncadd.s32 $0xFFFFF800  }
0x17b: {  	_ =	swait.ge [sflag:s8], $0x800  }
0x17c: {  	s0 =	sld [smem:$0x7E1]  }
0x17d: {  	[sflag:s8] =	ssyncset.done $0x0  }
0x17e: {  	[sflag:s8] =	ssyncadd.s32 $0xFFFFF800  }
0x17f: {  	[spmem:s22], [sflag:s3] =	dma.local [hbm:s0], $0x1000  }
0x180: {  	_ =	swait.ge [sflag:s18], $0x1000  }
0x181: {  	s0 =	sld [smem:$0x7E2]  }
0x182: {  	[sflag:s18] =	ssyncset.done $0x0  }
0x183: {  	[sflag:s18] =	ssyncadd.s32 $0xFFFFF000  }
0x184: {  	[hbm:s0@s15], [sflag:s30] =	dma.strided [spmem:s19@s15], $0x800, s12, $0x10   }
0x185: {  	s0 =	sld [smem:$0x7E3];
	_ =	sdelay $0x2  }
0x186: {  	[hbm:s0@s15], [sflag:s30] =	dma.strided [spmem:s9@s15], $0x800, s12, $0x10   }
0x187: {  	_ =	swait.ge [sflag:s4], $0x800  }
0x188: {  	[sflag:s4] =	ssyncset.done $0x0  }
0x189: {  	[sflag:s4] =	ssyncadd.s32 $0xFFFFF800  }
0x18a: {  	_ =	swait.ge [sflag:s4], $0x800  }
0x18b: {  	s0 =	sld [smem:$0x7E4]  }
0x18c: {  	[sflag:s4] =	ssyncset.done $0x0  }
0x18d: {  	[sflag:s4] =	ssyncadd.s32 $0xFFFFF800  }
0x18e: {  	[spmem:s9], [sflag:s26] =	dma.local [hbm:s0], $0x1000  }
0x18f: {  	_ =	swait.ge [sflag:s23], $0x1000  }
0x190: {  	s0 =	sld [smem:$0x7E5]  }
0x191: {  	[sflag:s23] =	ssyncset.done $0x0  }
0x192: {  	[sflag:s23] =	ssyncadd.s32 $0xFFFFF000  }
0x193: {  	[hbm:s0@s15], [sflag:s31] =	dma.strided [spmem:s24@s15], $0x800, s12, $0x10   }
0x194: {  	s0 =	sld [smem:$0x7E6];
	_ =	sdelay $0x2  }
0x195: {  	[hbm:s0@s15], [sflag:s31] =	dma.strided [spmem:s20@s15], $0x800, s12, $0x10   }
0x196: {  	_ =	swait.ge [sflag:s5], $0x800  }
0x197: {  	[sflag:s5] =	ssyncset.done $0x0  }
0x198: {  	[sflag:s5] =	ssyncadd.s32 $0xFFFFF800  }
0x199: {  	_ =	swait.ge [sflag:s5], $0x800  }
0x19a: {  	s0 =	sld [smem:$0x7E7]  }
0x19b: {  	[sflag:s5] =	ssyncset.done $0x0  }
0x19c: {  	[sflag:s5] =	ssyncadd.s32 $0xFFFFF800  }
0x19d: {  	[spmem:s20], [sflag:s28] =	dma.local [hbm:s0], $0x1000  }
0x19e: {  	_ =	swait.ge [sflag:s2], $0x1000  }
0x19f: {  	s0 =	sld [smem:$0x7E8]  }
0x1a0: {  	[sflag:s2] =	ssyncset.done $0x0  }
0x1a1: {  	[sflag:s2] =	ssyncadd.s32 $0xFFFFF000  }
0x1a2: {  	[hbm:s0@s15], [sflag:s29] =	dma.strided [spmem:s17@s15], $0x800, s12, $0x10   }
0x1a3: {  	s0 =	sld [smem:$0x7E9];
	_ =	sdelay $0x2  }
0x1a4: {  	[hbm:s0@s15], [sflag:s29] =	dma.strided [spmem:s22@s15], $0x800, s12, $0x10   }
0x1a5: {  	_ =	swait.ge [sflag:s8], $0x800  }
0x1a6: {  	[sflag:s8] =	ssyncset.done $0x0  }
0x1a7: {  	[sflag:s8] =	ssyncadd.s32 $0xFFFFF800  }
0x1a8: {  	_ =	swait.ge [sflag:s8], $0x800  }
0x1a9: {  	s0 =	sld [smem:$0x7EA]  }
0x1aa: {  	[sflag:s8] =	ssyncset.done $0x0  }
0x1ab: {  	[sflag:s8] =	ssyncadd.s32 $0xFFFFF800  }
0x1ac: {  	[spmem:s22], [sflag:s3] =	dma.local [hbm:s0], $0x1000  }
0x1ad: {  	_ =	swait.ge [sflag:s18], $0x1000  }
0x1ae: {  	s0 =	sld [smem:$0x7EB]  }
0x1af: {  	[sflag:s18] =	ssyncset.done $0x0  }
0x1b0: {  	[sflag:s18] =	ssyncadd.s32 $0xFFFFF000  }
0x1b1: {  	[hbm:s0@s15], [sflag:s30] =	dma.strided [spmem:s19@s15], $0x800, s12, $0x10   }
0x1b2: {  	s0 =	sld [smem:$0x7EC];
	_ =	sdelay $0x2  }
0x1b3: {  	[hbm:s0@s15], [sflag:s30] =	dma.strided [spmem:s9@s15], $0x800, s12, $0x10   }
0x1b4: {  	_ =	swait.ge [sflag:s4], $0x800  }
0x1b5: {  	[sflag:s4] =	ssyncset.done $0x0  }
0x1b6: {  	[sflag:s4] =	ssyncadd.s32 $0xFFFFF800  }
0x1b7: {  	_ =	swait.ge [sflag:s4], $0x800  }
0x1b8: {  	s0 =	sld [smem:$0x7ED]  }
0x1b9: {  	[sflag:s4] =	ssyncset.done $0x0  }
0x1ba: {  	[sflag:s4] =	ssyncadd.s32 $0xFFFFF800  }
0x1bb: {  	[spmem:s9], [sflag:s26] =	dma.local [hbm:s0], $0x1000  }
0x1bc: {  	_ =	swait.ge [sflag:s23], $0x1000  }
0x1bd: {  	s0 =	sld [smem:$0x7EE]  }
0x1be: {  	[sflag:s23] =	ssyncset.done $0x0  }
0x1bf: {  	[sflag:s23] =	ssyncadd.s32 $0xFFFFF000  }
0x1c0: {  	[hbm:s0@s15], [sflag:s31] =	dma.strided [spmem:s24@s15], $0x800, s12, $0x10   }
0x1c1: {  	s0 =	sld [smem:$0x7EF];
	_ =	sdelay $0x2  }
0x1c2: {  	[hbm:s0@s15], [sflag:s31] =	dma.strided [spmem:s20@s15], $0x800, s12, $0x10   }
0x1c3: {  	_ =	swait.ge [sflag:s5], $0x800  }
0x1c4: {  	[sflag:s5] =	ssyncset.done $0x0  }
0x1c5: {  	[sflag:s5] =	ssyncadd.s32 $0xFFFFF800  }
0x1c6: {  	_ =	swait.ge [sflag:s5], $0x800  }
0x1c7: {  	s0 =	sld [smem:$0x7F0]  }
0x1c8: {  	[sflag:s5] =	ssyncset.done $0x0  }
0x1c9: {  	[sflag:s5] =	ssyncadd.s32 $0xFFFFF800  }
0x1ca: {  	[spmem:s20], [sflag:s28] =	dma.local [hbm:s0], $0x1000  }
0x1cb: {  	_ =	swait.ge [sflag:s2], $0x1000  }
0x1cc: {  	s0 =	sld [smem:$0x7F1]  }
0x1cd: {  	[sflag:s2] =	ssyncset.done $0x0  }
0x1ce: {  	[sflag:s2] =	ssyncadd.s32 $0xFFFFF000  }
0x1cf: {  	[hbm:s0@s15], [sflag:s29] =	dma.strided [spmem:s17@s15], $0x800, s12, $0x10   }
0x1d0: {  	s0 =	sld [smem:$0x7F2];
	_ =	sdelay $0x2  }
0x1d1: {  	[hbm:s0@s15], [sflag:s29] =	dma.strided [spmem:s22@s15], $0x800, s12, $0x10   }
0x1d2: {  	_ =	swait.ge [sflag:s8], $0x800  }
0x1d3: {  	[sflag:s8] =	ssyncset.done $0x0  }
0x1d4: {  	[sflag:s8] =	ssyncadd.s32 $0xFFFFF800  }
0x1d5: {  	_ =	swait.ge [sflag:s8], $0x800  }
0x1d6: {  	s0 =	sld [smem:$0x7F3]  }
0x1d7: {  	[sflag:s8] =	ssyncset.done $0x0  }
0x1d8: {  	[sflag:s8] =	ssyncadd.s32 $0xFFFFF800  }
0x1d9: {  	[spmem:s22], [sflag:s3] =	dma.local [hbm:s0], $0x1000  }
0x1da: {  	_ =	swait.ge [sflag:s18], $0x1000  }
0x1db: {  	s0 =	sld [smem:$0x7F4]  }
0x1dc: {  	[sflag:s18] =	ssyncset.done $0x0  }
0x1dd: {  	[sflag:s18] =	ssyncadd.s32 $0xFFFFF000  }
0x1de: {  	[hbm:s0@s15], [sflag:s30] =	dma.strided [spmem:s19@s15], $0x800, s12, $0x10   }
0x1df: {  	s0 =	sld [smem:$0x7F5];
	_ =	sdelay $0x2  }
0x1e0: {  	[hbm:s0@s15], [sflag:s30] =	dma.strided [spmem:s9@s15], $0x800, s12, $0x10   }
0x1e1: {  	_ =	swait.ge [sflag:s4], $0x800  }
0x1e2: {  	[sflag:s4] =	ssyncset.done $0x0  }
0x1e3: {  	[sflag:s4] =	ssyncadd.s32 $0xFFFFF800  }
0x1e4: {  	_ =	swait.ge [sflag:s4], $0x800  }
0x1e5: {  	s0 =	sld [smem:$0x7F6]  }
0x1e6: {  	[sflag:s4] =	ssyncset.done $0x0  }
0x1e7: {  	[sflag:s4] =	ssyncadd.s32 $0xFFFFF800  }
0x1e8: {  	[spmem:s9], [sflag:s26] =	dma.local [hbm:s0], $0x1000  }
0x1e9: {  	_ =	swait.ge [sflag:s23], $0x1000  }
0x1ea: {  	s0 =	sld [smem:$0x7F7]  }
0x1eb: {  	[sflag:s23] =	ssyncset.done $0x0  }
0x1ec: {  	[sflag:s23] =	ssyncadd.s32 $0xFFFFF000  }
0x1ed: {  	[hbm:s0@s15], [sflag:s31] =	dma.strided [spmem:s24@s15], $0x800, s12, $0x10   }
0x1ee: {  	s0 =	sld [smem:$0x7F8];
	_ =	sdelay $0x2  }
0x1ef: {  	[hbm:s0@s15], [sflag:s31] =	dma.strided [spmem:s20@s15], $0x800, s12, $0x10   }
0x1f0: {  	_ =	swait.ge [sflag:s5], $0x800  }
0x1f1: {  	[sflag:s5] =	ssyncset.done $0x0  }
0x1f2: {  	[sflag:s5] =	ssyncadd.s32 $0xFFFFF800  }
0x1f3: {  	_ =	swait.ge [sflag:s5], $0x800  }
0x1f4: {  	s0 =	sld [smem:$0x7F9]  }
0x1f5: {  	[sflag:s5] =	ssyncset.done $0x0  }
0x1f6: {  	[sflag:s5] =	ssyncadd.s32 $0xFFFFF800  }
0x1f7: {  	[spmem:s20], [sflag:s28] =	dma.local [hbm:s0], $0x1000  }
0x1f8: {  	_ =	swait.ge [sflag:s2], $0x1000  }
0x1f9: {  	s0 =	sld [smem:$0x7FA]  }
0x1fa: {  	[sflag:s2] =	ssyncset.done $0x0  }
0x1fb: {  	[sflag:s2] =	ssyncadd.s32 $0xFFFFF000  }
0x1fc: {  	[hbm:s0@s15], [sflag:s29] =	dma.strided [spmem:s17@s15], $0x800, s12, $0x10   }
0x1fd: {  	s0 =	sld [smem:$0x7FB];
	_ =	sdelay $0x2  }
0x1fe: {  	[hbm:s0@s15], [sflag:s29] =	dma.strided [spmem:s22@s15], $0x800, s12, $0x10   }
0x1ff: {  	_ =	swait.ge [sflag:s8], $0x800  }
0x200: {  	[sflag:s8] =	ssyncset.done $0x0  }
0x201: {  	[sflag:s8] =	ssyncadd.s32 $0xFFFFF800  }
0x202: {  	_ =	swait.ge [sflag:s8], $0x800  }
0x203: {  	s0 =	sld [smem:$0x7FC]  }
0x204: {  	[sflag:s8] =	ssyncset.done $0x0  }
0x205: {  	[sflag:s8] =	ssyncadd.s32 $0xFFFFF800  }
0x206: {  	[spmem:s22], [sflag:s3] =	dma.local [hbm:s0], $0x1000  }
0x207: {  	_ =	swait.ge [sflag:s18], $0x1000  }
0x208: {  	s0 =	sld [smem:$0x7FD]  }
0x209: {  	[sflag:s18] =	ssyncset.done $0x0  }
0x20a: {  	[sflag:s18] =	ssyncadd.s32 $0xFFFFF000  }
0x20b: {  	[hbm:s0@s15], [sflag:s30] =	dma.strided [spmem:s19@s15], $0x800, s12, $0x10   }
0x20c: {  	[hbm:s21@s15], [sflag:s30] =	dma.strided [spmem:s9@s15], $0x800, s12, $0x10   }
0x20d: {  	_ =	swait.ge [sflag:s4], $0x800  }
0x20e: {  	[sflag:s4] =	ssyncset.done $0x0  }
0x20f: {  	[sflag:s4] =	ssyncadd.s32 $0xFFFFF800  }
0x210: {  	_ =	swait.ge [sflag:s4], $0x800  }
0x211: {  	[sflag:s4] =	ssyncset.done $0x0  }
0x212: {  	[sflag:s4] =	ssyncadd.s32 $0xFFFFF800  }
0x213: {  	[spmem:s9], [sflag:s26] =	dma.local [hbm:s16], $0x1000  }
0x214: {  	_ =	swait.ge [sflag:s23], $0x1000  }
0x215: {  	[sflag:s23] =	ssyncset.done $0x0  }
0x216: {  	[sflag:s23] =	ssyncadd.s32 $0xFFFFF000  }
0x217: {  	[hbm:s13@s15], [sflag:s31] =	dma.strided [spmem:s24@s15], $0x800, s12, $0x10   }
0x218: {  	[hbm:s14@s15], [sflag:s31] =	dma.strided [spmem:s20@s15], $0x800, s12, $0x10   }
0x219: {  	_ =	swait.ge [sflag:s2], $0x1000  }
0x21a: {  	[sflag:s2] =	ssyncset.done $0x0  }
0x21b: {  	[sflag:s2] =	ssyncadd.s32 $0xFFFFF000  }
0x21c: {  	[hbm:s10@s15], [sflag:s29] =	dma.strided [spmem:s17@s15], $0x800, s12, $0x10   }
0x21d: {  	[hbm:s11@s15], [sflag:s29] =	dma.strided [spmem:s22@s15], $0x800, s12, $0x10   }
0x21e: {  	_ =	swait.ge [sflag:s18], $0x1000  }
0x21f: {  	[sflag:s18] =	ssyncset.done $0x0  }
0x220: {  	[sflag:s18] =	ssyncadd.s32 $0xFFFFF000  }
0x221: {  	[hbm:s6@s15], [sflag:s30] =	dma.strided [spmem:s19@s15], $0x800, s12, $0x10   }
0x222: {  	[hbm:s7@s15], [sflag:s30] =	dma.strided [spmem:s9@s15], $0x800, s12, $0x10   }
0x223: {  	_ =	swait.ge [sflag:s8], $0x800  }
0x224: {  	[sflag:s8] =	ssyncset.done $0x0  }
0x225: {  	[sflag:s8] =	ssyncadd.s32 $0xFFFFF800  }
0x226: {  	_ =	swait.ge [sflag:s8], $0x800  }
0x227: {  	[sflag:s8] =	ssyncset.done $0x0  }
0x228: {  	[sflag:s8] =	ssyncadd.s32 $0xFFFFF800  }
0x229: {  	_ =	swait.ge [sflag:s4], $0x800  }
0x22a: {  	[sflag:s4] =	ssyncset.done $0x0  }
0x22b: {  	[sflag:s4] =	ssyncadd.s32 $0xFFFFF800  }
0x22c: {  	_ =	swait.ge [sflag:s4], $0x800  }
0x22d: {  	[sflag:s4] =	ssyncset.done $0x0  }
0x22e: {  	p1 =	sne.s32 s1, $0x1;
	[sflag:s4] =	ssyncadd.s32 $0xFFFFF800  }
.Ltmp1:
0x22f: {  	_ =	swait.ge [sflag:s5], $0x800;
	(pc) =	sbr.rel @!p1 .LBB2_2-.Ltmp1, $4  }
0x230: {  	[sflag:s5] =	ssyncset.done $0x0  }
0x231: {  	[sflag:s5] =	ssyncadd.s32 $0xFFFFF800  }
0x232: {  	s1 =	sadd.s32 $0xFFFFFFFF, s1;
	_ =	swait.ge [sflag:s5], $0x800  }
0x233: {  	p0 =	por $0x1, $0x1;
	s0 =	rddreg [dreg:$0x4];
	[sflag:s5] =	ssyncset.done $0x0  }
.LBB2_3:
0x234: {  	[sflag:s5] =	ssyncadd.s32 $0xFFFFF800  }
0x235: {  	[spmem:s22], [sflag:s3] =	dma.local [hbm:s0], $0x1000  }
0x236: {  	s0 =	rddreg [dreg:$0x5]  }
0x237: {  	[spmem:s9], [sflag:s26] =	dma.local [hbm:s0], $0x1000  }
0x238: {  	s0 =	rddreg [dreg:$0x6]  }
0x239: {  	[spmem:s20], [sflag:s28] =	dma.local [hbm:s0], $0x1000  }
0x23a: {  	_ =	swait.ge [sflag:s2], $0x1000  }
0x23b: {  	[sflag:s2] =	ssyncset.done $0x0  }
0x23c: {  	s0 =	rddreg [dreg:$0x7];
	[sflag:s2] =	ssyncadd.s32 $0xFFFFF000  }
0x23d: {  	[hbm:s0@s15], [sflag:s29] =	dma.strided [spmem:s17@s15], $0x800, s12, $0x10   }
0x23e: {  	s0 =	rddreg [dreg:$0x8]  }
0x23f: {  	[hbm:s0@s15], [sflag:s29] =	dma.strided [spmem:s22@s15], $0x800, s12, $0x10   }
0x240: {  	_ =	swait.ge [sflag:s8], $0x800  }
0x241: {  	[sflag:s8] =	ssyncset.done $0x0  }
0x242: {  	[sflag:s8] =	ssyncadd.s32 $0xFFFFF800  }
0x243: {  	_ =	swait.ge [sflag:s8], $0x800  }
0x244: {  	[sflag:s8] =	ssyncset.done $0x0  }
0x245: {  	s0 =	rddreg [dreg:$0x9];
	[sflag:s8] =	ssyncadd.s32 $0xFFFFF800  }
0x246: {  	[spmem:s22], [sflag:s3] =	dma.local [hbm:s0], $0x1000  }
0x247: {  	_ =	swait.ge [sflag:s18], $0x1000  }
0x248: {  	[sflag:s18] =	ssyncset.done $0x0  }
0x249: {  	s0 =	rddreg [dreg:$0xa];
	[sflag:s18] =	ssyncadd.s32 $0xFFFFF000  }
0x24a: {  	[hbm:s0@s15], [sflag:s30] =	dma.strided [spmem:s19@s15], $0x800, s12, $0x10   }
0x24b: {  	s0 =	rddreg [dreg:$0xb]  }
0x24c: {  	[hbm:s0@s15], [sflag:s30] =	dma.strided [spmem:s9@s15], $0x800, s12, $0x10   }
0x24d: {  	_ =	swait.ge [sflag:s4], $0x800  }
0x24e: {  	[sflag:s4] =	ssyncset.done $0x0  }
0x24f: {  	[sflag:s4] =	ssyncadd.s32 $0xFFFFF800  }
0x250: {  	_ =	swait.ge [sflag:s4], $0x800  }
0x251: {  	[sflag:s4] =	ssyncset.done $0x0  }
0x252: {  	s0 =	rddreg [dreg:$0xc];
	[sflag:s4] =	ssyncadd.s32 $0xFFFFF800  }
0x253: {  	[spmem:s9], [sflag:s26] =	dma.local [hbm:s0], $0x1000  }
0x254: {  	_ =	swait.ge [sflag:s23], $0x1000  }
0x255: {  	[sflag:s23] =	ssyncset.done $0x0  }
0x256: {  	s0 =	rddreg [dreg:$0xd];
	[sflag:s23] =	ssyncadd.s32 $0xFFFFF000  }
0x257: {  	[hbm:s0@s15], [sflag:s31] =	dma.strided [spmem:s24@s15], $0x800, s12, $0x10   }
0x258: {  	s0 =	rddreg [dreg:$0xe]  }
0x259: {  	[hbm:s0@s15], [sflag:s31] =	dma.strided [spmem:s20@s15], $0x800, s12, $0x10   }
0x25a: {  	_ =	swait.ge [sflag:s5], $0x800  }
0x25b: {  	[sflag:s5] =	ssyncset.done $0x0  }
0x25c: {  	[sflag:s5] =	ssyncadd.s32 $0xFFFFF800  }
0x25d: {  	_ =	swait.ge [sflag:s5], $0x800  }
0x25e: {  	[sflag:s5] =	ssyncset.done $0x0  }
0x25f: {  	s0 =	rddreg [dreg:$0xf];
	[sflag:s5] =	ssyncadd.s32 $0xFFFFF800  }
0x260: {  	[spmem:s20], [sflag:s28] =	dma.local [hbm:s0], $0x1000  }
0x261: {  	_ =	swait.ge [sflag:s2], $0x1000  }
0x262: {  	[sflag:s2] =	ssyncset.done $0x0  }
0x263: {  	s0 =	rddreg [dreg:$0x10];
	[sflag:s2] =	ssyncadd.s32 $0xFFFFF000  }
0x264: {  	[hbm:s0@s15], [sflag:s29] =	dma.strided [spmem:s17@s15], $0x800, s12, $0x10   }
0x265: {  	s0 =	rddreg [dreg:$0x11]  }
0x266: {  	[hbm:s0@s15], [sflag:s29] =	dma.strided [spmem:s22@s15], $0x800, s12, $0x10   }
0x267: {  	_ =	swait.ge [sflag:s8], $0x800  }
0x268: {  	[sflag:s8] =	ssyncset.done $0x0  }
0x269: {  	[sflag:s8] =	ssyncadd.s32 $0xFFFFF800  }
0x26a: {  	_ =	swait.ge [sflag:s8], $0x800  }
0x26b: {  	[sflag:s8] =	ssyncset.done $0x0  }
0x26c: {  	s0 =	rddreg [dreg:$0x12];
	[sflag:s8] =	ssyncadd.s32 $0xFFFFF800  }
0x26d: {  	[spmem:s22], [sflag:s3] =	dma.local [hbm:s0], $0x1000  }
0x26e: {  	_ =	swait.ge [sflag:s18], $0x1000  }
0x26f: {  	[sflag:s18] =	ssyncset.done $0x0  }
0x270: {  	s0 =	rddreg [dreg:$0x13];
	[sflag:s18] =	ssyncadd.s32 $0xFFFFF000  }
0x271: {  	[hbm:s0@s15], [sflag:s30] =	dma.strided [spmem:s19@s15], $0x800, s12, $0x10   }
0x272: {  	s0 =	rddreg [dreg:$0x14]  }
0x273: {  	[hbm:s0@s15], [sflag:s30] =	dma.strided [spmem:s9@s15], $0x800, s12, $0x10   }
0x274: {  	_ =	swait.ge [sflag:s4], $0x800  }
0x275: {  	[sflag:s4] =	ssyncset.done $0x0  }
0x276: {  	[sflag:s4] =	ssyncadd.s32 $0xFFFFF800  }
0x277: {  	_ =	swait.ge [sflag:s4], $0x800  }
0x278: {  	[sflag:s4] =	ssyncset.done $0x0  }
0x279: {  	s0 =	rddreg [dreg:$0x15];
	[sflag:s4] =	ssyncadd.s32 $0xFFFFF800  }
0x27a: {  	[spmem:s9], [sflag:s26] =	dma.local [hbm:s0], $0x1000  }
0x27b: {  	_ =	swait.ge [sflag:s23], $0x1000  }
0x27c: {  	[sflag:s23] =	ssyncset.done $0x0  }
0x27d: {  	s0 =	rddreg [dreg:$0x16];
	[sflag:s23] =	ssyncadd.s32 $0xFFFFF000  }
0x27e: {  	[hbm:s0@s15], [sflag:s31] =	dma.strided [spmem:s24@s15], $0x800, s12, $0x10   }
0x27f: {  	s0 =	rddreg [dreg:$0x17]  }
0x280: {  	[hbm:s0@s15], [sflag:s31] =	dma.strided [spmem:s20@s15], $0x800, s12, $0x10   }
0x281: {  	_ =	swait.ge [sflag:s5], $0x800  }
0x282: {  	[sflag:s5] =	ssyncset.done $0x0  }
0x283: {  	[sflag:s5] =	ssyncadd.s32 $0xFFFFF800  }
0x284: {  	_ =	swait.ge [sflag:s5], $0x800  }
0x285: {  	[sflag:s5] =	ssyncset.done $0x0  }
0x286: {  	s0 =	rddreg [dreg:$0x18];
	[sflag:s5] =	ssyncadd.s32 $0xFFFFF800  }
0x287: {  	[spmem:s20], [sflag:s28] =	dma.local [hbm:s0], $0x1000  }
0x288: {  	_ =	swait.ge [sflag:s2], $0x1000  }
0x289: {  	[sflag:s2] =	ssyncset.done $0x0  }
0x28a: {  	s0 =	rddreg [dreg:$0x19];
	[sflag:s2] =	ssyncadd.s32 $0xFFFFF000  }
0x28b: {  	[hbm:s0@s15], [sflag:s29] =	dma.strided [spmem:s17@s15], $0x800, s12, $0x10   }
0x28c: {  	s0 =	rddreg [dreg:$0x1a]  }
0x28d: {  	[hbm:s0@s15], [sflag:s29] =	dma.strided [spmem:s22@s15], $0x800, s12, $0x10   }
0x28e: {  	_ =	swait.ge [sflag:s8], $0x800  }
0x28f: {  	[sflag:s8] =	ssyncset.done $0x0  }
0x290: {  	[sflag:s8] =	ssyncadd.s32 $0xFFFFF800  }
0x291: {  	_ =	swait.ge [sflag:s8], $0x800  }
0x292: {  	[sflag:s8] =	ssyncset.done $0x0  }
0x293: {  	s0 =	rddreg [dreg:$0x1b];
	[sflag:s8] =	ssyncadd.s32 $0xFFFFF800  }
0x294: {  	[spmem:s22], [sflag:s3] =	dma.local [hbm:s0], $0x1000  }
0x295: {  	_ =	swait.ge [sflag:s18], $0x1000  }
0x296: {  	[sflag:s18] =	ssyncset.done $0x0  }
0x297: {  	s0 =	rddreg [dreg:$0x1c];
	[sflag:s18] =	ssyncadd.s32 $0xFFFFF000  }
0x298: {  	[hbm:s0@s15], [sflag:s30] =	dma.strided [spmem:s19@s15], $0x800, s12, $0x10   }
0x299: {  	s0 =	rddreg [dreg:$0x1d]  }
0x29a: {  	[hbm:s0@s15], [sflag:s30] =	dma.strided [spmem:s9@s15], $0x800, s12, $0x10   }
0x29b: {  	_ =	swait.ge [sflag:s4], $0x800  }
0x29c: {  	[sflag:s4] =	ssyncset.done $0x0  }
0x29d: {  	[sflag:s4] =	ssyncadd.s32 $0xFFFFF800  }
0x29e: {  	_ =	swait.ge [sflag:s4], $0x800  }
0x29f: {  	[sflag:s4] =	ssyncset.done $0x0  }
0x2a0: {  	s0 =	rddreg [dreg:$0x1e];
	[sflag:s4] =	ssyncadd.s32 $0xFFFFF800  }
0x2a1: {  	[spmem:s9], [sflag:s26] =	dma.local [hbm:s0], $0x1000  }
0x2a2: {  	_ =	swait.ge [sflag:s23], $0x1000  }
0x2a3: {  	[sflag:s23] =	ssyncset.done $0x0  }
0x2a4: {  	s0 =	rddreg [dreg:$0x1f];
	[sflag:s23] =	ssyncadd.s32 $0xFFFFF000  }
0x2a5: {  	[hbm:s0@s15], [sflag:s31] =	dma.strided [spmem:s24@s15], $0x800, s12, $0x10   }
0x2a6: {  	s0 =	sld [smem:$0x7C2];
	_ =	sdelay $0x2  }
0x2a7: {  	[hbm:s0@s15], [sflag:s31] =	dma.strided [spmem:s20@s15], $0x800, s12, $0x10   }
0x2a8: {  	_ =	swait.ge [sflag:s5], $0x800  }
0x2a9: {  	[sflag:s5] =	ssyncset.done $0x0  }
0x2aa: {  	[sflag:s5] =	ssyncadd.s32 $0xFFFFF800  }
0x2ab: {  	_ =	swait.ge [sflag:s5], $0x800  }
0x2ac: {  	s0 =	sld [smem:$0x7C3]  }
0x2ad: {  	[sflag:s5] =	ssyncset.done $0x0  }
0x2ae: {  	[sflag:s5] =	ssyncadd.s32 $0xFFFFF800  }
0x2af: {  	[spmem:s20], [sflag:s28] =	dma.local [hbm:s0], $0x1000  }
0x2b0: {  	_ =	swait.ge [sflag:s2], $0x1000  }
0x2b1: {  	s0 =	sld [smem:$0x7C4]  }
0x2b2: {  	[sflag:s2] =	ssyncset.done $0x0  }
0x2b3: {  	[sflag:s2] =	ssyncadd.s32 $0xFFFFF000  }
0x2b4: {  	[hbm:s0@s15], [sflag:s29] =	dma.strided [spmem:s17@s15], $0x800, s12, $0x10   }
0x2b5: {  	s0 =	sld [smem:$0x7C5];
	_ =	sdelay $0x2  }
0x2b6: {  	[hbm:s0@s15], [sflag:s29] =	dma.strided [spmem:s22@s15], $0x800, s12, $0x10   }
0x2b7: {  	_ =	swait.ge [sflag:s8], $0x800  }
0x2b8: {  	[sflag:s8] =	ssyncset.done $0x0  }
0x2b9: {  	[sflag:s8] =	ssyncadd.s32 $0xFFFFF800  }
0x2ba: {  	_ =	swait.ge [sflag:s8], $0x800  }
0x2bb: {  	s0 =	sld [smem:$0x7C6]  }
0x2bc: {  	[sflag:s8] =	ssyncset.done $0x0  }
0x2bd: {  	[sflag:s8] =	ssyncadd.s32 $0xFFFFF800  }
0x2be: {  	[spmem:s22], [sflag:s3] =	dma.local [hbm:s0], $0x1000  }
0x2bf: {  	_ =	swait.ge [sflag:s18], $0x1000  }
0x2c0: {  	s0 =	sld [smem:$0x7C7]  }
0x2c1: {  	[sflag:s18] =	ssyncset.done $0x0  }
0x2c2: {  	[sflag:s18] =	ssyncadd.s32 $0xFFFFF000  }
0x2c3: {  	[hbm:s0@s15], [sflag:s30] =	dma.strided [spmem:s19@s15], $0x800, s12, $0x10   }
0x2c4: {  	s0 =	sld [smem:$0x7C8];
	_ =	sdelay $0x2  }
0x2c5: {  	[hbm:s0@s15], [sflag:s30] =	dma.strided [spmem:s9@s15], $0x800, s12, $0x10   }
0x2c6: {  	_ =	swait.ge [sflag:s4], $0x800  }
0x2c7: {  	[sflag:s4] =	ssyncset.done $0x0  }
0x2c8: {  	[sflag:s4] =	ssyncadd.s32 $0xFFFFF800  }
0x2c9: {  	_ =	swait.ge [sflag:s4], $0x800  }
0x2ca: {  	s0 =	sld [smem:$0x7C9]  }
0x2cb: {  	[sflag:s4] =	ssyncset.done $0x0  }
0x2cc: {  	[sflag:s4] =	ssyncadd.s32 $0xFFFFF800  }
0x2cd: {  	[spmem:s9], [sflag:s26] =	dma.local [hbm:s0], $0x1000  }
0x2ce: {  	_ =	swait.ge [sflag:s23], $0x1000  }
0x2cf: {  	s0 =	sld [smem:$0x7CA]  }
0x2d0: {  	[sflag:s23] =	ssyncset.done $0x0  }
0x2d1: {  	[sflag:s23] =	ssyncadd.s32 $0xFFFFF000  }
0x2d2: {  	[hbm:s0@s15], [sflag:s31] =	dma.strided [spmem:s24@s15], $0x800, s12, $0x10   }
0x2d3: {  	s0 =	sld [smem:$0x7CB];
	_ =	sdelay $0x2  }
0x2d4: {  	[hbm:s0@s15], [sflag:s31] =	dma.strided [spmem:s20@s15], $0x800, s12, $0x10   }
0x2d5: {  	_ =	swait.ge [sflag:s5], $0x800  }
0x2d6: {  	[sflag:s5] =	ssyncset.done $0x0  }
0x2d7: {  	[sflag:s5] =	ssyncadd.s32 $0xFFFFF800  }
0x2d8: {  	_ =	swait.ge [sflag:s5], $0x800  }
0x2d9: {  	s0 =	sld [smem:$0x7CC]  }
0x2da: {  	[sflag:s5] =	ssyncset.done $0x0  }
0x2db: {  	[sflag:s5] =	ssyncadd.s32 $0xFFFFF800  }
0x2dc: {  	[spmem:s20], [sflag:s28] =	dma.local [hbm:s0], $0x1000  }
0x2dd: {  	_ =	swait.ge [sflag:s2], $0x1000  }
0x2de: {  	s0 =	sld [smem:$0x7CD]  }
0x2df: {  	[sflag:s2] =	ssyncset.done $0x0  }
0x2e0: {  	[sflag:s2] =	ssyncadd.s32 $0xFFFFF000  }
0x2e1: {  	[hbm:s0@s15], [sflag:s29] =	dma.strided [spmem:s17@s15], $0x800, s12, $0x10   }
0x2e2: {  	s0 =	sld [smem:$0x7CE];
	_ =	sdelay $0x2  }
0x2e3: {  	[hbm:s0@s15], [sflag:s29] =	dma.strided [spmem:s22@s15], $0x800, s12, $0x10   }
0x2e4: {  	_ =	swait.ge [sflag:s8], $0x800  }
0x2e5: {  	[sflag:s8] =	ssyncset.done $0x0  }
0x2e6: {  	[sflag:s8] =	ssyncadd.s32 $0xFFFFF800  }
0x2e7: {  	_ =	swait.ge [sflag:s8], $0x800  }
0x2e8: {  	s0 =	sld [smem:$0x7CF]  }
0x2e9: {  	[sflag:s8] =	ssyncset.done $0x0  }
0x2ea: {  	[sflag:s8] =	ssyncadd.s32 $0xFFFFF800  }
0x2eb: {  	[spmem:s22], [sflag:s3] =	dma.local [hbm:s0], $0x1000  }
0x2ec: {  	_ =	swait.ge [sflag:s18], $0x1000  }
0x2ed: {  	s0 =	sld [smem:$0x7D0]  }
0x2ee: {  	[sflag:s18] =	ssyncset.done $0x0  }
0x2ef: {  	[sflag:s18] =	ssyncadd.s32 $0xFFFFF000  }
0x2f0: {  	[hbm:s0@s15], [sflag:s30] =	dma.strided [spmem:s19@s15], $0x800, s12, $0x10   }
0x2f1: {  	s0 =	sld [smem:$0x7D1];
	_ =	sdelay $0x2  }
0x2f2: {  	[hbm:s0@s15], [sflag:s30] =	dma.strided [spmem:s9@s15], $0x800, s12, $0x10   }
0x2f3: {  	_ =	swait.ge [sflag:s4], $0x800  }
0x2f4: {  	[sflag:s4] =	ssyncset.done $0x0  }
0x2f5: {  	[sflag:s4] =	ssyncadd.s32 $0xFFFFF800  }
0x2f6: {  	_ =	swait.ge [sflag:s4], $0x800  }
0x2f7: {  	s0 =	sld [smem:$0x7D2]  }
0x2f8: {  	[sflag:s4] =	ssyncset.done $0x0  }
0x2f9: {  	[sflag:s4] =	ssyncadd.s32 $0xFFFFF800  }
0x2fa: {  	[spmem:s9], [sflag:s26] =	dma.local [hbm:s0], $0x1000  }
0x2fb: {  	_ =	swait.ge [sflag:s23], $0x1000  }
0x2fc: {  	s0 =	sld [smem:$0x7D3]  }
0x2fd: {  	[sflag:s23] =	ssyncset.done $0x0  }
0x2fe: {  	[sflag:s23] =	ssyncadd.s32 $0xFFFFF000  }
0x2ff: {  	[hbm:s0@s15], [sflag:s31] =	dma.strided [spmem:s24@s15], $0x800, s12, $0x10   }
0x300: {  	s0 =	sld [smem:$0x7D4];
	_ =	sdelay $0x2  }
0x301: {  	[hbm:s0@s15], [sflag:s31] =	dma.strided [spmem:s20@s15], $0x800, s12, $0x10   }
0x302: {  	_ =	swait.ge [sflag:s5], $0x800  }
0x303: {  	[sflag:s5] =	ssyncset.done $0x0  }
0x304: {  	[sflag:s5] =	ssyncadd.s32 $0xFFFFF800  }
0x305: {  	_ =	swait.ge [sflag:s5], $0x800  }
0x306: {  	s0 =	sld [smem:$0x7D5]  }
0x307: {  	[sflag:s5] =	ssyncset.done $0x0  }
0x308: {  	[sflag:s5] =	ssyncadd.s32 $0xFFFFF800  }
0x309: {  	[spmem:s20], [sflag:s28] =	dma.local [hbm:s0], $0x1000  }
0x30a: {  	_ =	swait.ge [sflag:s2], $0x1000  }
0x30b: {  	s0 =	sld [smem:$0x7D6]  }
0x30c: {  	[sflag:s2] =	ssyncset.done $0x0  }
0x30d: {  	[sflag:s2] =	ssyncadd.s32 $0xFFFFF000  }
0x30e: {  	[hbm:s0@s15], [sflag:s29] =	dma.strided [spmem:s17@s15], $0x800, s12, $0x10   }
0x30f: {  	s0 =	sld [smem:$0x7D7];
	_ =	sdelay $0x2  }
0x310: {  	[hbm:s0@s15], [sflag:s29] =	dma.strided [spmem:s22@s15], $0x800, s12, $0x10   }
0x311: {  	_ =	swait.ge [sflag:s8], $0x800  }
0x312: {  	[sflag:s8] =	ssyncset.done $0x0  }
0x313: {  	[sflag:s8] =	ssyncadd.s32 $0xFFFFF800  }
0x314: {  	_ =	swait.ge [sflag:s8], $0x800  }
0x315: {  	s0 =	sld [smem:$0x7D8]  }
0x316: {  	[sflag:s8] =	ssyncset.done $0x0  }
0x317: {  	[sflag:s8] =	ssyncadd.s32 $0xFFFFF800  }
0x318: {  	[spmem:s22], [sflag:s3] =	dma.local [hbm:s0], $0x1000  }
0x319: {  	_ =	swait.ge [sflag:s18], $0x1000  }
0x31a: {  	s0 =	sld [smem:$0x7D9]  }
0x31b: {  	[sflag:s18] =	ssyncset.done $0x0  }
0x31c: {  	[sflag:s18] =	ssyncadd.s32 $0xFFFFF000  }
0x31d: {  	[hbm:s0@s15], [sflag:s30] =	dma.strided [spmem:s19@s15], $0x800, s12, $0x10   }
0x31e: {  	s0 =	sld [smem:$0x7DA];
	_ =	sdelay $0x2  }
0x31f: {  	[hbm:s0@s15], [sflag:s30] =	dma.strided [spmem:s9@s15], $0x800, s12, $0x10   }
0x320: {  	_ =	swait.ge [sflag:s4], $0x800  }
0x321: {  	[sflag:s4] =	ssyncset.done $0x0  }
0x322: {  	[sflag:s4] =	ssyncadd.s32 $0xFFFFF800  }
0x323: {  	_ =	swait.ge [sflag:s4], $0x800  }
0x324: {  	s0 =	sld [smem:$0x7DB]  }
0x325: {  	[sflag:s4] =	ssyncset.done $0x0  }
0x326: {  	[sflag:s4] =	ssyncadd.s32 $0xFFFFF800  }
0x327: {  	[spmem:s9], [sflag:s26] =	dma.local [hbm:s0], $0x1000  }
0x328: {  	_ =	swait.ge [sflag:s23], $0x1000  }
0x329: {  	s0 =	sld [smem:$0x7DC]  }
0x32a: {  	[sflag:s23] =	ssyncset.done $0x0  }
0x32b: {  	[sflag:s23] =	ssyncadd.s32 $0xFFFFF000  }
0x32c: {  	[hbm:s0@s15], [sflag:s31] =	dma.strided [spmem:s24@s15], $0x800, s12, $0x10   }
0x32d: {  	s0 =	sld [smem:$0x7DD];
	_ =	sdelay $0x2  }
0x32e: {  	[hbm:s0@s15], [sflag:s31] =	dma.strided [spmem:s20@s15], $0x800, s12, $0x10   }
0x32f: {  	_ =	swait.ge [sflag:s5], $0x800  }
0x330: {  	[sflag:s5] =	ssyncset.done $0x0  }
0x331: {  	[sflag:s5] =	ssyncadd.s32 $0xFFFFF800  }
0x332: {  	_ =	swait.ge [sflag:s5], $0x800  }
0x333: {  	s0 =	sld [smem:$0x7DE]  }
0x334: {  	[sflag:s5] =	ssyncset.done $0x0  }
0x335: {  	[sflag:s5] =	ssyncadd.s32 $0xFFFFF800  }
0x336: {  	[spmem:s20], [sflag:s28] =	dma.local [hbm:s0], $0x1000  }
0x337: {  	_ =	swait.ge [sflag:s2], $0x1000  }
0x338: {  	s0 =	sld [smem:$0x7DF]  }
0x339: {  	[sflag:s2] =	ssyncset.done $0x0  }
0x33a: {  	[sflag:s2] =	ssyncadd.s32 $0xFFFFF000  }
0x33b: {  	[hbm:s0@s15], [sflag:s29] =	dma.strided [spmem:s17@s15], $0x800, s12, $0x10   }
0x33c: {  	s0 =	sld [smem:$0x7E0];
	_ =	sdelay $0x2  }
0x33d: {  	[hbm:s0@s15], [sflag:s29] =	dma.strided [spmem:s22@s15], $0x800, s12, $0x10   }
0x33e: {  	_ =	swait.ge [sflag:s8], $0x800  }
0x33f: {  	[sflag:s8] =	ssyncset.done $0x0  }
0x340: {  	[sflag:s8] =	ssyncadd.s32 $0xFFFFF800  }
0x341: {  	_ =	swait.ge [sflag:s8], $0x800  }
0x342: {  	s0 =	sld [smem:$0x7E1]  }
0x343: {  	[sflag:s8] =	ssyncset.done $0x0  }
0x344: {  	[sflag:s8] =	ssyncadd.s32 $0xFFFFF800  }
0x345: {  	[spmem:s22], [sflag:s3] =	dma.local [hbm:s0], $0x1000  }
0x346: {  	_ =	swait.ge [sflag:s18], $0x1000  }
0x347: {  	s0 =	sld [smem:$0x7E2]  }
0x348: {  	[sflag:s18] =	ssyncset.done $0x0  }
0x349: {  	[sflag:s18] =	ssyncadd.s32 $0xFFFFF000  }
0x34a: {  	[hbm:s0@s15], [sflag:s30] =	dma.strided [spmem:s19@s15], $0x800, s12, $0x10   }
0x34b: {  	s0 =	sld [smem:$0x7E3];
	_ =	sdelay $0x2  }
0x34c: {  	[hbm:s0@s15], [sflag:s30] =	dma.strided [spmem:s9@s15], $0x800, s12, $0x10   }
0x34d: {  	_ =	swait.ge [sflag:s4], $0x800  }
0x34e: {  	[sflag:s4] =	ssyncset.done $0x0  }
0x34f: {  	[sflag:s4] =	ssyncadd.s32 $0xFFFFF800  }
0x350: {  	_ =	swait.ge [sflag:s4], $0x800  }
0x351: {  	s0 =	sld [smem:$0x7E4]  }
0x352: {  	[sflag:s4] =	ssyncset.done $0x0  }
0x353: {  	[sflag:s4] =	ssyncadd.s32 $0xFFFFF800  }
0x354: {  	[spmem:s9], [sflag:s26] =	dma.local [hbm:s0], $0x1000  }
0x355: {  	_ =	swait.ge [sflag:s23], $0x1000  }
0x356: {  	s0 =	sld [smem:$0x7E5]  }
0x357: {  	[sflag:s23] =	ssyncset.done $0x0  }
0x358: {  	[sflag:s23] =	ssyncadd.s32 $0xFFFFF000  }
0x359: {  	[hbm:s0@s15], [sflag:s31] =	dma.strided [spmem:s24@s15], $0x800, s12, $0x10   }
0x35a: {  	s0 =	sld [smem:$0x7E6];
	_ =	sdelay $0x2  }
0x35b: {  	[hbm:s0@s15], [sflag:s31] =	dma.strided [spmem:s20@s15], $0x800, s12, $0x10   }
0x35c: {  	_ =	swait.ge [sflag:s5], $0x800  }
0x35d: {  	[sflag:s5] =	ssyncset.done $0x0  }
0x35e: {  	[sflag:s5] =	ssyncadd.s32 $0xFFFFF800  }
0x35f: {  	_ =	swait.ge [sflag:s5], $0x800  }
0x360: {  	s0 =	sld [smem:$0x7E7]  }
0x361: {  	[sflag:s5] =	ssyncset.done $0x0  }
0x362: {  	[sflag:s5] =	ssyncadd.s32 $0xFFFFF800  }
0x363: {  	[spmem:s20], [sflag:s28] =	dma.local [hbm:s0], $0x1000  }
0x364: {  	_ =	swait.ge [sflag:s2], $0x1000  }
0x365: {  	s0 =	sld [smem:$0x7E8]  }
0x366: {  	[sflag:s2] =	ssyncset.done $0x0  }
0x367: {  	[sflag:s2] =	ssyncadd.s32 $0xFFFFF000  }
0x368: {  	[hbm:s0@s15], [sflag:s29] =	dma.strided [spmem:s17@s15], $0x800, s12, $0x10   }
0x369: {  	s0 =	sld [smem:$0x7E9];
	_ =	sdelay $0x2  }
0x36a: {  	[hbm:s0@s15], [sflag:s29] =	dma.strided [spmem:s22@s15], $0x800, s12, $0x10   }
0x36b: {  	_ =	swait.ge [sflag:s8], $0x800  }
0x36c: {  	[sflag:s8] =	ssyncset.done $0x0  }
0x36d: {  	[sflag:s8] =	ssyncadd.s32 $0xFFFFF800  }
0x36e: {  	_ =	swait.ge [sflag:s8], $0x800  }
0x36f: {  	s0 =	sld [smem:$0x7EA]  }
0x370: {  	[sflag:s8] =	ssyncset.done $0x0  }
0x371: {  	[sflag:s8] =	ssyncadd.s32 $0xFFFFF800  }
0x372: {  	[spmem:s22], [sflag:s3] =	dma.local [hbm:s0], $0x1000  }
0x373: {  	_ =	swait.ge [sflag:s18], $0x1000  }
0x374: {  	s0 =	sld [smem:$0x7EB]  }
0x375: {  	[sflag:s18] =	ssyncset.done $0x0  }
0x376: {  	[sflag:s18] =	ssyncadd.s32 $0xFFFFF000  }
0x377: {  	[hbm:s0@s15], [sflag:s30] =	dma.strided [spmem:s19@s15], $0x800, s12, $0x10   }
0x378: {  	s0 =	sld [smem:$0x7EC];
	_ =	sdelay $0x2  }
0x379: {  	[hbm:s0@s15], [sflag:s30] =	dma.strided [spmem:s9@s15], $0x800, s12, $0x10   }
0x37a: {  	_ =	swait.ge [sflag:s4], $0x800  }
0x37b: {  	[sflag:s4] =	ssyncset.done $0x0  }
0x37c: {  	[sflag:s4] =	ssyncadd.s32 $0xFFFFF800  }
0x37d: {  	_ =	swait.ge [sflag:s4], $0x800  }
0x37e: {  	s0 =	sld [smem:$0x7ED]  }
0x37f: {  	[sflag:s4] =	ssyncset.done $0x0  }
0x380: {  	[sflag:s4] =	ssyncadd.s32 $0xFFFFF800  }
0x381: {  	[spmem:s9], [sflag:s26] =	dma.local [hbm:s0], $0x1000  }
0x382: {  	_ =	swait.ge [sflag:s23], $0x1000  }
0x383: {  	s0 =	sld [smem:$0x7EE]  }
0x384: {  	[sflag:s23] =	ssyncset.done $0x0  }
0x385: {  	[sflag:s23] =	ssyncadd.s32 $0xFFFFF000  }
0x386: {  	[hbm:s0@s15], [sflag:s31] =	dma.strided [spmem:s24@s15], $0x800, s12, $0x10   }
0x387: {  	s0 =	sld [smem:$0x7EF];
	_ =	sdelay $0x2  }
0x388: {  	[hbm:s0@s15], [sflag:s31] =	dma.strided [spmem:s20@s15], $0x800, s12, $0x10   }
0x389: {  	_ =	swait.ge [sflag:s5], $0x800  }
0x38a: {  	[sflag:s5] =	ssyncset.done $0x0  }
0x38b: {  	[sflag:s5] =	ssyncadd.s32 $0xFFFFF800  }
0x38c: {  	_ =	swait.ge [sflag:s5], $0x800  }
0x38d: {  	s0 =	sld [smem:$0x7F0]  }
0x38e: {  	[sflag:s5] =	ssyncset.done $0x0  }
0x38f: {  	[sflag:s5] =	ssyncadd.s32 $0xFFFFF800  }
0x390: {  	[spmem:s20], [sflag:s28] =	dma.local [hbm:s0], $0x1000  }
0x391: {  	_ =	swait.ge [sflag:s2], $0x1000  }
0x392: {  	s0 =	sld [smem:$0x7F1]  }
0x393: {  	[sflag:s2] =	ssyncset.done $0x0  }
0x394: {  	[sflag:s2] =	ssyncadd.s32 $0xFFFFF000  }
0x395: {  	[hbm:s0@s15], [sflag:s29] =	dma.strided [spmem:s17@s15], $0x800, s12, $0x10   }
0x396: {  	s0 =	sld [smem:$0x7F2];
	_ =	sdelay $0x2  }
0x397: {  	[hbm:s0@s15], [sflag:s29] =	dma.strided [spmem:s22@s15], $0x800, s12, $0x10   }
0x398: {  	_ =	swait.ge [sflag:s8], $0x800  }
0x399: {  	[sflag:s8] =	ssyncset.done $0x0  }
0x39a: {  	[sflag:s8] =	ssyncadd.s32 $0xFFFFF800  }
0x39b: {  	_ =	swait.ge [sflag:s8], $0x800  }
0x39c: {  	s0 =	sld [smem:$0x7F3]  }
0x39d: {  	[sflag:s8] =	ssyncset.done $0x0  }
0x39e: {  	[sflag:s8] =	ssyncadd.s32 $0xFFFFF800  }
0x39f: {  	[spmem:s22], [sflag:s3] =	dma.local [hbm:s0], $0x1000  }
0x3a0: {  	_ =	swait.ge [sflag:s18], $0x1000  }
0x3a1: {  	s0 =	sld [smem:$0x7F4]  }
0x3a2: {  	[sflag:s18] =	ssyncset.done $0x0  }
0x3a3: {  	[sflag:s18] =	ssyncadd.s32 $0xFFFFF000  }
0x3a4: {  	[hbm:s0@s15], [sflag:s30] =	dma.strided [spmem:s19@s15], $0x800, s12, $0x10   }
0x3a5: {  	s0 =	sld [smem:$0x7F5];
	_ =	sdelay $0x2  }
0x3a6: {  	[hbm:s0@s15], [sflag:s30] =	dma.strided [spmem:s9@s15], $0x800, s12, $0x10   }
0x3a7: {  	_ =	swait.ge [sflag:s4], $0x800  }
0x3a8: {  	[sflag:s4] =	ssyncset.done $0x0  }
0x3a9: {  	[sflag:s4] =	ssyncadd.s32 $0xFFFFF800  }
0x3aa: {  	_ =	swait.ge [sflag:s4], $0x800  }
0x3ab: {  	s0 =	sld [smem:$0x7F6]  }
0x3ac: {  	[sflag:s4] =	ssyncset.done $0x0  }
0x3ad: {  	[sflag:s4] =	ssyncadd.s32 $0xFFFFF800  }
0x3ae: {  	[spmem:s9], [sflag:s26] =	dma.local [hbm:s0], $0x1000  }
0x3af: {  	_ =	swait.ge [sflag:s23], $0x1000  }
0x3b0: {  	s0 =	sld [smem:$0x7F7]  }
0x3b1: {  	[sflag:s23] =	ssyncset.done $0x0  }
0x3b2: {  	[sflag:s23] =	ssyncadd.s32 $0xFFFFF000  }
0x3b3: {  	[hbm:s0@s15], [sflag:s31] =	dma.strided [spmem:s24@s15], $0x800, s12, $0x10   }
0x3b4: {  	s0 =	sld [smem:$0x7F8];
	_ =	sdelay $0x2  }
0x3b5: {  	[hbm:s0@s15], [sflag:s31] =	dma.strided [spmem:s20@s15], $0x800, s12, $0x10   }
0x3b6: {  	_ =	swait.ge [sflag:s5], $0x800  }
0x3b7: {  	[sflag:s5] =	ssyncset.done $0x0  }
0x3b8: {  	[sflag:s5] =	ssyncadd.s32 $0xFFFFF800  }
0x3b9: {  	_ =	swait.ge [sflag:s5], $0x800  }
0x3ba: {  	s0 =	sld [smem:$0x7F9]  }
0x3bb: {  	[sflag:s5] =	ssyncset.done $0x0  }
0x3bc: {  	[sflag:s5] =	ssyncadd.s32 $0xFFFFF800  }
0x3bd: {  	[spmem:s20], [sflag:s28] =	dma.local [hbm:s0], $0x1000  }
0x3be: {  	_ =	swait.ge [sflag:s2], $0x1000  }
0x3bf: {  	s0 =	sld [smem:$0x7FA]  }
0x3c0: {  	[sflag:s2] =	ssyncset.done $0x0  }
0x3c1: {  	[sflag:s2] =	ssyncadd.s32 $0xFFFFF000  }
0x3c2: {  	[hbm:s0@s15], [sflag:s29] =	dma.strided [spmem:s17@s15], $0x800, s12, $0x10   }
0x3c3: {  	s0 =	sld [smem:$0x7FB];
	_ =	sdelay $0x2  }
0x3c4: {  	[hbm:s0@s15], [sflag:s29] =	dma.strided [spmem:s22@s15], $0x800, s12, $0x10   }
0x3c5: {  	_ =	swait.ge [sflag:s8], $0x800  }
0x3c6: {  	[sflag:s8] =	ssyncset.done $0x0  }
0x3c7: {  	[sflag:s8] =	ssyncadd.s32 $0xFFFFF800  }
0x3c8: {  	_ =	swait.ge [sflag:s8], $0x800  }
0x3c9: {  	s0 =	sld [smem:$0x7FC]  }
0x3ca: {  	[sflag:s8] =	ssyncset.done $0x0  }
0x3cb: {  	[sflag:s8] =	ssyncadd.s32 $0xFFFFF800  }
0x3cc: {  	[spmem:s22], [sflag:s3] =	dma.local [hbm:s0], $0x1000  }
0x3cd: {  	_ =	swait.ge [sflag:s18], $0x1000  }
0x3ce: {  	s0 =	sld [smem:$0x7FD]  }
0x3cf: {  	[sflag:s18] =	ssyncset.done $0x0  }
0x3d0: {  	[sflag:s18] =	ssyncadd.s32 $0xFFFFF000  }
0x3d1: {  	[hbm:s0@s15], [sflag:s30] =	dma.strided [spmem:s19@s15], $0x800, s12, $0x10   }
0x3d2: {  	[hbm:s21@s15], [sflag:s30] =	dma.strided [spmem:s9@s15], $0x800, s12, $0x10   }
0x3d3: {  	_ =	swait.ge [sflag:s4], $0x800  }
0x3d4: {  	[sflag:s4] =	ssyncset.done $0x0  }
0x3d5: {  	[sflag:s4] =	ssyncadd.s32 $0xFFFFF800  }
0x3d6: {  	_ =	swait.ge [sflag:s4], $0x800  }
0x3d7: {  	[sflag:s4] =	ssyncset.done $0x0  }
0x3d8: {  	[sflag:s4] =	ssyncadd.s32 $0xFFFFF800  }
0x3d9: {  	[spmem:s9], [sflag:s26] =	dma.local [hbm:s16], $0x1000  }
0x3da: {  	_ =	swait.ge [sflag:s23], $0x1000  }
0x3db: {  	[sflag:s23] =	ssyncset.done $0x0  }
0x3dc: {  	[sflag:s23] =	ssyncadd.s32 $0xFFFFF000  }
0x3dd: {  	[hbm:s13@s15], [sflag:s31] =	dma.strided [spmem:s24@s15], $0x800, s12, $0x10   }
0x3de: {  	[hbm:s14@s15], [sflag:s31] =	dma.strided [spmem:s20@s15], $0x800, s12, $0x10   }
0x3df: {  	_ =	swait.ge [sflag:s2], $0x1000  }
0x3e0: {  	[sflag:s2] =	ssyncset.done $0x0  }
0x3e1: {  	[sflag:s2] =	ssyncadd.s32 $0xFFFFF000  }
0x3e2: {  	[hbm:s10@s15], [sflag:s29] =	dma.strided [spmem:s17@s15], $0x800, s12, $0x10   }
0x3e3: {  	[hbm:s11@s15], [sflag:s29] =	dma.strided [spmem:s22@s15], $0x800, s12, $0x10   }
0x3e4: {  	_ =	swait.ge [sflag:s18], $0x1000  }
0x3e5: {  	[sflag:s18] =	ssyncset.done $0x0  }
0x3e6: {  	[sflag:s18] =	ssyncadd.s32 $0xFFFFF000  }
0x3e7: {  	[hbm:s6@s15], [sflag:s30] =	dma.strided [spmem:s19@s15], $0x800, s12, $0x10   }
0x3e8: {  	[hbm:s7@s15], [sflag:s30] =	dma.strided [spmem:s9@s15], $0x800, s12, $0x10   }
0x3e9: {  	_ =	swait.ge [sflag:s8], $0x800  }
0x3ea: {  	[sflag:s8] =	ssyncset.done $0x0  }
0x3eb: {  	[sflag:s8] =	ssyncadd.s32 $0xFFFFF800  }
0x3ec: {  	_ =	swait.ge [sflag:s8], $0x800  }
0x3ed: {  	[sflag:s8] =	ssyncset.done $0x0  }
0x3ee: {  	[sflag:s8] =	ssyncadd.s32 $0xFFFFF800  }
0x3ef: {  	_ =	swait.ge [sflag:s4], $0x800  }
0x3f0: {  	[sflag:s4] =	ssyncset.done $0x0  }
0x3f1: {  	[sflag:s4] =	ssyncadd.s32 $0xFFFFF800  }
0x3f2: {  	_ =	swait.ge [sflag:s4], $0x800  }
0x3f3: {  	[sflag:s4] =	ssyncset.done $0x0  }
0x3f4: {  	p1 =	sne.s32 s1, $0x1;
	[sflag:s4] =	ssyncadd.s32 $0xFFFFF800  }
.Ltmp2:
0x3f5: {  	_ =	swait.ge [sflag:s5], $0x800;
	(pc) =	sbr.rel @p1 .LBB2_3-.Ltmp2, $4  }
0x3f6: {  	[sflag:s5] =	ssyncset.done $0x0  }
0x3f7: {  	[sflag:s5] =	ssyncadd.s32 $0xFFFFF800  }
0x3f8: {  	_ =	swait.ge [sflag:s5], $0x800  }
0x3f9: {  	s1 =	sadd.s32 $0xFFFFFFFF, s1;
	s0 =	rddreg [dreg:$0x4];
	[sflag:s5] =	ssyncset.done $0x0  }
0x3fa: {  	s30 =	stileid.u32;
	s31 =	rddreg [dreg:$0x3]  }
.LBB2_5:
0x3fb: {  	[sflag:s5] =	ssyncadd.s32 @p0 $0xFFFFF800  }
0x3fc: {  	[spmem:s22], [sflag:s3] =	dma.local [hbm:s0], $0x1000  }
0x3fd: {  	s26 =	sor.u32 $0x1C02, s25;
	s0 =	rddreg [dreg:$0x5]  }
0x3fe: {  	[spmem:s9], [sflag:s26] =	dma.local [hbm:s0], $0x1000  }
0x3ff: {  	s29 =	sor.u32 $0x1C03, s25;
	s0 =	rddreg [dreg:$0x6]  }
0x400: {  	[spmem:s20], [sflag:s29] =	dma.local [hbm:s0], $0x1000  }
0x401: {  	_ =	swait.ge [sflag:s2], $0x1000  }
0x402: {  	[sflag:s2] =	ssyncset.done $0x0  }
0x403: {  	s1 =	sor.u32 $0x1C04, s25;
	s28 =	rddreg [dreg:$0x7];
	[sflag:s2] =	ssyncadd.s32 $0xFFFFF000  }
0x404: {  	[hbm:s28@s15], [sflag:s1] =	dma.strided [spmem:s17@s15], $0x800, s12, $0x10   }
0x405: {  	s0 =	rddreg [dreg:$0x8]  }
0x406: {  	[hbm:s0@s15], [sflag:s1] =	dma.strided [spmem:s22@s15], $0x800, s12, $0x10   }
0x407: {  	_ =	swait.ge [sflag:s8], $0x800  }
0x408: {  	[sflag:s8] =	ssyncset.done $0x0  }
0x409: {  	[sflag:s8] =	ssyncadd.s32 $0xFFFFF800  }
0x40a: {  	_ =	swait.ge [sflag:s8], $0x800  }
0x40b: {  	[sflag:s8] =	ssyncset.done $0x0  }
0x40c: {  	s28 =	rddreg [dreg:$0x9];
	[sflag:s8] =	ssyncadd.s32 $0xFFFFF800  }
0x40d: {  	[spmem:s22], [sflag:s3] =	dma.local [hbm:s28], $0x1000  }
0x40e: {  	_ =	swait.ge [sflag:s18], $0x1000  }
0x40f: {  	[sflag:s18] =	ssyncset.done $0x0  }
0x410: {  	s28 =	sor.u32 $0x1C05, s25;
	s0 =	rddreg [dreg:$0xa];
	[sflag:s18] =	ssyncadd.s32 $0xFFFFF000  }
0x411: {  	[hbm:s0@s15], [sflag:s28] =	dma.strided [spmem:s19@s15], $0x800, s12, $0x10   }
0x412: {  	s0 =	rddreg [dreg:$0xb]  }
0x413: {  	[hbm:s0@s15], [sflag:s28] =	dma.strided [spmem:s9@s15], $0x800, s12, $0x10   }
0x414: {  	_ =	swait.ge [sflag:s4], $0x800  }
0x415: {  	[sflag:s4] =	ssyncset.done $0x0  }
0x416: {  	[sflag:s4] =	ssyncadd.s32 $0xFFFFF800  }
0x417: {  	_ =	swait.ge [sflag:s4], $0x800  }
0x418: {  	[sflag:s4] =	ssyncset.done $0x0  }
0x419: {  	s0 =	rddreg [dreg:$0xc];
	[sflag:s4] =	ssyncadd.s32 $0xFFFFF800  }
0x41a: {  	[spmem:s9], [sflag:s26] =	dma.local [hbm:s0], $0x1000  }
0x41b: {  	_ =	swait.ge [sflag:s23], $0x1000  }
0x41c: {  	[sflag:s23] =	ssyncset.done $0x0  }
0x41d: {  	s25 =	sor.u32 $0x1C06, s25;
	s0 =	rddreg [dreg:$0xd];
	[sflag:s23] =	ssyncadd.s32 $0xFFFFF000  }
0x41e: {  	[hbm:s0@s15], [sflag:s25] =	dma.strided [spmem:s24@s15], $0x800, s12, $0x10   }
0x41f: {  	s0 =	rddreg [dreg:$0xe]  }
0x420: {  	[hbm:s0@s15], [sflag:s25] =	dma.strided [spmem:s20@s15], $0x800, s12, $0x10   }
0x421: {  	_ =	swait.ge [sflag:s5], $0x800  }
0x422: {  	[sflag:s5] =	ssyncset.done $0x0  }
0x423: {  	[sflag:s5] =	ssyncadd.s32 $0xFFFFF800  }
0x424: {  	_ =	swait.ge [sflag:s5], $0x800  }
0x425: {  	[sflag:s5] =	ssyncset.done $0x0  }
0x426: {  	s0 =	rddreg [dreg:$0xf];
	[sflag:s5] =	ssyncadd.s32 $0xFFFFF800  }
0x427: {  	[spmem:s20], [sflag:s29] =	dma.local [hbm:s0], $0x1000  }
0x428: {  	_ =	swait.ge [sflag:s2], $0x1000  }
0x429: {  	[sflag:s2] =	ssyncset.done $0x0  }
0x42a: {  	s0 =	rddreg [dreg:$0x10];
	[sflag:s2] =	ssyncadd.s32 $0xFFFFF000  }
0x42b: {  	[hbm:s0@s15], [sflag:s1] =	dma.strided [spmem:s17@s15], $0x800, s12, $0x10   }
0x42c: {  	s0 =	rddreg [dreg:$0x11]  }
0x42d: {  	[hbm:s0@s15], [sflag:s1] =	dma.strided [spmem:s22@s15], $0x800, s12, $0x10   }
0x42e: {  	_ =	swait.ge [sflag:s8], $0x800  }
0x42f: {  	[sflag:s8] =	ssyncset.done $0x0  }
0x430: {  	[sflag:s8] =	ssyncadd.s32 $0xFFFFF800  }
0x431: {  	_ =	swait.ge [sflag:s8], $0x800  }
0x432: {  	[sflag:s8] =	ssyncset.done $0x0  }
0x433: {  	s0 =	rddreg [dreg:$0x12];
	[sflag:s8] =	ssyncadd.s32 $0xFFFFF800  }
0x434: {  	[spmem:s22], [sflag:s3] =	dma.local [hbm:s0], $0x1000  }
0x435: {  	_ =	swait.ge [sflag:s18], $0x1000  }
0x436: {  	[sflag:s18] =	ssyncset.done $0x0  }
0x437: {  	s0 =	rddreg [dreg:$0x13];
	[sflag:s18] =	ssyncadd.s32 $0xFFFFF000  }
0x438: {  	[hbm:s0@s15], [sflag:s28] =	dma.strided [spmem:s19@s15], $0x800, s12, $0x10   }
0x439: {  	s0 =	rddreg [dreg:$0x14]  }
0x43a: {  	[hbm:s0@s15], [sflag:s28] =	dma.strided [spmem:s9@s15], $0x800, s12, $0x10   }
0x43b: {  	_ =	swait.ge [sflag:s4], $0x800  }
0x43c: {  	[sflag:s4] =	ssyncset.done $0x0  }
0x43d: {  	[sflag:s4] =	ssyncadd.s32 $0xFFFFF800  }
0x43e: {  	_ =	swait.ge [sflag:s4], $0x800  }
0x43f: {  	[sflag:s4] =	ssyncset.done $0x0  }
0x440: {  	s0 =	rddreg [dreg:$0x15];
	[sflag:s4] =	ssyncadd.s32 $0xFFFFF800  }
0x441: {  	[spmem:s9], [sflag:s26] =	dma.local [hbm:s0], $0x1000  }
0x442: {  	_ =	swait.ge [sflag:s23], $0x1000  }
0x443: {  	[sflag:s23] =	ssyncset.done $0x0  }
0x444: {  	s0 =	rddreg [dreg:$0x16];
	[sflag:s23] =	ssyncadd.s32 $0xFFFFF000  }
0x445: {  	[hbm:s0@s15], [sflag:s25] =	dma.strided [spmem:s24@s15], $0x800, s12, $0x10   }
0x446: {  	s0 =	rddreg [dreg:$0x17]  }
0x447: {  	[hbm:s0@s15], [sflag:s25] =	dma.strided [spmem:s20@s15], $0x800, s12, $0x10   }
0x448: {  	_ =	swait.ge [sflag:s5], $0x800  }
0x449: {  	[sflag:s5] =	ssyncset.done $0x0  }
0x44a: {  	[sflag:s5] =	ssyncadd.s32 $0xFFFFF800  }
0x44b: {  	_ =	swait.ge [sflag:s5], $0x800  }
0x44c: {  	[sflag:s5] =	ssyncset.done $0x0  }
0x44d: {  	s0 =	rddreg [dreg:$0x18];
	[sflag:s5] =	ssyncadd.s32 $0xFFFFF800  }
0x44e: {  	[spmem:s20], [sflag:s29] =	dma.local [hbm:s0], $0x1000  }
0x44f: {  	_ =	swait.ge [sflag:s2], $0x1000  }
0x450: {  	[sflag:s2] =	ssyncset.done $0x0  }
0x451: {  	s0 =	rddreg [dreg:$0x19];
	[sflag:s2] =	ssyncadd.s32 $0xFFFFF000  }
0x452: {  	[hbm:s0@s15], [sflag:s1] =	dma.strided [spmem:s17@s15], $0x800, s12, $0x10   }
0x453: {  	s0 =	rddreg [dreg:$0x1a]  }
0x454: {  	[hbm:s0@s15], [sflag:s1] =	dma.strided [spmem:s22@s15], $0x800, s12, $0x10   }
0x455: {  	_ =	swait.ge [sflag:s8], $0x800  }
0x456: {  	[sflag:s8] =	ssyncset.done $0x0  }
0x457: {  	[sflag:s8] =	ssyncadd.s32 $0xFFFFF800  }
0x458: {  	_ =	swait.ge [sflag:s8], $0x800  }
0x459: {  	[sflag:s8] =	ssyncset.done $0x0  }
0x45a: {  	s0 =	rddreg [dreg:$0x1b];
	[sflag:s8] =	ssyncadd.s32 $0xFFFFF800  }
0x45b: {  	[spmem:s22], [sflag:s3] =	dma.local [hbm:s0], $0x1000  }
0x45c: {  	_ =	swait.ge [sflag:s18], $0x1000  }
0x45d: {  	[sflag:s18] =	ssyncset.done $0x0  }
0x45e: {  	s0 =	rddreg [dreg:$0x1c];
	[sflag:s18] =	ssyncadd.s32 $0xFFFFF000  }
0x45f: {  	[hbm:s0@s15], [sflag:s28] =	dma.strided [spmem:s19@s15], $0x800, s12, $0x10   }
0x460: {  	s0 =	rddreg [dreg:$0x1d]  }
0x461: {  	[hbm:s0@s15], [sflag:s28] =	dma.strided [spmem:s9@s15], $0x800, s12, $0x10   }
0x462: {  	_ =	swait.ge [sflag:s4], $0x800  }
0x463: {  	[sflag:s4] =	ssyncset.done $0x0  }
0x464: {  	[sflag:s4] =	ssyncadd.s32 $0xFFFFF800  }
0x465: {  	_ =	swait.ge [sflag:s4], $0x800  }
0x466: {  	[sflag:s4] =	ssyncset.done $0x0  }
0x467: {  	s0 =	rddreg [dreg:$0x1e];
	[sflag:s4] =	ssyncadd.s32 $0xFFFFF800  }
0x468: {  	[spmem:s9], [sflag:s26] =	dma.local [hbm:s0], $0x1000  }
0x469: {  	_ =	swait.ge [sflag:s23], $0x1000  }
0x46a: {  	[sflag:s23] =	ssyncset.done $0x0  }
0x46b: {  	s0 =	rddreg [dreg:$0x1f];
	[sflag:s23] =	ssyncadd.s32 $0xFFFFF000  }
0x46c: {  	[hbm:s0@s15], [sflag:s25] =	dma.strided [spmem:s24@s15], $0x800, s12, $0x10   }
0x46d: {  	s0 =	sld [smem:$0x7C2];
	_ =	sdelay $0x2  }
0x46e: {  	[hbm:s0@s15], [sflag:s25] =	dma.strided [spmem:s20@s15], $0x800, s12, $0x10   }
0x46f: {  	_ =	swait.ge [sflag:s5], $0x800  }
0x470: {  	[sflag:s5] =	ssyncset.done $0x0  }
0x471: {  	[sflag:s5] =	ssyncadd.s32 $0xFFFFF800  }
0x472: {  	_ =	swait.ge [sflag:s5], $0x800  }
0x473: {  	s0 =	sld [smem:$0x7C3]  }
0x474: {  	[sflag:s5] =	ssyncset.done $0x0  }
0x475: {  	[sflag:s5] =	ssyncadd.s32 $0xFFFFF800  }
0x476: {  	[spmem:s20], [sflag:s29] =	dma.local [hbm:s0], $0x1000  }
0x477: {  	_ =	swait.ge [sflag:s2], $0x1000  }
0x478: {  	s0 =	sld [smem:$0x7C4]  }
0x479: {  	[sflag:s2] =	ssyncset.done $0x0  }
0x47a: {  	[sflag:s2] =	ssyncadd.s32 $0xFFFFF000  }
0x47b: {  	[hbm:s0@s15], [sflag:s1] =	dma.strided [spmem:s17@s15], $0x800, s12, $0x10   }
0x47c: {  	s0 =	sld [smem:$0x7C5];
	_ =	sdelay $0x2  }
0x47d: {  	[hbm:s0@s15], [sflag:s1] =	dma.strided [spmem:s22@s15], $0x800, s12, $0x10   }
0x47e: {  	_ =	swait.ge [sflag:s8], $0x800  }
0x47f: {  	[sflag:s8] =	ssyncset.done $0x0  }
0x480: {  	[sflag:s8] =	ssyncadd.s32 $0xFFFFF800  }
0x481: {  	_ =	swait.ge [sflag:s8], $0x800  }
0x482: {  	s0 =	sld [smem:$0x7C6]  }
0x483: {  	[sflag:s8] =	ssyncset.done $0x0  }
0x484: {  	[sflag:s8] =	ssyncadd.s32 $0xFFFFF800  }
0x485: {  	[spmem:s22], [sflag:s3] =	dma.local [hbm:s0], $0x1000  }
0x486: {  	_ =	swait.ge [sflag:s18], $0x1000  }
0x487: {  	s0 =	sld [smem:$0x7C7]  }
0x488: {  	[sflag:s18] =	ssyncset.done $0x0  }
0x489: {  	[sflag:s18] =	ssyncadd.s32 $0xFFFFF000  }
0x48a: {  	[hbm:s0@s15], [sflag:s28] =	dma.strided [spmem:s19@s15], $0x800, s12, $0x10   }
0x48b: {  	s0 =	sld [smem:$0x7C8];
	_ =	sdelay $0x2  }
0x48c: {  	[hbm:s0@s15], [sflag:s28] =	dma.strided [spmem:s9@s15], $0x800, s12, $0x10   }
0x48d: {  	_ =	swait.ge [sflag:s4], $0x800  }
0x48e: {  	[sflag:s4] =	ssyncset.done $0x0  }
0x48f: {  	[sflag:s4] =	ssyncadd.s32 $0xFFFFF800  }
0x490: {  	_ =	swait.ge [sflag:s4], $0x800  }
0x491: {  	s0 =	sld [smem:$0x7C9]  }
0x492: {  	[sflag:s4] =	ssyncset.done $0x0  }
0x493: {  	[sflag:s4] =	ssyncadd.s32 $0xFFFFF800  }
0x494: {  	[spmem:s9], [sflag:s26] =	dma.local [hbm:s0], $0x1000  }
0x495: {  	_ =	swait.ge [sflag:s23], $0x1000  }
0x496: {  	s0 =	sld [smem:$0x7CA]  }
0x497: {  	[sflag:s23] =	ssyncset.done $0x0  }
0x498: {  	[sflag:s23] =	ssyncadd.s32 $0xFFFFF000  }
0x499: {  	[hbm:s0@s15], [sflag:s25] =	dma.strided [spmem:s24@s15], $0x800, s12, $0x10   }
0x49a: {  	s0 =	sld [smem:$0x7CB];
	_ =	sdelay $0x2  }
0x49b: {  	[hbm:s0@s15], [sflag:s25] =	dma.strided [spmem:s20@s15], $0x800, s12, $0x10   }
0x49c: {  	_ =	swait.ge [sflag:s5], $0x800  }
0x49d: {  	[sflag:s5] =	ssyncset.done $0x0  }
0x49e: {  	[sflag:s5] =	ssyncadd.s32 $0xFFFFF800  }
0x49f: {  	_ =	swait.ge [sflag:s5], $0x800  }
0x4a0: {  	s0 =	sld [smem:$0x7CC]  }
0x4a1: {  	[sflag:s5] =	ssyncset.done $0x0  }
0x4a2: {  	[sflag:s5] =	ssyncadd.s32 $0xFFFFF800  }
0x4a3: {  	[spmem:s20], [sflag:s29] =	dma.local [hbm:s0], $0x1000  }
0x4a4: {  	_ =	swait.ge [sflag:s2], $0x1000  }
0x4a5: {  	s0 =	sld [smem:$0x7CD]  }
0x4a6: {  	[sflag:s2] =	ssyncset.done $0x0  }
0x4a7: {  	[sflag:s2] =	ssyncadd.s32 $0xFFFFF000  }
0x4a8: {  	[hbm:s0@s15], [sflag:s1] =	dma.strided [spmem:s17@s15], $0x800, s12, $0x10   }
0x4a9: {  	s0 =	sld [smem:$0x7CE];
	_ =	sdelay $0x2  }
0x4aa: {  	[hbm:s0@s15], [sflag:s1] =	dma.strided [spmem:s22@s15], $0x800, s12, $0x10   }
0x4ab: {  	_ =	swait.ge [sflag:s8], $0x800  }
0x4ac: {  	[sflag:s8] =	ssyncset.done $0x0  }
0x4ad: {  	[sflag:s8] =	ssyncadd.s32 $0xFFFFF800  }
0x4ae: {  	_ =	swait.ge [sflag:s8], $0x800  }
0x4af: {  	s0 =	sld [smem:$0x7CF]  }
0x4b0: {  	[sflag:s8] =	ssyncset.done $0x0  }
0x4b1: {  	[sflag:s8] =	ssyncadd.s32 $0xFFFFF800  }
0x4b2: {  	[spmem:s22], [sflag:s3] =	dma.local [hbm:s0], $0x1000  }
0x4b3: {  	_ =	swait.ge [sflag:s18], $0x1000  }
0x4b4: {  	s0 =	sld [smem:$0x7D0]  }
0x4b5: {  	[sflag:s18] =	ssyncset.done $0x0  }
0x4b6: {  	[sflag:s18] =	ssyncadd.s32 $0xFFFFF000  }
0x4b7: {  	[hbm:s0@s15], [sflag:s28] =	dma.strided [spmem:s19@s15], $0x800, s12, $0x10   }
0x4b8: {  	s0 =	sld [smem:$0x7D1];
	_ =	sdelay $0x2  }
0x4b9: {  	[hbm:s0@s15], [sflag:s28] =	dma.strided [spmem:s9@s15], $0x800, s12, $0x10   }
0x4ba: {  	_ =	swait.ge [sflag:s4], $0x800  }
0x4bb: {  	[sflag:s4] =	ssyncset.done $0x0  }
0x4bc: {  	[sflag:s4] =	ssyncadd.s32 $0xFFFFF800  }
0x4bd: {  	_ =	swait.ge [sflag:s4], $0x800  }
0x4be: {  	s0 =	sld [smem:$0x7D2]  }
0x4bf: {  	[sflag:s4] =	ssyncset.done $0x0  }
0x4c0: {  	[sflag:s4] =	ssyncadd.s32 $0xFFFFF800  }
0x4c1: {  	[spmem:s9], [sflag:s26] =	dma.local [hbm:s0], $0x1000  }
0x4c2: {  	_ =	swait.ge [sflag:s23], $0x1000  }
0x4c3: {  	s0 =	sld [smem:$0x7D3]  }
0x4c4: {  	[sflag:s23] =	ssyncset.done $0x0  }
0x4c5: {  	[sflag:s23] =	ssyncadd.s32 $0xFFFFF000  }
0x4c6: {  	[hbm:s0@s15], [sflag:s25] =	dma.strided [spmem:s24@s15], $0x800, s12, $0x10   }
0x4c7: {  	s0 =	sld [smem:$0x7D4];
	_ =	sdelay $0x2  }
0x4c8: {  	[hbm:s0@s15], [sflag:s25] =	dma.strided [spmem:s20@s15], $0x800, s12, $0x10   }
0x4c9: {  	_ =	swait.ge [sflag:s5], $0x800  }
0x4ca: {  	[sflag:s5] =	ssyncset.done $0x0  }
0x4cb: {  	[sflag:s5] =	ssyncadd.s32 $0xFFFFF800  }
0x4cc: {  	_ =	swait.ge [sflag:s5], $0x800  }
0x4cd: {  	s0 =	sld [smem:$0x7D5]  }
0x4ce: {  	[sflag:s5] =	ssyncset.done $0x0  }
0x4cf: {  	[sflag:s5] =	ssyncadd.s32 $0xFFFFF800  }
0x4d0: {  	[spmem:s20], [sflag:s29] =	dma.local [hbm:s0], $0x1000  }
0x4d1: {  	_ =	swait.ge [sflag:s2], $0x1000  }
0x4d2: {  	s0 =	sld [smem:$0x7D6]  }
0x4d3: {  	[sflag:s2] =	ssyncset.done $0x0  }
0x4d4: {  	[sflag:s2] =	ssyncadd.s32 $0xFFFFF000  }
0x4d5: {  	[hbm:s0@s15], [sflag:s1] =	dma.strided [spmem:s17@s15], $0x800, s12, $0x10   }
0x4d6: {  	s0 =	sld [smem:$0x7D7];
	_ =	sdelay $0x2  }
0x4d7: {  	[hbm:s0@s15], [sflag:s1] =	dma.strided [spmem:s22@s15], $0x800, s12, $0x10   }
0x4d8: {  	_ =	swait.ge [sflag:s8], $0x800  }
0x4d9: {  	[sflag:s8] =	ssyncset.done $0x0  }
0x4da: {  	[sflag:s8] =	ssyncadd.s32 $0xFFFFF800  }
0x4db: {  	_ =	swait.ge [sflag:s8], $0x800  }
0x4dc: {  	s0 =	sld [smem:$0x7D8]  }
0x4dd: {  	[sflag:s8] =	ssyncset.done $0x0  }
0x4de: {  	[sflag:s8] =	ssyncadd.s32 $0xFFFFF800  }
0x4df: {  	[spmem:s22], [sflag:s3] =	dma.local [hbm:s0], $0x1000  }
0x4e0: {  	_ =	swait.ge [sflag:s18], $0x1000  }
0x4e1: {  	s0 =	sld [smem:$0x7D9]  }
0x4e2: {  	[sflag:s18] =	ssyncset.done $0x0  }
0x4e3: {  	[sflag:s18] =	ssyncadd.s32 $0xFFFFF000  }
0x4e4: {  	[hbm:s0@s15], [sflag:s28] =	dma.strided [spmem:s19@s15], $0x800, s12, $0x10   }
0x4e5: {  	s0 =	sld [smem:$0x7DA];
	_ =	sdelay $0x2  }
0x4e6: {  	[hbm:s0@s15], [sflag:s28] =	dma.strided [spmem:s9@s15], $0x800, s12, $0x10   }
0x4e7: {  	_ =	swait.ge [sflag:s4], $0x800  }
0x4e8: {  	[sflag:s4] =	ssyncset.done $0x0  }
0x4e9: {  	[sflag:s4] =	ssyncadd.s32 $0xFFFFF800  }
0x4ea: {  	_ =	swait.ge [sflag:s4], $0x800  }
0x4eb: {  	s0 =	sld [smem:$0x7DB]  }
0x4ec: {  	[sflag:s4] =	ssyncset.done $0x0  }
0x4ed: {  	[sflag:s4] =	ssyncadd.s32 $0xFFFFF800  }
0x4ee: {  	[spmem:s9], [sflag:s26] =	dma.local [hbm:s0], $0x1000  }
0x4ef: {  	_ =	swait.ge [sflag:s23], $0x1000  }
0x4f0: {  	s0 =	sld [smem:$0x7DC]  }
0x4f1: {  	[sflag:s23] =	ssyncset.done $0x0  }
0x4f2: {  	[sflag:s23] =	ssyncadd.s32 $0xFFFFF000  }
0x4f3: {  	[hbm:s0@s15], [sflag:s25] =	dma.strided [spmem:s24@s15], $0x800, s12, $0x10   }
0x4f4: {  	s0 =	sld [smem:$0x7DD];
	_ =	sdelay $0x2  }
0x4f5: {  	[hbm:s0@s15], [sflag:s25] =	dma.strided [spmem:s20@s15], $0x800, s12, $0x10   }
0x4f6: {  	_ =	swait.ge [sflag:s5], $0x800  }
0x4f7: {  	[sflag:s5] =	ssyncset.done $0x0  }
0x4f8: {  	[sflag:s5] =	ssyncadd.s32 $0xFFFFF800  }
0x4f9: {  	_ =	swait.ge [sflag:s5], $0x800  }
0x4fa: {  	s0 =	sld [smem:$0x7DE]  }
0x4fb: {  	[sflag:s5] =	ssyncset.done $0x0  }
0x4fc: {  	[sflag:s5] =	ssyncadd.s32 $0xFFFFF800  }
0x4fd: {  	[spmem:s20], [sflag:s29] =	dma.local [hbm:s0], $0x1000  }
0x4fe: {  	_ =	swait.ge [sflag:s2], $0x1000  }
0x4ff: {  	s0 =	sld [smem:$0x7DF]  }
0x500: {  	[sflag:s2] =	ssyncset.done $0x0  }
0x501: {  	[sflag:s2] =	ssyncadd.s32 $0xFFFFF000  }
0x502: {  	[hbm:s0@s15], [sflag:s1] =	dma.strided [spmem:s17@s15], $0x800, s12, $0x10   }
0x503: {  	s0 =	sld [smem:$0x7E0];
	_ =	sdelay $0x2  }
0x504: {  	[hbm:s0@s15], [sflag:s1] =	dma.strided [spmem:s22@s15], $0x800, s12, $0x10   }
0x505: {  	_ =	swait.ge [sflag:s8], $0x800  }
0x506: {  	[sflag:s8] =	ssyncset.done $0x0  }
0x507: {  	[sflag:s8] =	ssyncadd.s32 $0xFFFFF800  }
0x508: {  	_ =	swait.ge [sflag:s8], $0x800  }
0x509: {  	s0 =	sld [smem:$0x7E1]  }
0x50a: {  	[sflag:s8] =	ssyncset.done $0x0  }
0x50b: {  	[sflag:s8] =	ssyncadd.s32 $0xFFFFF800  }
0x50c: {  	[spmem:s22], [sflag:s3] =	dma.local [hbm:s0], $0x1000  }
0x50d: {  	_ =	swait.ge [sflag:s18], $0x1000  }
0x50e: {  	s0 =	sld [smem:$0x7E2]  }
0x50f: {  	[sflag:s18] =	ssyncset.done $0x0  }
0x510: {  	[sflag:s18] =	ssyncadd.s32 $0xFFFFF000  }
0x511: {  	[hbm:s0@s15], [sflag:s28] =	dma.strided [spmem:s19@s15], $0x800, s12, $0x10   }
0x512: {  	s0 =	sld [smem:$0x7E3];
	_ =	sdelay $0x2  }
0x513: {  	[hbm:s0@s15], [sflag:s28] =	dma.strided [spmem:s9@s15], $0x800, s12, $0x10   }
0x514: {  	_ =	swait.ge [sflag:s4], $0x800  }
0x515: {  	[sflag:s4] =	ssyncset.done $0x0  }
0x516: {  	[sflag:s4] =	ssyncadd.s32 $0xFFFFF800  }
0x517: {  	_ =	swait.ge [sflag:s4], $0x800  }
0x518: {  	s0 =	sld [smem:$0x7E4]  }
0x519: {  	[sflag:s4] =	ssyncset.done $0x0  }
0x51a: {  	[sflag:s4] =	ssyncadd.s32 $0xFFFFF800  }
0x51b: {  	[spmem:s9], [sflag:s26] =	dma.local [hbm:s0], $0x1000  }
0x51c: {  	_ =	swait.ge [sflag:s23], $0x1000  }
0x51d: {  	s0 =	sld [smem:$0x7E5]  }
0x51e: {  	[sflag:s23] =	ssyncset.done $0x0  }
0x51f: {  	[sflag:s23] =	ssyncadd.s32 $0xFFFFF000  }
0x520: {  	[hbm:s0@s15], [sflag:s25] =	dma.strided [spmem:s24@s15], $0x800, s12, $0x10   }
0x521: {  	s0 =	sld [smem:$0x7E6];
	_ =	sdelay $0x2  }
0x522: {  	[hbm:s0@s15], [sflag:s25] =	dma.strided [spmem:s20@s15], $0x800, s12, $0x10   }
0x523: {  	_ =	swait.ge [sflag:s5], $0x800  }
0x524: {  	[sflag:s5] =	ssyncset.done $0x0  }
0x525: {  	[sflag:s5] =	ssyncadd.s32 $0xFFFFF800  }
0x526: {  	_ =	swait.ge [sflag:s5], $0x800  }
0x527: {  	s0 =	sld [smem:$0x7E7]  }
0x528: {  	[sflag:s5] =	ssyncset.done $0x0  }
0x529: {  	[sflag:s5] =	ssyncadd.s32 $0xFFFFF800  }
0x52a: {  	[spmem:s20], [sflag:s29] =	dma.local [hbm:s0], $0x1000  }
0x52b: {  	_ =	swait.ge [sflag:s2], $0x1000  }
0x52c: {  	s0 =	sld [smem:$0x7E8]  }
0x52d: {  	[sflag:s2] =	ssyncset.done $0x0  }
0x52e: {  	[sflag:s2] =	ssyncadd.s32 $0xFFFFF000  }
0x52f: {  	[hbm:s0@s15], [sflag:s1] =	dma.strided [spmem:s17@s15], $0x800, s12, $0x10   }
0x530: {  	s0 =	sld [smem:$0x7E9];
	_ =	sdelay $0x2  }
0x531: {  	[hbm:s0@s15], [sflag:s1] =	dma.strided [spmem:s22@s15], $0x800, s12, $0x10   }
0x532: {  	_ =	swait.ge [sflag:s8], $0x800  }
0x533: {  	[sflag:s8] =	ssyncset.done $0x0  }
0x534: {  	[sflag:s8] =	ssyncadd.s32 $0xFFFFF800  }
0x535: {  	_ =	swait.ge [sflag:s8], $0x800  }
0x536: {  	s0 =	sld [smem:$0x7EA]  }
0x537: {  	[sflag:s8] =	ssyncset.done $0x0  }
0x538: {  	[sflag:s8] =	ssyncadd.s32 $0xFFFFF800  }
0x539: {  	[spmem:s22], [sflag:s3] =	dma.local [hbm:s0], $0x1000  }
0x53a: {  	_ =	swait.ge [sflag:s18], $0x1000  }
0x53b: {  	s0 =	sld [smem:$0x7EB]  }
0x53c: {  	[sflag:s18] =	ssyncset.done $0x0  }
0x53d: {  	[sflag:s18] =	ssyncadd.s32 $0xFFFFF000  }
0x53e: {  	[hbm:s0@s15], [sflag:s28] =	dma.strided [spmem:s19@s15], $0x800, s12, $0x10   }
0x53f: {  	s0 =	sld [smem:$0x7EC];
	_ =	sdelay $0x2  }
0x540: {  	[hbm:s0@s15], [sflag:s28] =	dma.strided [spmem:s9@s15], $0x800, s12, $0x10   }
0x541: {  	_ =	swait.ge [sflag:s4], $0x800  }
0x542: {  	[sflag:s4] =	ssyncset.done $0x0  }
0x543: {  	[sflag:s4] =	ssyncadd.s32 $0xFFFFF800  }
0x544: {  	_ =	swait.ge [sflag:s4], $0x800  }
0x545: {  	s0 =	sld [smem:$0x7ED]  }
0x546: {  	[sflag:s4] =	ssyncset.done $0x0  }
0x547: {  	[sflag:s4] =	ssyncadd.s32 $0xFFFFF800  }
0x548: {  	[spmem:s9], [sflag:s26] =	dma.local [hbm:s0], $0x1000  }
0x549: {  	_ =	swait.ge [sflag:s23], $0x1000  }
0x54a: {  	s0 =	sld [smem:$0x7EE]  }
0x54b: {  	[sflag:s23] =	ssyncset.done $0x0  }
0x54c: {  	[sflag:s23] =	ssyncadd.s32 $0xFFFFF000  }
0x54d: {  	[hbm:s0@s15], [sflag:s25] =	dma.strided [spmem:s24@s15], $0x800, s12, $0x10   }
0x54e: {  	s0 =	sld [smem:$0x7EF];
	_ =	sdelay $0x2  }
0x54f: {  	[hbm:s0@s15], [sflag:s25] =	dma.strided [spmem:s20@s15], $0x800, s12, $0x10   }
0x550: {  	_ =	swait.ge [sflag:s5], $0x800  }
0x551: {  	[sflag:s5] =	ssyncset.done $0x0  }
0x552: {  	[sflag:s5] =	ssyncadd.s32 $0xFFFFF800  }
0x553: {  	_ =	swait.ge [sflag:s5], $0x800  }
0x554: {  	s0 =	sld [smem:$0x7F0]  }
0x555: {  	[sflag:s5] =	ssyncset.done $0x0  }
0x556: {  	[sflag:s5] =	ssyncadd.s32 $0xFFFFF800  }
0x557: {  	[spmem:s20], [sflag:s29] =	dma.local [hbm:s0], $0x1000  }
0x558: {  	_ =	swait.ge [sflag:s2], $0x1000  }
0x559: {  	s0 =	sld [smem:$0x7F1]  }
0x55a: {  	[sflag:s2] =	ssyncset.done $0x0  }
0x55b: {  	[sflag:s2] =	ssyncadd.s32 $0xFFFFF000  }
0x55c: {  	[hbm:s0@s15], [sflag:s1] =	dma.strided [spmem:s17@s15], $0x800, s12, $0x10   }
0x55d: {  	s0 =	sld [smem:$0x7F2];
	_ =	sdelay $0x2  }
0x55e: {  	[hbm:s0@s15], [sflag:s1] =	dma.strided [spmem:s22@s15], $0x800, s12, $0x10   }
0x55f: {  	_ =	swait.ge [sflag:s8], $0x800  }
0x560: {  	[sflag:s8] =	ssyncset.done $0x0  }
0x561: {  	[sflag:s8] =	ssyncadd.s32 $0xFFFFF800  }
0x562: {  	_ =	swait.ge [sflag:s8], $0x800  }
0x563: {  	s0 =	sld [smem:$0x7F3]  }
0x564: {  	[sflag:s8] =	ssyncset.done $0x0  }
0x565: {  	[sflag:s8] =	ssyncadd.s32 $0xFFFFF800  }
0x566: {  	[spmem:s22], [sflag:s3] =	dma.local [hbm:s0], $0x1000  }
0x567: {  	_ =	swait.ge [sflag:s18], $0x1000  }
0x568: {  	s0 =	sld [smem:$0x7F4]  }
0x569: {  	[sflag:s18] =	ssyncset.done $0x0  }
0x56a: {  	[sflag:s18] =	ssyncadd.s32 $0xFFFFF000  }
0x56b: {  	[hbm:s0@s15], [sflag:s28] =	dma.strided [spmem:s19@s15], $0x800, s12, $0x10   }
0x56c: {  	s0 =	sld [smem:$0x7F5];
	_ =	sdelay $0x2  }
0x56d: {  	[hbm:s0@s15], [sflag:s28] =	dma.strided [spmem:s9@s15], $0x800, s12, $0x10   }
0x56e: {  	_ =	swait.ge [sflag:s4], $0x800  }
0x56f: {  	[sflag:s4] =	ssyncset.done $0x0  }
0x570: {  	[sflag:s4] =	ssyncadd.s32 $0xFFFFF800  }
0x571: {  	_ =	swait.ge [sflag:s4], $0x800  }
0x572: {  	s0 =	sld [smem:$0x7F6]  }
0x573: {  	[sflag:s4] =	ssyncset.done $0x0  }
0x574: {  	[sflag:s4] =	ssyncadd.s32 $0xFFFFF800  }
0x575: {  	[spmem:s9], [sflag:s26] =	dma.local [hbm:s0], $0x1000  }
0x576: {  	_ =	swait.ge [sflag:s23], $0x1000  }
0x577: {  	s0 =	sld [smem:$0x7F7]  }
0x578: {  	[sflag:s23] =	ssyncset.done $0x0  }
0x579: {  	[sflag:s23] =	ssyncadd.s32 $0xFFFFF000  }
0x57a: {  	[hbm:s0@s15], [sflag:s25] =	dma.strided [spmem:s24@s15], $0x800, s12, $0x10   }
0x57b: {  	s0 =	sld [smem:$0x7F8];
	_ =	sdelay $0x2  }
0x57c: {  	[hbm:s0@s15], [sflag:s25] =	dma.strided [spmem:s20@s15], $0x800, s12, $0x10   }
0x57d: {  	_ =	swait.ge [sflag:s5], $0x800  }
0x57e: {  	[sflag:s5] =	ssyncset.done $0x0  }
0x57f: {  	[sflag:s5] =	ssyncadd.s32 $0xFFFFF800  }
0x580: {  	_ =	swait.ge [sflag:s5], $0x800  }
0x581: {  	s0 =	sld [smem:$0x7F9]  }
0x582: {  	[sflag:s5] =	ssyncset.done $0x0  }
0x583: {  	[sflag:s5] =	ssyncadd.s32 $0xFFFFF800  }
0x584: {  	[spmem:s20], [sflag:s29] =	dma.local [hbm:s0], $0x1000  }
0x585: {  	_ =	swait.ge [sflag:s2], $0x1000  }
0x586: {  	s29 =	sld [smem:$0x7FA]  }
0x587: {  	[sflag:s2] =	ssyncset.done $0x0  }
0x588: {  	[sflag:s2] =	ssyncadd.s32 $0xFFFFF000  }
0x589: {  	[hbm:s29@s15], [sflag:s1] =	dma.strided [spmem:s17@s15], $0x800, s12, $0x10   }
0x58a: {  	s0 =	sld [smem:$0x7FB];
	_ =	sdelay $0x2  }
0x58b: {  	[hbm:s0@s15], [sflag:s1] =	dma.strided [spmem:s22@s15], $0x800, s12, $0x10   }
0x58c: {  	_ =	swait.ge [sflag:s8], $0x800  }
0x58d: {  	[sflag:s8] =	ssyncset.done $0x0  }
0x58e: {  	[sflag:s8] =	ssyncadd.s32 $0xFFFFF800  }
0x58f: {  	_ =	swait.ge [sflag:s8], $0x800  }
0x590: {  	s29 =	sld [smem:$0x7FC]  }
0x591: {  	[sflag:s8] =	ssyncset.done $0x0  }
0x592: {  	[sflag:s8] =	ssyncadd.s32 $0xFFFFF800  }
0x593: {  	[spmem:s22], [sflag:s3] =	dma.local [hbm:s29], $0x1000  }
0x594: {  	_ =	swait.ge [sflag:s18], $0x1000  }
0x595: {  	s29 =	sld [smem:$0x7FD]  }
0x596: {  	[sflag:s18] =	ssyncset.done $0x0  }
0x597: {  	[sflag:s18] =	ssyncadd.s32 $0xFFFFF000  }
0x598: {  	[hbm:s29@s15], [sflag:s28] =	dma.strided [spmem:s19@s15], $0x800, s12, $0x10   }
0x599: {  	[hbm:s21@s15], [sflag:s28] =	dma.strided [spmem:s9@s15], $0x800, s12, $0x10   }
0x59a: {  	_ =	swait.ge [sflag:s4], $0x800  }
0x59b: {  	[sflag:s4] =	ssyncset.done $0x0  }
0x59c: {  	[sflag:s4] =	ssyncadd.s32 $0xFFFFF800  }
0x59d: {  	_ =	swait.ge [sflag:s4], $0x800  }
0x59e: {  	[sflag:s4] =	ssyncset.done $0x0  }
0x59f: {  	[sflag:s4] =	ssyncadd.s32 $0xFFFFF800  }
0x5a0: {  	[spmem:s9], [sflag:s26] =	dma.local [hbm:s16], $0x1000  }
0x5a1: {  	_ =	swait.ge [sflag:s23], $0x1000  }
0x5a2: {  	[sflag:s23] =	ssyncset.done $0x0  }
0x5a3: {  	[sflag:s23] =	ssyncadd.s32 $0xFFFFF000  }
0x5a4: {  	[hbm:s13@s15], [sflag:s25] =	dma.strided [spmem:s24@s15], $0x800, s12, $0x10   }
0x5a5: {  	[hbm:s14@s15], [sflag:s25] =	dma.strided [spmem:s20@s15], $0x800, s12, $0x10   }
0x5a6: {  	_ =	swait.ge [sflag:s2], $0x1000  }
0x5a7: {  	[sflag:s2] =	ssyncset.done $0x0  }
0x5a8: {  	[sflag:s2] =	ssyncadd.s32 $0xFFFFF000  }
0x5a9: {  	[hbm:s10@s15], [sflag:s1] =	dma.strided [spmem:s17@s15], $0x800, s12, $0x10   }
0x5aa: {  	[hbm:s11@s15], [sflag:s1] =	dma.strided [spmem:s22@s15], $0x800, s12, $0x10   }
0x5ab: {  	_ =	swait.ge [sflag:s18], $0x1000  }
0x5ac: {  	[sflag:s18] =	ssyncset.done $0x0  }
0x5ad: {  	[sflag:s18] =	ssyncadd.s32 $0xFFFFF000  }
0x5ae: {  	[hbm:s6@s15], [sflag:s28] =	dma.strided [spmem:s19@s15], $0x800, s12, $0x10   }
0x5af: {  	[hbm:s7@s15], [sflag:s28] =	dma.strided [spmem:s9@s15], $0x800, s12, $0x10   }
0x5b0: {  	_ =	swait.ge [sflag:s8], $0x800  }
0x5b1: {  	[sflag:s8] =	ssyncset.done $0x0  }
0x5b2: {  	[sflag:s8] =	ssyncadd.s32 $0xFFFFF800  }
0x5b3: {  	_ =	swait.ge [sflag:s8], $0x800  }
0x5b4: {  	[sflag:s8] =	ssyncset.done $0x0  }
0x5b5: {  	[sflag:s8] =	ssyncadd.s32 $0xFFFFF800  }
0x5b6: {  	_ =	swait.ge [sflag:s4], $0x800  }
0x5b7: {  	[sflag:s4] =	ssyncset.done $0x0  }
0x5b8: {  	[sflag:s4] =	ssyncadd.s32 $0xFFFFF800  }
0x5b9: {  	_ =	swait.ge [sflag:s4], $0x800  }
0x5ba: {  	[sflag:s4] =	ssyncset.done $0x0  }
0x5bb: {  	[sflag:s4] =	ssyncadd.s32 $0xFFFFF800  }
0x5bc: {  	_ =	swait.ge [sflag:s5], $0x800  }
0x5bd: {  	[sflag:s5] =	ssyncset.done $0x0  }
0x5be: {  	[sflag:s5] =	ssyncadd.s32 $0xFFFFF800  }
0x5bf: {  	_ =	swait.ge [sflag:s5], $0x800  }
0x5c0: {  	[sflag:s5] =	ssyncset.done $0x0  }
0x5c1: {  	[sflag:s5] =	ssyncadd.s32 $0xFFFFF800  }
0x5c2: {  	_ =	sfence.sel $0x180000  }
0x5c3: {  	[bflag:$0x0] =	sbarrier.arrive $0xFFFF  }
0x5c4: {  	p0 =	sne.s32 s30, $0x0;
	_ =	strace $0x90000047  }
0x5c5: {  	s0 =	sadd.s32 @!p0 $0x100000, s31;
	[bflag:$0x2] =	sbarrier.arrive $0xFFFF  }
0x5c6: {  	[sflag:s0] =	ssyncadd.tile.s32 @!p0 $0x1;
	_ =	shalt  }
.LBB2_2:
.Ltmp3:
0x5c7: {  	(pc) =	sbr.rel .LBB2_5-.Ltmp3, $2  }
0x5c8: {  	_ =	sdelay $0x2  }
0x5c9: {  	s30 =	stileid.u32;
	s31 =	rddreg [dreg:$0x3]  }
.Lfunc_end2:
_tile_overlayer_lowered:
.L_overlay_start_2:
0x5ca: {  	(tag) =	ssettag $0x2  }
0x5cb: {  	s0 =	rddreg [dreg:$0x0];
	s2 =	stileid.u32  }
0x5cc: {  	s1 =	rddreg [dreg:$0x1];
	p0 =	sne.s32 s2, $0x0  }
0x5cd: {  	s3 =	rddreg [dreg:$0x2];
	[bflag:$0x3] =	sbarrier.arrive $0xFFFF;
	s2 =	simm.s32 @!p0 $0x1C07  }
0x5ce: {  	[timem:s3], [sflag:s2] =	dma.local @!p0 [hbm:s0], s1  }
0x5cf: {  	s0 =	simm.s32 @!p0 $0x7  }
0x5d0: {  	_ =	swait.ge @!p0 [sflag:s0], s1  }
0x5d1: {  	s1 =	ssub.s32 @!p0 $0x0, s1;
	[sflag:s0] =	ssyncset.done @!p0 $0x0  }
0x5d2: {  	[sflag:s0] =	ssyncadd.s32 @!p0 s1  }
0x5d3: {  	[bflag:$0x3] =	sbarrier.arrive $0xFFFF  }
0x5d4: {  	_ =	shalt  }

</sc_bundles>
